<compile_context>
chip_gen: v7x
topology: tpu7x:2x2x1
jax: 0.10.2.dev20260603
libtpu: 0.0.44.dev20260713+nightly
codegen_flags: <defaults>
</compile_context>

<pallas_src>
import functools

import jax
import jax.numpy as jnp
from jax import lax
from jax.experimental import pallas as pl
from jax.experimental.pallas import tpu as pltpu
from jax.experimental.pallas import tpu_sc as plsc

_N = 10000
_E = 320000
_H = 128
_G = 64

_NC = 2
_NS = 16
_NW = _NC * _NS
_K = 128
_NCH0 = 128
_NCH1 = 32
_NCHT = _NS * (_NCH0 + _NCH1)
_EPAD = _NCHT * _K
_NPAD = 10240
_RPT = _NPAD // _NS
_TRASH = _NPAD - 1


def _agg_body(h_hbm, src_hbm, dst_hbm, out_hbm,
              rows_a, rows_b, sidx_a, sidx_b, didx_a, didx_b,
              acc_sh, sem_ia, sem_ib, sem_ga, sem_gb):
    cid = lax.axis_index("c")
    sid = lax.axis_index("s")

    def zstore(i, carry):
        for j in range(_H // 16):
            rows_a[i, pl.ds(j * 16, 16)] = jnp.zeros((16,), jnp.float32)
        return carry
    lax.fori_loop(0, _K, zstore, 0)
    def zcopy(j, carry):
        pltpu.sync_copy(rows_a, acc_sh.at[pl.ds(sid * _RPT + j * _K, _K)])
        return carry
    lax.fori_loop(0, _RPT // _K, zcopy, 0)
    plsc.subcore_barrier()

    def i_start(c, idx_hbm, buf, sem):
        pltpu.async_copy(idx_hbm.at[c], buf, sem)

    def i_wait(c, idx_hbm, buf, sem):
        pltpu.make_async_copy(idx_hbm.at[c], buf, sem).wait()

    def g_start(sidx, buf, sem):
        pltpu.async_copy(h_hbm.at[sidx], buf, sem)

    def g_wait(sidx, buf, sem):
        pltpu.make_async_copy(h_hbm.at[sidx], buf, sem).wait()

    def s_add(didx, buf):
        pltpu.sync_copy(buf, acc_sh.at[didx], add=True)

    def fill(c, sidx, didx, sem_i, sem_g, buf):
        i_start(c, src_hbm, sidx, sem_i)
        i_start(c, dst_hbm, didx, sem_i)
        i_wait(c, src_hbm, sidx, sem_i)
        i_wait(c, dst_hbm, didx, sem_i)
        g_start(sidx, buf, sem_g)

    def pipeline(base, nch):
        fill(base, sidx_a, didx_a, sem_ia, sem_ga, rows_a)
        fill(base + 1, sidx_b, didx_b, sem_ib, sem_gb, rows_b)

        def body(t, carry):
            c = base + 2 * t
            g_wait(sidx_a, rows_a, sem_ga)
            s_add(didx_a, rows_a)
            fill(c + 2, sidx_a, didx_a, sem_ia, sem_ga, rows_a)
            g_wait(sidx_b, rows_b, sem_gb)
            s_add(didx_b, rows_b)
            fill(c + 3, sidx_b, didx_b, sem_ib, sem_gb, rows_b)
            return carry

        lax.fori_loop(0, nch // 2 - 1, body, 0)
        g_wait(sidx_a, rows_a, sem_ga)
        s_add(didx_a, rows_a)
        g_wait(sidx_b, rows_b, sem_gb)
        s_add(didx_b, rows_b)

    @pl.when(cid == 0)
    def _():
        pipeline(sid * _NCH0, _NCH0)

    @pl.when(cid == 1)
    def _():
        pipeline(_NS * _NCH0 + sid * _NCH1, _NCH1)

    plsc.subcore_barrier()
    pltpu.sync_copy(acc_sh.at[pl.ds(sid * _RPT, _RPT)],
                    out_hbm.at[cid].at[pl.ds(sid * _RPT, _RPT)])


@functools.cache
def _make_agg():
    mesh = plsc.VectorSubcoreMesh(core_axis_name="c", subcore_axis_name="s",
                                  num_cores=_NC, num_subcores=_NS)
    return pl.kernel(
        _agg_body,
        out_type=jax.ShapeDtypeStruct((_NC, _NPAD, _H), jnp.float32),
        mesh=mesh,
        scratch_types=[
            pltpu.VMEM((_K, _H), jnp.float32),
            pltpu.VMEM((_K, _H), jnp.float32),
            pltpu.VMEM((_K,), jnp.int32),
            pltpu.VMEM((_K,), jnp.int32),
            pltpu.VMEM((_K,), jnp.int32),
            pltpu.VMEM((_K,), jnp.int32),
            pltpu.VMEM_SHARED((_NPAD, _H), jnp.float32),
            pltpu.SemaphoreType.DMA,
            pltpu.SemaphoreType.DMA,
            pltpu.SemaphoreType.DMA,
            pltpu.SemaphoreType.DMA,
        ],
    )


_ROWS = 2000
_NBLK = _N // _ROWS


def _mlp_body(h_ref, a_ref, bid_ref, w1_ref, b1_ref, w2_ref, b2_ref,
              hout_ref, pool_ref):
    z = h_ref[...] + a_ref[0] + a_ref[1]
    z = jnp.dot(z, w1_ref[...], preferred_element_type=jnp.float32) + b1_ref[...]
    z = jnp.maximum(z, 0.0)
    z = jnp.dot(z, w2_ref[...], preferred_element_type=jnp.float32) + b2_ref[...]
    h2 = jnp.maximum(z, 0.0)
    hout_ref[...] = h2

    bid = bid_ref[0]
    onehot = (bid == lax.broadcasted_iota(jnp.int32, (_G, _ROWS), 0))
    contrib = jnp.dot(onehot.astype(jnp.float32), h2,
                      preferred_element_type=jnp.float32)

    @pl.when(pl.program_id(0) == 0)
    def _():
        pool_ref[...] = jnp.zeros_like(pool_ref)

    pool_ref[...] += contrib


_mlp = pl.pallas_call(
    _mlp_body,
    grid=(_NBLK,),
    in_specs=[
        pl.BlockSpec((_ROWS, _H), lambda i: (i, 0)),
        pl.BlockSpec((_NC, _ROWS, _H), lambda i: (0, i, 0)),
        pl.BlockSpec((1, 1, _ROWS), lambda i: (i, 0, 0)),
        pl.BlockSpec((_H, _H), lambda i: (0, 0)),
        pl.BlockSpec((1, _H), lambda i: (0, 0)),
        pl.BlockSpec((_H, _H), lambda i: (0, 0)),
        pl.BlockSpec((1, _H), lambda i: (0, 0)),
    ],
    out_specs=[
        pl.BlockSpec((_ROWS, _H), lambda i: (i, 0)),
        pl.BlockSpec((_G, _H), lambda i: (0, 0)),
    ],
    out_shape=[
        jax.ShapeDtypeStruct((_N, _H), jnp.float32),
        jax.ShapeDtypeStruct((_G, _H), jnp.float32),
    ],
)


def _ffn_body(p0_ref, p1_ref, p2_ref, wf1_ref, bf1_ref, wf2_ref, bf2_ref,
              out_ref):
    gr = jnp.concatenate([p0_ref[...], p1_ref[...], p2_ref[...]], axis=1)
    z = jnp.dot(gr, wf1_ref[...], preferred_element_type=jnp.float32) + bf1_ref[...]
    z = jnp.maximum(z, 0.0)
    out_ref[...] = (jnp.dot(z, wf2_ref[...], preferred_element_type=jnp.float32)
                    + bf2_ref[...])


_ffn = pl.pallas_call(
    _ffn_body,
    out_shape=jax.ShapeDtypeStruct((_G, _G), jnp.float32),
)


@jax.jit
def kernel(x, edge_index, batch,
           W1_0, b1_0, W2_0, b2_0,
           W1_1, b1_1, W2_1, b2_1,
           W1_2, b1_2, W2_2, b2_2,
           Wf1, bf1, Wf2, bf2):
    pad = _EPAD - _E
    src3 = jnp.concatenate(
        [edge_index[0], jnp.zeros((pad,), jnp.int32)]).reshape(_NCHT, _K)
    dst3 = jnp.concatenate(
        [edge_index[1], jnp.full((pad,), _TRASH, jnp.int32)]).reshape(_NCHT, _K)
    bid3 = batch.reshape(_NBLK, 1, _ROWS)

    layers = [(W1_0, b1_0, W2_0, b2_0),
              (W1_1, b1_1, W2_1, b2_1),
              (W1_2, b1_2, W2_2, b2_2)]
    agg_fn = _make_agg()
    h = x
    pools = []
    for (w1, b1, w2, b2) in layers:
        agg = agg_fn(h, src3, dst3)
        h, pool = _mlp(h, agg, bid3, w1, b1.reshape(1, _H),
                       w2, b2.reshape(1, _H))
        pools.append(pool)

    return _ffn(pools[0], pools[1], pools[2],
                Wf1, bf1.reshape(1, -1), Wf2, bf2.reshape(1, -1))

# --- scband reference (transcript-rebuilt; emitter-appended) ---
"""Pipeline reference for scband-gin-17377437680139 (READ-ONLY COPY).

The authoritative reference and input builder live on the scoring server;
editing this copy changes nothing except your own understanding.
"""

import jax, jax.numpy as jnp
import numpy as np

N = 10000
E = 320000
D = 128
H = 128
OUT = 64
G = 64


def setup_inputs(seed: int = 0) -> dict:
    key = jax.random.key(seed)
    ks = jax.random.split(key, 24)
    inp = {}
    inp['x'] = jax.random.normal(ks[0], (N, D), dtype=jnp.float32)
    inp['edge_index'] = jax.random.randint(ks[1], (2, E), 0, N, dtype=jnp.int32)
    inp['batch'] = jnp.sort(jax.random.randint(ks[2], (N,), 0, G, dtype=jnp.int32))
    # GINConv MLP params per layer: Linear(start,H) -> ReLU -> Linear(H,H)
    k = 3
    for i in range(3):
        sd = D if i == 0 else H
        inp['W1_%d' % i] = jax.random.normal(ks[k], (sd, H), dtype=jnp.float32) * (1.0 / np.sqrt(sd)); k += 1
        inp['b1_%d' % i] = jnp.zeros((H,), dtype=jnp.float32)
        inp['W2_%d' % i] = jax.random.normal(ks[k], (H, H), dtype=jnp.float32) * (1.0 / np.sqrt(H)); k += 1
        inp['b2_%d' % i] = jnp.zeros((H,), dtype=jnp.float32)
    # FFN: Linear(H*3, H//2) -> ReLU -> Linear(H//2, OUT)
    inp['Wf1'] = jax.random.normal(ks[k], (H * 3, H // 2), dtype=jnp.float32) * (1.0 / np.sqrt(H * 3)); k += 1
    inp['bf1'] = jnp.zeros((H // 2,), dtype=jnp.float32)
    inp['Wf2'] = jax.random.normal(ks[k], (H // 2, OUT), dtype=jnp.float32) * (1.0 / np.sqrt(H // 2)); k += 1
    inp['bf2'] = jnp.zeros((OUT,), dtype=jnp.float32)
    return inp


def reference(x, edge_index, batch,
              W1_0, b1_0, W2_0, b2_0,
              W1_1, b1_1, W2_1, b2_1,
              W1_2, b1_2, W2_2, b2_2,
              Wf1, bf1, Wf2, bf2):
    src = edge_index[0]
    dst = edge_index[1]
    layers = [(W1_0, b1_0, W2_0, b2_0),
              (W1_1, b1_1, W2_1, b2_1),
              (W1_2, b1_2, W2_2, b2_2)]
    h = x.astype(jnp.float32)
    xs = []
    for (W1, b1, W2, b2) in layers:
        # GINConv: out = MLP((1+eps)*x + sum_{j in N(i)} x_j), eps=0
        msgs = jnp.take(h, src, axis=0)
        agg = jax.ops.segment_sum(msgs, dst, num_segments=N)
        z = h + agg
        z = jnp.dot(z, W1) + b1
        z = jax.nn.relu(z)
        z = jnp.dot(z, W2) + b2
        # outer act (ReLU); dropout is identity in eval; bn=False
        h = jax.nn.relu(z)
        xs.append(h)
    # global_add_pool per layer, then concat
    pooled = [jax.ops.segment_sum(xi, batch, num_segments=G) for xi in xs]
    gr = jnp.concatenate(pooled, axis=1)
    out = jnp.dot(gr, Wf1) + bf1
    out = jax.nn.relu(out)
    out = jnp.dot(out, Wf2) + bf2
    return out

if __name__ == "__main__":
    import jax
    _d = setup_inputs()
    print(jax.jit(kernel)(*tuple(_d.values())))

</pallas_src>

<mosaic_0001>
#map = affine_map<(d0, d1) -> (0, 0)>
#map1 = affine_map<(d0, d1) -> (0, 0, 0)>
module attributes {stable_mosaic.version = 14 : i64} {
  func.func @_agg_body(%arg0: i32, %arg1: i32, %arg2: memref<10000x128xf32, #tpu.memory_space<hbm>>, %arg3: memref<2560x128xi32, #tpu.memory_space<hbm>>, %arg4: memref<2560x128xi32, #tpu.memory_space<hbm>>, %arg5: memref<2x10240x128xf32, #tpu.memory_space<hbm>>, %arg6: memref<128x128xf32, #tpu.memory_space<vmem>>, %arg7: memref<128x128xf32, #tpu.memory_space<vmem>>, %arg8: memref<128xi32, #tpu.memory_space<vmem>>, %arg9: memref<128xi32, #tpu.memory_space<vmem>>, %arg10: memref<128xi32, #tpu.memory_space<vmem>>, %arg11: memref<128xi32, #tpu.memory_space<vmem>>, %arg12: memref<10240x128xf32, #tpu.memory_space<vmem_shared>>, %arg13: memref<!tpu.dma_semaphore, #tpu.memory_space<semaphore_mem>>, %arg14: memref<!tpu.dma_semaphore, #tpu.memory_space<semaphore_mem>>, %arg15: memref<!tpu.dma_semaphore, #tpu.memory_space<semaphore_mem>>, %arg16: memref<!tpu.dma_semaphore, #tpu.memory_space<semaphore_mem>>) attributes {dimension_semantics = [#tpu.dimension_semantics<core_parallel>, #tpu.dimension_semantics<subcore_parallel>], iteration_bounds = array<i64: 2, 16>, scalar_prefetch = 0 : i64, scratch_operands = 11 : i64, tpu.core_type = #tpu.core_type<sc_vector_subcore>, window_params = [{transform_indices = #map}, {transform_indices = #map}, {transform_indices = #map}, {transform_indices = #map1}]} {
    %scan3A = arith.constant 0 : i32
    %scan3A_0 = arith.constant 0 : i32
    %scan3A_1 = arith.constant 128 : i32
    %scan3A_2 = arith.addi %scan3A_0, %scan3A_1 : i32
    %scan3A_3 = arith.constant 1 : i32
    scf.for %scan3A_22 = %scan3A_0 to %scan3A_2 step %scan3A_3  : i32 {
      %broadcast_in_dim3A = arith.constant 0.000000e+00 : f32
      %broadcast_in_dim3A_23 = vector.broadcast %broadcast_in_dim3A : f32 to vector<16xf32>
      %swap3A = arith.index_cast %scan3A_22 : i32 to index
      %swap3A_24 = arith.constant 0 : index
      %swap3A_25 = tpu.vector_load %arg6[%swap3A, %swap3A_24] {strides = array<i32>} : memref<128x128xf32, #tpu.memory_space<vmem>>, vector<1x16xf32>,
      %swap3A_26 = vector.shape_cast %swap3A_25 : vector<1x16xf32> to vector<16xf32>
      %swap3A_27 = vector.shape_cast %broadcast_in_dim3A_23 : vector<16xf32> to vector<1x16xf32>
      tpu.vector_store %arg6[%swap3A, %swap3A_24], %swap3A_27 {strides = array<i32>} : memref<128x128xf32, #tpu.memory_space<vmem>>, vector<1x16xf32>,
      %broadcast_in_dim3A_28 = arith.constant 0.000000e+00 : f32
      %broadcast_in_dim3A_29 = vector.broadcast %broadcast_in_dim3A_28 : f32 to vector<16xf32>
      %swap3A_30 = arith.index_cast %scan3A_22 : i32 to index
      %swap3A_31 = arith.constant 16 : index
      %swap3A_32 = tpu.vector_load %arg6[%swap3A_30, %swap3A_31] {strides = array<i32>} : memref<128x128xf32, #tpu.memory_space<vmem>>, vector<1x16xf32>,
      %swap3A_33 = vector.shape_cast %swap3A_32 : vector<1x16xf32> to vector<16xf32>
      %swap3A_34 = vector.shape_cast %broadcast_in_dim3A_29 : vector<16xf32> to vector<1x16xf32>
      tpu.vector_store %arg6[%swap3A_30, %swap3A_31], %swap3A_34 {strides = array<i32>} : memref<128x128xf32, #tpu.memory_space<vmem>>, vector<1x16xf32>,
      %broadcast_in_dim3A_35 = arith.constant 0.000000e+00 : f32
      %broadcast_in_dim3A_36 = vector.broadcast %broadcast_in_dim3A_35 : f32 to vector<16xf32>
      %swap3A_37 = arith.index_cast %scan3A_22 : i32 to index
      %swap3A_38 = arith.constant 32 : index
      %swap3A_39 = tpu.vector_load %arg6[%swap3A_37, %swap3A_38] {strides = array<i32>} : memref<128x128xf32, #tpu.memory_space<vmem>>, vector<1x16xf32>,
      %swap3A_40 = vector.shape_cast %swap3A_39 : vector<1x16xf32> to vector<16xf32>
      %swap3A_41 = vector.shape_cast %broadcast_in_dim3A_36 : vector<16xf32> to vector<1x16xf32>
      tpu.vector_store %arg6[%swap3A_37, %swap3A_38], %swap3A_41 {strides = array<i32>} : memref<128x128xf32, #tpu.memory_space<vmem>>, vector<1x16xf32>,
      %broadcast_in_dim3A_42 = arith.constant 0.000000e+00 : f32
      %broadcast_in_dim3A_43 = vector.broadcast %broadcast_in_dim3A_42 : f32 to vector<16xf32>
      %swap3A_44 = arith.index_cast %scan3A_22 : i32 to index
      %swap3A_45 = arith.constant 48 : index
      %swap3A_46 = tpu.vector_load %arg6[%swap3A_44, %swap3A_45] {strides = array<i32>} : memref<128x128xf32, #tpu.memory_space<vmem>>, vector<1x16xf32>,
      %swap3A_47 = vector.shape_cast %swap3A_46 : vector<1x16xf32> to vector<16xf32>
      %swap3A_48 = vector.shape_cast %broadcast_in_dim3A_43 : vector<16xf32> to vector<1x16xf32>
      tpu.vector_store %arg6[%swap3A_44, %swap3A_45], %swap3A_48 {strides = array<i32>} : memref<128x128xf32, #tpu.memory_space<vmem>>, vector<1x16xf32>,
      %broadcast_in_dim3A_49 = arith.constant 0.000000e+00 : f32
      %broadcast_in_dim3A_50 = vector.broadcast %broadcast_in_dim3A_49 : f32 to vector<16xf32>
      %swap3A_51 = arith.index_cast %scan3A_22 : i32 to index
      %swap3A_52 = arith.constant 64 : index
      %swap3A_53 = tpu.vector_load %arg6[%swap3A_51, %swap3A_52] {strides = array<i32>} : memref<128x128xf32, #tpu.memory_space<vmem>>, vector<1x16xf32>,
      %swap3A_54 = vector.shape_cast %swap3A_53 : vector<1x16xf32> to vector<16xf32>
      %swap3A_55 = vector.shape_cast %broadcast_in_dim3A_50 : vector<16xf32> to vector<1x16xf32>
      tpu.vector_store %arg6[%swap3A_51, %swap3A_52], %swap3A_55 {strides = array<i32>} : memref<128x128xf32, #tpu.memory_space<vmem>>, vector<1x16xf32>,
      %broadcast_in_dim3A_56 = arith.constant 0.000000e+00 : f32
      %broadcast_in_dim3A_57 = vector.broadcast %broadcast_in_dim3A_56 : f32 to vector<16xf32>
      %swap3A_58 = arith.index_cast %scan3A_22 : i32 to index
      %swap3A_59 = arith.constant 80 : index
      %swap3A_60 = tpu.vector_load %arg6[%swap3A_58, %swap3A_59] {strides = array<i32>} : memref<128x128xf32, #tpu.memory_space<vmem>>, vector<1x16xf32>,
      %swap3A_61 = vector.shape_cast %swap3A_60 : vector<1x16xf32> to vector<16xf32>
      %swap3A_62 = vector.shape_cast %broadcast_in_dim3A_57 : vector<16xf32> to vector<1x16xf32>
      tpu.vector_store %arg6[%swap3A_58, %swap3A_59], %swap3A_62 {strides = array<i32>} : memref<128x128xf32, #tpu.memory_space<vmem>>, vector<1x16xf32>,
      %broadcast_in_dim3A_63 = arith.constant 0.000000e+00 : f32
      %broadcast_in_dim3A_64 = vector.broadcast %broadcast_in_dim3A_63 : f32 to vector<16xf32>
      %swap3A_65 = arith.index_cast %scan3A_22 : i32 to index
      %swap3A_66 = arith.constant 96 : index
      %swap3A_67 = tpu.vector_load %arg6[%swap3A_65, %swap3A_66] {strides = array<i32>} : memref<128x128xf32, #tpu.memory_space<vmem>>, vector<1x16xf32>,
      %swap3A_68 = vector.shape_cast %swap3A_67 : vector<1x16xf32> to vector<16xf32>
      %swap3A_69 = vector.shape_cast %broadcast_in_dim3A_64 : vector<16xf32> to vector<1x16xf32>
      tpu.vector_store %arg6[%swap3A_65, %swap3A_66], %swap3A_69 {strides = array<i32>} : memref<128x128xf32, #tpu.memory_space<vmem>>, vector<1x16xf32>,
      %broadcast_in_dim3A_70 = arith.constant 0.000000e+00 : f32
      %broadcast_in_dim3A_71 = vector.broadcast %broadcast_in_dim3A_70 : f32 to vector<16xf32>
      %swap3A_72 = arith.index_cast %scan3A_22 : i32 to index
      %swap3A_73 = arith.constant 112 : index
      %swap3A_74 = tpu.vector_load %arg6[%swap3A_72, %swap3A_73] {strides = array<i32>} : memref<128x128xf32, #tpu.memory_space<vmem>>, vector<1x16xf32>,
      %swap3A_75 = vector.shape_cast %swap3A_74 : vector<1x16xf32> to vector<16xf32>
      %swap3A_76 = vector.shape_cast %broadcast_in_dim3A_71 : vector<16xf32> to vector<1x16xf32>
      tpu.vector_store %arg6[%swap3A_72, %swap3A_73], %swap3A_76 {strides = array<i32>} : memref<128x128xf32, #tpu.memory_space<vmem>>, vector<1x16xf32>,
    }
    %scan3A_4 = arith.constant 128 : i32
    %scan3A_5 = arith.constant 0 : i32
    %scan3A_6 = arith.constant 0 : i32
    %scan3A_7 = arith.constant 5 : i32
    %scan3A_8 = arith.addi %scan3A_6, %scan3A_7 : i32
    %scan3A_9 = arith.constant 1 : i32
    scf.for %scan3A_22 = %scan3A_6 to %scan3A_8 step %scan3A_9  : i32 {
      %mul3A_23 = arith.constant 640 : i32
      %mul3A_24 = arith.muli %arg1, %mul3A_23 : i32
      %mul3A_25 = arith.constant 128 : i32
      %mul3A_26 = arith.muli %scan3A_22, %mul3A_25 : i32
      %add3A = arith.addi %mul3A_24, %mul3A_26 : i32
      "tpu.region"() ({
        %run_scoped3A = tpu.sem_alloc : memref<!tpu.dma_semaphore, #tpu.memory_space<semaphore_mem>>
        %dma_start3A = arith.constant 0 : i32
        %dma_start3A_27 = tpu.memref_slice %arg12[%add3A, %dma_start3A] : memref<10240x128xf32, #tpu.memory_space<vmem_shared>> -> memref<128x128xf32, #tpu.memory_space<vmem_shared>>
        %dma_start3A_28 = arith.constant 0 : i32
        %dma_start3A_29 = tpu.memref_slice %arg12[%add3A, %dma_start3A_28] : memref<10240x128xf32, #tpu.memory_space<vmem_shared>> -> memref<128x128xf32, #tpu.memory_space<vmem_shared>>
        tpu.enqueue_dma source(%arg6 : memref<128x128xf32, #tpu.memory_space<vmem>>) target(%dma_start3A_29 : memref<128x128xf32, #tpu.memory_space<vmem_shared>>) target_semaphore(%run_scoped3A : memref<!tpu.dma_semaphore, #tpu.memory_space<semaphore_mem>>)
        %dma_wait3A = arith.constant 0 : i32
        %dma_wait3A_30 = tpu.memref_slice %arg12[%add3A, %dma_wait3A] : memref<10240x128xf32, #tpu.memory_space<vmem_shared>> -> memref<128x128xf32, #tpu.memory_space<vmem_shared>>
        %dma_wait3A_31 = arith.constant 0 : i32
        %dma_wait3A_32 = tpu.memref_slice %arg12[%add3A, %dma_wait3A_31] : memref<10240x128xf32, #tpu.memory_space<vmem_shared>> -> memref<128x128xf32, #tpu.memory_space<vmem_shared>>
        tpu.wait_dma2 semaphore(%run_scoped3A : memref<!tpu.dma_semaphore, #tpu.memory_space<semaphore_mem>>) src(%arg6 : memref<128x128xf32, #tpu.memory_space<vmem>>) dst(%dma_wait3A_32 : memref<128x128xf32, #tpu.memory_space<vmem_shared>>)
        tpu.yield
      }) : () -> ()
    }
    %scan3A_10 = arith.constant 5 : i32
    %barrier3A = arith.constant 0 : index
    tpu.barrier barrier_id(%barrier3A)
    %eq3A = arith.constant 0 : i32
    %eq3A_11 = arith.cmpi eq, %arg0, %eq3A : i32
    %convert_element_type3A = arith.extui %eq3A_11 : i1 to i32
    %cond3A = arith.constant 0 : i32
    %cond3A_12 = arith.cmpi ne, %convert_element_type3A, %cond3A : i32
    scf.if %cond3A_12 {
      %mul3A_22 = arith.constant 128 : i32
      %mul3A_23 = arith.muli %arg1, %mul3A_22 : i32
      %dma_start3A = arith.constant 0 : i32
      %dma_start3A_24 = tpu.memref_slice %arg3[%mul3A_23, %dma_start3A] : memref<2560x128xi32, #tpu.memory_space<hbm>> -> memref<1x128xi32, #tpu.memory_space<hbm>>
      %dma_start3A_25 = tpu.memref_squeeze %dma_start3A_24 : memref<1x128xi32, #tpu.memory_space<hbm>> -> memref<128xi32, #tpu.memory_space<hbm>>
      %dma_start3A_26 = arith.constant 0 : i32
      %dma_start3A_27 = tpu.memref_slice %arg3[%mul3A_23, %dma_start3A_26] : memref<2560x128xi32, #tpu.memory_space<hbm>> -> memref<1x128xi32, #tpu.memory_space<hbm>>
      %dma_start3A_28 = tpu.memref_squeeze %dma_start3A_27 : memref<1x128xi32, #tpu.memory_space<hbm>> -> memref<128xi32, #tpu.memory_space<hbm>>
      tpu.enqueue_dma source(%dma_start3A_28 : memref<128xi32, #tpu.memory_space<hbm>>) target(%arg8 : memref<128xi32, #tpu.memory_space<vmem>>) target_semaphore(%arg13 : memref<!tpu.dma_semaphore, #tpu.memory_space<semaphore_mem>>)
      %dma_start3A_29 = arith.constant 0 : i32
      %dma_start3A_30 = tpu.memref_slice %arg4[%mul3A_23, %dma_start3A_29] : memref<2560x128xi32, #tpu.memory_space<hbm>> -> memref<1x128xi32, #tpu.memory_space<hbm>>
      %dma_start3A_31 = tpu.memref_squeeze %dma_start3A_30 : memref<1x128xi32, #tpu.memory_space<hbm>> -> memref<128xi32, #tpu.memory_space<hbm>>
      %dma_start3A_32 = arith.constant 0 : i32
      %dma_start3A_33 = tpu.memref_slice %arg4[%mul3A_23, %dma_start3A_32] : memref<2560x128xi32, #tpu.memory_space<hbm>> -> memref<1x128xi32, #tpu.memory_space<hbm>>
      %dma_start3A_34 = tpu.memref_squeeze %dma_start3A_33 : memref<1x128xi32, #tpu.memory_space<hbm>> -> memref<128xi32, #tpu.memory_space<hbm>>
      tpu.enqueue_dma source(%dma_start3A_34 : memref<128xi32, #tpu.memory_space<hbm>>) target(%arg10 : memref<128xi32, #tpu.memory_space<vmem>>) target_semaphore(%arg13 : memref<!tpu.dma_semaphore, #tpu.memory_space<semaphore_mem>>)
      %dma_wait3A = arith.constant 0 : i32
      %dma_wait3A_35 = tpu.memref_slice %arg3[%mul3A_23, %dma_wait3A] : memref<2560x128xi32, #tpu.memory_space<hbm>> -> memref<1x128xi32, #tpu.memory_space<hbm>>
      %dma_wait3A_36 = tpu.memref_squeeze %dma_wait3A_35 : memref<1x128xi32, #tpu.memory_space<hbm>> -> memref<128xi32, #tpu.memory_space<hbm>>
      %dma_wait3A_37 = arith.constant 0 : i32
      %dma_wait3A_38 = tpu.memref_slice %arg3[%mul3A_23, %dma_wait3A_37] : memref<2560x128xi32, #tpu.memory_space<hbm>> -> memref<1x128xi32, #tpu.memory_space<hbm>>
      %dma_wait3A_39 = tpu.memref_squeeze %dma_wait3A_38 : memref<1x128xi32, #tpu.memory_space<hbm>> -> memref<128xi32, #tpu.memory_space<hbm>>
      tpu.wait_dma2 semaphore(%arg13 : memref<!tpu.dma_semaphore, #tpu.memory_space<semaphore_mem>>) src(%dma_wait3A_39 : memref<128xi32, #tpu.memory_space<hbm>>) dst(%arg8 : memref<128xi32, #tpu.memory_space<vmem>>)
      %dma_wait3A_40 = arith.constant 0 : i32
      %dma_wait3A_41 = tpu.memref_slice %arg4[%mul3A_23, %dma_wait3A_40] : memref<2560x128xi32, #tpu.memory_space<hbm>> -> memref<1x128xi32, #tpu.memory_space<hbm>>
      %dma_wait3A_42 = tpu.memref_squeeze %dma_wait3A_41 : memref<1x128xi32, #tpu.memory_space<hbm>> -> memref<128xi32, #tpu.memory_space<hbm>>
      %dma_wait3A_43 = arith.constant 0 : i32
      %dma_wait3A_44 = tpu.memref_slice %arg4[%mul3A_23, %dma_wait3A_43] : memref<2560x128xi32, #tpu.memory_space<hbm>> -> memref<1x128xi32, #tpu.memory_space<hbm>>
      %dma_wait3A_45 = tpu.memref_squeeze %dma_wait3A_44 : memref<1x128xi32, #tpu.memory_space<hbm>> -> memref<128xi32, #tpu.memory_space<hbm>>
      tpu.wait_dma2 semaphore(%arg13 : memref<!tpu.dma_semaphore, #tpu.memory_space<semaphore_mem>>) src(%dma_wait3A_45 : memref<128xi32, #tpu.memory_space<hbm>>) dst(%arg10 : memref<128xi32, #tpu.memory_space<vmem>>)
      %dma_start3A_46 = arith.constant 0 : i32
      %dma_start3A_47 = arith.constant 0 : i32
      %dma_start3A_48 = tpu.memref_slice %arg2[%dma_start3A_46, %dma_start3A_47] : memref<10000x128xf32, #tpu.memory_space<hbm>> -> memref<10000x128xf32, #tpu.memory_space<hbm>>
      tpu.enqueue_indirect_dma source(%dma_start3A_48 : memref<10000x128xf32, #tpu.memory_space<hbm>>) target(%arg6 : memref<128x128xf32, #tpu.memory_space<vmem>>) offsets(%arg8 : memref<128xi32, #tpu.memory_space<vmem>>) semaphore(%arg15 : memref<!tpu.dma_semaphore, #tpu.memory_space<semaphore_mem>>)
      %add3A = arith.constant 1 : i32
      %add3A_49 = arith.addi %mul3A_23, %add3A : i32
      %dma_start3A_50 = arith.constant 0 : i32
      %dma_start3A_51 = tpu.memref_slice %arg3[%add3A_49, %dma_start3A_50] : memref<2560x128xi32, #tpu.memory_space<hbm>> -> memref<1x128xi32, #tpu.memory_space<hbm>>
      %dma_start3A_52 = tpu.memref_squeeze %dma_start3A_51 : memref<1x128xi32, #tpu.memory_space<hbm>> -> memref<128xi32, #tpu.memory_space<hbm>>
      %dma_start3A_53 = arith.constant 0 : i32
      %dma_start3A_54 = tpu.memref_slice %arg3[%add3A_49, %dma_start3A_53] : memref<2560x128xi32, #tpu.memory_space<hbm>> -> memref<1x128xi32, #tpu.memory_space<hbm>>
      %dma_start3A_55 = tpu.memref_squeeze %dma_start3A_54 : memref<1x128xi32, #tpu.memory_space<hbm>> -> memref<128xi32, #tpu.memory_space<hbm>>
      tpu.enqueue_dma source(%dma_start3A_55 : memref<128xi32, #tpu.memory_space<hbm>>) target(%arg9 : memref<128xi32, #tpu.memory_space<vmem>>) target_semaphore(%arg14 : memref<!tpu.dma_semaphore, #tpu.memory_space<semaphore_mem>>)
      %dma_start3A_56 = arith.constant 0 : i32
      %dma_start3A_57 = tpu.memref_slice %arg4[%add3A_49, %dma_start3A_56] : memref<2560x128xi32, #tpu.memory_space<hbm>> -> memref<1x128xi32, #tpu.memory_space<hbm>>
      %dma_start3A_58 = tpu.memref_squeeze %dma_start3A_57 : memref<1x128xi32, #tpu.memory_space<hbm>> -> memref<128xi32, #tpu.memory_space<hbm>>
      %dma_start3A_59 = arith.constant 0 : i32
      %dma_start3A_60 = tpu.memref_slice %arg4[%add3A_49, %dma_start3A_59] : memref<2560x128xi32, #tpu.memory_space<hbm>> -> memref<1x128xi32, #tpu.memory_space<hbm>>
      %dma_start3A_61 = tpu.memref_squeeze %dma_start3A_60 : memref<1x128xi32, #tpu.memory_space<hbm>> -> memref<128xi32, #tpu.memory_space<hbm>>
      tpu.enqueue_dma source(%dma_start3A_61 : memref<128xi32, #tpu.memory_space<hbm>>) target(%arg11 : memref<128xi32, #tpu.memory_space<vmem>>) target_semaphore(%arg14 : memref<!tpu.dma_semaphore, #tpu.memory_space<semaphore_mem>>)
      %dma_wait3A_62 = arith.constant 0 : i32
      %dma_wait3A_63 = tpu.memref_slice %arg3[%add3A_49, %dma_wait3A_62] : memref<2560x128xi32, #tpu.memory_space<hbm>> -> memref<1x128xi32, #tpu.memory_space<hbm>>
      %dma_wait3A_64 = tpu.memref_squeeze %dma_wait3A_63 : memref<1x128xi32, #tpu.memory_space<hbm>> -> memref<128xi32, #tpu.memory_space<hbm>>
      %dma_wait3A_65 = arith.constant 0 : i32
      %dma_wait3A_66 = tpu.memref_slice %arg3[%add3A_49, %dma_wait3A_65] : memref<2560x128xi32, #tpu.memory_space<hbm>> -> memref<1x128xi32, #tpu.memory_space<hbm>>
      %dma_wait3A_67 = tpu.memref_squeeze %dma_wait3A_66 : memref<1x128xi32, #tpu.memory_space<hbm>> -> memref<128xi32, #tpu.memory_space<hbm>>
      tpu.wait_dma2 semaphore(%arg14 : memref<!tpu.dma_semaphore, #tpu.memory_space<semaphore_mem>>) src(%dma_wait3A_67 : memref<128xi32, #tpu.memory_space<hbm>>) dst(%arg9 : memref<128xi32, #tpu.memory_space<vmem>>)
      %dma_wait3A_68 = arith.constant 0 : i32
      %dma_wait3A_69 = tpu.memref_slice %arg4[%add3A_49, %dma_wait3A_68] : memref<2560x128xi32, #tpu.memory_space<hbm>> -> memref<1x128xi32, #tpu.memory_space<hbm>>
      %dma_wait3A_70 = tpu.memref_squeeze %dma_wait3A_69 : memref<1x128xi32, #tpu.memory_space<hbm>> -> memref<128xi32, #tpu.memory_space<hbm>>
      %dma_wait3A_71 = arith.constant 0 : i32
      %dma_wait3A_72 = tpu.memref_slice %arg4[%add3A_49, %dma_wait3A_71] : memref<2560x128xi32, #tpu.memory_space<hbm>> -> memref<1x128xi32, #tpu.memory_space<hbm>>
      %dma_wait3A_73 = tpu.memref_squeeze %dma_wait3A_72 : memref<1x128xi32, #tpu.memory_space<hbm>> -> memref<128xi32, #tpu.memory_space<hbm>>
      tpu.wait_dma2 semaphore(%arg14 : memref<!tpu.dma_semaphore, #tpu.memory_space<semaphore_mem>>) src(%dma_wait3A_73 : memref<128xi32, #tpu.memory_space<hbm>>) dst(%arg11 : memref<128xi32, #tpu.memory_space<vmem>>)
      %dma_start3A_74 = arith.constant 0 : i32
      %dma_start3A_75 = arith.constant 0 : i32
      %dma_start3A_76 = tpu.memref_slice %arg2[%dma_start3A_74, %dma_start3A_75] : memref<10000x128xf32, #tpu.memory_space<hbm>> -> memref<10000x128xf32, #tpu.memory_space<hbm>>
      tpu.enqueue_indirect_dma source(%dma_start3A_76 : memref<10000x128xf32, #tpu.memory_space<hbm>>) target(%arg7 : memref<128x128xf32, #tpu.memory_space<vmem>>) offsets(%arg9 : memref<128xi32, #tpu.memory_space<vmem>>) semaphore(%arg16 : memref<!tpu.dma_semaphore, #tpu.memory_space<semaphore_mem>>)
      %scan3A_77 = arith.constant 0 : i32
      %scan3A_78 = arith.constant 0 : i32
      %scan3A_79 = arith.constant 63 : i32
      %scan3A_80 = arith.addi %scan3A_78, %scan3A_79 : i32
      %scan3A_81 = arith.constant 1 : i32
      scf.for %scan3A_89 = %scan3A_78 to %scan3A_80 step %scan3A_81  : i32 {
        %mul3A_90 = arith.constant 2 : i32
        %mul3A_91 = arith.muli %mul3A_90, %scan3A_89 : i32
        %add3A_92 = arith.addi %mul3A_23, %mul3A_91 : i32
        %dma_wait3A_93 = arith.constant 0 : i32
        %dma_wait3A_94 = arith.constant 0 : i32
        %dma_wait3A_95 = tpu.memref_slice %arg2[%dma_wait3A_93, %dma_wait3A_94] : memref<10000x128xf32, #tpu.memory_space<hbm>> -> memref<10000x128xf32, #tpu.memory_space<hbm>>
        tpu.wait_indirect_dma semaphore(%arg15 : memref<!tpu.dma_semaphore, #tpu.memory_space<semaphore_mem>>) src(%dma_wait3A_95 : memref<10000x128xf32, #tpu.memory_space<hbm>>) dst(%arg6 : memref<128x128xf32, #tpu.memory_space<vmem>>)
        "tpu.region"() ({
          %run_scoped3A = tpu.sem_alloc : memref<!tpu.dma_semaphore, #tpu.memory_space<semaphore_mem>>
          %dma_start3A_157 = arith.constant 0 : i32
          %dma_start3A_158 = arith.constant 0 : i32
          %dma_start3A_159 = tpu.memref_slice %arg12[%dma_start3A_157, %dma_start3A_158] : memref<10240x128xf32, #tpu.memory_space<vmem_shared>> -> memref<10240x128xf32, #tpu.memory_space<vmem_shared>>
          tpu.enqueue_indirect_dma source(%arg6 : memref<128x128xf32, #tpu.memory_space<vmem>>) target(%dma_start3A_159 : memref<10240x128xf32, #tpu.memory_space<vmem_shared>>) offsets(%arg10 : memref<128xi32, #tpu.memory_space<vmem>>) semaphore(%run_scoped3A : memref<!tpu.dma_semaphore, #tpu.memory_space<semaphore_mem>>) {add = true}
          %dma_wait3A_160 = arith.constant 0 : i32
          %dma_wait3A_161 = arith.constant 0 : i32
          %dma_wait3A_162 = tpu.memref_slice %arg12[%dma_wait3A_160, %dma_wait3A_161] : memref<10240x128xf32, #tpu.memory_space<vmem_shared>> -> memref<10240x128xf32, #tpu.memory_space<vmem_shared>>
          tpu.wait_indirect_dma semaphore(%run_scoped3A : memref<!tpu.dma_semaphore, #tpu.memory_space<semaphore_mem>>) src(%arg6 : memref<128x128xf32, #tpu.memory_space<vmem>>) dst(%dma_wait3A_162 : memref<10240x128xf32, #tpu.memory_space<vmem_shared>>)
          tpu.yield
        }) : () -> ()
        %add3A_96 = arith.constant 2 : i32
        %add3A_97 = arith.addi %add3A_92, %add3A_96 : i32
        %dma_start3A_98 = arith.constant 0 : i32
        %dma_start3A_99 = tpu.memref_slice %arg3[%add3A_97, %dma_start3A_98] : memref<2560x128xi32, #tpu.memory_space<hbm>> -> memref<1x128xi32, #tpu.memory_space<hbm>>
        %dma_start3A_100 = tpu.memref_squeeze %dma_start3A_99 : memref<1x128xi32, #tpu.memory_space<hbm>> -> memref<128xi32, #tpu.memory_space<hbm>>
        %dma_start3A_101 = arith.constant 0 : i32
        %dma_start3A_102 = tpu.memref_slice %arg3[%add3A_97, %dma_start3A_101] : memref<2560x128xi32, #tpu.memory_space<hbm>> -> memref<1x128xi32, #tpu.memory_space<hbm>>
        %dma_start3A_103 = tpu.memref_squeeze %dma_start3A_102 : memref<1x128xi32, #tpu.memory_space<hbm>> -> memref<128xi32, #tpu.memory_space<hbm>>
        tpu.enqueue_dma source(%dma_start3A_103 : memref<128xi32, #tpu.memory_space<hbm>>) target(%arg8 : memref<128xi32, #tpu.memory_space<vmem>>) target_semaphore(%arg13 : memref<!tpu.dma_semaphore, #tpu.memory_space<semaphore_mem>>)
        %dma_start3A_104 = arith.constant 0 : i32
        %dma_start3A_105 = tpu.memref_slice %arg4[%add3A_97, %dma_start3A_104] : memref<2560x128xi32, #tpu.memory_space<hbm>> -> memref<1x128xi32, #tpu.memory_space<hbm>>
        %dma_start3A_106 = tpu.memref_squeeze %dma_start3A_105 : memref<1x128xi32, #tpu.memory_space<hbm>> -> memref<128xi32, #tpu.memory_space<hbm>>
        %dma_start3A_107 = arith.constant 0 : i32
        %dma_start3A_108 = tpu.memref_slice %arg4[%add3A_97, %dma_start3A_107] : memref<2560x128xi32, #tpu.memory_space<hbm>> -> memref<1x128xi32, #tpu.memory_space<hbm>>
        %dma_start3A_109 = tpu.memref_squeeze %dma_start3A_108 : memref<1x128xi32, #tpu.memory_space<hbm>> -> memref<128xi32, #tpu.memory_space<hbm>>
        tpu.enqueue_dma source(%dma_start3A_109 : memref<128xi32, #tpu.memory_space<hbm>>) target(%arg10 : memref<128xi32, #tpu.memory_space<vmem>>) target_semaphore(%arg13 : memref<!tpu.dma_semaphore, #tpu.memory_space<semaphore_mem>>)
        %dma_wait3A_110 = arith.constant 0 : i32
        %dma_wait3A_111 = tpu.memref_slice %arg3[%add3A_97, %dma_wait3A_110] : memref<2560x128xi32, #tpu.memory_space<hbm>> -> memref<1x128xi32, #tpu.memory_space<hbm>>
        %dma_wait3A_112 = tpu.memref_squeeze %dma_wait3A_111 : memref<1x128xi32, #tpu.memory_space<hbm>> -> memref<128xi32, #tpu.memory_space<hbm>>
        %dma_wait3A_113 = arith.constant 0 : i32
        %dma_wait3A_114 = tpu.memref_slice %arg3[%add3A_97, %dma_wait3A_113] : memref<2560x128xi32, #tpu.memory_space<hbm>> -> memref<1x128xi32, #tpu.memory_space<hbm>>
        %dma_wait3A_115 = tpu.memref_squeeze %dma_wait3A_114 : memref<1x128xi32, #tpu.memory_space<hbm>> -> memref<128xi32, #tpu.memory_space<hbm>>
        tpu.wait_dma2 semaphore(%arg13 : memref<!tpu.dma_semaphore, #tpu.memory_space<semaphore_mem>>) src(%dma_wait3A_115 : memref<128xi32, #tpu.memory_space<hbm>>) dst(%arg8 : memref<128xi32, #tpu.memory_space<vmem>>)
        %dma_wait3A_116 = arith.constant 0 : i32
        %dma_wait3A_117 = tpu.memref_slice %arg4[%add3A_97, %dma_wait3A_116] : memref<2560x128xi32, #tpu.memory_space<hbm>> -> memref<1x128xi32, #tpu.memory_space<hbm>>
        %dma_wait3A_118 = tpu.memref_squeeze %dma_wait3A_117 : memref<1x128xi32, #tpu.memory_space<hbm>> -> memref<128xi32, #tpu.memory_space<hbm>>
        %dma_wait3A_119 = arith.constant 0 : i32
        %dma_wait3A_120 = tpu.memref_slice %arg4[%add3A_97, %dma_wait3A_119] : memref<2560x128xi32, #tpu.memory_space<hbm>> -> memref<1x128xi32, #tpu.memory_space<hbm>>
        %dma_wait3A_121 = tpu.memref_squeeze %dma_wait3A_120 : memref<1x128xi32, #tpu.memory_space<hbm>> -> memref<128xi32, #tpu.memory_space<hbm>>
        tpu.wait_dma2 semaphore(%arg13 : memref<!tpu.dma_semaphore, #tpu.memory_space<semaphore_mem>>) src(%dma_wait3A_121 : memref<128xi32, #tpu.memory_space<hbm>>) dst(%arg10 : memref<128xi32, #tpu.memory_space<vmem>>)
        %dma_start3A_122 = arith.constant 0 : i32
        %dma_start3A_123 = arith.constant 0 : i32
        %dma_start3A_124 = tpu.memref_slice %arg2[%dma_start3A_122, %dma_start3A_123] : memref<10000x128xf32, #tpu.memory_space<hbm>> -> memref<10000x128xf32, #tpu.memory_space<hbm>>
        tpu.enqueue_indirect_dma source(%dma_start3A_124 : memref<10000x128xf32, #tpu.memory_space<hbm>>) target(%arg6 : memref<128x128xf32, #tpu.memory_space<vmem>>) offsets(%arg8 : memref<128xi32, #tpu.memory_space<vmem>>) semaphore(%arg15 : memref<!tpu.dma_semaphore, #tpu.memory_space<semaphore_mem>>)
        %dma_wait3A_125 = arith.constant 0 : i32
        %dma_wait3A_126 = arith.constant 0 : i32
        %dma_wait3A_127 = tpu.memref_slice %arg2[%dma_wait3A_125, %dma_wait3A_126] : memref<10000x128xf32, #tpu.memory_space<hbm>> -> memref<10000x128xf32, #tpu.memory_space<hbm>>
        tpu.wait_indirect_dma semaphore(%arg16 : memref<!tpu.dma_semaphore, #tpu.memory_space<semaphore_mem>>) src(%dma_wait3A_127 : memref<10000x128xf32, #tpu.memory_space<hbm>>) dst(%arg7 : memref<128x128xf32, #tpu.memory_space<vmem>>)
        "tpu.region"() ({
          %run_scoped3A = tpu.sem_alloc : memref<!tpu.dma_semaphore, #tpu.memory_space<semaphore_mem>>
          %dma_start3A_157 = arith.constant 0 : i32
          %dma_start3A_158 = arith.constant 0 : i32
          %dma_start3A_159 = tpu.memref_slice %arg12[%dma_start3A_157, %dma_start3A_158] : memref<10240x128xf32, #tpu.memory_space<vmem_shared>> -> memref<10240x128xf32, #tpu.memory_space<vmem_shared>>
          tpu.enqueue_indirect_dma source(%arg7 : memref<128x128xf32, #tpu.memory_space<vmem>>) target(%dma_start3A_159 : memref<10240x128xf32, #tpu.memory_space<vmem_shared>>) offsets(%arg11 : memref<128xi32, #tpu.memory_space<vmem>>) semaphore(%run_scoped3A : memref<!tpu.dma_semaphore, #tpu.memory_space<semaphore_mem>>) {add = true}
          %dma_wait3A_160 = arith.constant 0 : i32
          %dma_wait3A_161 = arith.constant 0 : i32
          %dma_wait3A_162 = tpu.memref_slice %arg12[%dma_wait3A_160, %dma_wait3A_161] : memref<10240x128xf32, #tpu.memory_space<vmem_shared>> -> memref<10240x128xf32, #tpu.memory_space<vmem_shared>>
          tpu.wait_indirect_dma semaphore(%run_scoped3A : memref<!tpu.dma_semaphore, #tpu.memory_space<semaphore_mem>>) src(%arg7 : memref<128x128xf32, #tpu.memory_space<vmem>>) dst(%dma_wait3A_162 : memref<10240x128xf32, #tpu.memory_space<vmem_shared>>)
          tpu.yield
        }) : () -> ()
        %add3A_128 = arith.constant 3 : i32
        %add3A_129 = arith.addi %add3A_92, %add3A_128 : i32
        %dma_start3A_130 = arith.constant 0 : i32
        %dma_start3A_131 = tpu.memref_slice %arg3[%add3A_129, %dma_start3A_130] : memref<2560x128xi32, #tpu.memory_space<hbm>> -> memref<1x128xi32, #tpu.memory_space<hbm>>
        %dma_start3A_132 = tpu.memref_squeeze %dma_start3A_131 : memref<1x128xi32, #tpu.memory_space<hbm>> -> memref<128xi32, #tpu.memory_space<hbm>>
        %dma_start3A_133 = arith.constant 0 : i32
        %dma_start3A_134 = tpu.memref_slice %arg3[%add3A_129, %dma_start3A_133] : memref<2560x128xi32, #tpu.memory_space<hbm>> -> memref<1x128xi32, #tpu.memory_space<hbm>>
        %dma_start3A_135 = tpu.memref_squeeze %dma_start3A_134 : memref<1x128xi32, #tpu.memory_space<hbm>> -> memref<128xi32, #tpu.memory_space<hbm>>
        tpu.enqueue_dma source(%dma_start3A_135 : memref<128xi32, #tpu.memory_space<hbm>>) target(%arg9 : memref<128xi32, #tpu.memory_space<vmem>>) target_semaphore(%arg14 : memref<!tpu.dma_semaphore, #tpu.memory_space<semaphore_mem>>)
        %dma_start3A_136 = arith.constant 0 : i32
        %dma_start3A_137 = tpu.memref_slice %arg4[%add3A_129, %dma_start3A_136] : memref<2560x128xi32, #tpu.memory_space<hbm>> -> memref<1x128xi32, #tpu.memory_space<hbm>>
        %dma_start3A_138 = tpu.memref_squeeze %dma_start3A_137 : memref<1x128xi32, #tpu.memory_space<hbm>> -> memref<128xi32, #tpu.memory_space<hbm>>
        %dma_start3A_139 = arith.constant 0 : i32
        %dma_start3A_140 = tpu.memref_slice %arg4[%add3A_129, %dma_start3A_139] : memref<2560x128xi32, #tpu.memory_space<hbm>> -> memref<1x128xi32, #tpu.memory_space<hbm>>
        %dma_start3A_141 = tpu.memref_squeeze %dma_start3A_140 : memref<1x128xi32, #tpu.memory_space<hbm>> -> memref<128xi32, #tpu.memory_space<hbm>>
        tpu.enqueue_dma source(%dma_start3A_141 : memref<128xi32, #tpu.memory_space<hbm>>) target(%arg11 : memref<128xi32, #tpu.memory_space<vmem>>) target_semaphore(%arg14 : memref<!tpu.dma_semaphore, #tpu.memory_space<semaphore_mem>>)
        %dma_wait3A_142 = arith.constant 0 : i32
        %dma_wait3A_143 = tpu.memref_slice %arg3[%add3A_129, %dma_wait3A_142] : memref<2560x128xi32, #tpu.memory_space<hbm>> -> memref<1x128xi32, #tpu.memory_space<hbm>>
        %dma_wait3A_144 = tpu.memref_squeeze %dma_wait3A_143 : memref<1x128xi32, #tpu.memory_space<hbm>> -> memref<128xi32, #tpu.memory_space<hbm>>
        %dma_wait3A_145 = arith.constant 0 : i32
        %dma_wait3A_146 = tpu.memref_slice %arg3[%add3A_129, %dma_wait3A_145] : memref<2560x128xi32, #tpu.memory_space<hbm>> -> memref<1x128xi32, #tpu.memory_space<hbm>>
        %dma_wait3A_147 = tpu.memref_squeeze %dma_wait3A_146 : memref<1x128xi32, #tpu.memory_space<hbm>> -> memref<128xi32, #tpu.memory_space<hbm>>
        tpu.wait_dma2 semaphore(%arg14 : memref<!tpu.dma_semaphore, #tpu.memory_space<semaphore_mem>>) src(%dma_wait3A_147 : memref<128xi32, #tpu.memory_space<hbm>>) dst(%arg9 : memref<128xi32, #tpu.memory_space<vmem>>)
        %dma_wait3A_148 = arith.constant 0 : i32
        %dma_wait3A_149 = tpu.memref_slice %arg4[%add3A_129, %dma_wait3A_148] : memref<2560x128xi32, #tpu.memory_space<hbm>> -> memref<1x128xi32, #tpu.memory_space<hbm>>
        %dma_wait3A_150 = tpu.memref_squeeze %dma_wait3A_149 : memref<1x128xi32, #tpu.memory_space<hbm>> -> memref<128xi32, #tpu.memory_space<hbm>>
        %dma_wait3A_151 = arith.constant 0 : i32
        %dma_wait3A_152 = tpu.memref_slice %arg4[%add3A_129, %dma_wait3A_151] : memref<2560x128xi32, #tpu.memory_space<hbm>> -> memref<1x128xi32, #tpu.memory_space<hbm>>
        %dma_wait3A_153 = tpu.memref_squeeze %dma_wait3A_152 : memref<1x128xi32, #tpu.memory_space<hbm>> -> memref<128xi32, #tpu.memory_space<hbm>>
        tpu.wait_dma2 semaphore(%arg14 : memref<!tpu.dma_semaphore, #tpu.memory_space<semaphore_mem>>) src(%dma_wait3A_153 : memref<128xi32, #tpu.memory_space<hbm>>) dst(%arg11 : memref<128xi32, #tpu.memory_space<vmem>>)
        %dma_start3A_154 = arith.constant 0 : i32
        %dma_start3A_155 = arith.constant 0 : i32
        %dma_start3A_156 = tpu.memref_slice %arg2[%dma_start3A_154, %dma_start3A_155] : memref<10000x128xf32, #tpu.memory_space<hbm>> -> memref<10000x128xf32, #tpu.memory_space<hbm>>
        tpu.enqueue_indirect_dma source(%dma_start3A_156 : memref<10000x128xf32, #tpu.memory_space<hbm>>) target(%arg7 : memref<128x128xf32, #tpu.memory_space<vmem>>) offsets(%arg9 : memref<128xi32, #tpu.memory_space<vmem>>) semaphore(%arg16 : memref<!tpu.dma_semaphore, #tpu.memory_space<semaphore_mem>>)
      }
      %scan3A_82 = arith.constant 63 : i32
      %dma_wait3A_83 = arith.constant 0 : i32
      %dma_wait3A_84 = arith.constant 0 : i32
      %dma_wait3A_85 = tpu.memref_slice %arg2[%dma_wait3A_83, %dma_wait3A_84] : memref<10000x128xf32, #tpu.memory_space<hbm>> -> memref<10000x128xf32, #tpu.memory_space<hbm>>
      tpu.wait_indirect_dma semaphore(%arg15 : memref<!tpu.dma_semaphore, #tpu.memory_space<semaphore_mem>>) src(%dma_wait3A_85 : memref<10000x128xf32, #tpu.memory_space<hbm>>) dst(%arg6 : memref<128x128xf32, #tpu.memory_space<vmem>>)
      "tpu.region"() ({
        %run_scoped3A = tpu.sem_alloc : memref<!tpu.dma_semaphore, #tpu.memory_space<semaphore_mem>>
        %dma_start3A_89 = arith.constant 0 : i32
        %dma_start3A_90 = arith.constant 0 : i32
        %dma_start3A_91 = tpu.memref_slice %arg12[%dma_start3A_89, %dma_start3A_90] : memref<10240x128xf32, #tpu.memory_space<vmem_shared>> -> memref<10240x128xf32, #tpu.memory_space<vmem_shared>>
        tpu.enqueue_indirect_dma source(%arg6 : memref<128x128xf32, #tpu.memory_space<vmem>>) target(%dma_start3A_91 : memref<10240x128xf32, #tpu.memory_space<vmem_shared>>) offsets(%arg10 : memref<128xi32, #tpu.memory_space<vmem>>) semaphore(%run_scoped3A : memref<!tpu.dma_semaphore, #tpu.memory_space<semaphore_mem>>) {add = true}
        %dma_wait3A_92 = arith.constant 0 : i32
        %dma_wait3A_93 = arith.constant 0 : i32
        %dma_wait3A_94 = tpu.memref_slice %arg12[%dma_wait3A_92, %dma_wait3A_93] : memref<10240x128xf32, #tpu.memory_space<vmem_shared>> -> memref<10240x128xf32, #tpu.memory_space<vmem_shared>>
        tpu.wait_indirect_dma semaphore(%run_scoped3A : memref<!tpu.dma_semaphore, #tpu.memory_space<semaphore_mem>>) src(%arg6 : memref<128x128xf32, #tpu.memory_space<vmem>>) dst(%dma_wait3A_94 : memref<10240x128xf32, #tpu.memory_space<vmem_shared>>)
        tpu.yield
      }) : () -> ()
      %dma_wait3A_86 = arith.constant 0 : i32
      %dma_wait3A_87 = arith.constant 0 : i32
      %dma_wait3A_88 = tpu.memref_slice %arg2[%dma_wait3A_86, %dma_wait3A_87] : memref<10000x128xf32, #tpu.memory_space<hbm>> -> memref<10000x128xf32, #tpu.memory_space<hbm>>
      tpu.wait_indirect_dma semaphore(%arg16 : memref<!tpu.dma_semaphore, #tpu.memory_space<semaphore_mem>>) src(%dma_wait3A_88 : memref<10000x128xf32, #tpu.memory_space<hbm>>) dst(%arg7 : memref<128x128xf32, #tpu.memory_space<vmem>>)
      "tpu.region"() ({
        %run_scoped3A = tpu.sem_alloc : memref<!tpu.dma_semaphore, #tpu.memory_space<semaphore_mem>>
        %dma_start3A_89 = arith.constant 0 : i32
        %dma_start3A_90 = arith.constant 0 : i32
        %dma_start3A_91 = tpu.memref_slice %arg12[%dma_start3A_89, %dma_start3A_90] : memref<10240x128xf32, #tpu.memory_space<vmem_shared>> -> memref<10240x128xf32, #tpu.memory_space<vmem_shared>>
        tpu.enqueue_indirect_dma source(%arg7 : memref<128x128xf32, #tpu.memory_space<vmem>>) target(%dma_start3A_91 : memref<10240x128xf32, #tpu.memory_space<vmem_shared>>) offsets(%arg11 : memref<128xi32, #tpu.memory_space<vmem>>) semaphore(%run_scoped3A : memref<!tpu.dma_semaphore, #tpu.memory_space<semaphore_mem>>) {add = true}
        %dma_wait3A_92 = arith.constant 0 : i32
        %dma_wait3A_93 = arith.constant 0 : i32
        %dma_wait3A_94 = tpu.memref_slice %arg12[%dma_wait3A_92, %dma_wait3A_93] : memref<10240x128xf32, #tpu.memory_space<vmem_shared>> -> memref<10240x128xf32, #tpu.memory_space<vmem_shared>>
        tpu.wait_indirect_dma semaphore(%run_scoped3A : memref<!tpu.dma_semaphore, #tpu.memory_space<semaphore_mem>>) src(%arg7 : memref<128x128xf32, #tpu.memory_space<vmem>>) dst(%dma_wait3A_94 : memref<10240x128xf32, #tpu.memory_space<vmem_shared>>)
        tpu.yield
      }) : () -> ()
    } else {
    }
    %eq3A_13 = arith.constant 1 : i32
    %eq3A_14 = arith.cmpi eq, %arg0, %eq3A_13 : i32
    %convert_element_type3A_15 = arith.extui %eq3A_14 : i1 to i32
    %cond3A_16 = arith.constant 0 : i32
    %cond3A_17 = arith.cmpi ne, %convert_element_type3A_15, %cond3A_16 : i32
    scf.if %cond3A_17 {
      %mul3A_22 = arith.constant 32 : i32
      %mul3A_23 = arith.muli %arg1, %mul3A_22 : i32
      %add3A = arith.constant 2048 : i32
      %add3A_24 = arith.addi %add3A, %mul3A_23 : i32
      %dma_start3A = arith.constant 0 : i32
      %dma_start3A_25 = tpu.memref_slice %arg3[%add3A_24, %dma_start3A] : memref<2560x128xi32, #tpu.memory_space<hbm>> -> memref<1x128xi32, #tpu.memory_space<hbm>>
      %dma_start3A_26 = tpu.memref_squeeze %dma_start3A_25 : memref<1x128xi32, #tpu.memory_space<hbm>> -> memref<128xi32, #tpu.memory_space<hbm>>
      %dma_start3A_27 = arith.constant 0 : i32
      %dma_start3A_28 = tpu.memref_slice %arg3[%add3A_24, %dma_start3A_27] : memref<2560x128xi32, #tpu.memory_space<hbm>> -> memref<1x128xi32, #tpu.memory_space<hbm>>
      %dma_start3A_29 = tpu.memref_squeeze %dma_start3A_28 : memref<1x128xi32, #tpu.memory_space<hbm>> -> memref<128xi32, #tpu.memory_space<hbm>>
      tpu.enqueue_dma source(%dma_start3A_29 : memref<128xi32, #tpu.memory_space<hbm>>) target(%arg8 : memref<128xi32, #tpu.memory_space<vmem>>) target_semaphore(%arg13 : memref<!tpu.dma_semaphore, #tpu.memory_space<semaphore_mem>>)
      %dma_start3A_30 = arith.constant 0 : i32
      %dma_start3A_31 = tpu.memref_slice %arg4[%add3A_24, %dma_start3A_30] : memref<2560x128xi32, #tpu.memory_space<hbm>> -> memref<1x128xi32, #tpu.memory_space<hbm>>
      %dma_start3A_32 = tpu.memref_squeeze %dma_start3A_31 : memref<1x128xi32, #tpu.memory_space<hbm>> -> memref<128xi32, #tpu.memory_space<hbm>>
      %dma_start3A_33 = arith.constant 0 : i32
      %dma_start3A_34 = tpu.memref_slice %arg4[%add3A_24, %dma_start3A_33] : memref<2560x128xi32, #tpu.memory_space<hbm>> -> memref<1x128xi32, #tpu.memory_space<hbm>>
      %dma_start3A_35 = tpu.memref_squeeze %dma_start3A_34 : memref<1x128xi32, #tpu.memory_space<hbm>> -> memref<128xi32, #tpu.memory_space<hbm>>
      tpu.enqueue_dma source(%dma_start3A_35 : memref<128xi32, #tpu.memory_space<hbm>>) target(%arg10 : memref<128xi32, #tpu.memory_space<vmem>>) target_semaphore(%arg13 : memref<!tpu.dma_semaphore, #tpu.memory_space<semaphore_mem>>)
      %dma_wait3A = arith.constant 0 : i32
      %dma_wait3A_36 = tpu.memref_slice %arg3[%add3A_24, %dma_wait3A] : memref<2560x128xi32, #tpu.memory_space<hbm>> -> memref<1x128xi32, #tpu.memory_space<hbm>>
      %dma_wait3A_37 = tpu.memref_squeeze %dma_wait3A_36 : memref<1x128xi32, #tpu.memory_space<hbm>> -> memref<128xi32, #tpu.memory_space<hbm>>
      %dma_wait3A_38 = arith.constant 0 : i32
      %dma_wait3A_39 = tpu.memref_slice %arg3[%add3A_24, %dma_wait3A_38] : memref<2560x128xi32, #tpu.memory_space<hbm>> -> memref<1x128xi32, #tpu.memory_space<hbm>>
      %dma_wait3A_40 = tpu.memref_squeeze %dma_wait3A_39 : memref<1x128xi32, #tpu.memory_space<hbm>> -> memref<128xi32, #tpu.memory_space<hbm>>
      tpu.wait_dma2 semaphore(%arg13 : memref<!tpu.dma_semaphore, #tpu.memory_space<semaphore_mem>>) src(%dma_wait3A_40 : memref<128xi32, #tpu.memory_space<hbm>>) dst(%arg8 : memref<128xi32, #tpu.memory_space<vmem>>)
      %dma_wait3A_41 = arith.constant 0 : i32
      %dma_wait3A_42 = tpu.memref_slice %arg4[%add3A_24, %dma_wait3A_41] : memref<2560x128xi32, #tpu.memory_space<hbm>> -> memref<1x128xi32, #tpu.memory_space<hbm>>
      %dma_wait3A_43 = tpu.memref_squeeze %dma_wait3A_42 : memref<1x128xi32, #tpu.memory_space<hbm>> -> memref<128xi32, #tpu.memory_space<hbm>>
      %dma_wait3A_44 = arith.constant 0 : i32
      %dma_wait3A_45 = tpu.memref_slice %arg4[%add3A_24, %dma_wait3A_44] : memref<2560x128xi32, #tpu.memory_space<hbm>> -> memref<1x128xi32, #tpu.memory_space<hbm>>
      %dma_wait3A_46 = tpu.memref_squeeze %dma_wait3A_45 : memref<1x128xi32, #tpu.memory_space<hbm>> -> memref<128xi32, #tpu.memory_space<hbm>>
      tpu.wait_dma2 semaphore(%arg13 : memref<!tpu.dma_semaphore, #tpu.memory_space<semaphore_mem>>) src(%dma_wait3A_46 : memref<128xi32, #tpu.memory_space<hbm>>) dst(%arg10 : memref<128xi32, #tpu.memory_space<vmem>>)
      %dma_start3A_47 = arith.constant 0 : i32
      %dma_start3A_48 = arith.constant 0 : i32
      %dma_start3A_49 = tpu.memref_slice %arg2[%dma_start3A_47, %dma_start3A_48] : memref<10000x128xf32, #tpu.memory_space<hbm>> -> memref<10000x128xf32, #tpu.memory_space<hbm>>
      tpu.enqueue_indirect_dma source(%dma_start3A_49 : memref<10000x128xf32, #tpu.memory_space<hbm>>) target(%arg6 : memref<128x128xf32, #tpu.memory_space<vmem>>) offsets(%arg8 : memref<128xi32, #tpu.memory_space<vmem>>) semaphore(%arg15 : memref<!tpu.dma_semaphore, #tpu.memory_space<semaphore_mem>>)
      %add3A_50 = arith.constant 1 : i32
      %add3A_51 = arith.addi %add3A_24, %add3A_50 : i32
      %dma_start3A_52 = arith.constant 0 : i32
      %dma_start3A_53 = tpu.memref_slice %arg3[%add3A_51, %dma_start3A_52] : memref<2560x128xi32, #tpu.memory_space<hbm>> -> memref<1x128xi32, #tpu.memory_space<hbm>>
      %dma_start3A_54 = tpu.memref_squeeze %dma_start3A_53 : memref<1x128xi32, #tpu.memory_space<hbm>> -> memref<128xi32, #tpu.memory_space<hbm>>
      %dma_start3A_55 = arith.constant 0 : i32
      %dma_start3A_56 = tpu.memref_slice %arg3[%add3A_51, %dma_start3A_55] : memref<2560x128xi32, #tpu.memory_space<hbm>> -> memref<1x128xi32, #tpu.memory_space<hbm>>
      %dma_start3A_57 = tpu.memref_squeeze %dma_start3A_56 : memref<1x128xi32, #tpu.memory_space<hbm>> -> memref<128xi32, #tpu.memory_space<hbm>>
      tpu.enqueue_dma source(%dma_start3A_57 : memref<128xi32, #tpu.memory_space<hbm>>) target(%arg9 : memref<128xi32, #tpu.memory_space<vmem>>) target_semaphore(%arg14 : memref<!tpu.dma_semaphore, #tpu.memory_space<semaphore_mem>>)
      %dma_start3A_58 = arith.constant 0 : i32
      %dma_start3A_59 = tpu.memref_slice %arg4[%add3A_51, %dma_start3A_58] : memref<2560x128xi32, #tpu.memory_space<hbm>> -> memref<1x128xi32, #tpu.memory_space<hbm>>
      %dma_start3A_60 = tpu.memref_squeeze %dma_start3A_59 : memref<1x128xi32, #tpu.memory_space<hbm>> -> memref<128xi32, #tpu.memory_space<hbm>>
      %dma_start3A_61 = arith.constant 0 : i32
      %dma_start3A_62 = tpu.memref_slice %arg4[%add3A_51, %dma_start3A_61] : memref<2560x128xi32, #tpu.memory_space<hbm>> -> memref<1x128xi32, #tpu.memory_space<hbm>>
      %dma_start3A_63 = tpu.memref_squeeze %dma_start3A_62 : memref<1x128xi32, #tpu.memory_space<hbm>> -> memref<128xi32, #tpu.memory_space<hbm>>
      tpu.enqueue_dma source(%dma_start3A_63 : memref<128xi32, #tpu.memory_space<hbm>>) target(%arg11 : memref<128xi32, #tpu.memory_space<vmem>>) target_semaphore(%arg14 : memref<!tpu.dma_semaphore, #tpu.memory_space<semaphore_mem>>)
      %dma_wait3A_64 = arith.constant 0 : i32
      %dma_wait3A_65 = tpu.memref_slice %arg3[%add3A_51, %dma_wait3A_64] : memref<2560x128xi32, #tpu.memory_space<hbm>> -> memref<1x128xi32, #tpu.memory_space<hbm>>
      %dma_wait3A_66 = tpu.memref_squeeze %dma_wait3A_65 : memref<1x128xi32, #tpu.memory_space<hbm>> -> memref<128xi32, #tpu.memory_space<hbm>>
      %dma_wait3A_67 = arith.constant 0 : i32
      %dma_wait3A_68 = tpu.memref_slice %arg3[%add3A_51, %dma_wait3A_67] : memref<2560x128xi32, #tpu.memory_space<hbm>> -> memref<1x128xi32, #tpu.memory_space<hbm>>
      %dma_wait3A_69 = tpu.memref_squeeze %dma_wait3A_68 : memref<1x128xi32, #tpu.memory_space<hbm>> -> memref<128xi32, #tpu.memory_space<hbm>>
      tpu.wait_dma2 semaphore(%arg14 : memref<!tpu.dma_semaphore, #tpu.memory_space<semaphore_mem>>) src(%dma_wait3A_69 : memref<128xi32, #tpu.memory_space<hbm>>) dst(%arg9 : memref<128xi32, #tpu.memory_space<vmem>>)
      %dma_wait3A_70 = arith.constant 0 : i32
      %dma_wait3A_71 = tpu.memref_slice %arg4[%add3A_51, %dma_wait3A_70] : memref<2560x128xi32, #tpu.memory_space<hbm>> -> memref<1x128xi32, #tpu.memory_space<hbm>>
      %dma_wait3A_72 = tpu.memref_squeeze %dma_wait3A_71 : memref<1x128xi32, #tpu.memory_space<hbm>> -> memref<128xi32, #tpu.memory_space<hbm>>
      %dma_wait3A_73 = arith.constant 0 : i32
      %dma_wait3A_74 = tpu.memref_slice %arg4[%add3A_51, %dma_wait3A_73] : memref<2560x128xi32, #tpu.memory_space<hbm>> -> memref<1x128xi32, #tpu.memory_space<hbm>>
      %dma_wait3A_75 = tpu.memref_squeeze %dma_wait3A_74 : memref<1x128xi32, #tpu.memory_space<hbm>> -> memref<128xi32, #tpu.memory_space<hbm>>
      tpu.wait_dma2 semaphore(%arg14 : memref<!tpu.dma_semaphore, #tpu.memory_space<semaphore_mem>>) src(%dma_wait3A_75 : memref<128xi32, #tpu.memory_space<hbm>>) dst(%arg11 : memref<128xi32, #tpu.memory_space<vmem>>)
      %dma_start3A_76 = arith.constant 0 : i32
      %dma_start3A_77 = arith.constant 0 : i32
      %dma_start3A_78 = tpu.memref_slice %arg2[%dma_start3A_76, %dma_start3A_77] : memref<10000x128xf32, #tpu.memory_space<hbm>> -> memref<10000x128xf32, #tpu.memory_space<hbm>>
      tpu.enqueue_indirect_dma source(%dma_start3A_78 : memref<10000x128xf32, #tpu.memory_space<hbm>>) target(%arg7 : memref<128x128xf32, #tpu.memory_space<vmem>>) offsets(%arg9 : memref<128xi32, #tpu.memory_space<vmem>>) semaphore(%arg16 : memref<!tpu.dma_semaphore, #tpu.memory_space<semaphore_mem>>)
      %scan3A_79 = arith.constant 0 : i32
      %scan3A_80 = arith.constant 0 : i32
      %scan3A_81 = arith.constant 15 : i32
      %scan3A_82 = arith.addi %scan3A_80, %scan3A_81 : i32
      %scan3A_83 = arith.constant 1 : i32
      scf.for %scan3A_91 = %scan3A_80 to %scan3A_82 step %scan3A_83  : i32 {
        %mul3A_92 = arith.constant 2 : i32
        %mul3A_93 = arith.muli %mul3A_92, %scan3A_91 : i32
        %add3A_94 = arith.addi %add3A_24, %mul3A_93 : i32
        %dma_wait3A_95 = arith.constant 0 : i32
        %dma_wait3A_96 = arith.constant 0 : i32
        %dma_wait3A_97 = tpu.memref_slice %arg2[%dma_wait3A_95, %dma_wait3A_96] : memref<10000x128xf32, #tpu.memory_space<hbm>> -> memref<10000x128xf32, #tpu.memory_space<hbm>>
        tpu.wait_indirect_dma semaphore(%arg15 : memref<!tpu.dma_semaphore, #tpu.memory_space<semaphore_mem>>) src(%dma_wait3A_97 : memref<10000x128xf32, #tpu.memory_space<hbm>>) dst(%arg6 : memref<128x128xf32, #tpu.memory_space<vmem>>)
        "tpu.region"() ({
          %run_scoped3A = tpu.sem_alloc : memref<!tpu.dma_semaphore, #tpu.memory_space<semaphore_mem>>
          %dma_start3A_159 = arith.constant 0 : i32
          %dma_start3A_160 = arith.constant 0 : i32
          %dma_start3A_161 = tpu.memref_slice %arg12[%dma_start3A_159, %dma_start3A_160] : memref<10240x128xf32, #tpu.memory_space<vmem_shared>> -> memref<10240x128xf32, #tpu.memory_space<vmem_shared>>
          tpu.enqueue_indirect_dma source(%arg6 : memref<128x128xf32, #tpu.memory_space<vmem>>) target(%dma_start3A_161 : memref<10240x128xf32, #tpu.memory_space<vmem_shared>>) offsets(%arg10 : memref<128xi32, #tpu.memory_space<vmem>>) semaphore(%run_scoped3A : memref<!tpu.dma_semaphore, #tpu.memory_space<semaphore_mem>>) {add = true}
          %dma_wait3A_162 = arith.constant 0 : i32
          %dma_wait3A_163 = arith.constant 0 : i32
          %dma_wait3A_164 = tpu.memref_slice %arg12[%dma_wait3A_162, %dma_wait3A_163] : memref<10240x128xf32, #tpu.memory_space<vmem_shared>> -> memref<10240x128xf32, #tpu.memory_space<vmem_shared>>
          tpu.wait_indirect_dma semaphore(%run_scoped3A : memref<!tpu.dma_semaphore, #tpu.memory_space<semaphore_mem>>) src(%arg6 : memref<128x128xf32, #tpu.memory_space<vmem>>) dst(%dma_wait3A_164 : memref<10240x128xf32, #tpu.memory_space<vmem_shared>>)
          tpu.yield
        }) : () -> ()
        %add3A_98 = arith.constant 2 : i32
        %add3A_99 = arith.addi %add3A_94, %add3A_98 : i32
        %dma_start3A_100 = arith.constant 0 : i32
        %dma_start3A_101 = tpu.memref_slice %arg3[%add3A_99, %dma_start3A_100] : memref<2560x128xi32, #tpu.memory_space<hbm>> -> memref<1x128xi32, #tpu.memory_space<hbm>>
        %dma_start3A_102 = tpu.memref_squeeze %dma_start3A_101 : memref<1x128xi32, #tpu.memory_space<hbm>> -> memref<128xi32, #tpu.memory_space<hbm>>
        %dma_start3A_103 = arith.constant 0 : i32
        %dma_start3A_104 = tpu.memref_slice %arg3[%add3A_99, %dma_start3A_103] : memref<2560x128xi32, #tpu.memory_space<hbm>> -> memref<1x128xi32, #tpu.memory_space<hbm>>
        %dma_start3A_105 = tpu.memref_squeeze %dma_start3A_104 : memref<1x128xi32, #tpu.memory_space<hbm>> -> memref<128xi32, #tpu.memory_space<hbm>>
        tpu.enqueue_dma source(%dma_start3A_105 : memref<128xi32, #tpu.memory_space<hbm>>) target(%arg8 : memref<128xi32, #tpu.memory_space<vmem>>) target_semaphore(%arg13 : memref<!tpu.dma_semaphore, #tpu.memory_space<semaphore_mem>>)
        %dma_start3A_106 = arith.constant 0 : i32
        %dma_start3A_107 = tpu.memref_slice %arg4[%add3A_99, %dma_start3A_106] : memref<2560x128xi32, #tpu.memory_space<hbm>> -> memref<1x128xi32, #tpu.memory_space<hbm>>
        %dma_start3A_108 = tpu.memref_squeeze %dma_start3A_107 : memref<1x128xi32, #tpu.memory_space<hbm>> -> memref<128xi32, #tpu.memory_space<hbm>>
        %dma_start3A_109 = arith.constant 0 : i32
        %dma_start3A_110 = tpu.memref_slice %arg4[%add3A_99, %dma_start3A_109] : memref<2560x128xi32, #tpu.memory_space<hbm>> -> memref<1x128xi32, #tpu.memory_space<hbm>>
        %dma_start3A_111 = tpu.memref_squeeze %dma_start3A_110 : memref<1x128xi32, #tpu.memory_space<hbm>> -> memref<128xi32, #tpu.memory_space<hbm>>
        tpu.enqueue_dma source(%dma_start3A_111 : memref<128xi32, #tpu.memory_space<hbm>>) target(%arg10 : memref<128xi32, #tpu.memory_space<vmem>>) target_semaphore(%arg13 : memref<!tpu.dma_semaphore, #tpu.memory_space<semaphore_mem>>)
        %dma_wait3A_112 = arith.constant 0 : i32
        %dma_wait3A_113 = tpu.memref_slice %arg3[%add3A_99, %dma_wait3A_112] : memref<2560x128xi32, #tpu.memory_space<hbm>> -> memref<1x128xi32, #tpu.memory_space<hbm>>
        %dma_wait3A_114 = tpu.memref_squeeze %dma_wait3A_113 : memref<1x128xi32, #tpu.memory_space<hbm>> -> memref<128xi32, #tpu.memory_space<hbm>>
        %dma_wait3A_115 = arith.constant 0 : i32
        %dma_wait3A_116 = tpu.memref_slice %arg3[%add3A_99, %dma_wait3A_115] : memref<2560x128xi32, #tpu.memory_space<hbm>> -> memref<1x128xi32, #tpu.memory_space<hbm>>
        %dma_wait3A_117 = tpu.memref_squeeze %dma_wait3A_116 : memref<1x128xi32, #tpu.memory_space<hbm>> -> memref<128xi32, #tpu.memory_space<hbm>>
        tpu.wait_dma2 semaphore(%arg13 : memref<!tpu.dma_semaphore, #tpu.memory_space<semaphore_mem>>) src(%dma_wait3A_117 : memref<128xi32, #tpu.memory_space<hbm>>) dst(%arg8 : memref<128xi32, #tpu.memory_space<vmem>>)
        %dma_wait3A_118 = arith.constant 0 : i32
        %dma_wait3A_119 = tpu.memref_slice %arg4[%add3A_99, %dma_wait3A_118] : memref<2560x128xi32, #tpu.memory_space<hbm>> -> memref<1x128xi32, #tpu.memory_space<hbm>>
        %dma_wait3A_120 = tpu.memref_squeeze %dma_wait3A_119 : memref<1x128xi32, #tpu.memory_space<hbm>> -> memref<128xi32, #tpu.memory_space<hbm>>
        %dma_wait3A_121 = arith.constant 0 : i32
        %dma_wait3A_122 = tpu.memref_slice %arg4[%add3A_99, %dma_wait3A_121] : memref<2560x128xi32, #tpu.memory_space<hbm>> -> memref<1x128xi32, #tpu.memory_space<hbm>>
        %dma_wait3A_123 = tpu.memref_squeeze %dma_wait3A_122 : memref<1x128xi32, #tpu.memory_space<hbm>> -> memref<128xi32, #tpu.memory_space<hbm>>
        tpu.wait_dma2 semaphore(%arg13 : memref<!tpu.dma_semaphore, #tpu.memory_space<semaphore_mem>>) src(%dma_wait3A_123 : memref<128xi32, #tpu.memory_space<hbm>>) dst(%arg10 : memref<128xi32, #tpu.memory_space<vmem>>)
        %dma_start3A_124 = arith.constant 0 : i32
        %dma_start3A_125 = arith.constant 0 : i32
        %dma_start3A_126 = tpu.memref_slice %arg2[%dma_start3A_124, %dma_start3A_125] : memref<10000x128xf32, #tpu.memory_space<hbm>> -> memref<10000x128xf32, #tpu.memory_space<hbm>>
        tpu.enqueue_indirect_dma source(%dma_start3A_126 : memref<10000x128xf32, #tpu.memory_space<hbm>>) target(%arg6 : memref<128x128xf32, #tpu.memory_space<vmem>>) offsets(%arg8 : memref<128xi32, #tpu.memory_space<vmem>>) semaphore(%arg15 : memref<!tpu.dma_semaphore, #tpu.memory_space<semaphore_mem>>)
        %dma_wait3A_127 = arith.constant 0 : i32
        %dma_wait3A_128 = arith.constant 0 : i32
        %dma_wait3A_129 = tpu.memref_slice %arg2[%dma_wait3A_127, %dma_wait3A_128] : memref<10000x128xf32, #tpu.memory_space<hbm>> -> memref<10000x128xf32, #tpu.memory_space<hbm>>
        tpu.wait_indirect_dma semaphore(%arg16 : memref<!tpu.dma_semaphore, #tpu.memory_space<semaphore_mem>>) src(%dma_wait3A_129 : memref<10000x128xf32, #tpu.memory_space<hbm>>) dst(%arg7 : memref<128x128xf32, #tpu.memory_space<vmem>>)
        "tpu.region"() ({
          %run_scoped3A = tpu.sem_alloc : memref<!tpu.dma_semaphore, #tpu.memory_space<semaphore_mem>>
          %dma_start3A_159 = arith.constant 0 : i32
          %dma_start3A_160 = arith.constant 0 : i32
          %dma_start3A_161 = tpu.memref_slice %arg12[%dma_start3A_159, %dma_start3A_160] : memref<10240x128xf32, #tpu.memory_space<vmem_shared>> -> memref<10240x128xf32, #tpu.memory_space<vmem_shared>>
          tpu.enqueue_indirect_dma source(%arg7 : memref<128x128xf32, #tpu.memory_space<vmem>>) target(%dma_start3A_161 : memref<10240x128xf32, #tpu.memory_space<vmem_shared>>) offsets(%arg11 : memref<128xi32, #tpu.memory_space<vmem>>) semaphore(%run_scoped3A : memref<!tpu.dma_semaphore, #tpu.memory_space<semaphore_mem>>) {add = true}
          %dma_wait3A_162 = arith.constant 0 : i32
          %dma_wait3A_163 = arith.constant 0 : i32
          %dma_wait3A_164 = tpu.memref_slice %arg12[%dma_wait3A_162, %dma_wait3A_163] : memref<10240x128xf32, #tpu.memory_space<vmem_shared>> -> memref<10240x128xf32, #tpu.memory_space<vmem_shared>>
          tpu.wait_indirect_dma semaphore(%run_scoped3A : memref<!tpu.dma_semaphore, #tpu.memory_space<semaphore_mem>>) src(%arg7 : memref<128x128xf32, #tpu.memory_space<vmem>>) dst(%dma_wait3A_164 : memref<10240x128xf32, #tpu.memory_space<vmem_shared>>)
          tpu.yield
        }) : () -> ()
        %add3A_130 = arith.constant 3 : i32
        %add3A_131 = arith.addi %add3A_94, %add3A_130 : i32
        %dma_start3A_132 = arith.constant 0 : i32
        %dma_start3A_133 = tpu.memref_slice %arg3[%add3A_131, %dma_start3A_132] : memref<2560x128xi32, #tpu.memory_space<hbm>> -> memref<1x128xi32, #tpu.memory_space<hbm>>
        %dma_start3A_134 = tpu.memref_squeeze %dma_start3A_133 : memref<1x128xi32, #tpu.memory_space<hbm>> -> memref<128xi32, #tpu.memory_space<hbm>>
        %dma_start3A_135 = arith.constant 0 : i32
        %dma_start3A_136 = tpu.memref_slice %arg3[%add3A_131, %dma_start3A_135] : memref<2560x128xi32, #tpu.memory_space<hbm>> -> memref<1x128xi32, #tpu.memory_space<hbm>>
        %dma_start3A_137 = tpu.memref_squeeze %dma_start3A_136 : memref<1x128xi32, #tpu.memory_space<hbm>> -> memref<128xi32, #tpu.memory_space<hbm>>
        tpu.enqueue_dma source(%dma_start3A_137 : memref<128xi32, #tpu.memory_space<hbm>>) target(%arg9 : memref<128xi32, #tpu.memory_space<vmem>>) target_semaphore(%arg14 : memref<!tpu.dma_semaphore, #tpu.memory_space<semaphore_mem>>)
        %dma_start3A_138 = arith.constant 0 : i32
        %dma_start3A_139 = tpu.memref_slice %arg4[%add3A_131, %dma_start3A_138] : memref<2560x128xi32, #tpu.memory_space<hbm>> -> memref<1x128xi32, #tpu.memory_space<hbm>>
        %dma_start3A_140 = tpu.memref_squeeze %dma_start3A_139 : memref<1x128xi32, #tpu.memory_space<hbm>> -> memref<128xi32, #tpu.memory_space<hbm>>
        %dma_start3A_141 = arith.constant 0 : i32
        %dma_start3A_142 = tpu.memref_slice %arg4[%add3A_131, %dma_start3A_141] : memref<2560x128xi32, #tpu.memory_space<hbm>> -> memref<1x128xi32, #tpu.memory_space<hbm>>
        %dma_start3A_143 = tpu.memref_squeeze %dma_start3A_142 : memref<1x128xi32, #tpu.memory_space<hbm>> -> memref<128xi32, #tpu.memory_space<hbm>>
        tpu.enqueue_dma source(%dma_start3A_143 : memref<128xi32, #tpu.memory_space<hbm>>) target(%arg11 : memref<128xi32, #tpu.memory_space<vmem>>) target_semaphore(%arg14 : memref<!tpu.dma_semaphore, #tpu.memory_space<semaphore_mem>>)
        %dma_wait3A_144 = arith.constant 0 : i32
        %dma_wait3A_145 = tpu.memref_slice %arg3[%add3A_131, %dma_wait3A_144] : memref<2560x128xi32, #tpu.memory_space<hbm>> -> memref<1x128xi32, #tpu.memory_space<hbm>>
        %dma_wait3A_146 = tpu.memref_squeeze %dma_wait3A_145 : memref<1x128xi32, #tpu.memory_space<hbm>> -> memref<128xi32, #tpu.memory_space<hbm>>
        %dma_wait3A_147 = arith.constant 0 : i32
        %dma_wait3A_148 = tpu.memref_slice %arg3[%add3A_131, %dma_wait3A_147] : memref<2560x128xi32, #tpu.memory_space<hbm>> -> memref<1x128xi32, #tpu.memory_space<hbm>>
        %dma_wait3A_149 = tpu.memref_squeeze %dma_wait3A_148 : memref<1x128xi32, #tpu.memory_space<hbm>> -> memref<128xi32, #tpu.memory_space<hbm>>
        tpu.wait_dma2 semaphore(%arg14 : memref<!tpu.dma_semaphore, #tpu.memory_space<semaphore_mem>>) src(%dma_wait3A_149 : memref<128xi32, #tpu.memory_space<hbm>>) dst(%arg9 : memref<128xi32, #tpu.memory_space<vmem>>)
        %dma_wait3A_150 = arith.constant 0 : i32
        %dma_wait3A_151 = tpu.memref_slice %arg4[%add3A_131, %dma_wait3A_150] : memref<2560x128xi32, #tpu.memory_space<hbm>> -> memref<1x128xi32, #tpu.memory_space<hbm>>
        %dma_wait3A_152 = tpu.memref_squeeze %dma_wait3A_151 : memref<1x128xi32, #tpu.memory_space<hbm>> -> memref<128xi32, #tpu.memory_space<hbm>>
        %dma_wait3A_153 = arith.constant 0 : i32
        %dma_wait3A_154 = tpu.memref_slice %arg4[%add3A_131, %dma_wait3A_153] : memref<2560x128xi32, #tpu.memory_space<hbm>> -> memref<1x128xi32, #tpu.memory_space<hbm>>
        %dma_wait3A_155 = tpu.memref_squeeze %dma_wait3A_154 : memref<1x128xi32, #tpu.memory_space<hbm>> -> memref<128xi32, #tpu.memory_space<hbm>>
        tpu.wait_dma2 semaphore(%arg14 : memref<!tpu.dma_semaphore, #tpu.memory_space<semaphore_mem>>) src(%dma_wait3A_155 : memref<128xi32, #tpu.memory_space<hbm>>) dst(%arg11 : memref<128xi32, #tpu.memory_space<vmem>>)
        %dma_start3A_156 = arith.constant 0 : i32
        %dma_start3A_157 = arith.constant 0 : i32
        %dma_start3A_158 = tpu.memref_slice %arg2[%dma_start3A_156, %dma_start3A_157] : memref<10000x128xf32, #tpu.memory_space<hbm>> -> memref<10000x128xf32, #tpu.memory_space<hbm>>
        tpu.enqueue_indirect_dma source(%dma_start3A_158 : memref<10000x128xf32, #tpu.memory_space<hbm>>) target(%arg7 : memref<128x128xf32, #tpu.memory_space<vmem>>) offsets(%arg9 : memref<128xi32, #tpu.memory_space<vmem>>) semaphore(%arg16 : memref<!tpu.dma_semaphore, #tpu.memory_space<semaphore_mem>>)
      }
      %scan3A_84 = arith.constant 15 : i32
      %dma_wait3A_85 = arith.constant 0 : i32
      %dma_wait3A_86 = arith.constant 0 : i32
      %dma_wait3A_87 = tpu.memref_slice %arg2[%dma_wait3A_85, %dma_wait3A_86] : memref<10000x128xf32, #tpu.memory_space<hbm>> -> memref<10000x128xf32, #tpu.memory_space<hbm>>
      tpu.wait_indirect_dma semaphore(%arg15 : memref<!tpu.dma_semaphore, #tpu.memory_space<semaphore_mem>>) src(%dma_wait3A_87 : memref<10000x128xf32, #tpu.memory_space<hbm>>) dst(%arg6 : memref<128x128xf32, #tpu.memory_space<vmem>>)
      "tpu.region"() ({
        %run_scoped3A = tpu.sem_alloc : memref<!tpu.dma_semaphore, #tpu.memory_space<semaphore_mem>>
        %dma_start3A_91 = arith.constant 0 : i32
        %dma_start3A_92 = arith.constant 0 : i32
        %dma_start3A_93 = tpu.memref_slice %arg12[%dma_start3A_91, %dma_start3A_92] : memref<10240x128xf32, #tpu.memory_space<vmem_shared>> -> memref<10240x128xf32, #tpu.memory_space<vmem_shared>>
        tpu.enqueue_indirect_dma source(%arg6 : memref<128x128xf32, #tpu.memory_space<vmem>>) target(%dma_start3A_93 : memref<10240x128xf32, #tpu.memory_space<vmem_shared>>) offsets(%arg10 : memref<128xi32, #tpu.memory_space<vmem>>) semaphore(%run_scoped3A : memref<!tpu.dma_semaphore, #tpu.memory_space<semaphore_mem>>) {add = true}
        %dma_wait3A_94 = arith.constant 0 : i32
        %dma_wait3A_95 = arith.constant 0 : i32
        %dma_wait3A_96 = tpu.memref_slice %arg12[%dma_wait3A_94, %dma_wait3A_95] : memref<10240x128xf32, #tpu.memory_space<vmem_shared>> -> memref<10240x128xf32, #tpu.memory_space<vmem_shared>>
        tpu.wait_indirect_dma semaphore(%run_scoped3A : memref<!tpu.dma_semaphore, #tpu.memory_space<semaphore_mem>>) src(%arg6 : memref<128x128xf32, #tpu.memory_space<vmem>>) dst(%dma_wait3A_96 : memref<10240x128xf32, #tpu.memory_space<vmem_shared>>)
        tpu.yield
      }) : () -> ()
      %dma_wait3A_88 = arith.constant 0 : i32
      %dma_wait3A_89 = arith.constant 0 : i32
      %dma_wait3A_90 = tpu.memref_slice %arg2[%dma_wait3A_88, %dma_wait3A_89] : memref<10000x128xf32, #tpu.memory_space<hbm>> -> memref<10000x128xf32, #tpu.memory_space<hbm>>
      tpu.wait_indirect_dma semaphore(%arg16 : memref<!tpu.dma_semaphore, #tpu.memory_space<semaphore_mem>>) src(%dma_wait3A_90 : memref<10000x128xf32, #tpu.memory_space<hbm>>) dst(%arg7 : memref<128x128xf32, #tpu.memory_space<vmem>>)
      "tpu.region"() ({
        %run_scoped3A = tpu.sem_alloc : memref<!tpu.dma_semaphore, #tpu.memory_space<semaphore_mem>>
        %dma_start3A_91 = arith.constant 0 : i32
        %dma_start3A_92 = arith.constant 0 : i32
        %dma_start3A_93 = tpu.memref_slice %arg12[%dma_start3A_91, %dma_start3A_92] : memref<10240x128xf32, #tpu.memory_space<vmem_shared>> -> memref<10240x128xf32, #tpu.memory_space<vmem_shared>>
        tpu.enqueue_indirect_dma source(%arg7 : memref<128x128xf32, #tpu.memory_space<vmem>>) target(%dma_start3A_93 : memref<10240x128xf32, #tpu.memory_space<vmem_shared>>) offsets(%arg11 : memref<128xi32, #tpu.memory_space<vmem>>) semaphore(%run_scoped3A : memref<!tpu.dma_semaphore, #tpu.memory_space<semaphore_mem>>) {add = true}
        %dma_wait3A_94 = arith.constant 0 : i32
        %dma_wait3A_95 = arith.constant 0 : i32
        %dma_wait3A_96 = tpu.memref_slice %arg12[%dma_wait3A_94, %dma_wait3A_95] : memref<10240x128xf32, #tpu.memory_space<vmem_shared>> -> memref<10240x128xf32, #tpu.memory_space<vmem_shared>>
        tpu.wait_indirect_dma semaphore(%run_scoped3A : memref<!tpu.dma_semaphore, #tpu.memory_space<semaphore_mem>>) src(%arg7 : memref<128x128xf32, #tpu.memory_space<vmem>>) dst(%dma_wait3A_96 : memref<10240x128xf32, #tpu.memory_space<vmem_shared>>)
        tpu.yield
      }) : () -> ()
    } else {
    }
    %barrier3A_18 = arith.constant 0 : index
    tpu.barrier barrier_id(%barrier3A_18)
    %mul3A = arith.constant 640 : i32
    %mul3A_19 = arith.muli %arg1, %mul3A : i32
    %mul3A_20 = arith.constant 640 : i32
    %mul3A_21 = arith.muli %arg1, %mul3A_20 : i32
    "tpu.region"() ({
      %run_scoped3A = tpu.sem_alloc : memref<!tpu.dma_semaphore, #tpu.memory_space<semaphore_mem>>
      %dma_start3A = arith.constant 0 : i32
      %dma_start3A_22 = arith.constant 0 : i32
      %dma_start3A_23 = tpu.memref_slice %arg5[%arg0, %dma_start3A, %dma_start3A_22] : memref<2x10240x128xf32, #tpu.memory_space<hbm>> -> memref<1x10240x128xf32, #tpu.memory_space<hbm>>
      %dma_start3A_24 = tpu.memref_squeeze %dma_start3A_23 : memref<1x10240x128xf32, #tpu.memory_space<hbm>> -> memref<10240x128xf32, #tpu.memory_space<hbm>>
      %dma_start3A_25 = arith.constant 0 : i32
      %dma_start3A_26 = tpu.memref_slice %dma_start3A_24[%mul3A_21, %dma_start3A_25] : memref<10240x128xf32, #tpu.memory_space<hbm>> -> memref<640x128xf32, #tpu.memory_space<hbm>>
      %dma_start3A_27 = arith.constant 0 : i32
      %dma_start3A_28 = tpu.memref_slice %arg12[%mul3A_19, %dma_start3A_27] : memref<10240x128xf32, #tpu.memory_space<vmem_shared>> -> memref<640x128xf32, #tpu.memory_space<vmem_shared>>
      tpu.enqueue_dma source(%dma_start3A_28 : memref<640x128xf32, #tpu.memory_space<vmem_shared>>) target(%dma_start3A_26 : memref<640x128xf32, #tpu.memory_space<hbm>>) target_semaphore(%run_scoped3A : memref<!tpu.dma_semaphore, #tpu.memory_space<semaphore_mem>>)
      %dma_wait3A = arith.constant 0 : i32
      %dma_wait3A_29 = arith.constant 0 : i32
      %dma_wait3A_30 = tpu.memref_slice %arg5[%arg0, %dma_wait3A, %dma_wait3A_29] : memref<2x10240x128xf32, #tpu.memory_space<hbm>> -> memref<1x10240x128xf32, #tpu.memory_space<hbm>>
      %dma_wait3A_31 = tpu.memref_squeeze %dma_wait3A_30 : memref<1x10240x128xf32, #tpu.memory_space<hbm>> -> memref<10240x128xf32, #tpu.memory_space<hbm>>
      %dma_wait3A_32 = arith.constant 0 : i32
      %dma_wait3A_33 = tpu.memref_slice %dma_wait3A_31[%mul3A_21, %dma_wait3A_32] : memref<10240x128xf32, #tpu.memory_space<hbm>> -> memref<640x128xf32, #tpu.memory_space<hbm>>
      %dma_wait3A_34 = arith.constant 0 : i32
      %dma_wait3A_35 = tpu.memref_slice %arg12[%mul3A_19, %dma_wait3A_34] : memref<10240x128xf32, #tpu.memory_space<vmem_shared>> -> memref<640x128xf32, #tpu.memory_space<vmem_shared>>
      tpu.wait_dma2 semaphore(%run_scoped3A : memref<!tpu.dma_semaphore, #tpu.memory_space<semaphore_mem>>) src(%dma_wait3A_35 : memref<640x128xf32, #tpu.memory_space<vmem_shared>>) dst(%dma_wait3A_33 : memref<640x128xf32, #tpu.memory_space<hbm>>)
      tpu.yield
    }) : () -> ()
    return
  }
}

#map = affine_map<(d0, d1) -> (0, 0)>
#map1 = affine_map<(d0, d1) -> (0, 0, 0)>
module attributes {stable_mosaic.version = 14 : i64} {
  func.func @_agg_body(%arg0: i32, %arg1: i32, %arg2: memref<10000x128xf32, #tpu.memory_space<hbm>>, %arg3: memref<2560x128xi32, #tpu.memory_space<hbm>>, %arg4: memref<2560x128xi32, #tpu.memory_space<hbm>>, %arg5: memref<2x10240x128xf32, #tpu.memory_space<hbm>>, %arg6: memref<128x128xf32, #tpu.memory_space<vmem>>, %arg7: memref<128x128xf32, #tpu.memory_space<vmem>>, %arg8: memref<128xi32, #tpu.memory_space<vmem>>, %arg9: memref<128xi32, #tpu.memory_space<vmem>>, %arg10: memref<128xi32, #tpu.memory_space<vmem>>, %arg11: memref<128xi32, #tpu.memory_space<vmem>>, %arg12: memref<10240x128xf32, #tpu.memory_space<vmem_shared>>, %arg13: memref<!tpu.dma_semaphore, #tpu.memory_space<semaphore_mem>>, %arg14: memref<!tpu.dma_semaphore, #tpu.memory_space<semaphore_mem>>, %arg15: memref<!tpu.dma_semaphore, #tpu.memory_space<semaphore_mem>>, %arg16: memref<!tpu.dma_semaphore, #tpu.memory_space<semaphore_mem>>) attributes {dimension_semantics = [#tpu.dimension_semantics<core_parallel>, #tpu.dimension_semantics<subcore_parallel>], iteration_bounds = array<i64: 2, 16>, scalar_prefetch = 0 : i64, scratch_operands = 11 : i64, tpu.core_type = #tpu.core_type<sc_vector_subcore>, window_params = [{transform_indices = #map}, {transform_indices = #map}, {transform_indices = #map}, {transform_indices = #map1}]} {
    %scan3A = arith.constant 0 : i32
    %scan3A_0 = arith.constant 0 : i32
    %scan3A_1 = arith.constant 128 : i32
    %scan3A_2 = arith.addi %scan3A_0, %scan3A_1 : i32
    %scan3A_3 = arith.constant 1 : i32
    scf.for %scan3A_22 = %scan3A_0 to %scan3A_2 step %scan3A_3  : i32 {
      %broadcast_in_dim3A = arith.constant 0.000000e+00 : f32
      %broadcast_in_dim3A_23 = vector.broadcast %broadcast_in_dim3A : f32 to vector<16xf32>
      %swap3A = arith.index_cast %scan3A_22 : i32 to index
      %swap3A_24 = arith.constant 0 : index
      %swap3A_25 = tpu.vector_load %arg6[%swap3A, %swap3A_24] {strides = array<i32>} : memref<128x128xf32, #tpu.memory_space<vmem>>, vector<1x16xf32>,
      %swap3A_26 = vector.shape_cast %swap3A_25 : vector<1x16xf32> to vector<16xf32>
      %swap3A_27 = vector.shape_cast %broadcast_in_dim3A_23 : vector<16xf32> to vector<1x16xf32>
      tpu.vector_store %arg6[%swap3A, %swap3A_24], %swap3A_27 {strides = array<i32>} : memref<128x128xf32, #tpu.memory_space<vmem>>, vector<1x16xf32>,
      %broadcast_in_dim3A_28 = arith.constant 0.000000e+00 : f32
      %broadcast_in_dim3A_29 = vector.broadcast %broadcast_in_dim3A_28 : f32 to vector<16xf32>
      %swap3A_30 = arith.index_cast %scan3A_22 : i32 to index
      %swap3A_31 = arith.constant 16 : index
      %swap3A_32 = tpu.vector_load %arg6[%swap3A_30, %swap3A_31] {strides = array<i32>} : memref<128x128xf32, #tpu.memory_space<vmem>>, vector<1x16xf32>,
      %swap3A_33 = vector.shape_cast %swap3A_32 : vector<1x16xf32> to vector<16xf32>
      %swap3A_34 = vector.shape_cast %broadcast_in_dim3A_29 : vector<16xf32> to vector<1x16xf32>
      tpu.vector_store %arg6[%swap3A_30, %swap3A_31], %swap3A_34 {strides = array<i32>} : memref<128x128xf32, #tpu.memory_space<vmem>>, vector<1x16xf32>,
      %broadcast_in_dim3A_35 = arith.constant 0.000000e+00 : f32
      %broadcast_in_dim3A_36 = vector.broadcast %broadcast_in_dim3A_35 : f32 to vector<16xf32>
      %swap3A_37 = arith.index_cast %scan3A_22 : i32 to index
      %swap3A_38 = arith.constant 32 : index
      %swap3A_39 = tpu.vector_load %arg6[%swap3A_37, %swap3A_38] {strides = array<i32>} : memref<128x128xf32, #tpu.memory_space<vmem>>, vector<1x16xf32>,
      %swap3A_40 = vector.shape_cast %swap3A_39 : vector<1x16xf32> to vector<16xf32>
      %swap3A_41 = vector.shape_cast %broadcast_in_dim3A_36 : vector<16xf32> to vector<1x16xf32>
      tpu.vector_store %arg6[%swap3A_37, %swap3A_38], %swap3A_41 {strides = array<i32>} : memref<128x128xf32, #tpu.memory_space<vmem>>, vector<1x16xf32>,
      %broadcast_in_dim3A_42 = arith.constant 0.000000e+00 : f32
      %broadcast_in_dim3A_43 = vector.broadcast %broadcast_in_dim3A_42 : f32 to vector<16xf32>
      %swap3A_44 = arith.index_cast %scan3A_22 : i32 to index
      %swap3A_45 = arith.constant 48 : index
      %swap3A_46 = tpu.vector_load %arg6[%swap3A_44, %swap3A_45] {strides = array<i32>} : memref<128x128xf32, #tpu.memory_space<vmem>>, vector<1x16xf32>,
      %swap3A_47 = vector.shape_cast %swap3A_46 : vector<1x16xf32> to vector<16xf32>
      %swap3A_48 = vector.shape_cast %broadcast_in_dim3A_43 : vector<16xf32> to vector<1x16xf32>
      tpu.vector_store %arg6[%swap3A_44, %swap3A_45], %swap3A_48 {strides = array<i32>} : memref<128x128xf32, #tpu.memory_space<vmem>>, vector<1x16xf32>,
      %broadcast_in_dim3A_49 = arith.constant 0.000000e+00 : f32
      %broadcast_in_dim3A_50 = vector.broadcast %broadcast_in_dim3A_49 : f32 to vector<16xf32>
      %swap3A_51 = arith.index_cast %scan3A_22 : i32 to index
      %swap3A_52 = arith.constant 64 : index
      %swap3A_53 = tpu.vector_load %arg6[%swap3A_51, %swap3A_52] {strides = array<i32>} : memref<128x128xf32, #tpu.memory_space<vmem>>, vector<1x16xf32>,
      %swap3A_54 = vector.shape_cast %swap3A_53 : vector<1x16xf32> to vector<16xf32>
      %swap3A_55 = vector.shape_cast %broadcast_in_dim3A_50 : vector<16xf32> to vector<1x16xf32>
      tpu.vector_store %arg6[%swap3A_51, %swap3A_52], %swap3A_55 {strides = array<i32>} : memref<128x128xf32, #tpu.memory_space<vmem>>, vector<1x16xf32>,
      %broadcast_in_dim3A_56 = arith.constant 0.000000e+00 : f32
      %broadcast_in_dim3A_57 = vector.broadcast %broadcast_in_dim3A_56 : f32 to vector<16xf32>
      %swap3A_58 = arith.index_cast %scan3A_22 : i32 to index
      %swap3A_59 = arith.constant 80 : index
      %swap3A_60 = tpu.vector_load %arg6[%swap3A_58, %swap3A_59] {strides = array<i32>} : memref<128x128xf32, #tpu.memory_space<vmem>>, vector<1x16xf32>,
      %swap3A_61 = vector.shape_cast %swap3A_60 : vector<1x16xf32> to vector<16xf32>
      %swap3A_62 = vector.shape_cast %broadcast_in_dim3A_57 : vector<16xf32> to vector<1x16xf32>
      tpu.vector_store %arg6[%swap3A_58, %swap3A_59], %swap3A_62 {strides = array<i32>} : memref<128x128xf32, #tpu.memory_space<vmem>>, vector<1x16xf32>,
      %broadcast_in_dim3A_63 = arith.constant 0.000000e+00 : f32
      %broadcast_in_dim3A_64 = vector.broadcast %broadcast_in_dim3A_63 : f32 to vector<16xf32>
      %swap3A_65 = arith.index_cast %scan3A_22 : i32 to index
      %swap3A_66 = arith.constant 96 : index
      %swap3A_67 = tpu.vector_load %arg6[%swap3A_65, %swap3A_66] {strides = array<i32>} : memref<128x128xf32, #tpu.memory_space<vmem>>, vector<1x16xf32>,
      %swap3A_68 = vector.shape_cast %swap3A_67 : vector<1x16xf32> to vector<16xf32>
      %swap3A_69 = vector.shape_cast %broadcast_in_dim3A_64 : vector<16xf32> to vector<1x16xf32>
      tpu.vector_store %arg6[%swap3A_65, %swap3A_66], %swap3A_69 {strides = array<i32>} : memref<128x128xf32, #tpu.memory_space<vmem>>, vector<1x16xf32>,
      %broadcast_in_dim3A_70 = arith.constant 0.000000e+00 : f32
      %broadcast_in_dim3A_71 = vector.broadcast %broadcast_in_dim3A_70 : f32 to vector<16xf32>
      %swap3A_72 = arith.index_cast %scan3A_22 : i32 to index
      %swap3A_73 = arith.constant 112 : index
      %swap3A_74 = tpu.vector_load %arg6[%swap3A_72, %swap3A_73] {strides = array<i32>} : memref<128x128xf32, #tpu.memory_space<vmem>>, vector<1x16xf32>,
      %swap3A_75 = vector.shape_cast %swap3A_74 : vector<1x16xf32> to vector<16xf32>
      %swap3A_76 = vector.shape_cast %broadcast_in_dim3A_71 : vector<16xf32> to vector<1x16xf32>
      tpu.vector_store %arg6[%swap3A_72, %swap3A_73], %swap3A_76 {strides = array<i32>} : memref<128x128xf32, #tpu.memory_space<vmem>>, vector<1x16xf32>,
    }
    %scan3A_4 = arith.constant 128 : i32
    %scan3A_5 = arith.constant 0 : i32
    %scan3A_6 = arith.constant 0 : i32
    %scan3A_7 = arith.constant 5 : i32
    %scan3A_8 = arith.addi %scan3A_6, %scan3A_7 : i32
    %scan3A_9 = arith.constant 1 : i32
    scf.for %scan3A_22 = %scan3A_6 to %scan3A_8 step %scan3A_9  : i32 {
      %mul3A_23 = arith.constant 640 : i32
      %mul3A_24 = arith.muli %arg1, %mul3A_23 : i32
      %mul3A_25 = arith.constant 128 : i32
      %mul3A_26 = arith.muli %scan3A_22, %mul3A_25 : i32
      %add3A = arith.addi %mul3A_24, %mul3A_26 : i32
      "tpu.region"() ({
        %run_scoped3A = tpu.sem_alloc : memref<!tpu.dma_semaphore, #tpu.memory_space<semaphore_mem>>
        %dma_start3A = arith.constant 0 : i32
        %dma_start3A_27 = tpu.memref_slice %arg12[%add3A, %dma_start3A] : memref<10240x128xf32, #tpu.memory_space<vmem_shared>> -> memref<128x128xf32, #tpu.memory_space<vmem_shared>>
        %dma_start3A_28 = arith.constant 0 : i32
        %dma_start3A_29 = tpu.memref_slice %arg12[%add3A, %dma_start3A_28] : memref<10240x128xf32, #tpu.memory_space<vmem_shared>> -> memref<128x128xf32, #tpu.memory_space<vmem_shared>>
        tpu.enqueue_dma source(%arg6 : memref<128x128xf32, #tpu.memory_space<vmem>>) target(%dma_start3A_29 : memref<128x128xf32, #tpu.memory_space<vmem_shared>>) target_semaphore(%run_scoped3A : memref<!tpu.dma_semaphore, #tpu.memory_space<semaphore_mem>>)
        %dma_wait3A = arith.constant 0 : i32
        %dma_wait3A_30 = tpu.memref_slice %arg12[%add3A, %dma_wait3A] : memref<10240x128xf32, #tpu.memory_space<vmem_shared>> -> memref<128x128xf32, #tpu.memory_space<vmem_shared>>
        %dma_wait3A_31 = arith.constant 0 : i32
        %dma_wait3A_32 = tpu.memref_slice %arg12[%add3A, %dma_wait3A_31] : memref<10240x128xf32, #tpu.memory_space<vmem_shared>> -> memref<128x128xf32, #tpu.memory_space<vmem_shared>>
        tpu.wait_dma2 semaphore(%run_scoped3A : memref<!tpu.dma_semaphore, #tpu.memory_space<semaphore_mem>>) src(%arg6 : memref<128x128xf32, #tpu.memory_space<vmem>>) dst(%dma_wait3A_32 : memref<128x128xf32, #tpu.memory_space<vmem_shared>>)
        tpu.yield
      }) : () -> ()
    }
    %scan3A_10 = arith.constant 5 : i32
    %barrier3A = arith.constant 0 : index
    tpu.barrier barrier_id(%barrier3A)
    %eq3A = arith.constant 0 : i32
    %eq3A_11 = arith.cmpi eq, %arg0, %eq3A : i32
    %convert_element_type3A = arith.extui %eq3A_11 : i1 to i32
    %cond3A = arith.constant 0 : i32
    %cond3A_12 = arith.cmpi ne, %convert_element_type3A, %cond3A : i32
    scf.if %cond3A_12 {
      %mul3A_22 = arith.constant 128 : i32
      %mul3A_23 = arith.muli %arg1, %mul3A_22 : i32
      %dma_start3A = arith.constant 0 : i32
      %dma_start3A_24 = tpu.memref_slice %arg3[%mul3A_23, %dma_start3A] : memref<2560x128xi32, #tpu.memory_space<hbm>> -> memref<1x128xi32, #tpu.memory_space<hbm>>
      %dma_start3A_25 = tpu.memref_squeeze %dma_start3A_24 : memref<1x128xi32, #tpu.memory_space<hbm>> -> memref<128xi32, #tpu.memory_space<hbm>>
      %dma_start3A_26 = arith.constant 0 : i32
      %dma_start3A_27 = tpu.memref_slice %arg3[%mul3A_23, %dma_start3A_26] : memref<2560x128xi32, #tpu.memory_space<hbm>> -> memref<1x128xi32, #tpu.memory_space<hbm>>
      %dma_start3A_28 = tpu.memref_squeeze %dma_start3A_27 : memref<1x128xi32, #tpu.memory_space<hbm>> -> memref<128xi32, #tpu.memory_space<hbm>>
      tpu.enqueue_dma source(%dma_start3A_28 : memref<128xi32, #tpu.memory_space<hbm>>) target(%arg8 : memref<128xi32, #tpu.memory_space<vmem>>) target_semaphore(%arg13 : memref<!tpu.dma_semaphore, #tpu.memory_space<semaphore_mem>>)
      %dma_start3A_29 = arith.constant 0 : i32
      %dma_start3A_30 = tpu.memref_slice %arg4[%mul3A_23, %dma_start3A_29] : memref<2560x128xi32, #tpu.memory_space<hbm>> -> memref<1x128xi32, #tpu.memory_space<hbm>>
      %dma_start3A_31 = tpu.memref_squeeze %dma_start3A_30 : memref<1x128xi32, #tpu.memory_space<hbm>> -> memref<128xi32, #tpu.memory_space<hbm>>
      %dma_start3A_32 = arith.constant 0 : i32
      %dma_start3A_33 = tpu.memref_slice %arg4[%mul3A_23, %dma_start3A_32] : memref<2560x128xi32, #tpu.memory_space<hbm>> -> memref<1x128xi32, #tpu.memory_space<hbm>>
      %dma_start3A_34 = tpu.memref_squeeze %dma_start3A_33 : memref<1x128xi32, #tpu.memory_space<hbm>> -> memref<128xi32, #tpu.memory_space<hbm>>
      tpu.enqueue_dma source(%dma_start3A_34 : memref<128xi32, #tpu.memory_space<hbm>>) target(%arg10 : memref<128xi32, #tpu.memory_space<vmem>>) target_semaphore(%arg13 : memref<!tpu.dma_semaphore, #tpu.memory_space<semaphore_mem>>)
      %dma_wait3A = arith.constant 0 : i32
      %dma_wait3A_35 = tpu.memref_slice %arg3[%mul3A_23, %dma_wait3A] : memref<2560x128xi32, #tpu.memory_space<hbm>> -> memref<1x128xi32, #tpu.memory_space<hbm>>
      %dma_wait3A_36 = tpu.memref_squeeze %dma_wait3A_35 : memref<1x128xi32, #tpu.memory_space<hbm>> -> memref<128xi32, #tpu.memory_space<hbm>>
      %dma_wait3A_37 = arith.constant 0 : i32
      %dma_wait3A_38 = tpu.memref_slice %arg3[%mul3A_23, %dma_wait3A_37] : memref<2560x128xi32, #tpu.memory_space<hbm>> -> memref<1x128xi32, #tpu.memory_space<hbm>>
      %dma_wait3A_39 = tpu.memref_squeeze %dma_wait3A_38 : memref<1x128xi32, #tpu.memory_space<hbm>> -> memref<128xi32, #tpu.memory_space<hbm>>
      tpu.wait_dma2 semaphore(%arg13 : memref<!tpu.dma_semaphore, #tpu.memory_space<semaphore_mem>>) src(%dma_wait3A_39 : memref<128xi32, #tpu.memory_space<hbm>>) dst(%arg8 : memref<128xi32, #tpu.memory_space<vmem>>)
      %dma_wait3A_40 = arith.constant 0 : i32
      %dma_wait3A_41 = tpu.memref_slice %arg4[%mul3A_23, %dma_wait3A_40] : memref<2560x128xi32, #tpu.memory_space<hbm>> -> memref<1x128xi32, #tpu.memory_space<hbm>>
      %dma_wait3A_42 = tpu.memref_squeeze %dma_wait3A_41 : memref<1x128xi32, #tpu.memory_space<hbm>> -> memref<128xi32, #tpu.memory_space<hbm>>
      %dma_wait3A_43 = arith.constant 0 : i32
      %dma_wait3A_44 = tpu.memref_slice %arg4[%mul3A_23, %dma_wait3A_43] : memref<2560x128xi32, #tpu.memory_space<hbm>> -> memref<1x128xi32, #tpu.memory_space<hbm>>
      %dma_wait3A_45 = tpu.memref_squeeze %dma_wait3A_44 : memref<1x128xi32, #tpu.memory_space<hbm>> -> memref<128xi32, #tpu.memory_space<hbm>>
      tpu.wait_dma2 semaphore(%arg13 : memref<!tpu.dma_semaphore, #tpu.memory_space<semaphore_mem>>) src(%dma_wait3A_45 : memref<128xi32, #tpu.memory_space<hbm>>) dst(%arg10 : memref<128xi32, #tpu.memory_space<vmem>>)
      %dma_start3A_46 = arith.constant 0 : i32
      %dma_start3A_47 = arith.constant 0 : i32
      %dma_start3A_48 = tpu.memref_slice %arg2[%dma_start3A_46, %dma_start3A_47] : memref<10000x128xf32, #tpu.memory_space<hbm>> -> memref<10000x128xf32, #tpu.memory_space<hbm>>
      tpu.enqueue_indirect_dma source(%dma_start3A_48 : memref<10000x128xf32, #tpu.memory_space<hbm>>) target(%arg6 : memref<128x128xf32, #tpu.memory_space<vmem>>) offsets(%arg8 : memref<128xi32, #tpu.memory_space<vmem>>) semaphore(%arg15 : memref<!tpu.dma_semaphore, #tpu.memory_space<semaphore_mem>>)
      %add3A = arith.constant 1 : i32
      %add3A_49 = arith.addi %mul3A_23, %add3A : i32
      %dma_start3A_50 = arith.constant 0 : i32
      %dma_start3A_51 = tpu.memref_slice %arg3[%add3A_49, %dma_start3A_50] : memref<2560x128xi32, #tpu.memory_space<hbm>> -> memref<1x128xi32, #tpu.memory_space<hbm>>
      %dma_start3A_52 = tpu.memref_squeeze %dma_start3A_51 : memref<1x128xi32, #tpu.memory_space<hbm>> -> memref<128xi32, #tpu.memory_space<hbm>>
      %dma_start3A_53 = arith.constant 0 : i32
      %dma_start3A_54 = tpu.memref_slice %arg3[%add3A_49, %dma_start3A_53] : memref<2560x128xi32, #tpu.memory_space<hbm>> -> memref<1x128xi32, #tpu.memory_space<hbm>>
      %dma_start3A_55 = tpu.memref_squeeze %dma_start3A_54 : memref<1x128xi32, #tpu.memory_space<hbm>> -> memref<128xi32, #tpu.memory_space<hbm>>
      tpu.enqueue_dma source(%dma_start3A_55 : memref<128xi32, #tpu.memory_space<hbm>>) target(%arg9 : memref<128xi32, #tpu.memory_space<vmem>>) target_semaphore(%arg14 : memref<!tpu.dma_semaphore, #tpu.memory_space<semaphore_mem>>)
      %dma_start3A_56 = arith.constant 0 : i32
      %dma_start3A_57 = tpu.memref_slice %arg4[%add3A_49, %dma_start3A_56] : memref<2560x128xi32, #tpu.memory_space<hbm>> -> memref<1x128xi32, #tpu.memory_space<hbm>>
      %dma_start3A_58 = tpu.memref_squeeze %dma_start3A_57 : memref<1x128xi32, #tpu.memory_space<hbm>> -> memref<128xi32, #tpu.memory_space<hbm>>
      %dma_start3A_59 = arith.constant 0 : i32
      %dma_start3A_60 = tpu.memref_slice %arg4[%add3A_49, %dma_start3A_59] : memref<2560x128xi32, #tpu.memory_space<hbm>> -> memref<1x128xi32, #tpu.memory_space<hbm>>
      %dma_start3A_61 = tpu.memref_squeeze %dma_start3A_60 : memref<1x128xi32, #tpu.memory_space<hbm>> -> memref<128xi32, #tpu.memory_space<hbm>>
      tpu.enqueue_dma source(%dma_start3A_61 : memref<128xi32, #tpu.memory_space<hbm>>) target(%arg11 : memref<128xi32, #tpu.memory_space<vmem>>) target_semaphore(%arg14 : memref<!tpu.dma_semaphore, #tpu.memory_space<semaphore_mem>>)
      %dma_wait3A_62 = arith.constant 0 : i32
      %dma_wait3A_63 = tpu.memref_slice %arg3[%add3A_49, %dma_wait3A_62] : memref<2560x128xi32, #tpu.memory_space<hbm>> -> memref<1x128xi32, #tpu.memory_space<hbm>>
      %dma_wait3A_64 = tpu.memref_squeeze %dma_wait3A_63 : memref<1x128xi32, #tpu.memory_space<hbm>> -> memref<128xi32, #tpu.memory_space<hbm>>
      %dma_wait3A_65 = arith.constant 0 : i32
      %dma_wait3A_66 = tpu.memref_slice %arg3[%add3A_49, %dma_wait3A_65] : memref<2560x128xi32, #tpu.memory_space<hbm>> -> memref<1x128xi32, #tpu.memory_space<hbm>>
      %dma_wait3A_67 = tpu.memref_squeeze %dma_wait3A_66 : memref<1x128xi32, #tpu.memory_space<hbm>> -> memref<128xi32, #tpu.memory_space<hbm>>
      tpu.wait_dma2 semaphore(%arg14 : memref<!tpu.dma_semaphore, #tpu.memory_space<semaphore_mem>>) src(%dma_wait3A_67 : memref<128xi32, #tpu.memory_space<hbm>>) dst(%arg9 : memref<128xi32, #tpu.memory_space<vmem>>)
      %dma_wait3A_68 = arith.constant 0 : i32
      %dma_wait3A_69 = tpu.memref_slice %arg4[%add3A_49, %dma_wait3A_68] : memref<2560x128xi32, #tpu.memory_space<hbm>> -> memref<1x128xi32, #tpu.memory_space<hbm>>
      %dma_wait3A_70 = tpu.memref_squeeze %dma_wait3A_69 : memref<1x128xi32, #tpu.memory_space<hbm>> -> memref<128xi32, #tpu.memory_space<hbm>>
      %dma_wait3A_71 = arith.constant 0 : i32
      %dma_wait3A_72 = tpu.memref_slice %arg4[%add3A_49, %dma_wait3A_71] : memref<2560x128xi32, #tpu.memory_space<hbm>> -> memref<1x128xi32, #tpu.memory_space<hbm>>
      %dma_wait3A_73 = tpu.memref_squeeze %dma_wait3A_72 : memref<1x128xi32, #tpu.memory_space<hbm>> -> memref<128xi32, #tpu.memory_space<hbm>>
      tpu.wait_dma2 semaphore(%arg14 : memref<!tpu.dma_semaphore, #tpu.memory_space<semaphore_mem>>) src(%dma_wait3A_73 : memref<128xi32, #tpu.memory_space<hbm>>) dst(%arg11 : memref<128xi32, #tpu.memory_space<vmem>>)
      %dma_start3A_74 = arith.constant 0 : i32
      %dma_start3A_75 = arith.constant 0 : i32
      %dma_start3A_76 = tpu.memref_slice %arg2[%dma_start3A_74, %dma_start3A_75] : memref<10000x128xf32, #tpu.memory_space<hbm>> -> memref<10000x128xf32, #tpu.memory_space<hbm>>
      tpu.enqueue_indirect_dma source(%dma_start3A_76 : memref<10000x128xf32, #tpu.memory_space<hbm>>) target(%arg7 : memref<128x128xf32, #tpu.memory_space<vmem>>) offsets(%arg9 : memref<128xi32, #tpu.memory_space<vmem>>) semaphore(%arg16 : memref<!tpu.dma_semaphore, #tpu.memory_space<semaphore_mem>>)
      %scan3A_77 = arith.constant 0 : i32
      %scan3A_78 = arith.constant 0 : i32
      %scan3A_79 = arith.constant 63 : i32
      %scan3A_80 = arith.addi %scan3A_78, %scan3A_79 : i32
      %scan3A_81 = arith.constant 1 : i32
      scf.for %scan3A_89 = %scan3A_78 to %scan3A_80 step %scan3A_81  : i32 {
        %mul3A_90 = arith.constant 2 : i32
        %mul3A_91 = arith.muli %mul3A_90, %scan3A_89 : i32
        %add3A_92 = arith.addi %mul3A_23, %mul3A_91 : i32
        %dma_wait3A_93 = arith.constant 0 : i32
        %dma_wait3A_94 = arith.constant 0 : i32
        %dma_wait3A_95 = tpu.memref_slice %arg2[%dma_wait3A_93, %dma_wait3A_94] : memref<10000x128xf32, #tpu.memory_space<hbm>> -> memref<10000x128xf32, #tpu.memory_space<hbm>>
        tpu.wait_indirect_dma semaphore(%arg15 : memref<!tpu.dma_semaphore, #tpu.memory_space<semaphore_mem>>) src(%dma_wait3A_95 : memref<10000x128xf32, #tpu.memory_space<hbm>>) dst(%arg6 : memref<128x128xf32, #tpu.memory_space<vmem>>)
        "tpu.region"() ({
          %run_scoped3A = tpu.sem_alloc : memref<!tpu.dma_semaphore, #tpu.memory_space<semaphore_mem>>
          %dma_start3A_157 = arith.constant 0 : i32
          %dma_start3A_158 = arith.constant 0 : i32
          %dma_start3A_159 = tpu.memref_slice %arg12[%dma_start3A_157, %dma_start3A_158] : memref<10240x128xf32, #tpu.memory_space<vmem_shared>> -> memref<10240x128xf32, #tpu.memory_space<vmem_shared>>
          tpu.enqueue_indirect_dma source(%arg6 : memref<128x128xf32, #tpu.memory_space<vmem>>) target(%dma_start3A_159 : memref<10240x128xf32, #tpu.memory_space<vmem_shared>>) offsets(%arg10 : memref<128xi32, #tpu.memory_space<vmem>>) semaphore(%run_scoped3A : memref<!tpu.dma_semaphore, #tpu.memory_space<semaphore_mem>>) {add = true}
          %dma_wait3A_160 = arith.constant 0 : i32
          %dma_wait3A_161 = arith.constant 0 : i32
          %dma_wait3A_162 = tpu.memref_slice %arg12[%dma_wait3A_160, %dma_wait3A_161] : memref<10240x128xf32, #tpu.memory_space<vmem_shared>> -> memref<10240x128xf32, #tpu.memory_space<vmem_shared>>
          tpu.wait_indirect_dma semaphore(%run_scoped3A : memref<!tpu.dma_semaphore, #tpu.memory_space<semaphore_mem>>) src(%arg6 : memref<128x128xf32, #tpu.memory_space<vmem>>) dst(%dma_wait3A_162 : memref<10240x128xf32, #tpu.memory_space<vmem_shared>>)
          tpu.yield
        }) : () -> ()
        %add3A_96 = arith.constant 2 : i32
        %add3A_97 = arith.addi %add3A_92, %add3A_96 : i32
        %dma_start3A_98 = arith.constant 0 : i32
        %dma_start3A_99 = tpu.memref_slice %arg3[%add3A_97, %dma_start3A_98] : memref<2560x128xi32, #tpu.memory_space<hbm>> -> memref<1x128xi32, #tpu.memory_space<hbm>>
        %dma_start3A_100 = tpu.memref_squeeze %dma_start3A_99 : memref<1x128xi32, #tpu.memory_space<hbm>> -> memref<128xi32, #tpu.memory_space<hbm>>
        %dma_start3A_101 = arith.constant 0 : i32
        %dma_start3A_102 = tpu.memref_slice %arg3[%add3A_97, %dma_start3A_101] : memref<2560x128xi32, #tpu.memory_space<hbm>> -> memref<1x128xi32, #tpu.memory_space<hbm>>
        %dma_start3A_103 = tpu.memref_squeeze %dma_start3A_102 : memref<1x128xi32, #tpu.memory_space<hbm>> -> memref<128xi32, #tpu.memory_space<hbm>>
        tpu.enqueue_dma source(%dma_start3A_103 : memref<128xi32, #tpu.memory_space<hbm>>) target(%arg8 : memref<128xi32, #tpu.memory_space<vmem>>) target_semaphore(%arg13 : memref<!tpu.dma_semaphore, #tpu.memory_space<semaphore_mem>>)
        %dma_start3A_104 = arith.constant 0 : i32
        %dma_start3A_105 = tpu.memref_slice %arg4[%add3A_97, %dma_start3A_104] : memref<2560x128xi32, #tpu.memory_space<hbm>> -> memref<1x128xi32, #tpu.memory_space<hbm>>
        %dma_start3A_106 = tpu.memref_squeeze %dma_start3A_105 : memref<1x128xi32, #tpu.memory_space<hbm>> -> memref<128xi32, #tpu.memory_space<hbm>>
        %dma_start3A_107 = arith.constant 0 : i32
        %dma_start3A_108 = tpu.memref_slice %arg4[%add3A_97, %dma_start3A_107] : memref<2560x128xi32, #tpu.memory_space<hbm>> -> memref<1x128xi32, #tpu.memory_space<hbm>>
        %dma_start3A_109 = tpu.memref_squeeze %dma_start3A_108 : memref<1x128xi32, #tpu.memory_space<hbm>> -> memref<128xi32, #tpu.memory_space<hbm>>
        tpu.enqueue_dma source(%dma_start3A_109 : memref<128xi32, #tpu.memory_space<hbm>>) target(%arg10 : memref<128xi32, #tpu.memory_space<vmem>>) target_semaphore(%arg13 : memref<!tpu.dma_semaphore, #tpu.memory_space<semaphore_mem>>)
        %dma_wait3A_110 = arith.constant 0 : i32
        %dma_wait3A_111 = tpu.memref_slice %arg3[%add3A_97, %dma_wait3A_110] : memref<2560x128xi32, #tpu.memory_space<hbm>> -> memref<1x128xi32, #tpu.memory_space<hbm>>
        %dma_wait3A_112 = tpu.memref_squeeze %dma_wait3A_111 : memref<1x128xi32, #tpu.memory_space<hbm>> -> memref<128xi32, #tpu.memory_space<hbm>>
        %dma_wait3A_113 = arith.constant 0 : i32
        %dma_wait3A_114 = tpu.memref_slice %arg3[%add3A_97, %dma_wait3A_113] : memref<2560x128xi32, #tpu.memory_space<hbm>> -> memref<1x128xi32, #tpu.memory_space<hbm>>
        %dma_wait3A_115 = tpu.memref_squeeze %dma_wait3A_114 : memref<1x128xi32, #tpu.memory_space<hbm>> -> memref<128xi32, #tpu.memory_space<hbm>>
        tpu.wait_dma2 semaphore(%arg13 : memref<!tpu.dma_semaphore, #tpu.memory_space<semaphore_mem>>) src(%dma_wait3A_115 : memref<128xi32, #tpu.memory_space<hbm>>) dst(%arg8 : memref<128xi32, #tpu.memory_space<vmem>>)
        %dma_wait3A_116 = arith.constant 0 : i32
        %dma_wait3A_117 = tpu.memref_slice %arg4[%add3A_97, %dma_wait3A_116] : memref<2560x128xi32, #tpu.memory_space<hbm>> -> memref<1x128xi32, #tpu.memory_space<hbm>>
        %dma_wait3A_118 = tpu.memref_squeeze %dma_wait3A_117 : memref<1x128xi32, #tpu.memory_space<hbm>> -> memref<128xi32, #tpu.memory_space<hbm>>
        %dma_wait3A_119 = arith.constant 0 : i32
        %dma_wait3A_120 = tpu.memref_slice %arg4[%add3A_97, %dma_wait3A_119] : memref<2560x128xi32, #tpu.memory_space<hbm>> -> memref<1x128xi32, #tpu.memory_space<hbm>>
        %dma_wait3A_121 = tpu.memref_squeeze %dma_wait3A_120 : memref<1x128xi32, #tpu.memory_space<hbm>> -> memref<128xi32, #tpu.memory_space<hbm>>
        tpu.wait_dma2 semaphore(%arg13 : memref<!tpu.dma_semaphore, #tpu.memory_space<semaphore_mem>>) src(%dma_wait3A_121 : memref<128xi32, #tpu.memory_space<hbm>>) dst(%arg10 : memref<128xi32, #tpu.memory_space<vmem>>)
        %dma_start3A_122 = arith.constant 0 : i32
        %dma_start3A_123 = arith.constant 0 : i32
        %dma_start3A_124 = tpu.memref_slice %arg2[%dma_start3A_122, %dma_start3A_123] : memref<10000x128xf32, #tpu.memory_space<hbm>> -> memref<10000x128xf32, #tpu.memory_space<hbm>>
        tpu.enqueue_indirect_dma source(%dma_start3A_124 : memref<10000x128xf32, #tpu.memory_space<hbm>>) target(%arg6 : memref<128x128xf32, #tpu.memory_space<vmem>>) offsets(%arg8 : memref<128xi32, #tpu.memory_space<vmem>>) semaphore(%arg15 : memref<!tpu.dma_semaphore, #tpu.memory_space<semaphore_mem>>)
        %dma_wait3A_125 = arith.constant 0 : i32
        %dma_wait3A_126 = arith.constant 0 : i32
        %dma_wait3A_127 = tpu.memref_slice %arg2[%dma_wait3A_125, %dma_wait3A_126] : memref<10000x128xf32, #tpu.memory_space<hbm>> -> memref<10000x128xf32, #tpu.memory_space<hbm>>
        tpu.wait_indirect_dma semaphore(%arg16 : memref<!tpu.dma_semaphore, #tpu.memory_space<semaphore_mem>>) src(%dma_wait3A_127 : memref<10000x128xf32, #tpu.memory_space<hbm>>) dst(%arg7 : memref<128x128xf32, #tpu.memory_space<vmem>>)
        "tpu.region"() ({
          %run_scoped3A = tpu.sem_alloc : memref<!tpu.dma_semaphore, #tpu.memory_space<semaphore_mem>>
          %dma_start3A_157 = arith.constant 0 : i32
          %dma_start3A_158 = arith.constant 0 : i32
          %dma_start3A_159 = tpu.memref_slice %arg12[%dma_start3A_157, %dma_start3A_158] : memref<10240x128xf32, #tpu.memory_space<vmem_shared>> -> memref<10240x128xf32, #tpu.memory_space<vmem_shared>>
          tpu.enqueue_indirect_dma source(%arg7 : memref<128x128xf32, #tpu.memory_space<vmem>>) target(%dma_start3A_159 : memref<10240x128xf32, #tpu.memory_space<vmem_shared>>) offsets(%arg11 : memref<128xi32, #tpu.memory_space<vmem>>) semaphore(%run_scoped3A : memref<!tpu.dma_semaphore, #tpu.memory_space<semaphore_mem>>) {add = true}
          %dma_wait3A_160 = arith.constant 0 : i32
          %dma_wait3A_161 = arith.constant 0 : i32
          %dma_wait3A_162 = tpu.memref_slice %arg12[%dma_wait3A_160, %dma_wait3A_161] : memref<10240x128xf32, #tpu.memory_space<vmem_shared>> -> memref<10240x128xf32, #tpu.memory_space<vmem_shared>>
          tpu.wait_indirect_dma semaphore(%run_scoped3A : memref<!tpu.dma_semaphore, #tpu.memory_space<semaphore_mem>>) src(%arg7 : memref<128x128xf32, #tpu.memory_space<vmem>>) dst(%dma_wait3A_162 : memref<10240x128xf32, #tpu.memory_space<vmem_shared>>)
          tpu.yield
        }) : () -> ()
        %add3A_128 = arith.constant 3 : i32
        %add3A_129 = arith.addi %add3A_92, %add3A_128 : i32
        %dma_start3A_130 = arith.constant 0 : i32
        %dma_start3A_131 = tpu.memref_slice %arg3[%add3A_129, %dma_start3A_130] : memref<2560x128xi32, #tpu.memory_space<hbm>> -> memref<1x128xi32, #tpu.memory_space<hbm>>
        %dma_start3A_132 = tpu.memref_squeeze %dma_start3A_131 : memref<1x128xi32, #tpu.memory_space<hbm>> -> memref<128xi32, #tpu.memory_space<hbm>>
        %dma_start3A_133 = arith.constant 0 : i32
        %dma_start3A_134 = tpu.memref_slice %arg3[%add3A_129, %dma_start3A_133] : memref<2560x128xi32, #tpu.memory_space<hbm>> -> memref<1x128xi32, #tpu.memory_space<hbm>>
        %dma_start3A_135 = tpu.memref_squeeze %dma_start3A_134 : memref<1x128xi32, #tpu.memory_space<hbm>> -> memref<128xi32, #tpu.memory_space<hbm>>
        tpu.enqueue_dma source(%dma_start3A_135 : memref<128xi32, #tpu.memory_space<hbm>>) target(%arg9 : memref<128xi32, #tpu.memory_space<vmem>>) target_semaphore(%arg14 : memref<!tpu.dma_semaphore, #tpu.memory_space<semaphore_mem>>)
        %dma_start3A_136 = arith.constant 0 : i32
        %dma_start3A_137 = tpu.memref_slice %arg4[%add3A_129, %dma_start3A_136] : memref<2560x128xi32, #tpu.memory_space<hbm>> -> memref<1x128xi32, #tpu.memory_space<hbm>>
        %dma_start3A_138 = tpu.memref_squeeze %dma_start3A_137 : memref<1x128xi32, #tpu.memory_space<hbm>> -> memref<128xi32, #tpu.memory_space<hbm>>
        %dma_start3A_139 = arith.constant 0 : i32
        %dma_start3A_140 = tpu.memref_slice %arg4[%add3A_129, %dma_start3A_139] : memref<2560x128xi32, #tpu.memory_space<hbm>> -> memref<1x128xi32, #tpu.memory_space<hbm>>
        %dma_start3A_141 = tpu.memref_squeeze %dma_start3A_140 : memref<1x128xi32, #tpu.memory_space<hbm>> -> memref<128xi32, #tpu.memory_space<hbm>>
        tpu.enqueue_dma source(%dma_start3A_141 : memref<128xi32, #tpu.memory_space<hbm>>) target(%arg11 : memref<128xi32, #tpu.memory_space<vmem>>) target_semaphore(%arg14 : memref<!tpu.dma_semaphore, #tpu.memory_space<semaphore_mem>>)
        %dma_wait3A_142 = arith.constant 0 : i32
        %dma_wait3A_143 = tpu.memref_slice %arg3[%add3A_129, %dma_wait3A_142] : memref<2560x128xi32, #tpu.memory_space<hbm>> -> memref<1x128xi32, #tpu.memory_space<hbm>>
        %dma_wait3A_144 = tpu.memref_squeeze %dma_wait3A_143 : memref<1x128xi32, #tpu.memory_space<hbm>> -> memref<128xi32, #tpu.memory_space<hbm>>
        %dma_wait3A_145 = arith.constant 0 : i32
        %dma_wait3A_146 = tpu.memref_slice %arg3[%add3A_129, %dma_wait3A_145] : memref<2560x128xi32, #tpu.memory_space<hbm>> -> memref<1x128xi32, #tpu.memory_space<hbm>>
        %dma_wait3A_147 = tpu.memref_squeeze %dma_wait3A_146 : memref<1x128xi32, #tpu.memory_space<hbm>> -> memref<128xi32, #tpu.memory_space<hbm>>
        tpu.wait_dma2 semaphore(%arg14 : memref<!tpu.dma_semaphore, #tpu.memory_space<semaphore_mem>>) src(%dma_wait3A_147 : memref<128xi32, #tpu.memory_space<hbm>>) dst(%arg9 : memref<128xi32, #tpu.memory_space<vmem>>)
        %dma_wait3A_148 = arith.constant 0 : i32
        %dma_wait3A_149 = tpu.memref_slice %arg4[%add3A_129, %dma_wait3A_148] : memref<2560x128xi32, #tpu.memory_space<hbm>> -> memref<1x128xi32, #tpu.memory_space<hbm>>
        %dma_wait3A_150 = tpu.memref_squeeze %dma_wait3A_149 : memref<1x128xi32, #tpu.memory_space<hbm>> -> memref<128xi32, #tpu.memory_space<hbm>>
        %dma_wait3A_151 = arith.constant 0 : i32
        %dma_wait3A_152 = tpu.memref_slice %arg4[%add3A_129, %dma_wait3A_151] : memref<2560x128xi32, #tpu.memory_space<hbm>> -> memref<1x128xi32, #tpu.memory_space<hbm>>
        %dma_wait3A_153 = tpu.memref_squeeze %dma_wait3A_152 : memref<1x128xi32, #tpu.memory_space<hbm>> -> memref<128xi32, #tpu.memory_space<hbm>>
        tpu.wait_dma2 semaphore(%arg14 : memref<!tpu.dma_semaphore, #tpu.memory_space<semaphore_mem>>) src(%dma_wait3A_153 : memref<128xi32, #tpu.memory_space<hbm>>) dst(%arg11 : memref<128xi32, #tpu.memory_space<vmem>>)
        %dma_start3A_154 = arith.constant 0 : i32
        %dma_start3A_155 = arith.constant 0 : i32
        %dma_start3A_156 = tpu.memref_slice %arg2[%dma_start3A_154, %dma_start3A_155] : memref<10000x128xf32, #tpu.memory_space<hbm>> -> memref<10000x128xf32, #tpu.memory_space<hbm>>
        tpu.enqueue_indirect_dma source(%dma_start3A_156 : memref<10000x128xf32, #tpu.memory_space<hbm>>) target(%arg7 : memref<128x128xf32, #tpu.memory_space<vmem>>) offsets(%arg9 : memref<128xi32, #tpu.memory_space<vmem>>) semaphore(%arg16 : memref<!tpu.dma_semaphore, #tpu.memory_space<semaphore_mem>>)
      }
      %scan3A_82 = arith.constant 63 : i32
      %dma_wait3A_83 = arith.constant 0 : i32
      %dma_wait3A_84 = arith.constant 0 : i32
      %dma_wait3A_85 = tpu.memref_slice %arg2[%dma_wait3A_83, %dma_wait3A_84] : memref<10000x128xf32, #tpu.memory_space<hbm>> -> memref<10000x128xf32, #tpu.memory_space<hbm>>
      tpu.wait_indirect_dma semaphore(%arg15 : memref<!tpu.dma_semaphore, #tpu.memory_space<semaphore_mem>>) src(%dma_wait3A_85 : memref<10000x128xf32, #tpu.memory_space<hbm>>) dst(%arg6 : memref<128x128xf32, #tpu.memory_space<vmem>>)
      "tpu.region"() ({
        %run_scoped3A = tpu.sem_alloc : memref<!tpu.dma_semaphore, #tpu.memory_space<semaphore_mem>>
        %dma_start3A_89 = arith.constant 0 : i32
        %dma_start3A_90 = arith.constant 0 : i32
        %dma_start3A_91 = tpu.memref_slice %arg12[%dma_start3A_89, %dma_start3A_90] : memref<10240x128xf32, #tpu.memory_space<vmem_shared>> -> memref<10240x128xf32, #tpu.memory_space<vmem_shared>>
        tpu.enqueue_indirect_dma source(%arg6 : memref<128x128xf32, #tpu.memory_space<vmem>>) target(%dma_start3A_91 : memref<10240x128xf32, #tpu.memory_space<vmem_shared>>) offsets(%arg10 : memref<128xi32, #tpu.memory_space<vmem>>) semaphore(%run_scoped3A : memref<!tpu.dma_semaphore, #tpu.memory_space<semaphore_mem>>) {add = true}
        %dma_wait3A_92 = arith.constant 0 : i32
        %dma_wait3A_93 = arith.constant 0 : i32
        %dma_wait3A_94 = tpu.memref_slice %arg12[%dma_wait3A_92, %dma_wait3A_93] : memref<10240x128xf32, #tpu.memory_space<vmem_shared>> -> memref<10240x128xf32, #tpu.memory_space<vmem_shared>>
        tpu.wait_indirect_dma semaphore(%run_scoped3A : memref<!tpu.dma_semaphore, #tpu.memory_space<semaphore_mem>>) src(%arg6 : memref<128x128xf32, #tpu.memory_space<vmem>>) dst(%dma_wait3A_94 : memref<10240x128xf32, #tpu.memory_space<vmem_shared>>)
        tpu.yield
      }) : () -> ()
      %dma_wait3A_86 = arith.constant 0 : i32
      %dma_wait3A_87 = arith.constant 0 : i32
      %dma_wait3A_88 = tpu.memref_slice %arg2[%dma_wait3A_86, %dma_wait3A_87] : memref<10000x128xf32, #tpu.memory_space<hbm>> -> memref<10000x128xf32, #tpu.memory_space<hbm>>
      tpu.wait_indirect_dma semaphore(%arg16 : memref<!tpu.dma_semaphore, #tpu.memory_space<semaphore_mem>>) src(%dma_wait3A_88 : memref<10000x128xf32, #tpu.memory_space<hbm>>) dst(%arg7 : memref<128x128xf32, #tpu.memory_space<vmem>>)
      "tpu.region"() ({
        %run_scoped3A = tpu.sem_alloc : memref<!tpu.dma_semaphore, #tpu.memory_space<semaphore_mem>>
        %dma_start3A_89 = arith.constant 0 : i32
        %dma_start3A_90 = arith.constant 0 : i32
        %dma_start3A_91 = tpu.memref_slice %arg12[%dma_start3A_89, %dma_start3A_90] : memref<10240x128xf32, #tpu.memory_space<vmem_shared>> -> memref<10240x128xf32, #tpu.memory_space<vmem_shared>>
        tpu.enqueue_indirect_dma source(%arg7 : memref<128x128xf32, #tpu.memory_space<vmem>>) target(%dma_start3A_91 : memref<10240x128xf32, #tpu.memory_space<vmem_shared>>) offsets(%arg11 : memref<128xi32, #tpu.memory_space<vmem>>) semaphore(%run_scoped3A : memref<!tpu.dma_semaphore, #tpu.memory_space<semaphore_mem>>) {add = true}
        %dma_wait3A_92 = arith.constant 0 : i32
        %dma_wait3A_93 = arith.constant 0 : i32
        %dma_wait3A_94 = tpu.memref_slice %arg12[%dma_wait3A_92, %dma_wait3A_93] : memref<10240x128xf32, #tpu.memory_space<vmem_shared>> -> memref<10240x128xf32, #tpu.memory_space<vmem_shared>>
        tpu.wait_indirect_dma semaphore(%run_scoped3A : memref<!tpu.dma_semaphore, #tpu.memory_space<semaphore_mem>>) src(%arg7 : memref<128x128xf32, #tpu.memory_space<vmem>>) dst(%dma_wait3A_94 : memref<10240x128xf32, #tpu.memory_space<vmem_shared>>)
        tpu.yield
      }) : () -> ()
    } else {
    }
    %eq3A_13 = arith.constant 1 : i32
    %eq3A_14 = arith.cmpi eq, %arg0, %eq3A_13 : i32
    %convert_element_type3A_15 = arith.extui %eq3A_14 : i1 to i32
    %cond3A_16 = arith.constant 0 : i32
    %cond3A_17 = arith.cmpi ne, %convert_element_type3A_15, %cond3A_16 : i32
    scf.if %cond3A_17 {
      %mul3A_22 = arith.constant 32 : i32
      %mul3A_23 = arith.muli %arg1, %mul3A_22 : i32
      %add3A = arith.constant 2048 : i32
      %add3A_24 = arith.addi %add3A, %mul3A_23 : i32
      %dma_start3A = arith.constant 0 : i32
      %dma_start3A_25 = tpu.memref_slice %arg3[%add3A_24, %dma_start3A] : memref<2560x128xi32, #tpu.memory_space<hbm>> -> memref<1x128xi32, #tpu.memory_space<hbm>>
      %dma_start3A_26 = tpu.memref_squeeze %dma_start3A_25 : memref<1x128xi32, #tpu.memory_space<hbm>> -> memref<128xi32, #tpu.memory_space<hbm>>
      %dma_start3A_27 = arith.constant 0 : i32
      %dma_start3A_28 = tpu.memref_slice %arg3[%add3A_24, %dma_start3A_27] : memref<2560x128xi32, #tpu.memory_space<hbm>> -> memref<1x128xi32, #tpu.memory_space<hbm>>
      %dma_start3A_29 = tpu.memref_squeeze %dma_start3A_28 : memref<1x128xi32, #tpu.memory_space<hbm>> -> memref<128xi32, #tpu.memory_space<hbm>>
      tpu.enqueue_dma source(%dma_start3A_29 : memref<128xi32, #tpu.memory_space<hbm>>) target(%arg8 : memref<128xi32, #tpu.memory_space<vmem>>) target_semaphore(%arg13 : memref<!tpu.dma_semaphore, #tpu.memory_space<semaphore_mem>>)
      %dma_start3A_30 = arith.constant 0 : i32
      %dma_start3A_31 = tpu.memref_slice %arg4[%add3A_24, %dma_start3A_30] : memref<2560x128xi32, #tpu.memory_space<hbm>> -> memref<1x128xi32, #tpu.memory_space<hbm>>
      %dma_start3A_32 = tpu.memref_squeeze %dma_start3A_31 : memref<1x128xi32, #tpu.memory_space<hbm>> -> memref<128xi32, #tpu.memory_space<hbm>>
      %dma_start3A_33 = arith.constant 0 : i32
      %dma_start3A_34 = tpu.memref_slice %arg4[%add3A_24, %dma_start3A_33] : memref<2560x128xi32, #tpu.memory_space<hbm>> -> memref<1x128xi32, #tpu.memory_space<hbm>>
      %dma_start3A_35 = tpu.memref_squeeze %dma_start3A_34 : memref<1x128xi32, #tpu.memory_space<hbm>> -> memref<128xi32, #tpu.memory_space<hbm>>
      tpu.enqueue_dma source(%dma_start3A_35 : memref<128xi32, #tpu.memory_space<hbm>>) target(%arg10 : memref<128xi32, #tpu.memory_space<vmem>>) target_semaphore(%arg13 : memref<!tpu.dma_semaphore, #tpu.memory_space<semaphore_mem>>)
      %dma_wait3A = arith.constant 0 : i32
      %dma_wait3A_36 = tpu.memref_slice %arg3[%add3A_24, %dma_wait3A] : memref<2560x128xi32, #tpu.memory_space<hbm>> -> memref<1x128xi32, #tpu.memory_space<hbm>>
      %dma_wait3A_37 = tpu.memref_squeeze %dma_wait3A_36 : memref<1x128xi32, #tpu.memory_space<hbm>> -> memref<128xi32, #tpu.memory_space<hbm>>
      %dma_wait3A_38 = arith.constant 0 : i32
      %dma_wait3A_39 = tpu.memref_slice %arg3[%add3A_24, %dma_wait3A_38] : memref<2560x128xi32, #tpu.memory_space<hbm>> -> memref<1x128xi32, #tpu.memory_space<hbm>>
      %dma_wait3A_40 = tpu.memref_squeeze %dma_wait3A_39 : memref<1x128xi32, #tpu.memory_space<hbm>> -> memref<128xi32, #tpu.memory_space<hbm>>
      tpu.wait_dma2 semaphore(%arg13 : memref<!tpu.dma_semaphore, #tpu.memory_space<semaphore_mem>>) src(%dma_wait3A_40 : memref<128xi32, #tpu.memory_space<hbm>>) dst(%arg8 : memref<128xi32, #tpu.memory_space<vmem>>)
      %dma_wait3A_41 = arith.constant 0 : i32
      %dma_wait3A_42 = tpu.memref_slice %arg4[%add3A_24, %dma_wait3A_41] : memref<2560x128xi32, #tpu.memory_space<hbm>> -> memref<1x128xi32, #tpu.memory_space<hbm>>
      %dma_wait3A_43 = tpu.memref_squeeze %dma_wait3A_42 : memref<1x128xi32, #tpu.memory_space<hbm>> -> memref<128xi32, #tpu.memory_space<hbm>>
      %dma_wait3A_44 = arith.constant 0 : i32
      %dma_wait3A_45 = tpu.memref_slice %arg4[%add3A_24, %dma_wait3A_44] : memref<2560x128xi32, #tpu.memory_space<hbm>> -> memref<1x128xi32, #tpu.memory_space<hbm>>
      %dma_wait3A_46 = tpu.memref_squeeze %dma_wait3A_45 : memref<1x128xi32, #tpu.memory_space<hbm>> -> memref<128xi32, #tpu.memory_space<hbm>>
      tpu.wait_dma2 semaphore(%arg13 : memref<!tpu.dma_semaphore, #tpu.memory_space<semaphore_mem>>) src(%dma_wait3A_46 : memref<128xi32, #tpu.memory_space<hbm>>) dst(%arg10 : memref<128xi32, #tpu.memory_space<vmem>>)
      %dma_start3A_47 = arith.constant 0 : i32
      %dma_start3A_48 = arith.constant 0 : i32
      %dma_start3A_49 = tpu.memref_slice %arg2[%dma_start3A_47, %dma_start3A_48] : memref<10000x128xf32, #tpu.memory_space<hbm>> -> memref<10000x128xf32, #tpu.memory_space<hbm>>
      tpu.enqueue_indirect_dma source(%dma_start3A_49 : memref<10000x128xf32, #tpu.memory_space<hbm>>) target(%arg6 : memref<128x128xf32, #tpu.memory_space<vmem>>) offsets(%arg8 : memref<128xi32, #tpu.memory_space<vmem>>) semaphore(%arg15 : memref<!tpu.dma_semaphore, #tpu.memory_space<semaphore_mem>>)
      %add3A_50 = arith.constant 1 : i32
      %add3A_51 = arith.addi %add3A_24, %add3A_50 : i32
      %dma_start3A_52 = arith.constant 0 : i32
      %dma_start3A_53 = tpu.memref_slice %arg3[%add3A_51, %dma_start3A_52] : memref<2560x128xi32, #tpu.memory_space<hbm>> -> memref<1x128xi32, #tpu.memory_space<hbm>>
      %dma_start3A_54 = tpu.memref_squeeze %dma_start3A_53 : memref<1x128xi32, #tpu.memory_space<hbm>> -> memref<128xi32, #tpu.memory_space<hbm>>
      %dma_start3A_55 = arith.constant 0 : i32
      %dma_start3A_56 = tpu.memref_slice %arg3[%add3A_51, %dma_start3A_55] : memref<2560x128xi32, #tpu.memory_space<hbm>> -> memref<1x128xi32, #tpu.memory_space<hbm>>
      %dma_start3A_57 = tpu.memref_squeeze %dma_start3A_56 : memref<1x128xi32, #tpu.memory_space<hbm>> -> memref<128xi32, #tpu.memory_space<hbm>>
      tpu.enqueue_dma source(%dma_start3A_57 : memref<128xi32, #tpu.memory_space<hbm>>) target(%arg9 : memref<128xi32, #tpu.memory_space<vmem>>) target_semaphore(%arg14 : memref<!tpu.dma_semaphore, #tpu.memory_space<semaphore_mem>>)
      %dma_start3A_58 = arith.constant 0 : i32
      %dma_start3A_59 = tpu.memref_slice %arg4[%add3A_51, %dma_start3A_58] : memref<2560x128xi32, #tpu.memory_space<hbm>> -> memref<1x128xi32, #tpu.memory_space<hbm>>
      %dma_start3A_60 = tpu.memref_squeeze %dma_start3A_59 : memref<1x128xi32, #tpu.memory_space<hbm>> -> memref<128xi32, #tpu.memory_space<hbm>>
      %dma_start3A_61 = arith.constant 0 : i32
      %dma_start3A_62 = tpu.memref_slice %arg4[%add3A_51, %dma_start3A_61] : memref<2560x128xi32, #tpu.memory_space<hbm>> -> memref<1x128xi32, #tpu.memory_space<hbm>>
      %dma_start3A_63 = tpu.memref_squeeze %dma_start3A_62 : memref<1x128xi32, #tpu.memory_space<hbm>> -> memref<128xi32, #tpu.memory_space<hbm>>
      tpu.enqueue_dma source(%dma_start3A_63 : memref<128xi32, #tpu.memory_space<hbm>>) target(%arg11 : memref<128xi32, #tpu.memory_space<vmem>>) target_semaphore(%arg14 : memref<!tpu.dma_semaphore, #tpu.memory_space<semaphore_mem>>)
      %dma_wait3A_64 = arith.constant 0 : i32
      %dma_wait3A_65 = tpu.memref_slice %arg3[%add3A_51, %dma_wait3A_64] : memref<2560x128xi32, #tpu.memory_space<hbm>> -> memref<1x128xi32, #tpu.memory_space<hbm>>
      %dma_wait3A_66 = tpu.memref_squeeze %dma_wait3A_65 : memref<1x128xi32, #tpu.memory_space<hbm>> -> memref<128xi32, #tpu.memory_space<hbm>>
      %dma_wait3A_67 = arith.constant 0 : i32
      %dma_wait3A_68 = tpu.memref_slice %arg3[%add3A_51, %dma_wait3A_67] : memref<2560x128xi32, #tpu.memory_space<hbm>> -> memref<1x128xi32, #tpu.memory_space<hbm>>
      %dma_wait3A_69 = tpu.memref_squeeze %dma_wait3A_68 : memref<1x128xi32, #tpu.memory_space<hbm>> -> memref<128xi32, #tpu.memory_space<hbm>>
      tpu.wait_dma2 semaphore(%arg14 : memref<!tpu.dma_semaphore, #tpu.memory_space<semaphore_mem>>) src(%dma_wait3A_69 : memref<128xi32, #tpu.memory_space<hbm>>) dst(%arg9 : memref<128xi32, #tpu.memory_space<vmem>>)
      %dma_wait3A_70 = arith.constant 0 : i32
      %dma_wait3A_71 = tpu.memref_slice %arg4[%add3A_51, %dma_wait3A_70] : memref<2560x128xi32, #tpu.memory_space<hbm>> -> memref<1x128xi32, #tpu.memory_space<hbm>>
      %dma_wait3A_72 = tpu.memref_squeeze %dma_wait3A_71 : memref<1x128xi32, #tpu.memory_space<hbm>> -> memref<128xi32, #tpu.memory_space<hbm>>
      %dma_wait3A_73 = arith.constant 0 : i32
      %dma_wait3A_74 = tpu.memref_slice %arg4[%add3A_51, %dma_wait3A_73] : memref<2560x128xi32, #tpu.memory_space<hbm>> -> memref<1x128xi32, #tpu.memory_space<hbm>>
      %dma_wait3A_75 = tpu.memref_squeeze %dma_wait3A_74 : memref<1x128xi32, #tpu.memory_space<hbm>> -> memref<128xi32, #tpu.memory_space<hbm>>
      tpu.wait_dma2 semaphore(%arg14 : memref<!tpu.dma_semaphore, #tpu.memory_space<semaphore_mem>>) src(%dma_wait3A_75 : memref<128xi32, #tpu.memory_space<hbm>>) dst(%arg11 : memref<128xi32, #tpu.memory_space<vmem>>)
      %dma_start3A_76 = arith.constant 0 : i32
      %dma_start3A_77 = arith.constant 0 : i32
      %dma_start3A_78 = tpu.memref_slice %arg2[%dma_start3A_76, %dma_start3A_77] : memref<10000x128xf32, #tpu.memory_space<hbm>> -> memref<10000x128xf32, #tpu.memory_space<hbm>>
      tpu.enqueue_indirect_dma source(%dma_start3A_78 : memref<10000x128xf32, #tpu.memory_space<hbm>>) target(%arg7 : memref<128x128xf32, #tpu.memory_space<vmem>>) offsets(%arg9 : memref<128xi32, #tpu.memory_space<vmem>>) semaphore(%arg16 : memref<!tpu.dma_semaphore, #tpu.memory_space<semaphore_mem>>)
      %scan3A_79 = arith.constant 0 : i32
      %scan3A_80 = arith.constant 0 : i32
      %scan3A_81 = arith.constant 15 : i32
      %scan3A_82 = arith.addi %scan3A_80, %scan3A_81 : i32
      %scan3A_83 = arith.constant 1 : i32
      scf.for %scan3A_91 = %scan3A_80 to %scan3A_82 step %scan3A_83  : i32 {
        %mul3A_92 = arith.constant 2 : i32
        %mul3A_93 = arith.muli %mul3A_92, %scan3A_91 : i32
        %add3A_94 = arith.addi %add3A_24, %mul3A_93 : i32
        %dma_wait3A_95 = arith.constant 0 : i32
        %dma_wait3A_96 = arith.constant 0 : i32
        %dma_wait3A_97 = tpu.memref_slice %arg2[%dma_wait3A_95, %dma_wait3A_96] : memref<10000x128xf32, #tpu.memory_space<hbm>> -> memref<10000x128xf32, #tpu.memory_space<hbm>>
        tpu.wait_indirect_dma semaphore(%arg15 : memref<!tpu.dma_semaphore, #tpu.memory_space<semaphore_mem>>) src(%dma_wait3A_97 : memref<10000x128xf32, #tpu.memory_space<hbm>>) dst(%arg6 : memref<128x128xf32, #tpu.memory_space<vmem>>)
        "tpu.region"() ({
          %run_scoped3A = tpu.sem_alloc : memref<!tpu.dma_semaphore, #tpu.memory_space<semaphore_mem>>
          %dma_start3A_159 = arith.constant 0 : i32
          %dma_start3A_160 = arith.constant 0 : i32
          %dma_start3A_161 = tpu.memref_slice %arg12[%dma_start3A_159, %dma_start3A_160] : memref<10240x128xf32, #tpu.memory_space<vmem_shared>> -> memref<10240x128xf32, #tpu.memory_space<vmem_shared>>
          tpu.enqueue_indirect_dma source(%arg6 : memref<128x128xf32, #tpu.memory_space<vmem>>) target(%dma_start3A_161 : memref<10240x128xf32, #tpu.memory_space<vmem_shared>>) offsets(%arg10 : memref<128xi32, #tpu.memory_space<vmem>>) semaphore(%run_scoped3A : memref<!tpu.dma_semaphore, #tpu.memory_space<semaphore_mem>>) {add = true}
          %dma_wait3A_162 = arith.constant 0 : i32
          %dma_wait3A_163 = arith.constant 0 : i32
          %dma_wait3A_164 = tpu.memref_slice %arg12[%dma_wait3A_162, %dma_wait3A_163] : memref<10240x128xf32, #tpu.memory_space<vmem_shared>> -> memref<10240x128xf32, #tpu.memory_space<vmem_shared>>
          tpu.wait_indirect_dma semaphore(%run_scoped3A : memref<!tpu.dma_semaphore, #tpu.memory_space<semaphore_mem>>) src(%arg6 : memref<128x128xf32, #tpu.memory_space<vmem>>) dst(%dma_wait3A_164 : memref<10240x128xf32, #tpu.memory_space<vmem_shared>>)
          tpu.yield
        }) : () -> ()
        %add3A_98 = arith.constant 2 : i32
        %add3A_99 = arith.addi %add3A_94, %add3A_98 : i32
        %dma_start3A_100 = arith.constant 0 : i32
        %dma_start3A_101 = tpu.memref_slice %arg3[%add3A_99, %dma_start3A_100] : memref<2560x128xi32, #tpu.memory_space<hbm>> -> memref<1x128xi32, #tpu.memory_space<hbm>>
        %dma_start3A_102 = tpu.memref_squeeze %dma_start3A_101 : memref<1x128xi32, #tpu.memory_space<hbm>> -> memref<128xi32, #tpu.memory_space<hbm>>
        %dma_start3A_103 = arith.constant 0 : i32
        %dma_start3A_104 = tpu.memref_slice %arg3[%add3A_99, %dma_start3A_103] : memref<2560x128xi32, #tpu.memory_space<hbm>> -> memref<1x128xi32, #tpu.memory_space<hbm>>
        %dma_start3A_105 = tpu.memref_squeeze %dma_start3A_104 : memref<1x128xi32, #tpu.memory_space<hbm>> -> memref<128xi32, #tpu.memory_space<hbm>>
        tpu.enqueue_dma source(%dma_start3A_105 : memref<128xi32, #tpu.memory_space<hbm>>) target(%arg8 : memref<128xi32, #tpu.memory_space<vmem>>) target_semaphore(%arg13 : memref<!tpu.dma_semaphore, #tpu.memory_space<semaphore_mem>>)
        %dma_start3A_106 = arith.constant 0 : i32
        %dma_start3A_107 = tpu.memref_slice %arg4[%add3A_99, %dma_start3A_106] : memref<2560x128xi32, #tpu.memory_space<hbm>> -> memref<1x128xi32, #tpu.memory_space<hbm>>
        %dma_start3A_108 = tpu.memref_squeeze %dma_start3A_107 : memref<1x128xi32, #tpu.memory_space<hbm>> -> memref<128xi32, #tpu.memory_space<hbm>>
        %dma_start3A_109 = arith.constant 0 : i32
        %dma_start3A_110 = tpu.memref_slice %arg4[%add3A_99, %dma_start3A_109] : memref<2560x128xi32, #tpu.memory_space<hbm>> -> memref<1x128xi32, #tpu.memory_space<hbm>>
        %dma_start3A_111 = tpu.memref_squeeze %dma_start3A_110 : memref<1x128xi32, #tpu.memory_space<hbm>> -> memref<128xi32, #tpu.memory_space<hbm>>
        tpu.enqueue_dma source(%dma_start3A_111 : memref<128xi32, #tpu.memory_space<hbm>>) target(%arg10 : memref<128xi32, #tpu.memory_space<vmem>>) target_semaphore(%arg13 : memref<!tpu.dma_semaphore, #tpu.memory_space<semaphore_mem>>)
        %dma_wait3A_112 = arith.constant 0 : i32
        %dma_wait3A_113 = tpu.memref_slice %arg3[%add3A_99, %dma_wait3A_112] : memref<2560x128xi32, #tpu.memory_space<hbm>> -> memref<1x128xi32, #tpu.memory_space<hbm>>
        %dma_wait3A_114 = tpu.memref_squeeze %dma_wait3A_113 : memref<1x128xi32, #tpu.memory_space<hbm>> -> memref<128xi32, #tpu.memory_space<hbm>>
        %dma_wait3A_115 = arith.constant 0 : i32
        %dma_wait3A_116 = tpu.memref_slice %arg3[%add3A_99, %dma_wait3A_115] : memref<2560x128xi32, #tpu.memory_space<hbm>> -> memref<1x128xi32, #tpu.memory_space<hbm>>
        %dma_wait3A_117 = tpu.memref_squeeze %dma_wait3A_116 : memref<1x128xi32, #tpu.memory_space<hbm>> -> memref<128xi32, #tpu.memory_space<hbm>>
        tpu.wait_dma2 semaphore(%arg13 : memref<!tpu.dma_semaphore, #tpu.memory_space<semaphore_mem>>) src(%dma_wait3A_117 : memref<128xi32, #tpu.memory_space<hbm>>) dst(%arg8 : memref<128xi32, #tpu.memory_space<vmem>>)
        %dma_wait3A_118 = arith.constant 0 : i32
        %dma_wait3A_119 = tpu.memref_slice %arg4[%add3A_99, %dma_wait3A_118] : memref<2560x128xi32, #tpu.memory_space<hbm>> -> memref<1x128xi32, #tpu.memory_space<hbm>>
        %dma_wait3A_120 = tpu.memref_squeeze %dma_wait3A_119 : memref<1x128xi32, #tpu.memory_space<hbm>> -> memref<128xi32, #tpu.memory_space<hbm>>
        %dma_wait3A_121 = arith.constant 0 : i32
        %dma_wait3A_122 = tpu.memref_slice %arg4[%add3A_99, %dma_wait3A_121] : memref<2560x128xi32, #tpu.memory_space<hbm>> -> memref<1x128xi32, #tpu.memory_space<hbm>>
        %dma_wait3A_123 = tpu.memref_squeeze %dma_wait3A_122 : memref<1x128xi32, #tpu.memory_space<hbm>> -> memref<128xi32, #tpu.memory_space<hbm>>
        tpu.wait_dma2 semaphore(%arg13 : memref<!tpu.dma_semaphore, #tpu.memory_space<semaphore_mem>>) src(%dma_wait3A_123 : memref<128xi32, #tpu.memory_space<hbm>>) dst(%arg10 : memref<128xi32, #tpu.memory_space<vmem>>)
        %dma_start3A_124 = arith.constant 0 : i32
        %dma_start3A_125 = arith.constant 0 : i32
        %dma_start3A_126 = tpu.memref_slice %arg2[%dma_start3A_124, %dma_start3A_125] : memref<10000x128xf32, #tpu.memory_space<hbm>> -> memref<10000x128xf32, #tpu.memory_space<hbm>>
        tpu.enqueue_indirect_dma source(%dma_start3A_126 : memref<10000x128xf32, #tpu.memory_space<hbm>>) target(%arg6 : memref<128x128xf32, #tpu.memory_space<vmem>>) offsets(%arg8 : memref<128xi32, #tpu.memory_space<vmem>>) semaphore(%arg15 : memref<!tpu.dma_semaphore, #tpu.memory_space<semaphore_mem>>)
        %dma_wait3A_127 = arith.constant 0 : i32
        %dma_wait3A_128 = arith.constant 0 : i32
        %dma_wait3A_129 = tpu.memref_slice %arg2[%dma_wait3A_127, %dma_wait3A_128] : memref<10000x128xf32, #tpu.memory_space<hbm>> -> memref<10000x128xf32, #tpu.memory_space<hbm>>
        tpu.wait_indirect_dma semaphore(%arg16 : memref<!tpu.dma_semaphore, #tpu.memory_space<semaphore_mem>>) src(%dma_wait3A_129 : memref<10000x128xf32, #tpu.memory_space<hbm>>) dst(%arg7 : memref<128x128xf32, #tpu.memory_space<vmem>>)
        "tpu.region"() ({
          %run_scoped3A = tpu.sem_alloc : memref<!tpu.dma_semaphore, #tpu.memory_space<semaphore_mem>>
          %dma_start3A_159 = arith.constant 0 : i32
          %dma_start3A_160 = arith.constant 0 : i32
          %dma_start3A_161 = tpu.memref_slice %arg12[%dma_start3A_159, %dma_start3A_160] : memref<10240x128xf32, #tpu.memory_space<vmem_shared>> -> memref<10240x128xf32, #tpu.memory_space<vmem_shared>>
          tpu.enqueue_indirect_dma source(%arg7 : memref<128x128xf32, #tpu.memory_space<vmem>>) target(%dma_start3A_161 : memref<10240x128xf32, #tpu.memory_space<vmem_shared>>) offsets(%arg11 : memref<128xi32, #tpu.memory_space<vmem>>) semaphore(%run_scoped3A : memref<!tpu.dma_semaphore, #tpu.memory_space<semaphore_mem>>) {add = true}
          %dma_wait3A_162 = arith.constant 0 : i32
          %dma_wait3A_163 = arith.constant 0 : i32
          %dma_wait3A_164 = tpu.memref_slice %arg12[%dma_wait3A_162, %dma_wait3A_163] : memref<10240x128xf32, #tpu.memory_space<vmem_shared>> -> memref<10240x128xf32, #tpu.memory_space<vmem_shared>>
          tpu.wait_indirect_dma semaphore(%run_scoped3A : memref<!tpu.dma_semaphore, #tpu.memory_space<semaphore_mem>>) src(%arg7 : memref<128x128xf32, #tpu.memory_space<vmem>>) dst(%dma_wait3A_164 : memref<10240x128xf32, #tpu.memory_space<vmem_shared>>)
          tpu.yield
        }) : () -> ()
        %add3A_130 = arith.constant 3 : i32
        %add3A_131 = arith.addi %add3A_94, %add3A_130 : i32
        %dma_start3A_132 = arith.constant 0 : i32
        %dma_start3A_133 = tpu.memref_slice %arg3[%add3A_131, %dma_start3A_132] : memref<2560x128xi32, #tpu.memory_space<hbm>> -> memref<1x128xi32, #tpu.memory_space<hbm>>
        %dma_start3A_134 = tpu.memref_squeeze %dma_start3A_133 : memref<1x128xi32, #tpu.memory_space<hbm>> -> memref<128xi32, #tpu.memory_space<hbm>>
        %dma_start3A_135 = arith.constant 0 : i32
        %dma_start3A_136 = tpu.memref_slice %arg3[%add3A_131, %dma_start3A_135] : memref<2560x128xi32, #tpu.memory_space<hbm>> -> memref<1x128xi32, #tpu.memory_space<hbm>>
        %dma_start3A_137 = tpu.memref_squeeze %dma_start3A_136 : memref<1x128xi32, #tpu.memory_space<hbm>> -> memref<128xi32, #tpu.memory_space<hbm>>
        tpu.enqueue_dma source(%dma_start3A_137 : memref<128xi32, #tpu.memory_space<hbm>>) target(%arg9 : memref<128xi32, #tpu.memory_space<vmem>>) target_semaphore(%arg14 : memref<!tpu.dma_semaphore, #tpu.memory_space<semaphore_mem>>)
        %dma_start3A_138 = arith.constant 0 : i32
        %dma_start3A_139 = tpu.memref_slice %arg4[%add3A_131, %dma_start3A_138] : memref<2560x128xi32, #tpu.memory_space<hbm>> -> memref<1x128xi32, #tpu.memory_space<hbm>>
        %dma_start3A_140 = tpu.memref_squeeze %dma_start3A_139 : memref<1x128xi32, #tpu.memory_space<hbm>> -> memref<128xi32, #tpu.memory_space<hbm>>
        %dma_start3A_141 = arith.constant 0 : i32
        %dma_start3A_142 = tpu.memref_slice %arg4[%add3A_131, %dma_start3A_141] : memref<2560x128xi32, #tpu.memory_space<hbm>> -> memref<1x128xi32, #tpu.memory_space<hbm>>
        %dma_start3A_143 = tpu.memref_squeeze %dma_start3A_142 : memref<1x128xi32, #tpu.memory_space<hbm>> -> memref<128xi32, #tpu.memory_space<hbm>>
        tpu.enqueue_dma source(%dma_start3A_143 : memref<128xi32, #tpu.memory_space<hbm>>) target(%arg11 : memref<128xi32, #tpu.memory_space<vmem>>) target_semaphore(%arg14 : memref<!tpu.dma_semaphore, #tpu.memory_space<semaphore_mem>>)
        %dma_wait3A_144 = arith.constant 0 : i32
        %dma_wait3A_145 = tpu.memref_slice %arg3[%add3A_131, %dma_wait3A_144] : memref<2560x128xi32, #tpu.memory_space<hbm>> -> memref<1x128xi32, #tpu.memory_space<hbm>>
        %dma_wait3A_146 = tpu.memref_squeeze %dma_wait3A_145 : memref<1x128xi32, #tpu.memory_space<hbm>> -> memref<128xi32, #tpu.memory_space<hbm>>
        %dma_wait3A_147 = arith.constant 0 : i32
        %dma_wait3A_148 = tpu.memref_slice %arg3[%add3A_131, %dma_wait3A_147] : memref<2560x128xi32, #tpu.memory_space<hbm>> -> memref<1x128xi32, #tpu.memory_space<hbm>>
        %dma_wait3A_149 = tpu.memref_squeeze %dma_wait3A_148 : memref<1x128xi32, #tpu.memory_space<hbm>> -> memref<128xi32, #tpu.memory_space<hbm>>
        tpu.wait_dma2 semaphore(%arg14 : memref<!tpu.dma_semaphore, #tpu.memory_space<semaphore_mem>>) src(%dma_wait3A_149 : memref<128xi32, #tpu.memory_space<hbm>>) dst(%arg9 : memref<128xi32, #tpu.memory_space<vmem>>)
        %dma_wait3A_150 = arith.constant 0 : i32
        %dma_wait3A_151 = tpu.memref_slice %arg4[%add3A_131, %dma_wait3A_150] : memref<2560x128xi32, #tpu.memory_space<hbm>> -> memref<1x128xi32, #tpu.memory_space<hbm>>
        %dma_wait3A_152 = tpu.memref_squeeze %dma_wait3A_151 : memref<1x128xi32, #tpu.memory_space<hbm>> -> memref<128xi32, #tpu.memory_space<hbm>>
        %dma_wait3A_153 = arith.constant 0 : i32
        %dma_wait3A_154 = tpu.memref_slice %arg4[%add3A_131, %dma_wait3A_153] : memref<2560x128xi32, #tpu.memory_space<hbm>> -> memref<1x128xi32, #tpu.memory_space<hbm>>
        %dma_wait3A_155 = tpu.memref_squeeze %dma_wait3A_154 : memref<1x128xi32, #tpu.memory_space<hbm>> -> memref<128xi32, #tpu.memory_space<hbm>>
        tpu.wait_dma2 semaphore(%arg14 : memref<!tpu.dma_semaphore, #tpu.memory_space<semaphore_mem>>) src(%dma_wait3A_155 : memref<128xi32, #tpu.memory_space<hbm>>) dst(%arg11 : memref<128xi32, #tpu.memory_space<vmem>>)
        %dma_start3A_156 = arith.constant 0 : i32
        %dma_start3A_157 = arith.constant 0 : i32
        %dma_start3A_158 = tpu.memref_slice %arg2[%dma_start3A_156, %dma_start3A_157] : memref<10000x128xf32, #tpu.memory_space<hbm>> -> memref<10000x128xf32, #tpu.memory_space<hbm>>
        tpu.enqueue_indirect_dma source(%dma_start3A_158 : memref<10000x128xf32, #tpu.memory_space<hbm>>) target(%arg7 : memref<128x128xf32, #tpu.memory_space<vmem>>) offsets(%arg9 : memref<128xi32, #tpu.memory_space<vmem>>) semaphore(%arg16 : memref<!tpu.dma_semaphore, #tpu.memory_space<semaphore_mem>>)
      }
      %scan3A_84 = arith.constant 15 : i32
      %dma_wait3A_85 = arith.constant 0 : i32
      %dma_wait3A_86 = arith.constant 0 : i32
      %dma_wait3A_87 = tpu.memref_slice %arg2[%dma_wait3A_85, %dma_wait3A_86] : memref<10000x128xf32, #tpu.memory_space<hbm>> -> memref<10000x128xf32, #tpu.memory_space<hbm>>
      tpu.wait_indirect_dma semaphore(%arg15 : memref<!tpu.dma_semaphore, #tpu.memory_space<semaphore_mem>>) src(%dma_wait3A_87 : memref<10000x128xf32, #tpu.memory_space<hbm>>) dst(%arg6 : memref<128x128xf32, #tpu.memory_space<vmem>>)
      "tpu.region"() ({
        %run_scoped3A = tpu.sem_alloc : memref<!tpu.dma_semaphore, #tpu.memory_space<semaphore_mem>>
        %dma_start3A_91 = arith.constant 0 : i32
        %dma_start3A_92 = arith.constant 0 : i32
        %dma_start3A_93 = tpu.memref_slice %arg12[%dma_start3A_91, %dma_start3A_92] : memref<10240x128xf32, #tpu.memory_space<vmem_shared>> -> memref<10240x128xf32, #tpu.memory_space<vmem_shared>>
        tpu.enqueue_indirect_dma source(%arg6 : memref<128x128xf32, #tpu.memory_space<vmem>>) target(%dma_start3A_93 : memref<10240x128xf32, #tpu.memory_space<vmem_shared>>) offsets(%arg10 : memref<128xi32, #tpu.memory_space<vmem>>) semaphore(%run_scoped3A : memref<!tpu.dma_semaphore, #tpu.memory_space<semaphore_mem>>) {add = true}
        %dma_wait3A_94 = arith.constant 0 : i32
        %dma_wait3A_95 = arith.constant 0 : i32
        %dma_wait3A_96 = tpu.memref_slice %arg12[%dma_wait3A_94, %dma_wait3A_95] : memref<10240x128xf32, #tpu.memory_space<vmem_shared>> -> memref<10240x128xf32, #tpu.memory_space<vmem_shared>>
        tpu.wait_indirect_dma semaphore(%run_scoped3A : memref<!tpu.dma_semaphore, #tpu.memory_space<semaphore_mem>>) src(%arg6 : memref<128x128xf32, #tpu.memory_space<vmem>>) dst(%dma_wait3A_96 : memref<10240x128xf32, #tpu.memory_space<vmem_shared>>)
        tpu.yield
      }) : () -> ()
      %dma_wait3A_88 = arith.constant 0 : i32
      %dma_wait3A_89 = arith.constant 0 : i32
      %dma_wait3A_90 = tpu.memref_slice %arg2[%dma_wait3A_88, %dma_wait3A_89] : memref<10000x128xf32, #tpu.memory_space<hbm>> -> memref<10000x128xf32, #tpu.memory_space<hbm>>
      tpu.wait_indirect_dma semaphore(%arg16 : memref<!tpu.dma_semaphore, #tpu.memory_space<semaphore_mem>>) src(%dma_wait3A_90 : memref<10000x128xf32, #tpu.memory_space<hbm>>) dst(%arg7 : memref<128x128xf32, #tpu.memory_space<vmem>>)
      "tpu.region"() ({
        %run_scoped3A = tpu.sem_alloc : memref<!tpu.dma_semaphore, #tpu.memory_space<semaphore_mem>>
        %dma_start3A_91 = arith.constant 0 : i32
        %dma_start3A_92 = arith.constant 0 : i32
        %dma_start3A_93 = tpu.memref_slice %arg12[%dma_start3A_91, %dma_start3A_92] : memref<10240x128xf32, #tpu.memory_space<vmem_shared>> -> memref<10240x128xf32, #tpu.memory_space<vmem_shared>>
        tpu.enqueue_indirect_dma source(%arg7 : memref<128x128xf32, #tpu.memory_space<vmem>>) target(%dma_start3A_93 : memref<10240x128xf32, #tpu.memory_space<vmem_shared>>) offsets(%arg11 : memref<128xi32, #tpu.memory_space<vmem>>) semaphore(%run_scoped3A : memref<!tpu.dma_semaphore, #tpu.memory_space<semaphore_mem>>) {add = true}
        %dma_wait3A_94 = arith.constant 0 : i32
        %dma_wait3A_95 = arith.constant 0 : i32
        %dma_wait3A_96 = tpu.memref_slice %arg12[%dma_wait3A_94, %dma_wait3A_95] : memref<10240x128xf32, #tpu.memory_space<vmem_shared>> -> memref<10240x128xf32, #tpu.memory_space<vmem_shared>>
        tpu.wait_indirect_dma semaphore(%run_scoped3A : memref<!tpu.dma_semaphore, #tpu.memory_space<semaphore_mem>>) src(%arg7 : memref<128x128xf32, #tpu.memory_space<vmem>>) dst(%dma_wait3A_96 : memref<10240x128xf32, #tpu.memory_space<vmem_shared>>)
        tpu.yield
      }) : () -> ()
    } else {
    }
    %barrier3A_18 = arith.constant 0 : index
    tpu.barrier barrier_id(%barrier3A_18)
    %mul3A = arith.constant 640 : i32
    %mul3A_19 = arith.muli %arg1, %mul3A : i32
    %mul3A_20 = arith.constant 640 : i32
    %mul3A_21 = arith.muli %arg1, %mul3A_20 : i32
    "tpu.region"() ({
      %run_scoped3A = tpu.sem_alloc : memref<!tpu.dma_semaphore, #tpu.memory_space<semaphore_mem>>
      %dma_start3A = arith.constant 0 : i32
      %dma_start3A_22 = arith.constant 0 : i32
      %dma_start3A_23 = tpu.memref_slice %arg5[%arg0, %dma_start3A, %dma_start3A_22] : memref<2x10240x128xf32, #tpu.memory_space<hbm>> -> memref<1x10240x128xf32, #tpu.memory_space<hbm>>
      %dma_start3A_24 = tpu.memref_squeeze %dma_start3A_23 : memref<1x10240x128xf32, #tpu.memory_space<hbm>> -> memref<10240x128xf32, #tpu.memory_space<hbm>>
      %dma_start3A_25 = arith.constant 0 : i32
      %dma_start3A_26 = tpu.memref_slice %dma_start3A_24[%mul3A_21, %dma_start3A_25] : memref<10240x128xf32, #tpu.memory_space<hbm>> -> memref<640x128xf32, #tpu.memory_space<hbm>>
      %dma_start3A_27 = arith.constant 0 : i32
      %dma_start3A_28 = tpu.memref_slice %arg12[%mul3A_19, %dma_start3A_27] : memref<10240x128xf32, #tpu.memory_space<vmem_shared>> -> memref<640x128xf32, #tpu.memory_space<vmem_shared>>
      tpu.enqueue_dma source(%dma_start3A_28 : memref<640x128xf32, #tpu.memory_space<vmem_shared>>) target(%dma_start3A_26 : memref<640x128xf32, #tpu.memory_space<hbm>>) target_semaphore(%run_scoped3A : memref<!tpu.dma_semaphore, #tpu.memory_space<semaphore_mem>>)
      %dma_wait3A = arith.constant 0 : i32
      %dma_wait3A_29 = arith.constant 0 : i32
      %dma_wait3A_30 = tpu.memref_slice %arg5[%arg0, %dma_wait3A, %dma_wait3A_29] : memref<2x10240x128xf32, #tpu.memory_space<hbm>> -> memref<1x10240x128xf32, #tpu.memory_space<hbm>>
      %dma_wait3A_31 = tpu.memref_squeeze %dma_wait3A_30 : memref<1x10240x128xf32, #tpu.memory_space<hbm>> -> memref<10240x128xf32, #tpu.memory_space<hbm>>
      %dma_wait3A_32 = arith.constant 0 : i32
      %dma_wait3A_33 = tpu.memref_slice %dma_wait3A_31[%mul3A_21, %dma_wait3A_32] : memref<10240x128xf32, #tpu.memory_space<hbm>> -> memref<640x128xf32, #tpu.memory_space<hbm>>
      %dma_wait3A_34 = arith.constant 0 : i32
      %dma_wait3A_35 = tpu.memref_slice %arg12[%mul3A_19, %dma_wait3A_34] : memref<10240x128xf32, #tpu.memory_space<vmem_shared>> -> memref<640x128xf32, #tpu.memory_space<vmem_shared>>
      tpu.wait_dma2 semaphore(%run_scoped3A : memref<!tpu.dma_semaphore, #tpu.memory_space<semaphore_mem>>) src(%dma_wait3A_35 : memref<640x128xf32, #tpu.memory_space<vmem_shared>>) dst(%dma_wait3A_33 : memref<640x128xf32, #tpu.memory_space<hbm>>)
      tpu.yield
    }) : () -> ()
    return
  }
}

#map = affine_map<(d0, d1) -> (0, 0)>
#map1 = affine_map<(d0, d1) -> (0, 0, 0)>
module attributes {stable_mosaic.version = 14 : i64} {
  func.func @_agg_body(%arg0: i32, %arg1: i32, %arg2: memref<10000x128xf32, #tpu.memory_space<hbm>>, %arg3: memref<2560x128xi32, #tpu.memory_space<hbm>>, %arg4: memref<2560x128xi32, #tpu.memory_space<hbm>>, %arg5: memref<2x10240x128xf32, #tpu.memory_space<hbm>>, %arg6: memref<128x128xf32, #tpu.memory_space<vmem>>, %arg7: memref<128x128xf32, #tpu.memory_space<vmem>>, %arg8: memref<128xi32, #tpu.memory_space<vmem>>, %arg9: memref<128xi32, #tpu.memory_space<vmem>>, %arg10: memref<128xi32, #tpu.memory_space<vmem>>, %arg11: memref<128xi32, #tpu.memory_space<vmem>>, %arg12: memref<10240x128xf32, #tpu.memory_space<vmem_shared>>, %arg13: memref<!tpu.dma_semaphore, #tpu.memory_space<semaphore_mem>>, %arg14: memref<!tpu.dma_semaphore, #tpu.memory_space<semaphore_mem>>, %arg15: memref<!tpu.dma_semaphore, #tpu.memory_space<semaphore_mem>>, %arg16: memref<!tpu.dma_semaphore, #tpu.memory_space<semaphore_mem>>) attributes {dimension_semantics = [#tpu.dimension_semantics<core_parallel>, #tpu.dimension_semantics<subcore_parallel>], iteration_bounds = array<i64: 2, 16>, scalar_prefetch = 0 : i64, scratch_operands = 11 : i64, tpu.core_type = #tpu.core_type<sc_vector_subcore>, window_params = [{transform_indices = #map}, {transform_indices = #map}, {transform_indices = #map}, {transform_indices = #map1}]} {
    %scan3A = arith.constant 0 : i32
    %scan3A_0 = arith.constant 0 : i32
    %scan3A_1 = arith.constant 128 : i32
    %scan3A_2 = arith.addi %scan3A_0, %scan3A_1 : i32
    %scan3A_3 = arith.constant 1 : i32
    scf.for %scan3A_22 = %scan3A_0 to %scan3A_2 step %scan3A_3  : i32 {
      %broadcast_in_dim3A = arith.constant 0.000000e+00 : f32
      %broadcast_in_dim3A_23 = vector.broadcast %broadcast_in_dim3A : f32 to vector<16xf32>
      %swap3A = arith.index_cast %scan3A_22 : i32 to index
      %swap3A_24 = arith.constant 0 : index
      %swap3A_25 = tpu.vector_load %arg6[%swap3A, %swap3A_24] {strides = array<i32>} : memref<128x128xf32, #tpu.memory_space<vmem>>, vector<1x16xf32>,
      %swap3A_26 = vector.shape_cast %swap3A_25 : vector<1x16xf32> to vector<16xf32>
      %swap3A_27 = vector.shape_cast %broadcast_in_dim3A_23 : vector<16xf32> to vector<1x16xf32>
      tpu.vector_store %arg6[%swap3A, %swap3A_24], %swap3A_27 {strides = array<i32>} : memref<128x128xf32, #tpu.memory_space<vmem>>, vector<1x16xf32>,
      %broadcast_in_dim3A_28 = arith.constant 0.000000e+00 : f32
      %broadcast_in_dim3A_29 = vector.broadcast %broadcast_in_dim3A_28 : f32 to vector<16xf32>
      %swap3A_30 = arith.index_cast %scan3A_22 : i32 to index
      %swap3A_31 = arith.constant 16 : index
      %swap3A_32 = tpu.vector_load %arg6[%swap3A_30, %swap3A_31] {strides = array<i32>} : memref<128x128xf32, #tpu.memory_space<vmem>>, vector<1x16xf32>,
      %swap3A_33 = vector.shape_cast %swap3A_32 : vector<1x16xf32> to vector<16xf32>
      %swap3A_34 = vector.shape_cast %broadcast_in_dim3A_29 : vector<16xf32> to vector<1x16xf32>
      tpu.vector_store %arg6[%swap3A_30, %swap3A_31], %swap3A_34 {strides = array<i32>} : memref<128x128xf32, #tpu.memory_space<vmem>>, vector<1x16xf32>,
      %broadcast_in_dim3A_35 = arith.constant 0.000000e+00 : f32
      %broadcast_in_dim3A_36 = vector.broadcast %broadcast_in_dim3A_35 : f32 to vector<16xf32>
      %swap3A_37 = arith.index_cast %scan3A_22 : i32 to index
      %swap3A_38 = arith.constant 32 : index
      %swap3A_39 = tpu.vector_load %arg6[%swap3A_37, %swap3A_38] {strides = array<i32>} : memref<128x128xf32, #tpu.memory_space<vmem>>, vector<1x16xf32>,
      %swap3A_40 = vector.shape_cast %swap3A_39 : vector<1x16xf32> to vector<16xf32>
      %swap3A_41 = vector.shape_cast %broadcast_in_dim3A_36 : vector<16xf32> to vector<1x16xf32>
      tpu.vector_store %arg6[%swap3A_37, %swap3A_38], %swap3A_41 {strides = array<i32>} : memref<128x128xf32, #tpu.memory_space<vmem>>, vector<1x16xf32>,
      %broadcast_in_dim3A_42 = arith.constant 0.000000e+00 : f32
      %broadcast_in_dim3A_43 = vector.broadcast %broadcast_in_dim3A_42 : f32 to vector<16xf32>
      %swap3A_44 = arith.index_cast %scan3A_22 : i32 to index
      %swap3A_45 = arith.constant 48 : index
      %swap3A_46 = tpu.vector_load %arg6[%swap3A_44, %swap3A_45] {strides = array<i32>} : memref<128x128xf32, #tpu.memory_space<vmem>>, vector<1x16xf32>,
      %swap3A_47 = vector.shape_cast %swap3A_46 : vector<1x16xf32> to vector<16xf32>
      %swap3A_48 = vector.shape_cast %broadcast_in_dim3A_43 : vector<16xf32> to vector<1x16xf32>
      tpu.vector_store %arg6[%swap3A_44, %swap3A_45], %swap3A_48 {strides = array<i32>} : memref<128x128xf32, #tpu.memory_space<vmem>>, vector<1x16xf32>,
      %broadcast_in_dim3A_49 = arith.constant 0.000000e+00 : f32
      %broadcast_in_dim3A_50 = vector.broadcast %broadcast_in_dim3A_49 : f32 to vector<16xf32>
      %swap3A_51 = arith.index_cast %scan3A_22 : i32 to index
      %swap3A_52 = arith.constant 64 : index
      %swap3A_53 = tpu.vector_load %arg6[%swap3A_51, %swap3A_52] {strides = array<i32>} : memref<128x128xf32, #tpu.memory_space<vmem>>, vector<1x16xf32>,
      %swap3A_54 = vector.shape_cast %swap3A_53 : vector<1x16xf32> to vector<16xf32>
      %swap3A_55 = vector.shape_cast %broadcast_in_dim3A_50 : vector<16xf32> to vector<1x16xf32>
      tpu.vector_store %arg6[%swap3A_51, %swap3A_52], %swap3A_55 {strides = array<i32>} : memref<128x128xf32, #tpu.memory_space<vmem>>, vector<1x16xf32>,
      %broadcast_in_dim3A_56 = arith.constant 0.000000e+00 : f32
      %broadcast_in_dim3A_57 = vector.broadcast %broadcast_in_dim3A_56 : f32 to vector<16xf32>
      %swap3A_58 = arith.index_cast %scan3A_22 : i32 to index
      %swap3A_59 = arith.constant 80 : index
      %swap3A_60 = tpu.vector_load %arg6[%swap3A_58, %swap3A_59] {strides = array<i32>} : memref<128x128xf32, #tpu.memory_space<vmem>>, vector<1x16xf32>,
      %swap3A_61 = vector.shape_cast %swap3A_60 : vector<1x16xf32> to vector<16xf32>
      %swap3A_62 = vector.shape_cast %broadcast_in_dim3A_57 : vector<16xf32> to vector<1x16xf32>
      tpu.vector_store %arg6[%swap3A_58, %swap3A_59], %swap3A_62 {strides = array<i32>} : memref<128x128xf32, #tpu.memory_space<vmem>>, vector<1x16xf32>,
      %broadcast_in_dim3A_63 = arith.constant 0.000000e+00 : f32
      %broadcast_in_dim3A_64 = vector.broadcast %broadcast_in_dim3A_63 : f32 to vector<16xf32>
      %swap3A_65 = arith.index_cast %scan3A_22 : i32 to index
      %swap3A_66 = arith.constant 96 : index
      %swap3A_67 = tpu.vector_load %arg6[%swap3A_65, %swap3A_66] {strides = array<i32>} : memref<128x128xf32, #tpu.memory_space<vmem>>, vector<1x16xf32>,
      %swap3A_68 = vector.shape_cast %swap3A_67 : vector<1x16xf32> to vector<16xf32>
      %swap3A_69 = vector.shape_cast %broadcast_in_dim3A_64 : vector<16xf32> to vector<1x16xf32>
      tpu.vector_store %arg6[%swap3A_65, %swap3A_66], %swap3A_69 {strides = array<i32>} : memref<128x128xf32, #tpu.memory_space<vmem>>, vector<1x16xf32>,
      %broadcast_in_dim3A_70 = arith.constant 0.000000e+00 : f32
      %broadcast_in_dim3A_71 = vector.broadcast %broadcast_in_dim3A_70 : f32 to vector<16xf32>
      %swap3A_72 = arith.index_cast %scan3A_22 : i32 to index
      %swap3A_73 = arith.constant 112 : index
      %swap3A_74 = tpu.vector_load %arg6[%swap3A_72, %swap3A_73] {strides = array<i32>} : memref<128x128xf32, #tpu.memory_space<vmem>>, vector<1x16xf32>,
      %swap3A_75 = vector.shape_cast %swap3A_74 : vector<1x16xf32> to vector<16xf32>
      %swap3A_76 = vector.shape_cast %broadcast_in_dim3A_71 : vector<16xf32> to vector<1x16xf32>
      tpu.vector_store %arg6[%swap3A_72, %swap3A_73], %swap3A_76 {strides = array<i32>} : memref<128x128xf32, #tpu.memory_space<vmem>>, vector<1x16xf32>,
    }
    %scan3A_4 = arith.constant 128 : i32
    %scan3A_5 = arith.constant 0 : i32
    %scan3A_6 = arith.constant 0 : i32
    %scan3A_7 = arith.constant 5 : i32
    %scan3A_8 = arith.addi %scan3A_6, %scan3A_7 : i32
    %scan3A_9 = arith.constant 1 : i32
    scf.for %scan3A_22 = %scan3A_6 to %scan3A_8 step %scan3A_9  : i32 {
      %mul3A_23 = arith.constant 640 : i32
      %mul3A_24 = arith.muli %arg1, %mul3A_23 : i32
      %mul3A_25 = arith.constant 128 : i32
      %mul3A_26 = arith.muli %scan3A_22, %mul3A_25 : i32
      %add3A = arith.addi %mul3A_24, %mul3A_26 : i32
      "tpu.region"() ({
        %run_scoped3A = tpu.sem_alloc : memref<!tpu.dma_semaphore, #tpu.memory_space<semaphore_mem>>
        %dma_start3A = arith.constant 0 : i32
        %dma_start3A_27 = tpu.memref_slice %arg12[%add3A, %dma_start3A] : memref<10240x128xf32, #tpu.memory_space<vmem_shared>> -> memref<128x128xf32, #tpu.memory_space<vmem_shared>>
        %dma_start3A_28 = arith.constant 0 : i32
        %dma_start3A_29 = tpu.memref_slice %arg12[%add3A, %dma_start3A_28] : memref<10240x128xf32, #tpu.memory_space<vmem_shared>> -> memref<128x128xf32, #tpu.memory_space<vmem_shared>>
        tpu.enqueue_dma source(%arg6 : memref<128x128xf32, #tpu.memory_space<vmem>>) target(%dma_start3A_29 : memref<128x128xf32, #tpu.memory_space<vmem_shared>>) target_semaphore(%run_scoped3A : memref<!tpu.dma_semaphore, #tpu.memory_space<semaphore_mem>>)
        %dma_wait3A = arith.constant 0 : i32
        %dma_wait3A_30 = tpu.memref_slice %arg12[%add3A, %dma_wait3A] : memref<10240x128xf32, #tpu.memory_space<vmem_shared>> -> memref<128x128xf32, #tpu.memory_space<vmem_shared>>
        %dma_wait3A_31 = arith.constant 0 : i32
        %dma_wait3A_32 = tpu.memref_slice %arg12[%add3A, %dma_wait3A_31] : memref<10240x128xf32, #tpu.memory_space<vmem_shared>> -> memref<128x128xf32, #tpu.memory_space<vmem_shared>>
        tpu.wait_dma2 semaphore(%run_scoped3A : memref<!tpu.dma_semaphore, #tpu.memory_space<semaphore_mem>>) src(%arg6 : memref<128x128xf32, #tpu.memory_space<vmem>>) dst(%dma_wait3A_32 : memref<128x128xf32, #tpu.memory_space<vmem_shared>>)
        tpu.yield
      }) : () -> ()
    }
    %scan3A_10 = arith.constant 5 : i32
    %barrier3A = arith.constant 0 : index
    tpu.barrier barrier_id(%barrier3A)
    %eq3A = arith.constant 0 : i32
    %eq3A_11 = arith.cmpi eq, %arg0, %eq3A : i32
    %convert_element_type3A = arith.extui %eq3A_11 : i1 to i32
    %cond3A = arith.constant 0 : i32
    %cond3A_12 = arith.cmpi ne, %convert_element_type3A, %cond3A : i32
    scf.if %cond3A_12 {
      %mul3A_22 = arith.constant 128 : i32
      %mul3A_23 = arith.muli %arg1, %mul3A_22 : i32
      %dma_start3A = arith.constant 0 : i32
      %dma_start3A_24 = tpu.memref_slice %arg3[%mul3A_23, %dma_start3A] : memref<2560x128xi32, #tpu.memory_space<hbm>> -> memref<1x128xi32, #tpu.memory_space<hbm>>
      %dma_start3A_25 = tpu.memref_squeeze %dma_start3A_24 : memref<1x128xi32, #tpu.memory_space<hbm>> -> memref<128xi32, #tpu.memory_space<hbm>>
      %dma_start3A_26 = arith.constant 0 : i32
      %dma_start3A_27 = tpu.memref_slice %arg3[%mul3A_23, %dma_start3A_26] : memref<2560x128xi32, #tpu.memory_space<hbm>> -> memref<1x128xi32, #tpu.memory_space<hbm>>
      %dma_start3A_28 = tpu.memref_squeeze %dma_start3A_27 : memref<1x128xi32, #tpu.memory_space<hbm>> -> memref<128xi32, #tpu.memory_space<hbm>>
      tpu.enqueue_dma source(%dma_start3A_28 : memref<128xi32, #tpu.memory_space<hbm>>) target(%arg8 : memref<128xi32, #tpu.memory_space<vmem>>) target_semaphore(%arg13 : memref<!tpu.dma_semaphore, #tpu.memory_space<semaphore_mem>>)
      %dma_start3A_29 = arith.constant 0 : i32
      %dma_start3A_30 = tpu.memref_slice %arg4[%mul3A_23, %dma_start3A_29] : memref<2560x128xi32, #tpu.memory_space<hbm>> -> memref<1x128xi32, #tpu.memory_space<hbm>>
      %dma_start3A_31 = tpu.memref_squeeze %dma_start3A_30 : memref<1x128xi32, #tpu.memory_space<hbm>> -> memref<128xi32, #tpu.memory_space<hbm>>
      %dma_start3A_32 = arith.constant 0 : i32
      %dma_start3A_33 = tpu.memref_slice %arg4[%mul3A_23, %dma_start3A_32] : memref<2560x128xi32, #tpu.memory_space<hbm>> -> memref<1x128xi32, #tpu.memory_space<hbm>>
      %dma_start3A_34 = tpu.memref_squeeze %dma_start3A_33 : memref<1x128xi32, #tpu.memory_space<hbm>> -> memref<128xi32, #tpu.memory_space<hbm>>
      tpu.enqueue_dma source(%dma_start3A_34 : memref<128xi32, #tpu.memory_space<hbm>>) target(%arg10 : memref<128xi32, #tpu.memory_space<vmem>>) target_semaphore(%arg13 : memref<!tpu.dma_semaphore, #tpu.memory_space<semaphore_mem>>)
      %dma_wait3A = arith.constant 0 : i32
      %dma_wait3A_35 = tpu.memref_slice %arg3[%mul3A_23, %dma_wait3A] : memref<2560x128xi32, #tpu.memory_space<hbm>> -> memref<1x128xi32, #tpu.memory_space<hbm>>
      %dma_wait3A_36 = tpu.memref_squeeze %dma_wait3A_35 : memref<1x128xi32, #tpu.memory_space<hbm>> -> memref<128xi32, #tpu.memory_space<hbm>>
      %dma_wait3A_37 = arith.constant 0 : i32
      %dma_wait3A_38 = tpu.memref_slice %arg3[%mul3A_23, %dma_wait3A_37] : memref<2560x128xi32, #tpu.memory_space<hbm>> -> memref<1x128xi32, #tpu.memory_space<hbm>>
      %dma_wait3A_39 = tpu.memref_squeeze %dma_wait3A_38 : memref<1x128xi32, #tpu.memory_space<hbm>> -> memref<128xi32, #tpu.memory_space<hbm>>
      tpu.wait_dma2 semaphore(%arg13 : memref<!tpu.dma_semaphore, #tpu.memory_space<semaphore_mem>>) src(%dma_wait3A_39 : memref<128xi32, #tpu.memory_space<hbm>>) dst(%arg8 : memref<128xi32, #tpu.memory_space<vmem>>)
      %dma_wait3A_40 = arith.constant 0 : i32
      %dma_wait3A_41 = tpu.memref_slice %arg4[%mul3A_23, %dma_wait3A_40] : memref<2560x128xi32, #tpu.memory_space<hbm>> -> memref<1x128xi32, #tpu.memory_space<hbm>>
      %dma_wait3A_42 = tpu.memref_squeeze %dma_wait3A_41 : memref<1x128xi32, #tpu.memory_space<hbm>> -> memref<128xi32, #tpu.memory_space<hbm>>
      %dma_wait3A_43 = arith.constant 0 : i32
      %dma_wait3A_44 = tpu.memref_slice %arg4[%mul3A_23, %dma_wait3A_43] : memref<2560x128xi32, #tpu.memory_space<hbm>> -> memref<1x128xi32, #tpu.memory_space<hbm>>
      %dma_wait3A_45 = tpu.memref_squeeze %dma_wait3A_44 : memref<1x128xi32, #tpu.memory_space<hbm>> -> memref<128xi32, #tpu.memory_space<hbm>>
      tpu.wait_dma2 semaphore(%arg13 : memref<!tpu.dma_semaphore, #tpu.memory_space<semaphore_mem>>) src(%dma_wait3A_45 : memref<128xi32, #tpu.memory_space<hbm>>) dst(%arg10 : memref<128xi32, #tpu.memory_space<vmem>>)
      %dma_start3A_46 = arith.constant 0 : i32
      %dma_start3A_47 = arith.constant 0 : i32
      %dma_start3A_48 = tpu.memref_slice %arg2[%dma_start3A_46, %dma_start3A_47] : memref<10000x128xf32, #tpu.memory_space<hbm>> -> memref<10000x128xf32, #tpu.memory_space<hbm>>
      tpu.enqueue_indirect_dma source(%dma_start3A_48 : memref<10000x128xf32, #tpu.memory_space<hbm>>) target(%arg6 : memref<128x128xf32, #tpu.memory_space<vmem>>) offsets(%arg8 : memref<128xi32, #tpu.memory_space<vmem>>) semaphore(%arg15 : memref<!tpu.dma_semaphore, #tpu.memory_space<semaphore_mem>>)
      %add3A = arith.constant 1 : i32
      %add3A_49 = arith.addi %mul3A_23, %add3A : i32
      %dma_start3A_50 = arith.constant 0 : i32
      %dma_start3A_51 = tpu.memref_slice %arg3[%add3A_49, %dma_start3A_50] : memref<2560x128xi32, #tpu.memory_space<hbm>> -> memref<1x128xi32, #tpu.memory_space<hbm>>
      %dma_start3A_52 = tpu.memref_squeeze %dma_start3A_51 : memref<1x128xi32, #tpu.memory_space<hbm>> -> memref<128xi32, #tpu.memory_space<hbm>>
      %dma_start3A_53 = arith.constant 0 : i32
      %dma_start3A_54 = tpu.memref_slice %arg3[%add3A_49, %dma_start3A_53] : memref<2560x128xi32, #tpu.memory_space<hbm>> -> memref<1x128xi32, #tpu.memory_space<hbm>>
      %dma_start3A_55 = tpu.memref_squeeze %dma_start3A_54 : memref<1x128xi32, #tpu.memory_space<hbm>> -> memref<128xi32, #tpu.memory_space<hbm>>
      tpu.enqueue_dma source(%dma_start3A_55 : memref<128xi32, #tpu.memory_space<hbm>>) target(%arg9 : memref<128xi32, #tpu.memory_space<vmem>>) target_semaphore(%arg14 : memref<!tpu.dma_semaphore, #tpu.memory_space<semaphore_mem>>)
      %dma_start3A_56 = arith.constant 0 : i32
      %dma_start3A_57 = tpu.memref_slice %arg4[%add3A_49, %dma_start3A_56] : memref<2560x128xi32, #tpu.memory_space<hbm>> -> memref<1x128xi32, #tpu.memory_space<hbm>>
      %dma_start3A_58 = tpu.memref_squeeze %dma_start3A_57 : memref<1x128xi32, #tpu.memory_space<hbm>> -> memref<128xi32, #tpu.memory_space<hbm>>
      %dma_start3A_59 = arith.constant 0 : i32
      %dma_start3A_60 = tpu.memref_slice %arg4[%add3A_49, %dma_start3A_59] : memref<2560x128xi32, #tpu.memory_space<hbm>> -> memref<1x128xi32, #tpu.memory_space<hbm>>
      %dma_start3A_61 = tpu.memref_squeeze %dma_start3A_60 : memref<1x128xi32, #tpu.memory_space<hbm>> -> memref<128xi32, #tpu.memory_space<hbm>>
      tpu.enqueue_dma source(%dma_start3A_61 : memref<128xi32, #tpu.memory_space<hbm>>) target(%arg11 : memref<128xi32, #tpu.memory_space<vmem>>) target_semaphore(%arg14 : memref<!tpu.dma_semaphore, #tpu.memory_space<semaphore_mem>>)
      %dma_wait3A_62 = arith.constant 0 : i32
      %dma_wait3A_63 = tpu.memref_slice %arg3[%add3A_49, %dma_wait3A_62] : memref<2560x128xi32, #tpu.memory_space<hbm>> -> memref<1x128xi32, #tpu.memory_space<hbm>>
      %dma_wait3A_64 = tpu.memref_squeeze %dma_wait3A_63 : memref<1x128xi32, #tpu.memory_space<hbm>> -> memref<128xi32, #tpu.memory_space<hbm>>
      %dma_wait3A_65 = arith.constant 0 : i32
      %dma_wait3A_66 = tpu.memref_slice %arg3[%add3A_49, %dma_wait3A_65] : memref<2560x128xi32, #tpu.memory_space<hbm>> -> memref<1x128xi32, #tpu.memory_space<hbm>>
      %dma_wait3A_67 = tpu.memref_squeeze %dma_wait3A_66 : memref<1x128xi32, #tpu.memory_space<hbm>> -> memref<128xi32, #tpu.memory_space<hbm>>
      tpu.wait_dma2 semaphore(%arg14 : memref<!tpu.dma_semaphore, #tpu.memory_space<semaphore_mem>>) src(%dma_wait3A_67 : memref<128xi32, #tpu.memory_space<hbm>>) dst(%arg9 : memref<128xi32, #tpu.memory_space<vmem>>)
      %dma_wait3A_68 = arith.constant 0 : i32
      %dma_wait3A_69 = tpu.memref_slice %arg4[%add3A_49, %dma_wait3A_68] : memref<2560x128xi32, #tpu.memory_space<hbm>> -> memref<1x128xi32, #tpu.memory_space<hbm>>
      %dma_wait3A_70 = tpu.memref_squeeze %dma_wait3A_69 : memref<1x128xi32, #tpu.memory_space<hbm>> -> memref<128xi32, #tpu.memory_space<hbm>>
      %dma_wait3A_71 = arith.constant 0 : i32
      %dma_wait3A_72 = tpu.memref_slice %arg4[%add3A_49, %dma_wait3A_71] : memref<2560x128xi32, #tpu.memory_space<hbm>> -> memref<1x128xi32, #tpu.memory_space<hbm>>
      %dma_wait3A_73 = tpu.memref_squeeze %dma_wait3A_72 : memref<1x128xi32, #tpu.memory_space<hbm>> -> memref<128xi32, #tpu.memory_space<hbm>>
      tpu.wait_dma2 semaphore(%arg14 : memref<!tpu.dma_semaphore, #tpu.memory_space<semaphore_mem>>) src(%dma_wait3A_73 : memref<128xi32, #tpu.memory_space<hbm>>) dst(%arg11 : memref<128xi32, #tpu.memory_space<vmem>>)
      %dma_start3A_74 = arith.constant 0 : i32
      %dma_start3A_75 = arith.constant 0 : i32
      %dma_start3A_76 = tpu.memref_slice %arg2[%dma_start3A_74, %dma_start3A_75] : memref<10000x128xf32, #tpu.memory_space<hbm>> -> memref<10000x128xf32, #tpu.memory_space<hbm>>
      tpu.enqueue_indirect_dma source(%dma_start3A_76 : memref<10000x128xf32, #tpu.memory_space<hbm>>) target(%arg7 : memref<128x128xf32, #tpu.memory_space<vmem>>) offsets(%arg9 : memref<128xi32, #tpu.memory_space<vmem>>) semaphore(%arg16 : memref<!tpu.dma_semaphore, #tpu.memory_space<semaphore_mem>>)
      %scan3A_77 = arith.constant 0 : i32
      %scan3A_78 = arith.constant 0 : i32
      %scan3A_79 = arith.constant 63 : i32
      %scan3A_80 = arith.addi %scan3A_78, %scan3A_79 : i32
      %scan3A_81 = arith.constant 1 : i32
      scf.for %scan3A_89 = %scan3A_78 to %scan3A_80 step %scan3A_81  : i32 {
        %mul3A_90 = arith.constant 2 : i32
        %mul3A_91 = arith.muli %mul3A_90, %scan3A_89 : i32
        %add3A_92 = arith.addi %mul3A_23, %mul3A_91 : i32
        %dma_wait3A_93 = arith.constant 0 : i32
        %dma_wait3A_94 = arith.constant 0 : i32
        %dma_wait3A_95 = tpu.memref_slice %arg2[%dma_wait3A_93, %dma_wait3A_94] : memref<10000x128xf32, #tpu.memory_space<hbm>> -> memref<10000x128xf32, #tpu.memory_space<hbm>>
        tpu.wait_indirect_dma semaphore(%arg15 : memref<!tpu.dma_semaphore, #tpu.memory_space<semaphore_mem>>) src(%dma_wait3A_95 : memref<10000x128xf32, #tpu.memory_space<hbm>>) dst(%arg6 : memref<128x128xf32, #tpu.memory_space<vmem>>)
        "tpu.region"() ({
          %run_scoped3A = tpu.sem_alloc : memref<!tpu.dma_semaphore, #tpu.memory_space<semaphore_mem>>
          %dma_start3A_157 = arith.constant 0 : i32
          %dma_start3A_158 = arith.constant 0 : i32
          %dma_start3A_159 = tpu.memref_slice %arg12[%dma_start3A_157, %dma_start3A_158] : memref<10240x128xf32, #tpu.memory_space<vmem_shared>> -> memref<10240x128xf32, #tpu.memory_space<vmem_shared>>
          tpu.enqueue_indirect_dma source(%arg6 : memref<128x128xf32, #tpu.memory_space<vmem>>) target(%dma_start3A_159 : memref<10240x128xf32, #tpu.memory_space<vmem_shared>>) offsets(%arg10 : memref<128xi32, #tpu.memory_space<vmem>>) semaphore(%run_scoped3A : memref<!tpu.dma_semaphore, #tpu.memory_space<semaphore_mem>>) {add = true}
          %dma_wait3A_160 = arith.constant 0 : i32
          %dma_wait3A_161 = arith.constant 0 : i32
          %dma_wait3A_162 = tpu.memref_slice %arg12[%dma_wait3A_160, %dma_wait3A_161] : memref<10240x128xf32, #tpu.memory_space<vmem_shared>> -> memref<10240x128xf32, #tpu.memory_space<vmem_shared>>
          tpu.wait_indirect_dma semaphore(%run_scoped3A : memref<!tpu.dma_semaphore, #tpu.memory_space<semaphore_mem>>) src(%arg6 : memref<128x128xf32, #tpu.memory_space<vmem>>) dst(%dma_wait3A_162 : memref<10240x128xf32, #tpu.memory_space<vmem_shared>>)
          tpu.yield
        }) : () -> ()
        %add3A_96 = arith.constant 2 : i32
        %add3A_97 = arith.addi %add3A_92, %add3A_96 : i32
        %dma_start3A_98 = arith.constant 0 : i32
        %dma_start3A_99 = tpu.memref_slice %arg3[%add3A_97, %dma_start3A_98] : memref<2560x128xi32, #tpu.memory_space<hbm>> -> memref<1x128xi32, #tpu.memory_space<hbm>>
        %dma_start3A_100 = tpu.memref_squeeze %dma_start3A_99 : memref<1x128xi32, #tpu.memory_space<hbm>> -> memref<128xi32, #tpu.memory_space<hbm>>
        %dma_start3A_101 = arith.constant 0 : i32
        %dma_start3A_102 = tpu.memref_slice %arg3[%add3A_97, %dma_start3A_101] : memref<2560x128xi32, #tpu.memory_space<hbm>> -> memref<1x128xi32, #tpu.memory_space<hbm>>
        %dma_start3A_103 = tpu.memref_squeeze %dma_start3A_102 : memref<1x128xi32, #tpu.memory_space<hbm>> -> memref<128xi32, #tpu.memory_space<hbm>>
        tpu.enqueue_dma source(%dma_start3A_103 : memref<128xi32, #tpu.memory_space<hbm>>) target(%arg8 : memref<128xi32, #tpu.memory_space<vmem>>) target_semaphore(%arg13 : memref<!tpu.dma_semaphore, #tpu.memory_space<semaphore_mem>>)
        %dma_start3A_104 = arith.constant 0 : i32
        %dma_start3A_105 = tpu.memref_slice %arg4[%add3A_97, %dma_start3A_104] : memref<2560x128xi32, #tpu.memory_space<hbm>> -> memref<1x128xi32, #tpu.memory_space<hbm>>
        %dma_start3A_106 = tpu.memref_squeeze %dma_start3A_105 : memref<1x128xi32, #tpu.memory_space<hbm>> -> memref<128xi32, #tpu.memory_space<hbm>>
        %dma_start3A_107 = arith.constant 0 : i32
        %dma_start3A_108 = tpu.memref_slice %arg4[%add3A_97, %dma_start3A_107] : memref<2560x128xi32, #tpu.memory_space<hbm>> -> memref<1x128xi32, #tpu.memory_space<hbm>>
        %dma_start3A_109 = tpu.memref_squeeze %dma_start3A_108 : memref<1x128xi32, #tpu.memory_space<hbm>> -> memref<128xi32, #tpu.memory_space<hbm>>
        tpu.enqueue_dma source(%dma_start3A_109 : memref<128xi32, #tpu.memory_space<hbm>>) target(%arg10 : memref<128xi32, #tpu.memory_space<vmem>>) target_semaphore(%arg13 : memref<!tpu.dma_semaphore, #tpu.memory_space<semaphore_mem>>)
        %dma_wait3A_110 = arith.constant 0 : i32
        %dma_wait3A_111 = tpu.memref_slice %arg3[%add3A_97, %dma_wait3A_110] : memref<2560x128xi32, #tpu.memory_space<hbm>> -> memref<1x128xi32, #tpu.memory_space<hbm>>
        %dma_wait3A_112 = tpu.memref_squeeze %dma_wait3A_111 : memref<1x128xi32, #tpu.memory_space<hbm>> -> memref<128xi32, #tpu.memory_space<hbm>>
        %dma_wait3A_113 = arith.constant 0 : i32
        %dma_wait3A_114 = tpu.memref_slice %arg3[%add3A_97, %dma_wait3A_113] : memref<2560x128xi32, #tpu.memory_space<hbm>> -> memref<1x128xi32, #tpu.memory_space<hbm>>
        %dma_wait3A_115 = tpu.memref_squeeze %dma_wait3A_114 : memref<1x128xi32, #tpu.memory_space<hbm>> -> memref<128xi32, #tpu.memory_space<hbm>>
        tpu.wait_dma2 semaphore(%arg13 : memref<!tpu.dma_semaphore, #tpu.memory_space<semaphore_mem>>) src(%dma_wait3A_115 : memref<128xi32, #tpu.memory_space<hbm>>) dst(%arg8 : memref<128xi32, #tpu.memory_space<vmem>>)
        %dma_wait3A_116 = arith.constant 0 : i32
        %dma_wait3A_117 = tpu.memref_slice %arg4[%add3A_97, %dma_wait3A_116] : memref<2560x128xi32, #tpu.memory_space<hbm>> -> memref<1x128xi32, #tpu.memory_space<hbm>>
        %dma_wait3A_118 = tpu.memref_squeeze %dma_wait3A_117 : memref<1x128xi32, #tpu.memory_space<hbm>> -> memref<128xi32, #tpu.memory_space<hbm>>
        %dma_wait3A_119 = arith.constant 0 : i32
        %dma_wait3A_120 = tpu.memref_slice %arg4[%add3A_97, %dma_wait3A_119] : memref<2560x128xi32, #tpu.memory_space<hbm>> -> memref<1x128xi32, #tpu.memory_space<hbm>>
        %dma_wait3A_121 = tpu.memref_squeeze %dma_wait3A_120 : memref<1x128xi32, #tpu.memory_space<hbm>> -> memref<128xi32, #tpu.memory_space<hbm>>
        tpu.wait_dma2 semaphore(%arg13 : memref<!tpu.dma_semaphore, #tpu.memory_space<semaphore_mem>>) src(%dma_wait3A_121 : memref<128xi32, #tpu.memory_space<hbm>>) dst(%arg10 : memref<128xi32, #tpu.memory_space<vmem>>)
        %dma_start3A_122 = arith.constant 0 : i32
        %dma_start3A_123 = arith.constant 0 : i32
        %dma_start3A_124 = tpu.memref_slice %arg2[%dma_start3A_122, %dma_start3A_123] : memref<10000x128xf32, #tpu.memory_space<hbm>> -> memref<10000x128xf32, #tpu.memory_space<hbm>>
        tpu.enqueue_indirect_dma source(%dma_start3A_124 : memref<10000x128xf32, #tpu.memory_space<hbm>>) target(%arg6 : memref<128x128xf32, #tpu.memory_space<vmem>>) offsets(%arg8 : memref<128xi32, #tpu.memory_space<vmem>>) semaphore(%arg15 : memref<!tpu.dma_semaphore, #tpu.memory_space<semaphore_mem>>)
        %dma_wait3A_125 = arith.constant 0 : i32
        %dma_wait3A_126 = arith.constant 0 : i32
        %dma_wait3A_127 = tpu.memref_slice %arg2[%dma_wait3A_125, %dma_wait3A_126] : memref<10000x128xf32, #tpu.memory_space<hbm>> -> memref<10000x128xf32, #tpu.memory_space<hbm>>
        tpu.wait_indirect_dma semaphore(%arg16 : memref<!tpu.dma_semaphore, #tpu.memory_space<semaphore_mem>>) src(%dma_wait3A_127 : memref<10000x128xf32, #tpu.memory_space<hbm>>) dst(%arg7 : memref<128x128xf32, #tpu.memory_space<vmem>>)
        "tpu.region"() ({
          %run_scoped3A = tpu.sem_alloc : memref<!tpu.dma_semaphore, #tpu.memory_space<semaphore_mem>>
          %dma_start3A_157 = arith.constant 0 : i32
          %dma_start3A_158 = arith.constant 0 : i32
          %dma_start3A_159 = tpu.memref_slice %arg12[%dma_start3A_157, %dma_start3A_158] : memref<10240x128xf32, #tpu.memory_space<vmem_shared>> -> memref<10240x128xf32, #tpu.memory_space<vmem_shared>>
          tpu.enqueue_indirect_dma source(%arg7 : memref<128x128xf32, #tpu.memory_space<vmem>>) target(%dma_start3A_159 : memref<10240x128xf32, #tpu.memory_space<vmem_shared>>) offsets(%arg11 : memref<128xi32, #tpu.memory_space<vmem>>) semaphore(%run_scoped3A : memref<!tpu.dma_semaphore, #tpu.memory_space<semaphore_mem>>) {add = true}
          %dma_wait3A_160 = arith.constant 0 : i32
          %dma_wait3A_161 = arith.constant 0 : i32
          %dma_wait3A_162 = tpu.memref_slice %arg12[%dma_wait3A_160, %dma_wait3A_161] : memref<10240x128xf32, #tpu.memory_space<vmem_shared>> -> memref<10240x128xf32, #tpu.memory_space<vmem_shared>>
          tpu.wait_indirect_dma semaphore(%run_scoped3A : memref<!tpu.dma_semaphore, #tpu.memory_space<semaphore_mem>>) src(%arg7 : memref<128x128xf32, #tpu.memory_space<vmem>>) dst(%dma_wait3A_162 : memref<10240x128xf32, #tpu.memory_space<vmem_shared>>)
          tpu.yield
        }) : () -> ()
        %add3A_128 = arith.constant 3 : i32
        %add3A_129 = arith.addi %add3A_92, %add3A_128 : i32
        %dma_start3A_130 = arith.constant 0 : i32
        %dma_start3A_131 = tpu.memref_slice %arg3[%add3A_129, %dma_start3A_130] : memref<2560x128xi32, #tpu.memory_space<hbm>> -> memref<1x128xi32, #tpu.memory_space<hbm>>
        %dma_start3A_132 = tpu.memref_squeeze %dma_start3A_131 : memref<1x128xi32, #tpu.memory_space<hbm>> -> memref<128xi32, #tpu.memory_space<hbm>>
        %dma_start3A_133 = arith.constant 0 : i32
        %dma_start3A_134 = tpu.memref_slice %arg3[%add3A_129, %dma_start3A_133] : memref<2560x128xi32, #tpu.memory_space<hbm>> -> memref<1x128xi32, #tpu.memory_space<hbm>>
        %dma_start3A_135 = tpu.memref_squeeze %dma_start3A_134 : memref<1x128xi32, #tpu.memory_space<hbm>> -> memref<128xi32, #tpu.memory_space<hbm>>
        tpu.enqueue_dma source(%dma_start3A_135 : memref<128xi32, #tpu.memory_space<hbm>>) target(%arg9 : memref<128xi32, #tpu.memory_space<vmem>>) target_semaphore(%arg14 : memref<!tpu.dma_semaphore, #tpu.memory_space<semaphore_mem>>)
        %dma_start3A_136 = arith.constant 0 : i32
        %dma_start3A_137 = tpu.memref_slice %arg4[%add3A_129, %dma_start3A_136] : memref<2560x128xi32, #tpu.memory_space<hbm>> -> memref<1x128xi32, #tpu.memory_space<hbm>>
        %dma_start3A_138 = tpu.memref_squeeze %dma_start3A_137 : memref<1x128xi32, #tpu.memory_space<hbm>> -> memref<128xi32, #tpu.memory_space<hbm>>
        %dma_start3A_139 = arith.constant 0 : i32
        %dma_start3A_140 = tpu.memref_slice %arg4[%add3A_129, %dma_start3A_139] : memref<2560x128xi32, #tpu.memory_space<hbm>> -> memref<1x128xi32, #tpu.memory_space<hbm>>
        %dma_start3A_141 = tpu.memref_squeeze %dma_start3A_140 : memref<1x128xi32, #tpu.memory_space<hbm>> -> memref<128xi32, #tpu.memory_space<hbm>>
        tpu.enqueue_dma source(%dma_start3A_141 : memref<128xi32, #tpu.memory_space<hbm>>) target(%arg11 : memref<128xi32, #tpu.memory_space<vmem>>) target_semaphore(%arg14 : memref<!tpu.dma_semaphore, #tpu.memory_space<semaphore_mem>>)
        %dma_wait3A_142 = arith.constant 0 : i32
        %dma_wait3A_143 = tpu.memref_slice %arg3[%add3A_129, %dma_wait3A_142] : memref<2560x128xi32, #tpu.memory_space<hbm>> -> memref<1x128xi32, #tpu.memory_space<hbm>>
        %dma_wait3A_144 = tpu.memref_squeeze %dma_wait3A_143 : memref<1x128xi32, #tpu.memory_space<hbm>> -> memref<128xi32, #tpu.memory_space<hbm>>
        %dma_wait3A_145 = arith.constant 0 : i32
        %dma_wait3A_146 = tpu.memref_slice %arg3[%add3A_129, %dma_wait3A_145] : memref<2560x128xi32, #tpu.memory_space<hbm>> -> memref<1x128xi32, #tpu.memory_space<hbm>>
        %dma_wait3A_147 = tpu.memref_squeeze %dma_wait3A_146 : memref<1x128xi32, #tpu.memory_space<hbm>> -> memref<128xi32, #tpu.memory_space<hbm>>
        tpu.wait_dma2 semaphore(%arg14 : memref<!tpu.dma_semaphore, #tpu.memory_space<semaphore_mem>>) src(%dma_wait3A_147 : memref<128xi32, #tpu.memory_space<hbm>>) dst(%arg9 : memref<128xi32, #tpu.memory_space<vmem>>)
        %dma_wait3A_148 = arith.constant 0 : i32
        %dma_wait3A_149 = tpu.memref_slice %arg4[%add3A_129, %dma_wait3A_148] : memref<2560x128xi32, #tpu.memory_space<hbm>> -> memref<1x128xi32, #tpu.memory_space<hbm>>
        %dma_wait3A_150 = tpu.memref_squeeze %dma_wait3A_149 : memref<1x128xi32, #tpu.memory_space<hbm>> -> memref<128xi32, #tpu.memory_space<hbm>>
        %dma_wait3A_151 = arith.constant 0 : i32
        %dma_wait3A_152 = tpu.memref_slice %arg4[%add3A_129, %dma_wait3A_151] : memref<2560x128xi32, #tpu.memory_space<hbm>> -> memref<1x128xi32, #tpu.memory_space<hbm>>
        %dma_wait3A_153 = tpu.memref_squeeze %dma_wait3A_152 : memref<1x128xi32, #tpu.memory_space<hbm>> -> memref<128xi32, #tpu.memory_space<hbm>>
        tpu.wait_dma2 semaphore(%arg14 : memref<!tpu.dma_semaphore, #tpu.memory_space<semaphore_mem>>) src(%dma_wait3A_153 : memref<128xi32, #tpu.memory_space<hbm>>) dst(%arg11 : memref<128xi32, #tpu.memory_space<vmem>>)
        %dma_start3A_154 = arith.constant 0 : i32
        %dma_start3A_155 = arith.constant 0 : i32
        %dma_start3A_156 = tpu.memref_slice %arg2[%dma_start3A_154, %dma_start3A_155] : memref<10000x128xf32, #tpu.memory_space<hbm>> -> memref<10000x128xf32, #tpu.memory_space<hbm>>
        tpu.enqueue_indirect_dma source(%dma_start3A_156 : memref<10000x128xf32, #tpu.memory_space<hbm>>) target(%arg7 : memref<128x128xf32, #tpu.memory_space<vmem>>) offsets(%arg9 : memref<128xi32, #tpu.memory_space<vmem>>) semaphore(%arg16 : memref<!tpu.dma_semaphore, #tpu.memory_space<semaphore_mem>>)
      }
      %scan3A_82 = arith.constant 63 : i32
      %dma_wait3A_83 = arith.constant 0 : i32
      %dma_wait3A_84 = arith.constant 0 : i32
      %dma_wait3A_85 = tpu.memref_slice %arg2[%dma_wait3A_83, %dma_wait3A_84] : memref<10000x128xf32, #tpu.memory_space<hbm>> -> memref<10000x128xf32, #tpu.memory_space<hbm>>
      tpu.wait_indirect_dma semaphore(%arg15 : memref<!tpu.dma_semaphore, #tpu.memory_space<semaphore_mem>>) src(%dma_wait3A_85 : memref<10000x128xf32, #tpu.memory_space<hbm>>) dst(%arg6 : memref<128x128xf32, #tpu.memory_space<vmem>>)
      "tpu.region"() ({
        %run_scoped3A = tpu.sem_alloc : memref<!tpu.dma_semaphore, #tpu.memory_space<semaphore_mem>>
        %dma_start3A_89 = arith.constant 0 : i32
        %dma_start3A_90 = arith.constant 0 : i32
        %dma_start3A_91 = tpu.memref_slice %arg12[%dma_start3A_89, %dma_start3A_90] : memref<10240x128xf32, #tpu.memory_space<vmem_shared>> -> memref<10240x128xf32, #tpu.memory_space<vmem_shared>>
        tpu.enqueue_indirect_dma source(%arg6 : memref<128x128xf32, #tpu.memory_space<vmem>>) target(%dma_start3A_91 : memref<10240x128xf32, #tpu.memory_space<vmem_shared>>) offsets(%arg10 : memref<128xi32, #tpu.memory_space<vmem>>) semaphore(%run_scoped3A : memref<!tpu.dma_semaphore, #tpu.memory_space<semaphore_mem>>) {add = true}
        %dma_wait3A_92 = arith.constant 0 : i32
        %dma_wait3A_93 = arith.constant 0 : i32
        %dma_wait3A_94 = tpu.memref_slice %arg12[%dma_wait3A_92, %dma_wait3A_93] : memref<10240x128xf32, #tpu.memory_space<vmem_shared>> -> memref<10240x128xf32, #tpu.memory_space<vmem_shared>>
        tpu.wait_indirect_dma semaphore(%run_scoped3A : memref<!tpu.dma_semaphore, #tpu.memory_space<semaphore_mem>>) src(%arg6 : memref<128x128xf32, #tpu.memory_space<vmem>>) dst(%dma_wait3A_94 : memref<10240x128xf32, #tpu.memory_space<vmem_shared>>)
        tpu.yield
      }) : () -> ()
      %dma_wait3A_86 = arith.constant 0 : i32
      %dma_wait3A_87 = arith.constant 0 : i32
      %dma_wait3A_88 = tpu.memref_slice %arg2[%dma_wait3A_86, %dma_wait3A_87] : memref<10000x128xf32, #tpu.memory_space<hbm>> -> memref<10000x128xf32, #tpu.memory_space<hbm>>
      tpu.wait_indirect_dma semaphore(%arg16 : memref<!tpu.dma_semaphore, #tpu.memory_space<semaphore_mem>>) src(%dma_wait3A_88 : memref<10000x128xf32, #tpu.memory_space<hbm>>) dst(%arg7 : memref<128x128xf32, #tpu.memory_space<vmem>>)
      "tpu.region"() ({
        %run_scoped3A = tpu.sem_alloc : memref<!tpu.dma_semaphore, #tpu.memory_space<semaphore_mem>>
        %dma_start3A_89 = arith.constant 0 : i32
        %dma_start3A_90 = arith.constant 0 : i32
        %dma_start3A_91 = tpu.memref_slice %arg12[%dma_start3A_89, %dma_start3A_90] : memref<10240x128xf32, #tpu.memory_space<vmem_shared>> -> memref<10240x128xf32, #tpu.memory_space<vmem_shared>>
        tpu.enqueue_indirect_dma source(%arg7 : memref<128x128xf32, #tpu.memory_space<vmem>>) target(%dma_start3A_91 : memref<10240x128xf32, #tpu.memory_space<vmem_shared>>) offsets(%arg11 : memref<128xi32, #tpu.memory_space<vmem>>) semaphore(%run_scoped3A : memref<!tpu.dma_semaphore, #tpu.memory_space<semaphore_mem>>) {add = true}
        %dma_wait3A_92 = arith.constant 0 : i32
        %dma_wait3A_93 = arith.constant 0 : i32
        %dma_wait3A_94 = tpu.memref_slice %arg12[%dma_wait3A_92, %dma_wait3A_93] : memref<10240x128xf32, #tpu.memory_space<vmem_shared>> -> memref<10240x128xf32, #tpu.memory_space<vmem_shared>>
        tpu.wait_indirect_dma semaphore(%run_scoped3A : memref<!tpu.dma_semaphore, #tpu.memory_space<semaphore_mem>>) src(%arg7 : memref<128x128xf32, #tpu.memory_space<vmem>>) dst(%dma_wait3A_94 : memref<10240x128xf32, #tpu.memory_space<vmem_shared>>)
        tpu.yield
      }) : () -> ()
    } else {
    }
    %eq3A_13 = arith.constant 1 : i32
    %eq3A_14 = arith.cmpi eq, %arg0, %eq3A_13 : i32
    %convert_element_type3A_15 = arith.extui %eq3A_14 : i1 to i32
    %cond3A_16 = arith.constant 0 : i32
    %cond3A_17 = arith.cmpi ne, %convert_element_type3A_15, %cond3A_16 : i32
    scf.if %cond3A_17 {
      %mul3A_22 = arith.constant 32 : i32
      %mul3A_23 = arith.muli %arg1, %mul3A_22 : i32
      %add3A = arith.constant 2048 : i32
      %add3A_24 = arith.addi %add3A, %mul3A_23 : i32
      %dma_start3A = arith.constant 0 : i32
      %dma_start3A_25 = tpu.memref_slice %arg3[%add3A_24, %dma_start3A] : memref<2560x128xi32, #tpu.memory_space<hbm>> -> memref<1x128xi32, #tpu.memory_space<hbm>>
      %dma_start3A_26 = tpu.memref_squeeze %dma_start3A_25 : memref<1x128xi32, #tpu.memory_space<hbm>> -> memref<128xi32, #tpu.memory_space<hbm>>
      %dma_start3A_27 = arith.constant 0 : i32
      %dma_start3A_28 = tpu.memref_slice %arg3[%add3A_24, %dma_start3A_27] : memref<2560x128xi32, #tpu.memory_space<hbm>> -> memref<1x128xi32, #tpu.memory_space<hbm>>
      %dma_start3A_29 = tpu.memref_squeeze %dma_start3A_28 : memref<1x128xi32, #tpu.memory_space<hbm>> -> memref<128xi32, #tpu.memory_space<hbm>>
      tpu.enqueue_dma source(%dma_start3A_29 : memref<128xi32, #tpu.memory_space<hbm>>) target(%arg8 : memref<128xi32, #tpu.memory_space<vmem>>) target_semaphore(%arg13 : memref<!tpu.dma_semaphore, #tpu.memory_space<semaphore_mem>>)
      %dma_start3A_30 = arith.constant 0 : i32
      %dma_start3A_31 = tpu.memref_slice %arg4[%add3A_24, %dma_start3A_30] : memref<2560x128xi32, #tpu.memory_space<hbm>> -> memref<1x128xi32, #tpu.memory_space<hbm>>
      %dma_start3A_32 = tpu.memref_squeeze %dma_start3A_31 : memref<1x128xi32, #tpu.memory_space<hbm>> -> memref<128xi32, #tpu.memory_space<hbm>>
      %dma_start3A_33 = arith.constant 0 : i32
      %dma_start3A_34 = tpu.memref_slice %arg4[%add3A_24, %dma_start3A_33] : memref<2560x128xi32, #tpu.memory_space<hbm>> -> memref<1x128xi32, #tpu.memory_space<hbm>>
      %dma_start3A_35 = tpu.memref_squeeze %dma_start3A_34 : memref<1x128xi32, #tpu.memory_space<hbm>> -> memref<128xi32, #tpu.memory_space<hbm>>
      tpu.enqueue_dma source(%dma_start3A_35 : memref<128xi32, #tpu.memory_space<hbm>>) target(%arg10 : memref<128xi32, #tpu.memory_space<vmem>>) target_semaphore(%arg13 : memref<!tpu.dma_semaphore, #tpu.memory_space<semaphore_mem>>)
      %dma_wait3A = arith.constant 0 : i32
      %dma_wait3A_36 = tpu.memref_slice %arg3[%add3A_24, %dma_wait3A] : memref<2560x128xi32, #tpu.memory_space<hbm>> -> memref<1x128xi32, #tpu.memory_space<hbm>>
      %dma_wait3A_37 = tpu.memref_squeeze %dma_wait3A_36 : memref<1x128xi32, #tpu.memory_space<hbm>> -> memref<128xi32, #tpu.memory_space<hbm>>
      %dma_wait3A_38 = arith.constant 0 : i32
      %dma_wait3A_39 = tpu.memref_slice %arg3[%add3A_24, %dma_wait3A_38] : memref<2560x128xi32, #tpu.memory_space<hbm>> -> memref<1x128xi32, #tpu.memory_space<hbm>>
      %dma_wait3A_40 = tpu.memref_squeeze %dma_wait3A_39 : memref<1x128xi32, #tpu.memory_space<hbm>> -> memref<128xi32, #tpu.memory_space<hbm>>
      tpu.wait_dma2 semaphore(%arg13 : memref<!tpu.dma_semaphore, #tpu.memory_space<semaphore_mem>>) src(%dma_wait3A_40 : memref<128xi32, #tpu.memory_space<hbm>>) dst(%arg8 : memref<128xi32, #tpu.memory_space<vmem>>)
      %dma_wait3A_41 = arith.constant 0 : i32
      %dma_wait3A_42 = tpu.memref_slice %arg4[%add3A_24, %dma_wait3A_41] : memref<2560x128xi32, #tpu.memory_space<hbm>> -> memref<1x128xi32, #tpu.memory_space<hbm>>
      %dma_wait3A_43 = tpu.memref_squeeze %dma_wait3A_42 : memref<1x128xi32, #tpu.memory_space<hbm>> -> memref<128xi32, #tpu.memory_space<hbm>>
      %dma_wait3A_44 = arith.constant 0 : i32
      %dma_wait3A_45 = tpu.memref_slice %arg4[%add3A_24, %dma_wait3A_44] : memref<2560x128xi32, #tpu.memory_space<hbm>> -> memref<1x128xi32, #tpu.memory_space<hbm>>
      %dma_wait3A_46 = tpu.memref_squeeze %dma_wait3A_45 : memref<1x128xi32, #tpu.memory_space<hbm>> -> memref<128xi32, #tpu.memory_space<hbm>>
      tpu.wait_dma2 semaphore(%arg13 : memref<!tpu.dma_semaphore, #tpu.memory_space<semaphore_mem>>) src(%dma_wait3A_46 : memref<128xi32, #tpu.memory_space<hbm>>) dst(%arg10 : memref<128xi32, #tpu.memory_space<vmem>>)
      %dma_start3A_47 = arith.constant 0 : i32
      %dma_start3A_48 = arith.constant 0 : i32
      %dma_start3A_49 = tpu.memref_slice %arg2[%dma_start3A_47, %dma_start3A_48] : memref<10000x128xf32, #tpu.memory_space<hbm>> -> memref<10000x128xf32, #tpu.memory_space<hbm>>
      tpu.enqueue_indirect_dma source(%dma_start3A_49 : memref<10000x128xf32, #tpu.memory_space<hbm>>) target(%arg6 : memref<128x128xf32, #tpu.memory_space<vmem>>) offsets(%arg8 : memref<128xi32, #tpu.memory_space<vmem>>) semaphore(%arg15 : memref<!tpu.dma_semaphore, #tpu.memory_space<semaphore_mem>>)
      %add3A_50 = arith.constant 1 : i32
      %add3A_51 = arith.addi %add3A_24, %add3A_50 : i32
      %dma_start3A_52 = arith.constant 0 : i32
      %dma_start3A_53 = tpu.memref_slice %arg3[%add3A_51, %dma_start3A_52] : memref<2560x128xi32, #tpu.memory_space<hbm>> -> memref<1x128xi32, #tpu.memory_space<hbm>>
      %dma_start3A_54 = tpu.memref_squeeze %dma_start3A_53 : memref<1x128xi32, #tpu.memory_space<hbm>> -> memref<128xi32, #tpu.memory_space<hbm>>
      %dma_start3A_55 = arith.constant 0 : i32
      %dma_start3A_56 = tpu.memref_slice %arg3[%add3A_51, %dma_start3A_55] : memref<2560x128xi32, #tpu.memory_space<hbm>> -> memref<1x128xi32, #tpu.memory_space<hbm>>
      %dma_start3A_57 = tpu.memref_squeeze %dma_start3A_56 : memref<1x128xi32, #tpu.memory_space<hbm>> -> memref<128xi32, #tpu.memory_space<hbm>>
      tpu.enqueue_dma source(%dma_start3A_57 : memref<128xi32, #tpu.memory_space<hbm>>) target(%arg9 : memref<128xi32, #tpu.memory_space<vmem>>) target_semaphore(%arg14 : memref<!tpu.dma_semaphore, #tpu.memory_space<semaphore_mem>>)
      %dma_start3A_58 = arith.constant 0 : i32
      %dma_start3A_59 = tpu.memref_slice %arg4[%add3A_51, %dma_start3A_58] : memref<2560x128xi32, #tpu.memory_space<hbm>> -> memref<1x128xi32, #tpu.memory_space<hbm>>
      %dma_start3A_60 = tpu.memref_squeeze %dma_start3A_59 : memref<1x128xi32, #tpu.memory_space<hbm>> -> memref<128xi32, #tpu.memory_space<hbm>>
      %dma_start3A_61 = arith.constant 0 : i32
      %dma_start3A_62 = tpu.memref_slice %arg4[%add3A_51, %dma_start3A_61] : memref<2560x128xi32, #tpu.memory_space<hbm>> -> memref<1x128xi32, #tpu.memory_space<hbm>>
      %dma_start3A_63 = tpu.memref_squeeze %dma_start3A_62 : memref<1x128xi32, #tpu.memory_space<hbm>> -> memref<128xi32, #tpu.memory_space<hbm>>
      tpu.enqueue_dma source(%dma_start3A_63 : memref<128xi32, #tpu.memory_space<hbm>>) target(%arg11 : memref<128xi32, #tpu.memory_space<vmem>>) target_semaphore(%arg14 : memref<!tpu.dma_semaphore, #tpu.memory_space<semaphore_mem>>)
      %dma_wait3A_64 = arith.constant 0 : i32
      %dma_wait3A_65 = tpu.memref_slice %arg3[%add3A_51, %dma_wait3A_64] : memref<2560x128xi32, #tpu.memory_space<hbm>> -> memref<1x128xi32, #tpu.memory_space<hbm>>
      %dma_wait3A_66 = tpu.memref_squeeze %dma_wait3A_65 : memref<1x128xi32, #tpu.memory_space<hbm>> -> memref<128xi32, #tpu.memory_space<hbm>>
      %dma_wait3A_67 = arith.constant 0 : i32
      %dma_wait3A_68 = tpu.memref_slice %arg3[%add3A_51, %dma_wait3A_67] : memref<2560x128xi32, #tpu.memory_space<hbm>> -> memref<1x128xi32, #tpu.memory_space<hbm>>
      %dma_wait3A_69 = tpu.memref_squeeze %dma_wait3A_68 : memref<1x128xi32, #tpu.memory_space<hbm>> -> memref<128xi32, #tpu.memory_space<hbm>>
      tpu.wait_dma2 semaphore(%arg14 : memref<!tpu.dma_semaphore, #tpu.memory_space<semaphore_mem>>) src(%dma_wait3A_69 : memref<128xi32, #tpu.memory_space<hbm>>) dst(%arg9 : memref<128xi32, #tpu.memory_space<vmem>>)
      %dma_wait3A_70 = arith.constant 0 : i32
      %dma_wait3A_71 = tpu.memref_slice %arg4[%add3A_51, %dma_wait3A_70] : memref<2560x128xi32, #tpu.memory_space<hbm>> -> memref<1x128xi32, #tpu.memory_space<hbm>>
      %dma_wait3A_72 = tpu.memref_squeeze %dma_wait3A_71 : memref<1x128xi32, #tpu.memory_space<hbm>> -> memref<128xi32, #tpu.memory_space<hbm>>
      %dma_wait3A_73 = arith.constant 0 : i32
      %dma_wait3A_74 = tpu.memref_slice %arg4[%add3A_51, %dma_wait3A_73] : memref<2560x128xi32, #tpu.memory_space<hbm>> -> memref<1x128xi32, #tpu.memory_space<hbm>>
      %dma_wait3A_75 = tpu.memref_squeeze %dma_wait3A_74 : memref<1x128xi32, #tpu.memory_space<hbm>> -> memref<128xi32, #tpu.memory_space<hbm>>
      tpu.wait_dma2 semaphore(%arg14 : memref<!tpu.dma_semaphore, #tpu.memory_space<semaphore_mem>>) src(%dma_wait3A_75 : memref<128xi32, #tpu.memory_space<hbm>>) dst(%arg11 : memref<128xi32, #tpu.memory_space<vmem>>)
      %dma_start3A_76 = arith.constant 0 : i32
      %dma_start3A_77 = arith.constant 0 : i32
      %dma_start3A_78 = tpu.memref_slice %arg2[%dma_start3A_76, %dma_start3A_77] : memref<10000x128xf32, #tpu.memory_space<hbm>> -> memref<10000x128xf32, #tpu.memory_space<hbm>>
      tpu.enqueue_indirect_dma source(%dma_start3A_78 : memref<10000x128xf32, #tpu.memory_space<hbm>>) target(%arg7 : memref<128x128xf32, #tpu.memory_space<vmem>>) offsets(%arg9 : memref<128xi32, #tpu.memory_space<vmem>>) semaphore(%arg16 : memref<!tpu.dma_semaphore, #tpu.memory_space<semaphore_mem>>)
      %scan3A_79 = arith.constant 0 : i32
      %scan3A_80 = arith.constant 0 : i32
      %scan3A_81 = arith.constant 15 : i32
      %scan3A_82 = arith.addi %scan3A_80, %scan3A_81 : i32
      %scan3A_83 = arith.constant 1 : i32
      scf.for %scan3A_91 = %scan3A_80 to %scan3A_82 step %scan3A_83  : i32 {
        %mul3A_92 = arith.constant 2 : i32
        %mul3A_93 = arith.muli %mul3A_92, %scan3A_91 : i32
        %add3A_94 = arith.addi %add3A_24, %mul3A_93 : i32
        %dma_wait3A_95 = arith.constant 0 : i32
        %dma_wait3A_96 = arith.constant 0 : i32
        %dma_wait3A_97 = tpu.memref_slice %arg2[%dma_wait3A_95, %dma_wait3A_96] : memref<10000x128xf32, #tpu.memory_space<hbm>> -> memref<10000x128xf32, #tpu.memory_space<hbm>>
        tpu.wait_indirect_dma semaphore(%arg15 : memref<!tpu.dma_semaphore, #tpu.memory_space<semaphore_mem>>) src(%dma_wait3A_97 : memref<10000x128xf32, #tpu.memory_space<hbm>>) dst(%arg6 : memref<128x128xf32, #tpu.memory_space<vmem>>)
        "tpu.region"() ({
          %run_scoped3A = tpu.sem_alloc : memref<!tpu.dma_semaphore, #tpu.memory_space<semaphore_mem>>
          %dma_start3A_159 = arith.constant 0 : i32
          %dma_start3A_160 = arith.constant 0 : i32
          %dma_start3A_161 = tpu.memref_slice %arg12[%dma_start3A_159, %dma_start3A_160] : memref<10240x128xf32, #tpu.memory_space<vmem_shared>> -> memref<10240x128xf32, #tpu.memory_space<vmem_shared>>
          tpu.enqueue_indirect_dma source(%arg6 : memref<128x128xf32, #tpu.memory_space<vmem>>) target(%dma_start3A_161 : memref<10240x128xf32, #tpu.memory_space<vmem_shared>>) offsets(%arg10 : memref<128xi32, #tpu.memory_space<vmem>>) semaphore(%run_scoped3A : memref<!tpu.dma_semaphore, #tpu.memory_space<semaphore_mem>>) {add = true}
          %dma_wait3A_162 = arith.constant 0 : i32
          %dma_wait3A_163 = arith.constant 0 : i32
          %dma_wait3A_164 = tpu.memref_slice %arg12[%dma_wait3A_162, %dma_wait3A_163] : memref<10240x128xf32, #tpu.memory_space<vmem_shared>> -> memref<10240x128xf32, #tpu.memory_space<vmem_shared>>
          tpu.wait_indirect_dma semaphore(%run_scoped3A : memref<!tpu.dma_semaphore, #tpu.memory_space<semaphore_mem>>) src(%arg6 : memref<128x128xf32, #tpu.memory_space<vmem>>) dst(%dma_wait3A_164 : memref<10240x128xf32, #tpu.memory_space<vmem_shared>>)
          tpu.yield
        }) : () -> ()
        %add3A_98 = arith.constant 2 : i32
        %add3A_99 = arith.addi %add3A_94, %add3A_98 : i32
        %dma_start3A_100 = arith.constant 0 : i32
        %dma_start3A_101 = tpu.memref_slice %arg3[%add3A_99, %dma_start3A_100] : memref<2560x128xi32, #tpu.memory_space<hbm>> -> memref<1x128xi32, #tpu.memory_space<hbm>>
        %dma_start3A_102 = tpu.memref_squeeze %dma_start3A_101 : memref<1x128xi32, #tpu.memory_space<hbm>> -> memref<128xi32, #tpu.memory_space<hbm>>
        %dma_start3A_103 = arith.constant 0 : i32
        %dma_start3A_104 = tpu.memref_slice %arg3[%add3A_99, %dma_start3A_103] : memref<2560x128xi32, #tpu.memory_space<hbm>> -> memref<1x128xi32, #tpu.memory_space<hbm>>
        %dma_start3A_105 = tpu.memref_squeeze %dma_start3A_104 : memref<1x128xi32, #tpu.memory_space<hbm>> -> memref<128xi32, #tpu.memory_space<hbm>>
        tpu.enqueue_dma source(%dma_start3A_105 : memref<128xi32, #tpu.memory_space<hbm>>) target(%arg8 : memref<128xi32, #tpu.memory_space<vmem>>) target_semaphore(%arg13 : memref<!tpu.dma_semaphore, #tpu.memory_space<semaphore_mem>>)
        %dma_start3A_106 = arith.constant 0 : i32
        %dma_start3A_107 = tpu.memref_slice %arg4[%add3A_99, %dma_start3A_106] : memref<2560x128xi32, #tpu.memory_space<hbm>> -> memref<1x128xi32, #tpu.memory_space<hbm>>
        %dma_start3A_108 = tpu.memref_squeeze %dma_start3A_107 : memref<1x128xi32, #tpu.memory_space<hbm>> -> memref<128xi32, #tpu.memory_space<hbm>>
        %dma_start3A_109 = arith.constant 0 : i32
        %dma_start3A_110 = tpu.memref_slice %arg4[%add3A_99, %dma_start3A_109] : memref<2560x128xi32, #tpu.memory_space<hbm>> -> memref<1x128xi32, #tpu.memory_space<hbm>>
        %dma_start3A_111 = tpu.memref_squeeze %dma_start3A_110 : memref<1x128xi32, #tpu.memory_space<hbm>> -> memref<128xi32, #tpu.memory_space<hbm>>
        tpu.enqueue_dma source(%dma_start3A_111 : memref<128xi32, #tpu.memory_space<hbm>>) target(%arg10 : memref<128xi32, #tpu.memory_space<vmem>>) target_semaphore(%arg13 : memref<!tpu.dma_semaphore, #tpu.memory_space<semaphore_mem>>)
        %dma_wait3A_112 = arith.constant 0 : i32
        %dma_wait3A_113 = tpu.memref_slice %arg3[%add3A_99, %dma_wait3A_112] : memref<2560x128xi32, #tpu.memory_space<hbm>> -> memref<1x128xi32, #tpu.memory_space<hbm>>
        %dma_wait3A_114 = tpu.memref_squeeze %dma_wait3A_113 : memref<1x128xi32, #tpu.memory_space<hbm>> -> memref<128xi32, #tpu.memory_space<hbm>>
        %dma_wait3A_115 = arith.constant 0 : i32
        %dma_wait3A_116 = tpu.memref_slice %arg3[%add3A_99, %dma_wait3A_115] : memref<2560x128xi32, #tpu.memory_space<hbm>> -> memref<1x128xi32, #tpu.memory_space<hbm>>
        %dma_wait3A_117 = tpu.memref_squeeze %dma_wait3A_116 : memref<1x128xi32, #tpu.memory_space<hbm>> -> memref<128xi32, #tpu.memory_space<hbm>>
        tpu.wait_dma2 semaphore(%arg13 : memref<!tpu.dma_semaphore, #tpu.memory_space<semaphore_mem>>) src(%dma_wait3A_117 : memref<128xi32, #tpu.memory_space<hbm>>) dst(%arg8 : memref<128xi32, #tpu.memory_space<vmem>>)
        %dma_wait3A_118 = arith.constant 0 : i32
        %dma_wait3A_119 = tpu.memref_slice %arg4[%add3A_99, %dma_wait3A_118] : memref<2560x128xi32, #tpu.memory_space<hbm>> -> memref<1x128xi32, #tpu.memory_space<hbm>>
        %dma_wait3A_120 = tpu.memref_squeeze %dma_wait3A_119 : memref<1x128xi32, #tpu.memory_space<hbm>> -> memref<128xi32, #tpu.memory_space<hbm>>
        %dma_wait3A_121 = arith.constant 0 : i32
        %dma_wait3A_122 = tpu.memref_slice %arg4[%add3A_99, %dma_wait3A_121] : memref<2560x128xi32, #tpu.memory_space<hbm>> -> memref<1x128xi32, #tpu.memory_space<hbm>>
        %dma_wait3A_123 = tpu.memref_squeeze %dma_wait3A_122 : memref<1x128xi32, #tpu.memory_space<hbm>> -> memref<128xi32, #tpu.memory_space<hbm>>
        tpu.wait_dma2 semaphore(%arg13 : memref<!tpu.dma_semaphore, #tpu.memory_space<semaphore_mem>>) src(%dma_wait3A_123 : memref<128xi32, #tpu.memory_space<hbm>>) dst(%arg10 : memref<128xi32, #tpu.memory_space<vmem>>)
        %dma_start3A_124 = arith.constant 0 : i32
        %dma_start3A_125 = arith.constant 0 : i32
        %dma_start3A_126 = tpu.memref_slice %arg2[%dma_start3A_124, %dma_start3A_125] : memref<10000x128xf32, #tpu.memory_space<hbm>> -> memref<10000x128xf32, #tpu.memory_space<hbm>>
        tpu.enqueue_indirect_dma source(%dma_start3A_126 : memref<10000x128xf32, #tpu.memory_space<hbm>>) target(%arg6 : memref<128x128xf32, #tpu.memory_space<vmem>>) offsets(%arg8 : memref<128xi32, #tpu.memory_space<vmem>>) semaphore(%arg15 : memref<!tpu.dma_semaphore, #tpu.memory_space<semaphore_mem>>)
        %dma_wait3A_127 = arith.constant 0 : i32
        %dma_wait3A_128 = arith.constant 0 : i32
        %dma_wait3A_129 = tpu.memref_slice %arg2[%dma_wait3A_127, %dma_wait3A_128] : memref<10000x128xf32, #tpu.memory_space<hbm>> -> memref<10000x128xf32, #tpu.memory_space<hbm>>
        tpu.wait_indirect_dma semaphore(%arg16 : memref<!tpu.dma_semaphore, #tpu.memory_space<semaphore_mem>>) src(%dma_wait3A_129 : memref<10000x128xf32, #tpu.memory_space<hbm>>) dst(%arg7 : memref<128x128xf32, #tpu.memory_space<vmem>>)
        "tpu.region"() ({
          %run_scoped3A = tpu.sem_alloc : memref<!tpu.dma_semaphore, #tpu.memory_space<semaphore_mem>>
          %dma_start3A_159 = arith.constant 0 : i32
          %dma_start3A_160 = arith.constant 0 : i32
          %dma_start3A_161 = tpu.memref_slice %arg12[%dma_start3A_159, %dma_start3A_160] : memref<10240x128xf32, #tpu.memory_space<vmem_shared>> -> memref<10240x128xf32, #tpu.memory_space<vmem_shared>>
          tpu.enqueue_indirect_dma source(%arg7 : memref<128x128xf32, #tpu.memory_space<vmem>>) target(%dma_start3A_161 : memref<10240x128xf32, #tpu.memory_space<vmem_shared>>) offsets(%arg11 : memref<128xi32, #tpu.memory_space<vmem>>) semaphore(%run_scoped3A : memref<!tpu.dma_semaphore, #tpu.memory_space<semaphore_mem>>) {add = true}
          %dma_wait3A_162 = arith.constant 0 : i32
          %dma_wait3A_163 = arith.constant 0 : i32
          %dma_wait3A_164 = tpu.memref_slice %arg12[%dma_wait3A_162, %dma_wait3A_163] : memref<10240x128xf32, #tpu.memory_space<vmem_shared>> -> memref<10240x128xf32, #tpu.memory_space<vmem_shared>>
          tpu.wait_indirect_dma semaphore(%run_scoped3A : memref<!tpu.dma_semaphore, #tpu.memory_space<semaphore_mem>>) src(%arg7 : memref<128x128xf32, #tpu.memory_space<vmem>>) dst(%dma_wait3A_164 : memref<10240x128xf32, #tpu.memory_space<vmem_shared>>)
          tpu.yield
        }) : () -> ()
        %add3A_130 = arith.constant 3 : i32
        %add3A_131 = arith.addi %add3A_94, %add3A_130 : i32
        %dma_start3A_132 = arith.constant 0 : i32
        %dma_start3A_133 = tpu.memref_slice %arg3[%add3A_131, %dma_start3A_132] : memref<2560x128xi32, #tpu.memory_space<hbm>> -> memref<1x128xi32, #tpu.memory_space<hbm>>
        %dma_start3A_134 = tpu.memref_squeeze %dma_start3A_133 : memref<1x128xi32, #tpu.memory_space<hbm>> -> memref<128xi32, #tpu.memory_space<hbm>>
        %dma_start3A_135 = arith.constant 0 : i32
        %dma_start3A_136 = tpu.memref_slice %arg3[%add3A_131, %dma_start3A_135] : memref<2560x128xi32, #tpu.memory_space<hbm>> -> memref<1x128xi32, #tpu.memory_space<hbm>>
        %dma_start3A_137 = tpu.memref_squeeze %dma_start3A_136 : memref<1x128xi32, #tpu.memory_space<hbm>> -> memref<128xi32, #tpu.memory_space<hbm>>
        tpu.enqueue_dma source(%dma_start3A_137 : memref<128xi32, #tpu.memory_space<hbm>>) target(%arg9 : memref<128xi32, #tpu.memory_space<vmem>>) target_semaphore(%arg14 : memref<!tpu.dma_semaphore, #tpu.memory_space<semaphore_mem>>)
        %dma_start3A_138 = arith.constant 0 : i32
        %dma_start3A_139 = tpu.memref_slice %arg4[%add3A_131, %dma_start3A_138] : memref<2560x128xi32, #tpu.memory_space<hbm>> -> memref<1x128xi32, #tpu.memory_space<hbm>>
        %dma_start3A_140 = tpu.memref_squeeze %dma_start3A_139 : memref<1x128xi32, #tpu.memory_space<hbm>> -> memref<128xi32, #tpu.memory_space<hbm>>
        %dma_start3A_141 = arith.constant 0 : i32
        %dma_start3A_142 = tpu.memref_slice %arg4[%add3A_131, %dma_start3A_141] : memref<2560x128xi32, #tpu.memory_space<hbm>> -> memref<1x128xi32, #tpu.memory_space<hbm>>
        %dma_start3A_143 = tpu.memref_squeeze %dma_start3A_142 : memref<1x128xi32, #tpu.memory_space<hbm>> -> memref<128xi32, #tpu.memory_space<hbm>>
        tpu.enqueue_dma source(%dma_start3A_143 : memref<128xi32, #tpu.memory_space<hbm>>) target(%arg11 : memref<128xi32, #tpu.memory_space<vmem>>) target_semaphore(%arg14 : memref<!tpu.dma_semaphore, #tpu.memory_space<semaphore_mem>>)
        %dma_wait3A_144 = arith.constant 0 : i32
        %dma_wait3A_145 = tpu.memref_slice %arg3[%add3A_131, %dma_wait3A_144] : memref<2560x128xi32, #tpu.memory_space<hbm>> -> memref<1x128xi32, #tpu.memory_space<hbm>>
        %dma_wait3A_146 = tpu.memref_squeeze %dma_wait3A_145 : memref<1x128xi32, #tpu.memory_space<hbm>> -> memref<128xi32, #tpu.memory_space<hbm>>
        %dma_wait3A_147 = arith.constant 0 : i32
        %dma_wait3A_148 = tpu.memref_slice %arg3[%add3A_131, %dma_wait3A_147] : memref<2560x128xi32, #tpu.memory_space<hbm>> -> memref<1x128xi32, #tpu.memory_space<hbm>>
        %dma_wait3A_149 = tpu.memref_squeeze %dma_wait3A_148 : memref<1x128xi32, #tpu.memory_space<hbm>> -> memref<128xi32, #tpu.memory_space<hbm>>
        tpu.wait_dma2 semaphore(%arg14 : memref<!tpu.dma_semaphore, #tpu.memory_space<semaphore_mem>>) src(%dma_wait3A_149 : memref<128xi32, #tpu.memory_space<hbm>>) dst(%arg9 : memref<128xi32, #tpu.memory_space<vmem>>)
        %dma_wait3A_150 = arith.constant 0 : i32
        %dma_wait3A_151 = tpu.memref_slice %arg4[%add3A_131, %dma_wait3A_150] : memref<2560x128xi32, #tpu.memory_space<hbm>> -> memref<1x128xi32, #tpu.memory_space<hbm>>
        %dma_wait3A_152 = tpu.memref_squeeze %dma_wait3A_151 : memref<1x128xi32, #tpu.memory_space<hbm>> -> memref<128xi32, #tpu.memory_space<hbm>>
        %dma_wait3A_153 = arith.constant 0 : i32
        %dma_wait3A_154 = tpu.memref_slice %arg4[%add3A_131, %dma_wait3A_153] : memref<2560x128xi32, #tpu.memory_space<hbm>> -> memref<1x128xi32, #tpu.memory_space<hbm>>
        %dma_wait3A_155 = tpu.memref_squeeze %dma_wait3A_154 : memref<1x128xi32, #tpu.memory_space<hbm>> -> memref<128xi32, #tpu.memory_space<hbm>>
        tpu.wait_dma2 semaphore(%arg14 : memref<!tpu.dma_semaphore, #tpu.memory_space<semaphore_mem>>) src(%dma_wait3A_155 : memref<128xi32, #tpu.memory_space<hbm>>) dst(%arg11 : memref<128xi32, #tpu.memory_space<vmem>>)
        %dma_start3A_156 = arith.constant 0 : i32
        %dma_start3A_157 = arith.constant 0 : i32
        %dma_start3A_158 = tpu.memref_slice %arg2[%dma_start3A_156, %dma_start3A_157] : memref<10000x128xf32, #tpu.memory_space<hbm>> -> memref<10000x128xf32, #tpu.memory_space<hbm>>
        tpu.enqueue_indirect_dma source(%dma_start3A_158 : memref<10000x128xf32, #tpu.memory_space<hbm>>) target(%arg7 : memref<128x128xf32, #tpu.memory_space<vmem>>) offsets(%arg9 : memref<128xi32, #tpu.memory_space<vmem>>) semaphore(%arg16 : memref<!tpu.dma_semaphore, #tpu.memory_space<semaphore_mem>>)
      }
      %scan3A_84 = arith.constant 15 : i32
      %dma_wait3A_85 = arith.constant 0 : i32
      %dma_wait3A_86 = arith.constant 0 : i32
      %dma_wait3A_87 = tpu.memref_slice %arg2[%dma_wait3A_85, %dma_wait3A_86] : memref<10000x128xf32, #tpu.memory_space<hbm>> -> memref<10000x128xf32, #tpu.memory_space<hbm>>
      tpu.wait_indirect_dma semaphore(%arg15 : memref<!tpu.dma_semaphore, #tpu.memory_space<semaphore_mem>>) src(%dma_wait3A_87 : memref<10000x128xf32, #tpu.memory_space<hbm>>) dst(%arg6 : memref<128x128xf32, #tpu.memory_space<vmem>>)
      "tpu.region"() ({
        %run_scoped3A = tpu.sem_alloc : memref<!tpu.dma_semaphore, #tpu.memory_space<semaphore_mem>>
        %dma_start3A_91 = arith.constant 0 : i32
        %dma_start3A_92 = arith.constant 0 : i32
        %dma_start3A_93 = tpu.memref_slice %arg12[%dma_start3A_91, %dma_start3A_92] : memref<10240x128xf32, #tpu.memory_space<vmem_shared>> -> memref<10240x128xf32, #tpu.memory_space<vmem_shared>>
        tpu.enqueue_indirect_dma source(%arg6 : memref<128x128xf32, #tpu.memory_space<vmem>>) target(%dma_start3A_93 : memref<10240x128xf32, #tpu.memory_space<vmem_shared>>) offsets(%arg10 : memref<128xi32, #tpu.memory_space<vmem>>) semaphore(%run_scoped3A : memref<!tpu.dma_semaphore, #tpu.memory_space<semaphore_mem>>) {add = true}
        %dma_wait3A_94 = arith.constant 0 : i32
        %dma_wait3A_95 = arith.constant 0 : i32
        %dma_wait3A_96 = tpu.memref_slice %arg12[%dma_wait3A_94, %dma_wait3A_95] : memref<10240x128xf32, #tpu.memory_space<vmem_shared>> -> memref<10240x128xf32, #tpu.memory_space<vmem_shared>>
        tpu.wait_indirect_dma semaphore(%run_scoped3A : memref<!tpu.dma_semaphore, #tpu.memory_space<semaphore_mem>>) src(%arg6 : memref<128x128xf32, #tpu.memory_space<vmem>>) dst(%dma_wait3A_96 : memref<10240x128xf32, #tpu.memory_space<vmem_shared>>)
        tpu.yield
      }) : () -> ()
      %dma_wait3A_88 = arith.constant 0 : i32
      %dma_wait3A_89 = arith.constant 0 : i32
      %dma_wait3A_90 = tpu.memref_slice %arg2[%dma_wait3A_88, %dma_wait3A_89] : memref<10000x128xf32, #tpu.memory_space<hbm>> -> memref<10000x128xf32, #tpu.memory_space<hbm>>
      tpu.wait_indirect_dma semaphore(%arg16 : memref<!tpu.dma_semaphore, #tpu.memory_space<semaphore_mem>>) src(%dma_wait3A_90 : memref<10000x128xf32, #tpu.memory_space<hbm>>) dst(%arg7 : memref<128x128xf32, #tpu.memory_space<vmem>>)
      "tpu.region"() ({
        %run_scoped3A = tpu.sem_alloc : memref<!tpu.dma_semaphore, #tpu.memory_space<semaphore_mem>>
        %dma_start3A_91 = arith.constant 0 : i32
        %dma_start3A_92 = arith.constant 0 : i32
        %dma_start3A_93 = tpu.memref_slice %arg12[%dma_start3A_91, %dma_start3A_92] : memref<10240x128xf32, #tpu.memory_space<vmem_shared>> -> memref<10240x128xf32, #tpu.memory_space<vmem_shared>>
        tpu.enqueue_indirect_dma source(%arg7 : memref<128x128xf32, #tpu.memory_space<vmem>>) target(%dma_start3A_93 : memref<10240x128xf32, #tpu.memory_space<vmem_shared>>) offsets(%arg11 : memref<128xi32, #tpu.memory_space<vmem>>) semaphore(%run_scoped3A : memref<!tpu.dma_semaphore, #tpu.memory_space<semaphore_mem>>) {add = true}
        %dma_wait3A_94 = arith.constant 0 : i32
        %dma_wait3A_95 = arith.constant 0 : i32
        %dma_wait3A_96 = tpu.memref_slice %arg12[%dma_wait3A_94, %dma_wait3A_95] : memref<10240x128xf32, #tpu.memory_space<vmem_shared>> -> memref<10240x128xf32, #tpu.memory_space<vmem_shared>>
        tpu.wait_indirect_dma semaphore(%run_scoped3A : memref<!tpu.dma_semaphore, #tpu.memory_space<semaphore_mem>>) src(%arg7 : memref<128x128xf32, #tpu.memory_space<vmem>>) dst(%dma_wait3A_96 : memref<10240x128xf32, #tpu.memory_space<vmem_shared>>)
        tpu.yield
      }) : () -> ()
    } else {
    }
    %barrier3A_18 = arith.constant 0 : index
    tpu.barrier barrier_id(%barrier3A_18)
    %mul3A = arith.constant 640 : i32
    %mul3A_19 = arith.muli %arg1, %mul3A : i32
    %mul3A_20 = arith.constant 640 : i32
    %mul3A_21 = arith.muli %arg1, %mul3A_20 : i32
    "tpu.region"() ({
      %run_scoped3A = tpu.sem_alloc : memref<!tpu.dma_semaphore, #tpu.memory_space<semaphore_mem>>
      %dma_start3A = arith.constant 0 : i32
      %dma_start3A_22 = arith.constant 0 : i32
      %dma_start3A_23 = tpu.memref_slice %arg5[%arg0, %dma_start3A, %dma_start3A_22] : memref<2x10240x128xf32, #tpu.memory_space<hbm>> -> memref<1x10240x128xf32, #tpu.memory_space<hbm>>
      %dma_start3A_24 = tpu.memref_squeeze %dma_start3A_23 : memref<1x10240x128xf32, #tpu.memory_space<hbm>> -> memref<10240x128xf32, #tpu.memory_space<hbm>>
      %dma_start3A_25 = arith.constant 0 : i32
      %dma_start3A_26 = tpu.memref_slice %dma_start3A_24[%mul3A_21, %dma_start3A_25] : memref<10240x128xf32, #tpu.memory_space<hbm>> -> memref<640x128xf32, #tpu.memory_space<hbm>>
      %dma_start3A_27 = arith.constant 0 : i32
      %dma_start3A_28 = tpu.memref_slice %arg12[%mul3A_19, %dma_start3A_27] : memref<10240x128xf32, #tpu.memory_space<vmem_shared>> -> memref<640x128xf32, #tpu.memory_space<vmem_shared>>
      tpu.enqueue_dma source(%dma_start3A_28 : memref<640x128xf32, #tpu.memory_space<vmem_shared>>) target(%dma_start3A_26 : memref<640x128xf32, #tpu.memory_space<hbm>>) target_semaphore(%run_scoped3A : memref<!tpu.dma_semaphore, #tpu.memory_space<semaphore_mem>>)
      %dma_wait3A = arith.constant 0 : i32
      %dma_wait3A_29 = arith.constant 0 : i32
      %dma_wait3A_30 = tpu.memref_slice %arg5[%arg0, %dma_wait3A, %dma_wait3A_29] : memref<2x10240x128xf32, #tpu.memory_space<hbm>> -> memref<1x10240x128xf32, #tpu.memory_space<hbm>>
      %dma_wait3A_31 = tpu.memref_squeeze %dma_wait3A_30 : memref<1x10240x128xf32, #tpu.memory_space<hbm>> -> memref<10240x128xf32, #tpu.memory_space<hbm>>
      %dma_wait3A_32 = arith.constant 0 : i32
      %dma_wait3A_33 = tpu.memref_slice %dma_wait3A_31[%mul3A_21, %dma_wait3A_32] : memref<10240x128xf32, #tpu.memory_space<hbm>> -> memref<640x128xf32, #tpu.memory_space<hbm>>
      %dma_wait3A_34 = arith.constant 0 : i32
      %dma_wait3A_35 = tpu.memref_slice %arg12[%mul3A_19, %dma_wait3A_34] : memref<10240x128xf32, #tpu.memory_space<vmem_shared>> -> memref<640x128xf32, #tpu.memory_space<vmem_shared>>
      tpu.wait_dma2 semaphore(%run_scoped3A : memref<!tpu.dma_semaphore, #tpu.memory_space<semaphore_mem>>) src(%dma_wait3A_35 : memref<640x128xf32, #tpu.memory_space<vmem_shared>>) dst(%dma_wait3A_33 : memref<640x128xf32, #tpu.memory_space<hbm>>)
      tpu.yield
    }) : () -> ()
    return
  }
}

module attributes {stable_mosaic.version = 14 : i64} {
  func.func @_mlp_body(%arg0: i32, %arg1: memref<2000x128xf32, #tpu.memory_space<vmem>>, %arg2: memref<2x2000x128xf32, #tpu.memory_space<vmem>>, %arg3: memref<1x1x2000xi32, #tpu.memory_space<vmem>>, %arg4: memref<128x128xf32, #tpu.memory_space<vmem>>, %arg5: memref<1x128xf32, #tpu.memory_space<vmem>>, %arg6: memref<128x128xf32, #tpu.memory_space<vmem>>, %arg7: memref<1x128xf32, #tpu.memory_space<vmem>>, %arg8: memref<2000x128xf32, #tpu.memory_space<vmem>>, %arg9: memref<64x128xf32, #tpu.memory_space<vmem>>) attributes {dimension_semantics = [#tpu.dimension_semantics<arbitrary>], iteration_bounds = array<i64: 5>, scalar_prefetch = 0 : i64, scratch_operands = 0 : i64, tpu.core_type = #tpu.core_type<tc>, window_params = [{transform_indices = @transform_0, window_bounds = array<i64: 2000, 128>}, {transform_indices = @transform_1, window_bounds = array<i64: 2, 2000, 128>}, {transform_indices = @transform_2, window_bounds = array<i64: 1, 1, 2000>}, {pipeline_mode = #tpu.pipeline_mode<synchronous>, transform_indices = @transform_3, window_bounds = array<i64: 128, 128>}, {pipeline_mode = #tpu.pipeline_mode<synchronous>, transform_indices = @transform_4, window_bounds = array<i64: 1, 128>}, {pipeline_mode = #tpu.pipeline_mode<synchronous>, transform_indices = @transform_5, window_bounds = array<i64: 128, 128>}, {pipeline_mode = #tpu.pipeline_mode<synchronous>, transform_indices = @transform_6, window_bounds = array<i64: 1, 128>}, {transform_indices = @transform_7, window_bounds = array<i64: 2000, 128>}, {pipeline_mode = #tpu.pipeline_mode<synchronous>, transform_indices = @transform_8, window_bounds = array<i64: 64, 128>}]} {
    %get3A = arith.constant 0 : index
    %get3A_0 = arith.constant 0 : index
    %get3A_1 = vector.load %arg1[%get3A, %get3A_0] : memref<2000x128xf32, #tpu.memory_space<vmem>>, vector<2000x128xf32>
    %get3A_2 = arith.constant 0 : index
    %get3A_3 = arith.constant 0 : index
    %get3A_4 = arith.constant 0 : index
    %get3A_5 = vector.load %arg2[%get3A_2, %get3A_3, %get3A_4] : memref<2x2000x128xf32, #tpu.memory_space<vmem>>, vector<1x2000x128xf32>
    %get3A_6 = vector.shape_cast %get3A_5 : vector<1x2000x128xf32> to vector<2000x128xf32>
    %add3A = arith.addf %get3A_1, %get3A_6 : vector<2000x128xf32>
    %get3A_7 = arith.constant 1 : index
    %get3A_8 = arith.constant 0 : index
    %get3A_9 = arith.constant 0 : index
    %get3A_10 = vector.load %arg2[%get3A_7, %get3A_8, %get3A_9] : memref<2x2000x128xf32, #tpu.memory_space<vmem>>, vector<1x2000x128xf32>
    %get3A_11 = vector.shape_cast %get3A_10 : vector<1x2000x128xf32> to vector<2000x128xf32>
    %add3A_12 = arith.addf %add3A, %get3A_11 : vector<2000x128xf32>
    %get3A_13 = arith.constant 0 : index
    %get3A_14 = arith.constant 0 : index
    %get3A_15 = vector.load %arg4[%get3A_13, %get3A_14] : memref<128x128xf32, #tpu.memory_space<vmem>>, vector<128x128xf32>
    %dot_general3A = arith.constant dense<0.000000e+00> : vector<2000x128xf32>
    %dot_general3A_16 = tpu.matmul %add3A_12, %get3A_15, %dot_general3A {dimension_numbers = #tpu.dot_dimension_numbers<[1], [0], [0], [1], [0, 0, 1, 1], [], []>, transpose_lhs_hint = false} : vector<2000x128xf32>, vector<128x128xf32>, vector<2000x128xf32> -> vector<2000x128xf32>
    %get3A_17 = arith.constant 0 : index
    %get3A_18 = arith.constant 0 : index
    %get3A_19 = vector.load %arg5[%get3A_17, %get3A_18] : memref<1x128xf32, #tpu.memory_space<vmem>>, vector<1x128xf32>
    %add3A_20 = vector.broadcast %get3A_19 : vector<1x128xf32> to vector<2000x128xf32>
    %add3A_21 = arith.addf %dot_general3A_16, %add3A_20 : vector<2000x128xf32>
    %max3A = arith.constant 0.000000e+00 : f32
    %max3A_22 = vector.broadcast %max3A : f32 to vector<2000x128xf32>
    %max3A_23 = arith.maximumf %add3A_21, %max3A_22 : vector<2000x128xf32>
    %get3A_24 = arith.constant 0 : index
    %get3A_25 = arith.constant 0 : index
    %get3A_26 = vector.load %arg6[%get3A_24, %get3A_25] : memref<128x128xf32, #tpu.memory_space<vmem>>, vector<128x128xf32>
    %dot_general3A_27 = arith.constant dense<0.000000e+00> : vector<2000x128xf32>
    %dot_general3A_28 = tpu.matmul %max3A_23, %get3A_26, %dot_general3A_27 {dimension_numbers = #tpu.dot_dimension_numbers<[1], [0], [0], [1], [0, 0, 1, 1], [], []>, transpose_lhs_hint = false} : vector<2000x128xf32>, vector<128x128xf32>, vector<2000x128xf32> -> vector<2000x128xf32>
    %get3A_29 = arith.constant 0 : index
    %get3A_30 = arith.constant 0 : index
    %get3A_31 = vector.load %arg7[%get3A_29, %get3A_30] : memref<1x128xf32, #tpu.memory_space<vmem>>, vector<1x128xf32>
    %add3A_32 = vector.broadcast %get3A_31 : vector<1x128xf32> to vector<2000x128xf32>
    %add3A_33 = arith.addf %dot_general3A_28, %add3A_32 : vector<2000x128xf32>
    %max3A_34 = arith.constant 0.000000e+00 : f32
    %max3A_35 = vector.broadcast %max3A_34 : f32 to vector<2000x128xf32>
    %max3A_36 = arith.maximumf %add3A_33, %max3A_35 : vector<2000x128xf32>
    %swap3A = arith.constant 0 : index
    %swap3A_37 = arith.constant 0 : index
    %swap3A_38 = vector.load %arg8[%swap3A, %swap3A_37] : memref<2000x128xf32, #tpu.memory_space<vmem>>, vector<2000x128xf32>
    tpu.vector_store %arg8[%swap3A, %swap3A_37], %max3A_36 {strides = array<i32>} : memref<2000x128xf32, #tpu.memory_space<vmem>>, vector<2000x128xf32>,
    %get3A_39 = arith.constant 0 : index
    %get3A_40 = arith.constant 0 : index
    %get3A_41 = arith.constant 0 : index
    %get3A_42 = vector.load %arg3[%get3A_39, %get3A_40, %get3A_41] : memref<1x1x2000xi32, #tpu.memory_space<vmem>>, vector<1x1x2000xi32>
    %get3A_43 = vector.shape_cast %get3A_42 : vector<1x1x2000xi32> to vector<1x2000xi32>
    %iota3A = tpu.iota {dimensions = array<i32: 0>} : vector<64x2000xi32>
    %eq3A = vector.broadcast %get3A_43 : vector<1x2000xi32> to vector<64x2000xi32>
    %eq3A_44 = arith.cmpi eq, %eq3A, %iota3A : vector<64x2000xi32>
    %convert_element_type3A = arith.extui %eq3A_44 : vector<64x2000xi1> to vector<64x2000xi32>
    %convert_element_type3A_45 = arith.sitofp %convert_element_type3A : vector<64x2000xi32> to vector<64x2000xf32>
    %dot_general3A_46 = arith.constant dense<0.000000e+00> : vector<64x128xf32>
    %dot_general3A_47 = tpu.matmul %convert_element_type3A_45, %max3A_36, %dot_general3A_46 {dimension_numbers = #tpu.dot_dimension_numbers<[1], [0], [0], [1], [0, 0, 1, 1], [], []>, transpose_lhs_hint = false} : vector<64x2000xf32>, vector<2000x128xf32>, vector<64x128xf32> -> vector<64x128xf32>
    %eq3A_48 = arith.constant 0 : i32
    %eq3A_49 = arith.cmpi eq, %arg0, %eq3A_48 : i32
    %convert_element_type3A_50 = arith.extui %eq3A_49 : i1 to i32
    %cond3A = arith.constant 0 : i32
    %cond3A_51 = arith.cmpi ne, %convert_element_type3A_50, %cond3A : i32
    scf.if %cond3A_51 {
      %broadcast_in_dim3A = arith.constant 0.000000e+00 : f32
      %broadcast_in_dim3A_59 = vector.broadcast %broadcast_in_dim3A : f32 to vector<64x128xf32>
      %swap3A_60 = arith.constant 0 : index
      %swap3A_61 = arith.constant 0 : index
      %swap3A_62 = vector.load %arg9[%swap3A_60, %swap3A_61] : memref<64x128xf32, #tpu.memory_space<vmem>>, vector<64x128xf32>
      tpu.vector_store %arg9[%swap3A_60, %swap3A_61], %broadcast_in_dim3A_59 {strides = array<i32>} : memref<64x128xf32, #tpu.memory_space<vmem>>, vector<64x128xf32>,
    } else {
    }
    %get3A_52 = arith.constant 0 : index
    %get3A_53 = arith.constant 0 : index
    %get3A_54 = vector.load %arg9[%get3A_52, %get3A_53] : memref<64x128xf32, #tpu.memory_space<vmem>>, vector<64x128xf32>
    %add3A_55 = arith.addf %get3A_54, %dot_general3A_47 : vector<64x128xf32>
    %swap3A_56 = arith.constant 0 : index
    %swap3A_57 = arith.constant 0 : index
    %swap3A_58 = vector.load %arg9[%swap3A_56, %swap3A_57] : memref<64x128xf32, #tpu.memory_space<vmem>>, vector<64x128xf32>
    tpu.vector_store %arg9[%swap3A_56, %swap3A_57], %add3A_55 {strides = array<i32>} : memref<64x128xf32, #tpu.memory_space<vmem>>, vector<64x128xf32>,
    return
  }
  func.func @transform_0(%arg0: i32) -> (i32, i32) {
    %c0_i32 = arith.constant 0 : i32
    %c0_i32_0 = arith.constant 0 : i32
    return %arg0, %c0_i32 : i32, i32
  }
  func.func @transform_1(%arg0: i32) -> (i32, i32, i32) {
    %c0_i32 = arith.constant 0 : i32
    %c0_i32_0 = arith.constant 0 : i32
    %c0_i32_1 = arith.constant 0 : i32
    return %c0_i32, %arg0, %c0_i32_0 : i32, i32, i32
  }
  func.func @transform_2(%arg0: i32) -> (i32, i32, i32) {
    %c0_i32 = arith.constant 0 : i32
    %c0_i32_0 = arith.constant 0 : i32
    %c0_i32_1 = arith.constant 0 : i32
    return %arg0, %c0_i32, %c0_i32_0 : i32, i32, i32
  }
  func.func @transform_3(%arg0: i32) -> (i32, i32) {
    %c0_i32 = arith.constant 0 : i32
    %c0_i32_0 = arith.constant 0 : i32
    %c0_i32_1 = arith.constant 0 : i32
    return %c0_i32, %c0_i32_0 : i32, i32
  }
  func.func @transform_4(%arg0: i32) -> (i32, i32) {
    %c0_i32 = arith.constant 0 : i32
    %c0_i32_0 = arith.constant 0 : i32
    %c0_i32_1 = arith.constant 0 : i32
    return %c0_i32, %c0_i32_0 : i32, i32
  }
  func.func @transform_5(%arg0: i32) -> (i32, i32) {
    %c0_i32 = arith.constant 0 : i32
    %c0_i32_0 = arith.constant 0 : i32
    %c0_i32_1 = arith.constant 0 : i32
    return %c0_i32, %c0_i32_0 : i32, i32
  }
  func.func @transform_6(%arg0: i32) -> (i32, i32) {
    %c0_i32 = arith.constant 0 : i32
    %c0_i32_0 = arith.constant 0 : i32
    %c0_i32_1 = arith.constant 0 : i32
    return %c0_i32, %c0_i32_0 : i32, i32
  }
  func.func @transform_7(%arg0: i32) -> (i32, i32) {
    %c0_i32 = arith.constant 0 : i32
    %c0_i32_0 = arith.constant 0 : i32
    return %arg0, %c0_i32 : i32, i32
  }
  func.func @transform_8(%arg0: i32) -> (i32, i32) {
    %c0_i32 = arith.constant 0 : i32
    %c0_i32_0 = arith.constant 0 : i32
    %c0_i32_1 = arith.constant 0 : i32
    return %c0_i32, %c0_i32_0 : i32, i32
  }
}

module attributes {stable_mosaic.version = 14 : i64} {
  func.func @_mlp_body(%arg0: i32, %arg1: memref<2000x128xf32, #tpu.memory_space<vmem>>, %arg2: memref<2x2000x128xf32, #tpu.memory_space<vmem>>, %arg3: memref<1x1x2000xi32, #tpu.memory_space<vmem>>, %arg4: memref<128x128xf32, #tpu.memory_space<vmem>>, %arg5: memref<1x128xf32, #tpu.memory_space<vmem>>, %arg6: memref<128x128xf32, #tpu.memory_space<vmem>>, %arg7: memref<1x128xf32, #tpu.memory_space<vmem>>, %arg8: memref<2000x128xf32, #tpu.memory_space<vmem>>, %arg9: memref<64x128xf32, #tpu.memory_space<vmem>>) attributes {dimension_semantics = [#tpu.dimension_semantics<arbitrary>], iteration_bounds = array<i64: 5>, scalar_prefetch = 0 : i64, scratch_operands = 0 : i64, tpu.core_type = #tpu.core_type<tc>, window_params = [{transform_indices = @transform_0, window_bounds = array<i64: 2000, 128>}, {transform_indices = @transform_1, window_bounds = array<i64: 2, 2000, 128>}, {transform_indices = @transform_2, window_bounds = array<i64: 1, 1, 2000>}, {pipeline_mode = #tpu.pipeline_mode<synchronous>, transform_indices = @transform_3, window_bounds = array<i64: 128, 128>}, {pipeline_mode = #tpu.pipeline_mode<synchronous>, transform_indices = @transform_4, window_bounds = array<i64: 1, 128>}, {pipeline_mode = #tpu.pipeline_mode<synchronous>, transform_indices = @transform_5, window_bounds = array<i64: 128, 128>}, {pipeline_mode = #tpu.pipeline_mode<synchronous>, transform_indices = @transform_6, window_bounds = array<i64: 1, 128>}, {transform_indices = @transform_7, window_bounds = array<i64: 2000, 128>}, {pipeline_mode = #tpu.pipeline_mode<synchronous>, transform_indices = @transform_8, window_bounds = array<i64: 64, 128>}]} {
    %get3A = arith.constant 0 : index
    %get3A_0 = arith.constant 0 : index
    %get3A_1 = vector.load %arg1[%get3A, %get3A_0] : memref<2000x128xf32, #tpu.memory_space<vmem>>, vector<2000x128xf32>
    %get3A_2 = arith.constant 0 : index
    %get3A_3 = arith.constant 0 : index
    %get3A_4 = arith.constant 0 : index
    %get3A_5 = vector.load %arg2[%get3A_2, %get3A_3, %get3A_4] : memref<2x2000x128xf32, #tpu.memory_space<vmem>>, vector<1x2000x128xf32>
    %get3A_6 = vector.shape_cast %get3A_5 : vector<1x2000x128xf32> to vector<2000x128xf32>
    %add3A = arith.addf %get3A_1, %get3A_6 : vector<2000x128xf32>
    %get3A_7 = arith.constant 1 : index
    %get3A_8 = arith.constant 0 : index
    %get3A_9 = arith.constant 0 : index
    %get3A_10 = vector.load %arg2[%get3A_7, %get3A_8, %get3A_9] : memref<2x2000x128xf32, #tpu.memory_space<vmem>>, vector<1x2000x128xf32>
    %get3A_11 = vector.shape_cast %get3A_10 : vector<1x2000x128xf32> to vector<2000x128xf32>
    %add3A_12 = arith.addf %add3A, %get3A_11 : vector<2000x128xf32>
    %get3A_13 = arith.constant 0 : index
    %get3A_14 = arith.constant 0 : index
    %get3A_15 = vector.load %arg4[%get3A_13, %get3A_14] : memref<128x128xf32, #tpu.memory_space<vmem>>, vector<128x128xf32>
    %dot_general3A = arith.constant dense<0.000000e+00> : vector<2000x128xf32>
    %dot_general3A_16 = tpu.matmul %add3A_12, %get3A_15, %dot_general3A {dimension_numbers = #tpu.dot_dimension_numbers<[1], [0], [0], [1], [0, 0, 1, 1], [], []>, transpose_lhs_hint = false} : vector<2000x128xf32>, vector<128x128xf32>, vector<2000x128xf32> -> vector<2000x128xf32>
    %get3A_17 = arith.constant 0 : index
    %get3A_18 = arith.constant 0 : index
    %get3A_19 = vector.load %arg5[%get3A_17, %get3A_18] : memref<1x128xf32, #tpu.memory_space<vmem>>, vector<1x128xf32>
    %add3A_20 = vector.broadcast %get3A_19 : vector<1x128xf32> to vector<2000x128xf32>
    %add3A_21 = arith.addf %dot_general3A_16, %add3A_20 : vector<2000x128xf32>
    %max3A = arith.constant 0.000000e+00 : f32
    %max3A_22 = vector.broadcast %max3A : f32 to vector<2000x128xf32>
    %max3A_23 = arith.maximumf %add3A_21, %max3A_22 : vector<2000x128xf32>
    %get3A_24 = arith.constant 0 : index
    %get3A_25 = arith.constant 0 : index
    %get3A_26 = vector.load %arg6[%get3A_24, %get3A_25] : memref<128x128xf32, #tpu.memory_space<vmem>>, vector<128x128xf32>
    %dot_general3A_27 = arith.constant dense<0.000000e+00> : vector<2000x128xf32>
    %dot_general3A_28 = tpu.matmul %max3A_23, %get3A_26, %dot_general3A_27 {dimension_numbers = #tpu.dot_dimension_numbers<[1], [0], [0], [1], [0, 0, 1, 1], [], []>, transpose_lhs_hint = false} : vector<2000x128xf32>, vector<128x128xf32>, vector<2000x128xf32> -> vector<2000x128xf32>
    %get3A_29 = arith.constant 0 : index
    %get3A_30 = arith.constant 0 : index
    %get3A_31 = vector.load %arg7[%get3A_29, %get3A_30] : memref<1x128xf32, #tpu.memory_space<vmem>>, vector<1x128xf32>
    %add3A_32 = vector.broadcast %get3A_31 : vector<1x128xf32> to vector<2000x128xf32>
    %add3A_33 = arith.addf %dot_general3A_28, %add3A_32 : vector<2000x128xf32>
    %max3A_34 = arith.constant 0.000000e+00 : f32
    %max3A_35 = vector.broadcast %max3A_34 : f32 to vector<2000x128xf32>
    %max3A_36 = arith.maximumf %add3A_33, %max3A_35 : vector<2000x128xf32>
    %swap3A = arith.constant 0 : index
    %swap3A_37 = arith.constant 0 : index
    %swap3A_38 = vector.load %arg8[%swap3A, %swap3A_37] : memref<2000x128xf32, #tpu.memory_space<vmem>>, vector<2000x128xf32>
    tpu.vector_store %arg8[%swap3A, %swap3A_37], %max3A_36 {strides = array<i32>} : memref<2000x128xf32, #tpu.memory_space<vmem>>, vector<2000x128xf32>,
    %get3A_39 = arith.constant 0 : index
    %get3A_40 = arith.constant 0 : index
    %get3A_41 = arith.constant 0 : index
    %get3A_42 = vector.load %arg3[%get3A_39, %get3A_40, %get3A_41] : memref<1x1x2000xi32, #tpu.memory_space<vmem>>, vector<1x1x2000xi32>
    %get3A_43 = vector.shape_cast %get3A_42 : vector<1x1x2000xi32> to vector<1x2000xi32>
    %iota3A = tpu.iota {dimensions = array<i32: 0>} : vector<64x2000xi32>
    %eq3A = vector.broadcast %get3A_43 : vector<1x2000xi32> to vector<64x2000xi32>
    %eq3A_44 = arith.cmpi eq, %eq3A, %iota3A : vector<64x2000xi32>
    %convert_element_type3A = arith.extui %eq3A_44 : vector<64x2000xi1> to vector<64x2000xi32>
    %convert_element_type3A_45 = arith.sitofp %convert_element_type3A : vector<64x2000xi32> to vector<64x2000xf32>
    %dot_general3A_46 = arith.constant dense<0.000000e+00> : vector<64x128xf32>
    %dot_general3A_47 = tpu.matmul %convert_element_type3A_45, %max3A_36, %dot_general3A_46 {dimension_numbers = #tpu.dot_dimension_numbers<[1], [0], [0], [1], [0, 0, 1, 1], [], []>, transpose_lhs_hint = false} : vector<64x2000xf32>, vector<2000x128xf32>, vector<64x128xf32> -> vector<64x128xf32>
    %eq3A_48 = arith.constant 0 : i32
    %eq3A_49 = arith.cmpi eq, %arg0, %eq3A_48 : i32
    %convert_element_type3A_50 = arith.extui %eq3A_49 : i1 to i32
    %cond3A = arith.constant 0 : i32
    %cond3A_51 = arith.cmpi ne, %convert_element_type3A_50, %cond3A : i32
    scf.if %cond3A_51 {
      %broadcast_in_dim3A = arith.constant 0.000000e+00 : f32
      %broadcast_in_dim3A_59 = vector.broadcast %broadcast_in_dim3A : f32 to vector<64x128xf32>
      %swap3A_60 = arith.constant 0 : index
      %swap3A_61 = arith.constant 0 : index
      %swap3A_62 = vector.load %arg9[%swap3A_60, %swap3A_61] : memref<64x128xf32, #tpu.memory_space<vmem>>, vector<64x128xf32>
      tpu.vector_store %arg9[%swap3A_60, %swap3A_61], %broadcast_in_dim3A_59 {strides = array<i32>} : memref<64x128xf32, #tpu.memory_space<vmem>>, vector<64x128xf32>,
    } else {
    }
    %get3A_52 = arith.constant 0 : index
    %get3A_53 = arith.constant 0 : index
    %get3A_54 = vector.load %arg9[%get3A_52, %get3A_53] : memref<64x128xf32, #tpu.memory_space<vmem>>, vector<64x128xf32>
    %add3A_55 = arith.addf %get3A_54, %dot_general3A_47 : vector<64x128xf32>
    %swap3A_56 = arith.constant 0 : index
    %swap3A_57 = arith.constant 0 : index
    %swap3A_58 = vector.load %arg9[%swap3A_56, %swap3A_57] : memref<64x128xf32, #tpu.memory_space<vmem>>, vector<64x128xf32>
    tpu.vector_store %arg9[%swap3A_56, %swap3A_57], %add3A_55 {strides = array<i32>} : memref<64x128xf32, #tpu.memory_space<vmem>>, vector<64x128xf32>,
    return
  }
  func.func @transform_0(%arg0: i32) -> (i32, i32) {
    %c0_i32 = arith.constant 0 : i32
    %c0_i32_0 = arith.constant 0 : i32
    return %arg0, %c0_i32 : i32, i32
  }
  func.func @transform_1(%arg0: i32) -> (i32, i32, i32) {
    %c0_i32 = arith.constant 0 : i32
    %c0_i32_0 = arith.constant 0 : i32
    %c0_i32_1 = arith.constant 0 : i32
    return %c0_i32, %arg0, %c0_i32_0 : i32, i32, i32
  }
  func.func @transform_2(%arg0: i32) -> (i32, i32, i32) {
    %c0_i32 = arith.constant 0 : i32
    %c0_i32_0 = arith.constant 0 : i32
    %c0_i32_1 = arith.constant 0 : i32
    return %arg0, %c0_i32, %c0_i32_0 : i32, i32, i32
  }
  func.func @transform_3(%arg0: i32) -> (i32, i32) {
    %c0_i32 = arith.constant 0 : i32
    %c0_i32_0 = arith.constant 0 : i32
    %c0_i32_1 = arith.constant 0 : i32
    return %c0_i32, %c0_i32_0 : i32, i32
  }
  func.func @transform_4(%arg0: i32) -> (i32, i32) {
    %c0_i32 = arith.constant 0 : i32
    %c0_i32_0 = arith.constant 0 : i32
    %c0_i32_1 = arith.constant 0 : i32
    return %c0_i32, %c0_i32_0 : i32, i32
  }
  func.func @transform_5(%arg0: i32) -> (i32, i32) {
    %c0_i32 = arith.constant 0 : i32
    %c0_i32_0 = arith.constant 0 : i32
    %c0_i32_1 = arith.constant 0 : i32
    return %c0_i32, %c0_i32_0 : i32, i32
  }
  func.func @transform_6(%arg0: i32) -> (i32, i32) {
    %c0_i32 = arith.constant 0 : i32
    %c0_i32_0 = arith.constant 0 : i32
    %c0_i32_1 = arith.constant 0 : i32
    return %c0_i32, %c0_i32_0 : i32, i32
  }
  func.func @transform_7(%arg0: i32) -> (i32, i32) {
    %c0_i32 = arith.constant 0 : i32
    %c0_i32_0 = arith.constant 0 : i32
    return %arg0, %c0_i32 : i32, i32
  }
  func.func @transform_8(%arg0: i32) -> (i32, i32) {
    %c0_i32 = arith.constant 0 : i32
    %c0_i32_0 = arith.constant 0 : i32
    %c0_i32_1 = arith.constant 0 : i32
    return %c0_i32, %c0_i32_0 : i32, i32
  }
}

module attributes {stable_mosaic.version = 14 : i64} {
  func.func @_ffn_body(%arg0: memref<64x128xf32, #tpu.memory_space<vmem>>, %arg1: memref<64x128xf32, #tpu.memory_space<vmem>>, %arg2: memref<64x128xf32, #tpu.memory_space<vmem>>, %arg3: memref<384x64xf32, #tpu.memory_space<vmem>>, %arg4: memref<1x64xf32, #tpu.memory_space<vmem>>, %arg5: memref<64x64xf32, #tpu.memory_space<vmem>>, %arg6: memref<1x64xf32, #tpu.memory_space<vmem>>, %arg7: memref<64x64xf32, #tpu.memory_space<vmem>>) attributes {dimension_semantics = [], scalar_prefetch = 0 : i64, scratch_operands = 0 : i64, tpu.core_type = #tpu.core_type<tc>} {
    %get3A = arith.constant 0 : index
    %get3A_0 = arith.constant 0 : index
    %get3A_1 = vector.load %arg0[%get3A, %get3A_0] : memref<64x128xf32, #tpu.memory_space<vmem>>, vector<64x128xf32>
    %get3A_2 = arith.constant 0 : index
    %get3A_3 = arith.constant 0 : index
    %get3A_4 = vector.load %arg1[%get3A_2, %get3A_3] : memref<64x128xf32, #tpu.memory_space<vmem>>, vector<64x128xf32>
    %get3A_5 = arith.constant 0 : index
    %get3A_6 = arith.constant 0 : index
    %get3A_7 = vector.load %arg2[%get3A_5, %get3A_6] : memref<64x128xf32, #tpu.memory_space<vmem>>, vector<64x128xf32>
    %concatenate3A = tpu.concatenate %get3A_1, %get3A_4, %get3A_7 in 1 : vector<64x128xf32>, vector<64x128xf32>, vector<64x128xf32> -> vector<64x384xf32>
    %get3A_8 = arith.constant 0 : index
    %get3A_9 = arith.constant 0 : index
    %get3A_10 = vector.load %arg3[%get3A_8, %get3A_9] : memref<384x64xf32, #tpu.memory_space<vmem>>, vector<384x64xf32>
    %dot_general3A = arith.constant dense<0.000000e+00> : vector<64x64xf32>
    %dot_general3A_11 = tpu.matmul %concatenate3A, %get3A_10, %dot_general3A {dimension_numbers = #tpu.dot_dimension_numbers<[1], [0], [0], [1], [0, 0, 1, 1], [], []>, transpose_lhs_hint = false} : vector<64x384xf32>, vector<384x64xf32>, vector<64x64xf32> -> vector<64x64xf32>
    %get3A_12 = arith.constant 0 : index
    %get3A_13 = arith.constant 0 : index
    %get3A_14 = vector.load %arg4[%get3A_12, %get3A_13] : memref<1x64xf32, #tpu.memory_space<vmem>>, vector<1x64xf32>
    %add3A = vector.broadcast %get3A_14 : vector<1x64xf32> to vector<64x64xf32>
    %add3A_15 = arith.addf %dot_general3A_11, %add3A : vector<64x64xf32>
    %max3A = arith.constant 0.000000e+00 : f32
    %max3A_16 = vector.broadcast %max3A : f32 to vector<64x64xf32>
    %max3A_17 = arith.maximumf %add3A_15, %max3A_16 : vector<64x64xf32>
    %get3A_18 = arith.constant 0 : index
    %get3A_19 = arith.constant 0 : index
    %get3A_20 = vector.load %arg5[%get3A_18, %get3A_19] : memref<64x64xf32, #tpu.memory_space<vmem>>, vector<64x64xf32>
    %dot_general3A_21 = arith.constant dense<0.000000e+00> : vector<64x64xf32>
    %dot_general3A_22 = tpu.matmul %max3A_17, %get3A_20, %dot_general3A_21 {dimension_numbers = #tpu.dot_dimension_numbers<[1], [0], [0], [1], [0, 0, 1, 1], [], []>, transpose_lhs_hint = false} : vector<64x64xf32>, vector<64x64xf32>, vector<64x64xf32> -> vector<64x64xf32>
    %get3A_23 = arith.constant 0 : index
    %get3A_24 = arith.constant 0 : index
    %get3A_25 = vector.load %arg6[%get3A_23, %get3A_24] : memref<1x64xf32, #tpu.memory_space<vmem>>, vector<1x64xf32>
    %add3A_26 = vector.broadcast %get3A_25 : vector<1x64xf32> to vector<64x64xf32>
    %add3A_27 = arith.addf %dot_general3A_22, %add3A_26 : vector<64x64xf32>
    %swap3A = arith.constant 0 : index
    %swap3A_28 = arith.constant 0 : index
    %swap3A_29 = vector.load %arg7[%swap3A, %swap3A_28] : memref<64x64xf32, #tpu.memory_space<vmem>>, vector<64x64xf32>
    tpu.vector_store %arg7[%swap3A, %swap3A_28], %add3A_27 {strides = array<i32>} : memref<64x64xf32, #tpu.memory_space<vmem>>, vector<64x64xf32>,
    return
  }
}

</mosaic_0001>

<sc_bundles>
// kernel: kernel.12.cloned.1.call-start
scs
__scs_entry_jumppad:
0x0: {  	(pc) =	sbr.rel $0x88, $3  }
0x1: {  	(tag) =	ssettag $0x0;
	lr =	simm.s32 $0x1  }
0x2: {  	[smem:$0x3F8E] =	sst lr;
	_ =	strace $0xD0000000  }
0x3: {  	_ = 	snop  }
0x4: {  	_ = 	snop  }
0x5: {  	_ = 	snop  }
0x6: {  	_ = 	snop  }
0x7: {  	_ = 	snop  }
__scs_overlays_trampoline_lowered:
0x8: {  	[smem:$0x3F9D] =	sst s0  }
0x9: {  	[smem:$0x3F9E] =	sst s1  }
0xa: {  	[smem:$0x3F9F] =	sst s2  }
0xb: {  	[smem:$0x3FA0] =	sst s3  }
0xc: {  	[smem:$0x3FA1] =	sst s4  }
0xd: {  	[smem:$0x3FA2] =	sst s5  }
0xe: {  	[smem:$0x3FA3] =	sst s6  }
0xf: {  	[smem:$0x3FA4] =	sst s7  }
0x10: {  	[smem:$0x3FA5] =	sst s8  }
0x11: {  	[smem:$0x3FA6] =	sst s9;
	s0 =	simm.s32 @!p0 $0x0  }
0x12: {  	s1 =	sld [smem:$0x3F8C];
	s0 =	simm.s32 @p0 $0x1  }
0x13: {  	[smem:$0x3FA7] =	sst s0;
	s0 =	simm.s32 @!p1 $0x0  }
0x14: {  	s2 =	sld [smem:$0x3F8B];
	s0 =	simm.s32 @p1 $0x1  }
0x15: {  	[smem:$0x3FA8] =	sst s0;
	s0 =	simm.s32 @!p2 $0x0  }
0x16: {  	s3 =	sld [smem:$0x3FDB];
	s0 =	simm.s32 @p2 $0x1  }
0x17: {  	s4 =	simm.s32 $0x1BF5;
	[smem:$0x3FAA] =	sst s0  }
0x18: {  	s0 =	sld [smem:$0x3F8D];
	_ =	swait.ge [sflag:s4], $0x0  }
0x19: {  	s7 =	sld [smem:$0x3F8E]  }
0x1a: {  	s8 =	sadd.s32 $0xFFFFE003, lr  }
0x1b: {  	s9 =	sadd.s32 $0xFFFFFEF7, lr;
	s5 =	simm.s32 $0xFFFFFFFF;
	p2 =	slt.u32 s8, $0xFFFFF086  }
0x1c: {  	p1 =	slt.u32 s9, $0xF7A;
	s5 =	simm.s32 @!p2 $0x0  }
0x1d: {  	s5 =	simm.s32 @p1 $0x1;
	p0 =	seq.s32 s7, s2  }
0x1e: {  	s7 =	smul.u32 @!p0 $0xF7A, s2;
	p2 =	seq.s32 @!p0 s5, $0x0  }
0x1f: {  	s9 =	smul.u32 $0xF7A, s1;
	s8 =	simm.s32 @!p0 $0x1BF5;
	p2 =	por !p2, p0  }
0x20: {  	[sflag:s8] =	ssyncset.s32 @!p0 $0xFFFFF086;
	s6 =	sadd.s32 @!p0 s3, s7;
	s7 =	simm.s32 @!p0 $0x108  }
0x21: {  	s3 =	sadd.s32 s3, s9;
	s6 =	sadd.s32 @!p0 $0x88, s6;
	s7 =	simm.s32 @p2 $0x1082  }
0x22: {  	[simem:s7], [sflag:s8] =	dma.local @!p0 [hbm:s6], $0xF7A  }
0x23: {  	s9 =	sor.u32 $0xD0000000, s2;
	s6 =	simm.s32 $0x108;
	_ =	swait.ge @!p0 [sflag:s8], $0x0  }
0x24: {  	s3 =	sadd.s32 $0x88, s3;
	s6 =	simm.s32 @!p1 $0x1082;
	[sflag:s4] =	ssyncset.s32 $0xFFFFF086  }
0x25: {  	[simem:s6], [sflag:s4] =	dma.local [hbm:s3], $0xF7A  }
0x26: {  	[smem:$0x3F8E] =	sst s1;
	(tag) =	ssettag s2;
	_ =	strace s9  }
0x27: {  	s1 =	sld [smem:$0x3F9E]  }
0x28: {  	s2 =	sld [smem:$0x3F9F]  }
0x29: {  	s4 =	sld [smem:$0x3FA1]  }
0x2a: {  	p0 =	seq.s32 s5, $0x0;
	s5 =	sld [smem:$0x3FA2]  }
0x2b: {  	s6 =	sld [smem:$0x3FA3]  }
0x2c: {  	s7 =	sld [smem:$0x3FA4]  }
0x2d: {  	s3 =	simm.s32 $0x108;
	s8 =	sld [smem:$0x3FA5]  }
0x2e: {  	s3 =	simm.s32 @!p0 $0x1082;
	s9 =	sld [smem:$0x3FA6]  }
0x2f: {  	lr =	sadd.s32 s0, s3;
	s0 =	sld [smem:$0x3F9D]  }
0x30: {  	s3 =	sld [smem:$0x3FA0]  }
0x31: {  	[smem:$0x3FA9] =	sst s10  }
0x32: {  	s10 =	sld [smem:$0x3FA7];
	_ =	sdelay $0x3  }
0x33: {  	p0 =	seq.s32 s10, $0x1;
	s10 =	sld [smem:$0x3FA9];
	_ =	sdelay $0x3  }
0x34: {  	[smem:$0x3FA9] =	sst s10  }
0x35: {  	s10 =	sld [smem:$0x3FA8];
	_ =	sdelay $0x3  }
0x36: {  	p1 =	seq.s32 s10, $0x1;
	s10 =	sld [smem:$0x3FA9];
	_ =	sdelay $0x3  }
0x37: {  	[smem:$0x3FA9] =	sst s10  }
0x38: {  	s10 =	sld [smem:$0x3FAA]  }
0x39: {  	_ = 	snop;
	(pc) =	sbr.ind lr, $3  }
0x3a: {  	_ = 	snop  }
0x3b: {  	_ = 	snop  }
0x3c: {  	p2 =	seq.s32 s10, $0x1;
	s10 =	sld [smem:$0x3FA9]  }
0x3d: {  	_ =	shalt  }
0x3e: {  	_ =	shalt  }
0x3f: {  	_ =	shalt  }
0x40: {  	_ =	shalt  }
0x41: {  	_ =	shalt  }
0x42: {  	_ =	shalt  }
0x43: {  	_ =	shalt  }
0x44: {  	_ =	shalt  }
0x45: {  	_ =	shalt  }
0x46: {  	_ =	shalt  }
0x47: {  	_ =	shalt  }
0x48: {  	_ =	shalt  }
0x49: {  	_ =	shalt  }
0x4a: {  	_ =	shalt  }
0x4b: {  	_ =	shalt  }
0x4c: {  	_ =	shalt  }
0x4d: {  	_ =	shalt  }
0x4e: {  	_ =	shalt  }
0x4f: {  	_ =	shalt  }
0x50: {  	_ =	shalt  }
0x51: {  	_ =	shalt  }
0x52: {  	_ =	shalt  }
0x53: {  	_ =	shalt  }
0x54: {  	_ =	shalt  }
0x55: {  	_ =	shalt  }
0x56: {  	_ =	shalt  }
0x57: {  	_ =	shalt  }
0x58: {  	_ =	shalt  }
0x59: {  	_ =	shalt  }
0x5a: {  	_ =	shalt  }
0x5b: {  	_ =	shalt  }
0x5c: {  	_ =	shalt  }
0x5d: {  	_ =	shalt  }
0x5e: {  	_ =	shalt  }
0x5f: {  	_ =	shalt  }
0x60: {  	_ =	shalt  }
0x61: {  	_ =	shalt  }
0x62: {  	_ =	shalt  }
0x63: {  	_ =	shalt  }
0x64: {  	_ =	shalt  }
0x65: {  	_ =	shalt  }
0x66: {  	_ =	shalt  }
0x67: {  	_ =	shalt  }
0x68: {  	_ =	shalt  }
0x69: {  	_ =	shalt  }
0x6a: {  	_ =	shalt  }
0x6b: {  	_ =	shalt  }
0x6c: {  	_ =	shalt  }
0x6d: {  	_ =	shalt  }
0x6e: {  	_ =	shalt  }
0x6f: {  	_ =	shalt  }
0x70: {  	_ =	shalt  }
0x71: {  	_ =	shalt  }
0x72: {  	_ =	shalt  }
0x73: {  	_ =	shalt  }
0x74: {  	_ =	shalt  }
0x75: {  	_ =	shalt  }
0x76: {  	_ =	shalt  }
0x77: {  	_ =	shalt  }
0x78: {  	_ =	shalt  }
0x79: {  	_ =	shalt  }
0x7a: {  	_ =	shalt  }
0x7b: {  	_ =	shalt  }
0x7c: {  	_ =	shalt  }
0x7d: {  	_ =	shalt  }
0x7e: {  	_ =	shalt  }
0x7f: {  	_ =	shalt  }
0x80: {  	_ =	shalt  }
0x81: {  	_ =	shalt  }
0x82: {  	_ =	shalt  }
0x83: {  	_ =	shalt  }
0x84: {  	_ =	shalt  }
0x85: {  	_ =	shalt  }
0x86: {  	_ =	shalt  }
0x87: {  	_ =	shalt  }
.Lfunc_end0:
.L_simem_size_0:
called_computation.1_lowered:
.L_overlay_start_0:
0x88: {  	s2 =	sld [smem:$0x3FD9]  }
0x89: {  	s3 =	sld [smem:$0x3FFE];
	_ =	sdelay $0x1  }
0x8a: {  	s1 =	srdreg.scid  }
0x8b: {  	s0 =	sand.u32 $0x1, s1  }
0x8c: {  	s16 =	sshll.u32 s0, $0xA;
	s2 =	sadd.s32 s3, s2  }
0x8d: {  	s2 =	sadd.s32 s2, s16  }
0x8e: {  	[smem:$0x3FB5] =	sst s2  }
0x8f: {  	_ = 	snop  }
0x90: {  	(tm) =	ssettm $0x1  }
0x91: {  	s17 =	sld [smem:$0x3FFB];
	_ =	sdelay $0x3  }
0x92: {  	_ =	strace s17  }
0x93: {  	s2 =	sld [smem:$0x3FFC];
	_ =	sdelay $0x3  }
0x94: {  	_ =	strace s2  }
0x95: {  	s2 =	sld [smem:$0x3FFD];
	_ =	sdelay $0x3  }
0x96: {  	_ =	strace s2  }
0x97: {  	_ =	strace $0x8FFFFFFF  }
0x98: {  	s18 =	sld [smem:$0x3FDB];
	_ =	sdelay $0x1  }
0x99: {  	s19 =	simm.s32 $_scs_section_size  }
0x9a: {  	s4 =	simm.s32 $_size__tile_overlayer_lowered;
	s5 =	simm.s32 $_tile_overlayer_lowered  }
0x9b: {  	s22 =	simm.s32 $0x1BFF;
	s21 =	sshll.u32 s5, $0x1;
	s2 =	sadd.s32 s19, s18  }
0x9c: {  	s6 =	simm.s32 $0x0;
	s20 =	sshll.u32 s4, $0x1;
	s4 =	sadd.s32 s21, s2  }
0x9d: {  	[timem:s6], [sflag:s22] =	dma.local [hbm:s4], s20  }
0x9e: {  	_ =	swait.ge [sflag:s22], s20  }
0x9f: {  	s3 =	ssub.s32 $0x0, s20;
	[sflag:s22] =	ssyncset.done $0x0  }
0xa0: {  	[sflag:s22] =	ssyncadd.s32 s3;
	_ =	sdelay $0x1  }
0xa1: {  	s23 =	simm.s32 $0x1B8B  }
0xa2: {  	_ =	swait.ge [sflag:s23], $0x1  }
0xa3: {  	[sflag:s23] =	ssyncset.done $0x0  }
0xa4: {  	s25 =	simm.s32 $0x1B8E;
	s24 =	sld [smem:$0x3FFE];
	[sflag:s23] =	ssyncadd.s32 $0xFFFFFFFF  }
0xa5: {  	s26 =	simm.s32 $execute0_lowered;
	[smem:$0x3FD2] =	sst s25  }
0xa6: {  	s4 =	sshll.u32 s26, $0x1;
	_ =	strace $0x80000049;
	[dreg:$0x1] =	wrdreg $0xFFFFFFFF  }
0xa7: {  	s28 =	simm.s32 $_size_execute0_lowered;
	s2 =	sadd.s32 s2, s4;
	[dreg:$0x0] =	wrdreg $0x0  }
0xa8: {  	s4 =	sshll.u32 s28, $0x1;
	[dreg:$0x2] =	wrdreg s2  }
0xa9: {  	[dreg:$0x3] =	wrdreg s4  }
0xaa: {  	[dreg:$0x4] =	wrdreg $0xC0  }
0xab: {  	_ =	task [dreg:s6], $0x5FFFF  }
0xac: {  	[dreg:$0x1] =	wrdreg $0xFFFFFFFF  }
0xad: {  	[dreg:$0x0] =	wrdreg $0x60  }
0xae: {  	[dreg:$0x2] =	wrdreg s24  }
0xaf: {  	[dreg:$0x3] =	wrdreg $0x82000  }
0xb0: {  	[dreg:$0x4] =	wrdreg $0x9  }
0xb1: {  	_ =	task.clear_ibuf [dreg:s6], $0x5FFFF;
	_ =	strace $0x90000049  }
0xb2: {  	s29 =	simm.s32 $0x9;
	_ =	strace $0x8000004B  }
0xb3: {  	_ =	swait.ge [sflag:s29], $0x1  }
0xb4: {  	[sflag:s29] =	ssyncadd.s32 $0xFFFFFFFF  }
0xb5: {  	_ =	strace $0x9000004B  }
0xb6: {  	_ =	sfence  }
0xb7: {  	s30 =	sld [smem:$0x0];
	_ =	sdelay $0x2  }
0xb8: {  	s31 =	sshll.u32 s1, $0xD;
	s1 =	sshrl.u32 s1, $0x2  }
0xb9: {  	s3 =	sand.u32 $0x4000, s31;
	s1 =	sadd.s32 s1, s30  }
0xba: {  	s0 =	sor.u32 s3, s0;
	s1 =	sshll.u32 s1, $0x11  }
0xbb: {  	s0 =	sor.u32 s1, s0  }
0xbc: {  	s0 =	sadd.s32 $0x8F2B, s0  }
0xbd: {  	[sflag:s0] =	ssyncadd.remote.s32 $0x1  }
0xbe: {  	_ =	sfence.sel $0xFFFF  }
0xbf: {  	[dreg:$0x0] =	wrdreg $0xFFFFFFFF;
	(pc) =	sbr.abs _section_cstart, $3  }
0xc0: {  	[dreg:$0x1] =	wrdreg $0xFFFFFFFF  }
0xc1: {  	_ =	task.clear_ibuf [dreg:s6], $0x2FFFF;
	_ =	strace $0x9FFFFFFF  }
0xc2: {  	(tm) =	ssettm $0x7FFFFFFF  }
0xc3: {  	_ =	shalt  }
tec
execute0_lowered:
.L_overlay_start_1:
0x0: {  	(tag) =	ssettag $0x1  }
0x1: {  	s0 =	rddreg [dreg:$0x0]  }
0x2: {  	s1 =	rddreg [dreg:$0x1]  }
0x3: {  	s2 =	simm.s32 $0x0;
	s3 =	srdreg.scid;
	s28 =	simm.s32 $0x8080  }
0x4: {  	s29 =	simm.s32 $0x8180;
	s30 =	simm.s32 $0x2;
	s31 =	simm.s32 $0x4000  }
0x5: {  	[smem:$0x7FF] =	sst s2;
	s6 =	sand.u32 $0x1, s3;
	s4 =	sadd.s32 $0x19000, s0  }
0x6: {  	s3 =	stileid.u32;
	s8 =	sadd.s32 $0xF000, s0;
	s10 =	sadd.s32 $0x5000, s0  }
0x7: {  	_ =	strace $0x8000004A;
	s5 =	smul.u32 $0x28000, s6;
	s7 =	ssub.s32 $0x2, s6  }
0x8: {  	s9 =	smul.u32 $0x50000, s3;
	s21 =	sshll.u32 s3, $0xB;
	p0 =	seq.s32 s6, $0x1  }
0x9: {  	s26 =	smul.u32 $0x2800, s3;
	s19 =	sshrl.u32 s7, $0x1;
	s6 =	sadd.s32 s8, s21  }
0xa: {  	s0 =	sadd.s32 s5, s0;
	s11 =	ssub.s32 s7, s19;
	s20 =	sshrl.u32 s9, $0x2  }
0xb: {  	s7 =	sadd.s32 s10, s21;
	s9 =	sor.u32 $0x10, s21;
	s21 =	simm.s32 $0x5  }
0xc: {  	s5 =	sadd.s32 s20, s1;
	s20 =	sshll.u32 s3, $0x9;
	s12 =	sadd.s32 s8, s9  }
0xd: {  	s9 =	sadd.s32 s10, s9;
	s0 =	sadd.s32 $0x40200, s0;
	[dreg:$0x3] =	wrdreg s12  }
0xe: {  	s14 =	smax.u32 s11, $0x1;
	[dreg:$0x4] =	wrdreg s9;
	s22 =	sor.u32 $0x8000, s20  }
0xf: {  	s24 =	sor.u32 $0x8010, s20;
	s15 =	sadd.s32 $0x4000, s5;
	s16 =	sadd.s32 $0x8000, s5  }
0x10: {  	s17 =	sadd.s32 $0xC000, s5;
	s18 =	sadd.s32 $0x10000, s5;
	s19 =	sadd.s32 s20, s8  }
0x11: {  	s20 =	sadd.s32 s20, s10;
	s23 =	sadd.s32 s8, s22;
	s9 =	sadd.s32 s10, s22  }
.Ltmp0:
0x12: {  	s25 =	sadd.s32 s8, s24;
	[dreg:$0x5] =	wrdreg s23;
	(pc) =	sbr.rel .LBB2_1-.Ltmp0, $4  }
0x13: {  	s22 =	simm.s32 $0x8000;
	s8 =	simm.s32 $0x4;
	[dreg:$0x6] =	wrdreg s9  }
0x14: {  	[dreg:$0x7] =	wrdreg s25;
	s9 =	sadd.s32 s10, s24;
	s23 =	simm.s32 $0x8100  }
0x15: {  	s24 =	sadd.s32 s26, s0;
	s25 =	simm.s32 $0x1;
	s26 =	simm.s32 $0x80  }
0x16: {  	v0 =	vimm.f32 $0.0e+00;
	s0 =	simm.s32 $0x3;
	[dreg:$0x8] =	wrdreg s9;
	s9 =	simm.s32 $0x0  }
.LBB2_6:
0x17: {  	[tilespmem:s31], [sflag:$0x4] =	stream.indirect.gather [hbm4b:s4+s26], $0x80, s28, s26, $0xb8;
	[tilespmem:$0x1C200] =	vst v63  }
.LBB2_10:
0x18: {  	_ =	swait.ge [sflag:s0], $0x4000  }
0x19: {  	[sflag:s0] =	ssyncset.done $0x0  }
0x1a: {  	[sflag:s0] =	ssyncadd.s32 $0xFFFFC000  }
0x1b: {  	[spmem:s1] =	stream.indirect.scatter.add.f32 [tilespmem:s2], [sflag:$0x5], $0x80, s23, s26, $0xb8;
	[tilespmem:$0x1C200] =	vst v63  }
0x1c: {  	_ =	swait.ge [sflag:s21], $0x4000  }
0x1d: {  	[sflag:s21] =	ssyncset.done $0x0  }
0x1e: {  	[sflag:s21] =	ssyncadd.s32 $0xFFFFC000  }
0x1f: {  	_ =	swait.ge [sflag:s8], $0x4000  }
0x20: {  	[sflag:s8] =	ssyncset.done $0x0  }
0x21: {  	[sflag:s8] =	ssyncadd.s32 $0xFFFFC000  }
0x22: {  	[spmem:s1] =	stream.indirect.scatter.add.f32 [tilespmem:s31], [sflag:$0x5], $0x80, s29, s26, $0xb8;
	[tilespmem:$0x1C200] =	vst v63  }
0x23: {  	_ =	swait.ge [sflag:s21], $0x4000  }
0x24: {  	s10 =	sshll.u32 s3, $0x6;
	s9 =	sadd.s32 $0x1, s9;
	[sflag:s21] =	ssyncset.done $0x0  }
0x25: {  	s11 =	sshrl.u32 s5, $0x3;
	p1 =	sne.s32 s9, s14;
	[sflag:s21] =	ssyncadd.s32 $0xFFFFC000  }
.Ltmp1:
0x26: {  	s10 =	sor.u32 $0x1C05, s10;
	[bflag:$0x0] =	sbarrier.arrive $0xFFFF;
	(pc) =	sbr.rel @!p1 .LBB2_11-.Ltmp1, $4  }
0x27: {  	[hbm:s24], [sflag:s10] =	dma.local [spmem:s11], $0x2800  }
0x28: {  	_ =	swait.ge [sflag:s21], $0x2800  }
0x29: {  	[sflag:s21] =	ssyncset.done $0x0  }
0x2a: {  	[sflag:s21] =	ssyncadd.s32 $0xFFFFD800  }
.LBB2_1:
0x2b: {  	s10 =	simm.s32 $0x0;
	s11 =	simm.s32 $0x200  }
.LBB2_2:
0x2c: {  	p1 =	sne.s32 s11, $0xFE00;
	[tilespmem:s10+$0x70] =	vst v0  }
0x2d: {  	[tilespmem:s10+$0x0] =	vst v0  }
0x2e: {  	[tilespmem:s10+$0x10] =	vst v0  }
.Ltmp2:
0x2f: {  	[tilespmem:s10+$0x20] =	vst v0;
	(pc) =	sbr.rel @p1 .LBB2_2-.Ltmp2, $4  }
0x30: {  	[tilespmem:s10+$0x30] =	vst v0  }
0x31: {  	[tilespmem:s10+$0x40] =	vst v0  }
0x32: {  	[tilespmem:s10+$0x50] =	vst v0  }
0x33: {  	[tilespmem:s10+$0x60] =	vst v0;
	s10 =	sshra.s32 s11, $0x2;
	s11 =	sadd.s32 $0x200, s11  }
0x34: {  	[tilespmem:s10+$0x70] =	vst v0  }
0x35: {  	[tilespmem:s10+$0x0] =	vst v0  }
0x36: {  	[tilespmem:s10+$0x10] =	vst v0  }
0x37: {  	[tilespmem:s10+$0x20] =	vst v0  }
0x38: {  	[tilespmem:s10+$0x30] =	vst v0  }
0x39: {  	[tilespmem:s10+$0x40] =	vst v0  }
0x3a: {  	[tilespmem:s10+$0x50] =	vst v0  }
0x3b: {  	[tilespmem:s10+$0x60] =	vst v0  }
0x3c: {  	[spmem:s5] =	stream.linear.scatter [tilespmem:s2], [sflag:$0x5], $0x4000, $0x38;
	[tilespmem:$0x1C200] =	vst v63  }
0x3d: {  	_ =	swait.ge [sflag:s21], $0x4000  }
0x3e: {  	[sflag:s21] =	ssyncset.done $0x0  }
0x3f: {  	[sflag:s21] =	ssyncadd.s32 $0xFFFFC000  }
0x40: {  	[spmem:s15] =	stream.linear.scatter [tilespmem:s2], [sflag:$0x5], $0x4000, $0x38;
	[tilespmem:$0x1C200] =	vst v63  }
0x41: {  	_ =	swait.ge [sflag:s21], $0x4000  }
0x42: {  	[sflag:s21] =	ssyncset.done $0x0  }
0x43: {  	[sflag:s21] =	ssyncadd.s32 $0xFFFFC000  }
0x44: {  	[spmem:s16] =	stream.linear.scatter [tilespmem:s2], [sflag:$0x5], $0x4000, $0x38;
	[tilespmem:$0x1C200] =	vst v63  }
0x45: {  	_ =	swait.ge [sflag:s21], $0x4000  }
0x46: {  	[sflag:s21] =	ssyncset.done $0x0  }
0x47: {  	[sflag:s21] =	ssyncadd.s32 $0xFFFFC000  }
0x48: {  	[spmem:s17] =	stream.linear.scatter [tilespmem:s2], [sflag:$0x5], $0x4000, $0x38;
	[tilespmem:$0x1C200] =	vst v63  }
0x49: {  	_ =	swait.ge [sflag:s21], $0x4000  }
0x4a: {  	[sflag:s21] =	ssyncset.done $0x0  }
0x4b: {  	[sflag:s21] =	ssyncadd.s32 $0xFFFFC000  }
0x4c: {  	[spmem:s18] =	stream.linear.scatter [tilespmem:s2], [sflag:$0x5], $0x4000, $0x38;
	[tilespmem:$0x1C200] =	vst v63  }
.Ltmp3:
0x4d: {  	_ =	swait.ge [sflag:s21], $0x4000;
	(pc) =	sbr.rel @!p0 .LBB2_4-.Ltmp3, $3  }
0x4e: {  	[sflag:s21] =	ssyncset.done $0x0  }
0x4f: {  	[sflag:s21] =	ssyncadd.s32 $0xFFFFC000  }
0x50: {  	[bflag:$0x0] =	sbarrier.arrive $0xFFFF;
	_ =	sdelay $0x1  }
0x51: {  	s10 =	rddreg [dreg:$0x5]  }
0x52: {  	[tilespmem:s22], [sflag:$0x1] =	stream.linear.gather [hbm4b:s10+s2], $0x80, $0x38;
	[tilespmem:$0x1C200] =	vst v63  }
0x53: {  	s13 =	rddreg [dreg:$0x6]  }
0x54: {  	[tilespmem:s23], [sflag:$0x1] =	stream.linear.gather [hbm4b:s13+s2], $0x80, $0x38;
	[tilespmem:$0x1C200] =	vst v63  }
0x55: {  	_ =	swait.ge [sflag:s25], $0x80  }
0x56: {  	[sflag:s25] =	ssyncset.done $0x0  }
0x57: {  	[sflag:s25] =	ssyncadd.s32 $0xFFFFFF80  }
0x58: {  	_ =	swait.ge [sflag:s25], $0x80  }
0x59: {  	[sflag:s25] =	ssyncset.done $0x0  }
0x5a: {  	[sflag:s25] =	ssyncadd.s32 $0xFFFFFF80  }
0x5b: {  	[tilespmem:s2], [sflag:$0x3] =	stream.indirect.gather [hbm4b:s4+s26], $0x80, s22, s26, $0xb8;
	[tilespmem:$0x1C200] =	vst v63  }
0x5c: {  	s11 =	rddreg [dreg:$0x7]  }
0x5d: {  	[tilespmem:s28], [sflag:$0x2] =	stream.linear.gather [hbm4b:s11+s2], $0x80, $0x38;
	[tilespmem:$0x1C200] =	vst v63  }
0x5e: {  	s12 =	rddreg [dreg:$0x8]  }
0x5f: {  	[tilespmem:s29], [sflag:$0x2] =	stream.linear.gather [hbm4b:s12+s2], $0x80, $0x38;
	[tilespmem:$0x1C200] =	vst v63  }
0x60: {  	_ =	swait.ge [sflag:s30], $0x80  }
0x61: {  	[sflag:s30] =	ssyncset.done $0x0  }
0x62: {  	[sflag:s30] =	ssyncadd.s32 $0xFFFFFF80  }
0x63: {  	_ =	swait.ge [sflag:s30], $0x80  }
0x64: {  	[sflag:s30] =	ssyncset.done $0x0  }
0x65: {  	[sflag:s30] =	ssyncadd.s32 $0xFFFFFF80  }
0x66: {  	[tilespmem:s31], [sflag:$0x4] =	stream.indirect.gather [hbm4b:s4+s26], $0x80, s28, s26, $0xb8;
	[tilespmem:$0x1C200] =	vst v63  }
0x67: {  	_ =	swait.ge [sflag:s0], $0x4000  }
0x68: {  	[sflag:s0] =	ssyncset.done $0x0  }
0x69: {  	[sflag:s0] =	ssyncadd.s32 $0xFFFFC000  }
0x6a: {  	[spmem:s1] =	stream.indirect.scatter.add.f32 [tilespmem:s2], [sflag:$0x5], $0x80, s23, s26, $0xb8;
	[tilespmem:$0x1C200] =	vst v63  }
0x6b: {  	_ =	swait.ge [sflag:s21], $0x4000  }
0x6c: {  	s10 =	sadd.s32 $0xFFFFFE20, s19;
	[sflag:s21] =	ssyncset.done $0x0  }
0x6d: {  	s11 =	sadd.s32 $0x8200, s10;
	s12 =	sadd.s32 $0xFFFFFE20, s20;
	[sflag:s21] =	ssyncadd.s32 $0xFFFFC000  }
0x6e: {  	[tilespmem:s22], [sflag:$0x1] =	stream.linear.gather [hbm4b:s11+s2], $0x80, $0x38;
	[tilespmem:$0x1C200] =	vst v63  }
0x6f: {  	s13 =	sadd.s32 $0x8200, s12  }
0x70: {  	[tilespmem:s23], [sflag:$0x1] =	stream.linear.gather [hbm4b:s13+s2], $0x80, $0x38;
	[tilespmem:$0x1C200] =	vst v63  }
0x71: {  	_ =	swait.ge [sflag:s25], $0x80  }
0x72: {  	[sflag:s25] =	ssyncset.done $0x0  }
0x73: {  	[sflag:s25] =	ssyncadd.s32 $0xFFFFFF80  }
0x74: {  	_ =	swait.ge [sflag:s25], $0x80  }
0x75: {  	[sflag:s25] =	ssyncset.done $0x0  }
0x76: {  	[sflag:s25] =	ssyncadd.s32 $0xFFFFFF80  }
0x77: {  	[tilespmem:s2], [sflag:$0x3] =	stream.indirect.gather [hbm4b:s4+s26], $0x80, s22, s26, $0xb8;
	[tilespmem:$0x1C200] =	vst v63  }
0x78: {  	_ =	swait.ge [sflag:s8], $0x4000  }
0x79: {  	[sflag:s8] =	ssyncset.done $0x0  }
0x7a: {  	[sflag:s8] =	ssyncadd.s32 $0xFFFFC000  }
0x7b: {  	[spmem:s1] =	stream.indirect.scatter.add.f32 [tilespmem:s31], [sflag:$0x5], $0x80, s29, s26, $0xb8;
	[tilespmem:$0x1C200] =	vst v63  }
0x7c: {  	_ =	swait.ge [sflag:s21], $0x4000  }
0x7d: {  	[sflag:s21] =	ssyncset.done $0x0  }
0x7e: {  	s10 =	sadd.s32 $0x8210, s10;
	[sflag:s21] =	ssyncadd.s32 $0xFFFFC000  }
0x7f: {  	[tilespmem:s28], [sflag:$0x2] =	stream.linear.gather [hbm4b:s10+s2], $0x80, $0x38;
	[tilespmem:$0x1C200] =	vst v63  }
0x80: {  	s13 =	sadd.s32 $0x8210, s12  }
0x81: {  	[tilespmem:s29], [sflag:$0x2] =	stream.linear.gather [hbm4b:s13+s2], $0x80, $0x38;
	[tilespmem:$0x1C200] =	vst v63  }
0x82: {  	_ =	swait.ge [sflag:s30], $0x80  }
0x83: {  	[sflag:s30] =	ssyncset.done $0x0  }
0x84: {  	[sflag:s30] =	ssyncadd.s32 $0xFFFFFF80  }
0x85: {  	_ =	swait.ge [sflag:s30], $0x80  }
0x86: {  	[sflag:s30] =	ssyncset.done $0x0  }
0x87: {  	s10 =	simm.s32 $0xFFFFFE40;
	[sflag:s30] =	ssyncadd.s32 $0xFFFFFF80  }
.LBB2_8:
0x88: {  	[tilespmem:s31], [sflag:$0x4] =	stream.indirect.gather [hbm4b:s4+s26], $0x80, s28, s26, $0xb8;
	[tilespmem:$0x1C200] =	vst v63  }
0x89: {  	s11 =	smov.u32 s10  }
0x8a: {  	p1 =	sne.s32 s10, $0xFFFFFFE0;
	s10 =	sadd.s32 $0x20, s10;
	_ =	swait.ge [sflag:s0], $0x4000  }
0x8b: {  	[sflag:s0] =	ssyncset.done $0x0  }
0x8c: {  	[sflag:s0] =	ssyncadd.s32 $0xFFFFC000  }
0x8d: {  	[spmem:s1] =	stream.indirect.scatter.add.f32 [tilespmem:s2], [sflag:$0x5], $0x80, s23, s26, $0xb8;
	[tilespmem:$0x1C200] =	vst v63  }
0x8e: {  	_ =	swait.ge [sflag:s21], $0x4000  }
0x8f: {  	s12 =	sadd.s32 s11, s19;
	[sflag:s21] =	ssyncset.done $0x0  }
0x90: {  	s11 =	sadd.s32 s11, s20;
	s13 =	sadd.s32 $0x8200, s12;
	[sflag:s21] =	ssyncadd.s32 $0xFFFFC000  }
0x91: {  	[tilespmem:s22], [sflag:$0x1] =	stream.linear.gather [hbm4b:s13+s2], $0x80, $0x38;
	[tilespmem:$0x1C200] =	vst v63  }
0x92: {  	s13 =	sadd.s32 $0x8200, s11  }
0x93: {  	[tilespmem:s23], [sflag:$0x1] =	stream.linear.gather [hbm4b:s13+s2], $0x80, $0x38;
	[tilespmem:$0x1C200] =	vst v63  }
0x94: {  	_ =	swait.ge [sflag:s25], $0x80  }
0x95: {  	[sflag:s25] =	ssyncset.done $0x0  }
0x96: {  	[sflag:s25] =	ssyncadd.s32 $0xFFFFFF80  }
0x97: {  	_ =	swait.ge [sflag:s25], $0x80  }
0x98: {  	[sflag:s25] =	ssyncset.done $0x0  }
0x99: {  	[sflag:s25] =	ssyncadd.s32 $0xFFFFFF80  }
0x9a: {  	[tilespmem:s2], [sflag:$0x3] =	stream.indirect.gather [hbm4b:s4+s26], $0x80, s22, s26, $0xb8;
	[tilespmem:$0x1C200] =	vst v63  }
0x9b: {  	_ =	swait.ge [sflag:s8], $0x4000  }
0x9c: {  	[sflag:s8] =	ssyncset.done $0x0  }
0x9d: {  	[sflag:s8] =	ssyncadd.s32 $0xFFFFC000  }
0x9e: {  	[spmem:s1] =	stream.indirect.scatter.add.f32 [tilespmem:s31], [sflag:$0x5], $0x80, s29, s26, $0xb8;
	[tilespmem:$0x1C200] =	vst v63  }
0x9f: {  	_ =	swait.ge [sflag:s21], $0x4000  }
0xa0: {  	[sflag:s21] =	ssyncset.done $0x0  }
0xa1: {  	s12 =	sadd.s32 $0x8210, s12;
	[sflag:s21] =	ssyncadd.s32 $0xFFFFC000  }
0xa2: {  	[tilespmem:s28], [sflag:$0x2] =	stream.linear.gather [hbm4b:s12+s2], $0x80, $0x38;
	[tilespmem:$0x1C200] =	vst v63  }
0xa3: {  	s11 =	sadd.s32 $0x8210, s11  }
0xa4: {  	[tilespmem:s29], [sflag:$0x2] =	stream.linear.gather [hbm4b:s11+s2], $0x80, $0x38;
	[tilespmem:$0x1C200] =	vst v63  }
0xa5: {  	_ =	swait.ge [sflag:s30], $0x80  }
.Ltmp4:
0xa6: {  	[sflag:s30] =	ssyncset.done $0x0;
	(pc) =	sbr.rel @p1 .LBB2_8-.Ltmp4, $4  }
0xa7: {  	[sflag:s30] =	ssyncadd.s32 $0xFFFFFF80  }
0xa8: {  	_ =	swait.ge [sflag:s30], $0x80  }
0xa9: {  	[sflag:s30] =	ssyncset.done $0x0  }
0xaa: {  	[sflag:s30] =	ssyncadd.s32 $0xFFFFFF80  }
.Ltmp5:
0xab: {  	(pc) =	sbr.rel .LBB2_10-.Ltmp5, $2  }
0xac: {  	_ =	sdelay $0x2  }
0xad: {  	[tilespmem:s31], [sflag:$0x4] =	stream.indirect.gather [hbm4b:s4+s26], $0x80, s28, s26, $0xb8;
	[tilespmem:$0x1C200] =	vst v63  }
.LBB2_4:
0xae: {  	[tilespmem:s22], [sflag:$0x1] =	stream.linear.gather [hbm4b:s6+s2], $0x80, $0x38;
	[tilespmem:$0x1C200] =	vst v63  }
0xaf: {  	_ = 	snop  }
0xb0: {  	[tilespmem:s23], [sflag:$0x1] =	stream.linear.gather [hbm4b:s7+s2], $0x80, $0x38;
	[tilespmem:$0x1C200] =	vst v63  }
0xb1: {  	_ =	swait.ge [sflag:s25], $0x80  }
0xb2: {  	[sflag:s25] =	ssyncset.done $0x0  }
0xb3: {  	[sflag:s25] =	ssyncadd.s32 $0xFFFFFF80  }
0xb4: {  	_ =	swait.ge [sflag:s25], $0x80  }
0xb5: {  	[sflag:s25] =	ssyncset.done $0x0  }
0xb6: {  	[sflag:s25] =	ssyncadd.s32 $0xFFFFFF80  }
0xb7: {  	[tilespmem:s2], [sflag:$0x3] =	stream.indirect.gather [hbm4b:s4+s26], $0x80, s22, s26, $0xb8;
	[tilespmem:$0x1C200] =	vst v63  }
0xb8: {  	s10 =	rddreg [dreg:$0x3]  }
0xb9: {  	[tilespmem:s28], [sflag:$0x2] =	stream.linear.gather [hbm4b:s10+s2], $0x80, $0x38;
	[tilespmem:$0x1C200] =	vst v63  }
0xba: {  	s12 =	rddreg [dreg:$0x4]  }
0xbb: {  	[tilespmem:s29], [sflag:$0x2] =	stream.linear.gather [hbm4b:s12+s2], $0x80, $0x38;
	[tilespmem:$0x1C200] =	vst v63  }
0xbc: {  	_ =	swait.ge [sflag:s30], $0x80  }
0xbd: {  	[sflag:s30] =	ssyncset.done $0x0  }
0xbe: {  	[sflag:s30] =	ssyncadd.s32 $0xFFFFFF80  }
0xbf: {  	_ =	swait.ge [sflag:s30], $0x80  }
0xc0: {  	[sflag:s30] =	ssyncset.done $0x0  }
0xc1: {  	[sflag:s30] =	ssyncadd.s32 $0xFFFFFF80  }
0xc2: {  	[tilespmem:s31], [sflag:$0x4] =	stream.indirect.gather [hbm4b:s4+s26], $0x80, s28, s26, $0xb8;
	[tilespmem:$0x1C200] =	vst v63  }
0xc3: {  	_ =	swait.ge [sflag:s0], $0x4000  }
0xc4: {  	[sflag:s0] =	ssyncset.done $0x0  }
0xc5: {  	[sflag:s0] =	ssyncadd.s32 $0xFFFFC000  }
0xc6: {  	[spmem:s1] =	stream.indirect.scatter.add.f32 [tilespmem:s2], [sflag:$0x5], $0x80, s23, s26, $0xb8;
	[tilespmem:$0x1C200] =	vst v63  }
0xc7: {  	_ =	swait.ge [sflag:s21], $0x4000  }
0xc8: {  	s10 =	sadd.s32 $0xFFFFF820, s6;
	[sflag:s21] =	ssyncset.done $0x0  }
0xc9: {  	s11 =	sadd.s32 $0x800, s10;
	s12 =	sadd.s32 $0xFFFFF820, s7;
	[sflag:s21] =	ssyncadd.s32 $0xFFFFC000  }
0xca: {  	[tilespmem:s22], [sflag:$0x1] =	stream.linear.gather [hbm4b:s11+s2], $0x80, $0x38;
	[tilespmem:$0x1C200] =	vst v63  }
0xcb: {  	s13 =	sadd.s32 $0x800, s12  }
0xcc: {  	[tilespmem:s23], [sflag:$0x1] =	stream.linear.gather [hbm4b:s13+s2], $0x80, $0x38;
	[tilespmem:$0x1C200] =	vst v63  }
0xcd: {  	_ =	swait.ge [sflag:s25], $0x80  }
0xce: {  	[sflag:s25] =	ssyncset.done $0x0  }
0xcf: {  	[sflag:s25] =	ssyncadd.s32 $0xFFFFFF80  }
0xd0: {  	_ =	swait.ge [sflag:s25], $0x80  }
0xd1: {  	[sflag:s25] =	ssyncset.done $0x0  }
0xd2: {  	[sflag:s25] =	ssyncadd.s32 $0xFFFFFF80  }
0xd3: {  	[tilespmem:s2], [sflag:$0x3] =	stream.indirect.gather [hbm4b:s4+s26], $0x80, s22, s26, $0xb8;
	[tilespmem:$0x1C200] =	vst v63  }
0xd4: {  	_ =	swait.ge [sflag:s8], $0x4000  }
0xd5: {  	[sflag:s8] =	ssyncset.done $0x0  }
0xd6: {  	[sflag:s8] =	ssyncadd.s32 $0xFFFFC000  }
0xd7: {  	[spmem:s1] =	stream.indirect.scatter.add.f32 [tilespmem:s31], [sflag:$0x5], $0x80, s29, s26, $0xb8;
	[tilespmem:$0x1C200] =	vst v63  }
0xd8: {  	_ =	swait.ge [sflag:s21], $0x4000  }
0xd9: {  	[sflag:s21] =	ssyncset.done $0x0  }
0xda: {  	s10 =	sadd.s32 $0x810, s10;
	[sflag:s21] =	ssyncadd.s32 $0xFFFFC000  }
0xdb: {  	[tilespmem:s28], [sflag:$0x2] =	stream.linear.gather [hbm4b:s10+s2], $0x80, $0x38;
	[tilespmem:$0x1C200] =	vst v63  }
0xdc: {  	s13 =	sadd.s32 $0x810, s12  }
0xdd: {  	[tilespmem:s29], [sflag:$0x2] =	stream.linear.gather [hbm4b:s13+s2], $0x80, $0x38;
	[tilespmem:$0x1C200] =	vst v63  }
0xde: {  	_ =	swait.ge [sflag:s30], $0x80  }
0xdf: {  	[sflag:s30] =	ssyncset.done $0x0  }
0xe0: {  	[sflag:s30] =	ssyncadd.s32 $0xFFFFFF80  }
0xe1: {  	_ =	swait.ge [sflag:s30], $0x80  }
0xe2: {  	[sflag:s30] =	ssyncset.done $0x0  }
0xe3: {  	s10 =	simm.s32 $0xFFFFF840;
	[sflag:s30] =	ssyncadd.s32 $0xFFFFFF80  }
.LBB2_5:
0xe4: {  	[tilespmem:s31], [sflag:$0x4] =	stream.indirect.gather [hbm4b:s4+s26], $0x80, s28, s26, $0xb8;
	[tilespmem:$0x1C200] =	vst v63  }
0xe5: {  	s11 =	smov.u32 s10  }
0xe6: {  	p1 =	seq.s32 s10, $0xFFFFFFE0;
	s10 =	sadd.s32 $0x20, s10;
	_ =	swait.ge [sflag:s0], $0x4000  }
0xe7: {  	[sflag:s0] =	ssyncset.done $0x0  }
0xe8: {  	[sflag:s0] =	ssyncadd.s32 $0xFFFFC000  }
0xe9: {  	[spmem:s1] =	stream.indirect.scatter.add.f32 [tilespmem:s2], [sflag:$0x5], $0x80, s23, s26, $0xb8;
	[tilespmem:$0x1C200] =	vst v63  }
0xea: {  	_ =	swait.ge [sflag:s21], $0x4000  }
0xeb: {  	s12 =	sadd.s32 s11, s6;
	[sflag:s21] =	ssyncset.done $0x0  }
0xec: {  	s11 =	sadd.s32 s11, s7;
	s13 =	sadd.s32 $0x800, s12;
	[sflag:s21] =	ssyncadd.s32 $0xFFFFC000  }
0xed: {  	[tilespmem:s22], [sflag:$0x1] =	stream.linear.gather [hbm4b:s13+s2], $0x80, $0x38;
	[tilespmem:$0x1C200] =	vst v63  }
0xee: {  	s13 =	sadd.s32 $0x800, s11  }
0xef: {  	[tilespmem:s23], [sflag:$0x1] =	stream.linear.gather [hbm4b:s13+s2], $0x80, $0x38;
	[tilespmem:$0x1C200] =	vst v63  }
0xf0: {  	_ =	swait.ge [sflag:s25], $0x80  }
0xf1: {  	[sflag:s25] =	ssyncset.done $0x0  }
0xf2: {  	[sflag:s25] =	ssyncadd.s32 $0xFFFFFF80  }
0xf3: {  	_ =	swait.ge [sflag:s25], $0x80  }
0xf4: {  	[sflag:s25] =	ssyncset.done $0x0  }
0xf5: {  	[sflag:s25] =	ssyncadd.s32 $0xFFFFFF80  }
0xf6: {  	[tilespmem:s2], [sflag:$0x3] =	stream.indirect.gather [hbm4b:s4+s26], $0x80, s22, s26, $0xb8;
	[tilespmem:$0x1C200] =	vst v63  }
0xf7: {  	_ =	swait.ge [sflag:s8], $0x4000  }
0xf8: {  	[sflag:s8] =	ssyncset.done $0x0  }
0xf9: {  	[sflag:s8] =	ssyncadd.s32 $0xFFFFC000  }
0xfa: {  	[spmem:s1] =	stream.indirect.scatter.add.f32 [tilespmem:s31], [sflag:$0x5], $0x80, s29, s26, $0xb8;
	[tilespmem:$0x1C200] =	vst v63  }
0xfb: {  	_ =	swait.ge [sflag:s21], $0x4000  }
0xfc: {  	[sflag:s21] =	ssyncset.done $0x0  }
0xfd: {  	s12 =	sadd.s32 $0x810, s12;
	[sflag:s21] =	ssyncadd.s32 $0xFFFFC000  }
0xfe: {  	[tilespmem:s28], [sflag:$0x2] =	stream.linear.gather [hbm4b:s12+s2], $0x80, $0x38;
	[tilespmem:$0x1C200] =	vst v63  }
0xff: {  	s11 =	sadd.s32 $0x810, s11  }
0x100: {  	[tilespmem:s29], [sflag:$0x2] =	stream.linear.gather [hbm4b:s11+s2], $0x80, $0x38;
	[tilespmem:$0x1C200] =	vst v63  }
0x101: {  	_ =	swait.ge [sflag:s30], $0x80  }
.Ltmp6:
0x102: {  	[sflag:s30] =	ssyncset.done $0x0;
	(pc) =	sbr.rel @!p1 .LBB2_5-.Ltmp6, $4  }
0x103: {  	[sflag:s30] =	ssyncadd.s32 $0xFFFFFF80  }
0x104: {  	_ =	swait.ge [sflag:s30], $0x80  }
0x105: {  	[sflag:s30] =	ssyncset.done $0x0  }
0x106: {  	[sflag:s30] =	ssyncadd.s32 $0xFFFFFF80  }
.Ltmp7:
0x107: {  	_ = 	snop;
	(pc) =	sbr.rel .LBB2_6-.Ltmp7, $1  }
0x108: {  	_ =	sdelay $0x3  }
.LBB2_11:
0x109: {  	_ =	sfence.sel $0x180000  }
0x10a: {  	[bflag:$0x0] =	sbarrier.arrive $0xFFFF  }
0x10b: {  	_ =	strace $0x9000004A  }
0x10c: {  	[bflag:$0x2] =	sbarrier.arrive $0xFFFF  }
0x10d: {  	p0 =	sne.s32 s3, $0x0;
	s0 =	rddreg [dreg:$0x2]  }
0x10e: {  	s0 =	sadd.s32 @!p0 $0x100000, s0  }
0x10f: {  	[sflag:s0] =	ssyncadd.tile.s32 @!p0 $0x1;
	_ =	shalt  }
.Lfunc_end2:
_tile_overlayer_lowered:
.L_overlay_start_2:
0x110: {  	(tag) =	ssettag $0x2  }
0x111: {  	s0 =	rddreg [dreg:$0x0];
	s2 =	stileid.u32  }
0x112: {  	s1 =	rddreg [dreg:$0x1];
	p0 =	sne.s32 s2, $0x0  }
0x113: {  	s3 =	rddreg [dreg:$0x2];
	[bflag:$0x3] =	sbarrier.arrive $0xFFFF;
	s2 =	simm.s32 @!p0 $0x1C05  }
0x114: {  	[timem:s3], [sflag:s2] =	dma.local @!p0 [hbm:s0], s1  }
0x115: {  	s0 =	simm.s32 @!p0 $0x5  }
0x116: {  	_ =	swait.ge @!p0 [sflag:s0], s1  }
0x117: {  	s1 =	ssub.s32 @!p0 $0x0, s1;
	[sflag:s0] =	ssyncset.done @!p0 $0x0  }
0x118: {  	[sflag:s0] =	ssyncadd.s32 @!p0 s1  }
0x119: {  	[bflag:$0x3] =	sbarrier.arrive $0xFFFF  }
0x11a: {  	_ =	shalt  }

// kernel: kernel.15.cloned.1.call-start
scs
__scs_entry_jumppad:
0x0: {  	(pc) =	sbr.rel $0x88, $3  }
0x1: {  	(tag) =	ssettag $0x0;
	lr =	simm.s32 $0x1  }
0x2: {  	[smem:$0x3F8E] =	sst lr;
	_ =	strace $0xD0000000  }
0x3: {  	_ = 	snop  }
0x4: {  	_ = 	snop  }
0x5: {  	_ = 	snop  }
0x6: {  	_ = 	snop  }
0x7: {  	_ = 	snop  }
__scs_overlays_trampoline_lowered:
0x8: {  	[smem:$0x3F9D] =	sst s0  }
0x9: {  	[smem:$0x3F9E] =	sst s1  }
0xa: {  	[smem:$0x3F9F] =	sst s2  }
0xb: {  	[smem:$0x3FA0] =	sst s3  }
0xc: {  	[smem:$0x3FA1] =	sst s4  }
0xd: {  	[smem:$0x3FA2] =	sst s5  }
0xe: {  	[smem:$0x3FA3] =	sst s6  }
0xf: {  	[smem:$0x3FA4] =	sst s7  }
0x10: {  	[smem:$0x3FA5] =	sst s8  }
0x11: {  	[smem:$0x3FA6] =	sst s9;
	s0 =	simm.s32 @!p0 $0x0  }
0x12: {  	s1 =	sld [smem:$0x3F8C];
	s0 =	simm.s32 @p0 $0x1  }
0x13: {  	[smem:$0x3FA7] =	sst s0;
	s0 =	simm.s32 @!p1 $0x0  }
0x14: {  	s2 =	sld [smem:$0x3F8B];
	s0 =	simm.s32 @p1 $0x1  }
0x15: {  	[smem:$0x3FA8] =	sst s0;
	s0 =	simm.s32 @!p2 $0x0  }
0x16: {  	s3 =	sld [smem:$0x3FDB];
	s0 =	simm.s32 @p2 $0x1  }
0x17: {  	s4 =	simm.s32 $0x1BF5;
	[smem:$0x3FAA] =	sst s0  }
0x18: {  	s0 =	sld [smem:$0x3F8D];
	_ =	swait.ge [sflag:s4], $0x0  }
0x19: {  	s7 =	sld [smem:$0x3F8E]  }
0x1a: {  	s8 =	sadd.s32 $0xFFFFE003, lr  }
0x1b: {  	s9 =	sadd.s32 $0xFFFFFEF7, lr;
	s5 =	simm.s32 $0xFFFFFFFF;
	p2 =	slt.u32 s8, $0xFFFFF086  }
0x1c: {  	p1 =	slt.u32 s9, $0xF7A;
	s5 =	simm.s32 @!p2 $0x0  }
0x1d: {  	s5 =	simm.s32 @p1 $0x1;
	p0 =	seq.s32 s7, s2  }
0x1e: {  	s7 =	smul.u32 @!p0 $0xF7A, s2;
	p2 =	seq.s32 @!p0 s5, $0x0  }
0x1f: {  	s9 =	smul.u32 $0xF7A, s1;
	s8 =	simm.s32 @!p0 $0x1BF5;
	p2 =	por !p2, p0  }
0x20: {  	[sflag:s8] =	ssyncset.s32 @!p0 $0xFFFFF086;
	s6 =	sadd.s32 @!p0 s3, s7;
	s7 =	simm.s32 @!p0 $0x108  }
0x21: {  	s3 =	sadd.s32 s3, s9;
	s6 =	sadd.s32 @!p0 $0x88, s6;
	s7 =	simm.s32 @p2 $0x1082  }
0x22: {  	[simem:s7], [sflag:s8] =	dma.local @!p0 [hbm:s6], $0xF7A  }
0x23: {  	s9 =	sor.u32 $0xD0000000, s2;
	s6 =	simm.s32 $0x108;
	_ =	swait.ge @!p0 [sflag:s8], $0x0  }
0x24: {  	s3 =	sadd.s32 $0x88, s3;
	s6 =	simm.s32 @!p1 $0x1082;
	[sflag:s4] =	ssyncset.s32 $0xFFFFF086  }
0x25: {  	[simem:s6], [sflag:s4] =	dma.local [hbm:s3], $0xF7A  }
0x26: {  	[smem:$0x3F8E] =	sst s1;
	(tag) =	ssettag s2;
	_ =	strace s9  }
0x27: {  	s1 =	sld [smem:$0x3F9E]  }
0x28: {  	s2 =	sld [smem:$0x3F9F]  }
0x29: {  	s4 =	sld [smem:$0x3FA1]  }
0x2a: {  	p0 =	seq.s32 s5, $0x0;
	s5 =	sld [smem:$0x3FA2]  }
0x2b: {  	s6 =	sld [smem:$0x3FA3]  }
0x2c: {  	s7 =	sld [smem:$0x3FA4]  }
0x2d: {  	s3 =	simm.s32 $0x108;
	s8 =	sld [smem:$0x3FA5]  }
0x2e: {  	s3 =	simm.s32 @!p0 $0x1082;
	s9 =	sld [smem:$0x3FA6]  }
0x2f: {  	lr =	sadd.s32 s0, s3;
	s0 =	sld [smem:$0x3F9D]  }
0x30: {  	s3 =	sld [smem:$0x3FA0]  }
0x31: {  	[smem:$0x3FA9] =	sst s10  }
0x32: {  	s10 =	sld [smem:$0x3FA7];
	_ =	sdelay $0x3  }
0x33: {  	p0 =	seq.s32 s10, $0x1;
	s10 =	sld [smem:$0x3FA9];
	_ =	sdelay $0x3  }
0x34: {  	[smem:$0x3FA9] =	sst s10  }
0x35: {  	s10 =	sld [smem:$0x3FA8];
	_ =	sdelay $0x3  }
0x36: {  	p1 =	seq.s32 s10, $0x1;
	s10 =	sld [smem:$0x3FA9];
	_ =	sdelay $0x3  }
0x37: {  	[smem:$0x3FA9] =	sst s10  }
0x38: {  	s10 =	sld [smem:$0x3FAA]  }
0x39: {  	_ = 	snop;
	(pc) =	sbr.ind lr, $3  }
0x3a: {  	_ = 	snop  }
0x3b: {  	_ = 	snop  }
0x3c: {  	p2 =	seq.s32 s10, $0x1;
	s10 =	sld [smem:$0x3FA9]  }
0x3d: {  	_ =	shalt  }
0x3e: {  	_ =	shalt  }
0x3f: {  	_ =	shalt  }
0x40: {  	_ =	shalt  }
0x41: {  	_ =	shalt  }
0x42: {  	_ =	shalt  }
0x43: {  	_ =	shalt  }
0x44: {  	_ =	shalt  }
0x45: {  	_ =	shalt  }
0x46: {  	_ =	shalt  }
0x47: {  	_ =	shalt  }
0x48: {  	_ =	shalt  }
0x49: {  	_ =	shalt  }
0x4a: {  	_ =	shalt  }
0x4b: {  	_ =	shalt  }
0x4c: {  	_ =	shalt  }
0x4d: {  	_ =	shalt  }
0x4e: {  	_ =	shalt  }
0x4f: {  	_ =	shalt  }
0x50: {  	_ =	shalt  }
0x51: {  	_ =	shalt  }
0x52: {  	_ =	shalt  }
0x53: {  	_ =	shalt  }
0x54: {  	_ =	shalt  }
0x55: {  	_ =	shalt  }
0x56: {  	_ =	shalt  }
0x57: {  	_ =	shalt  }
0x58: {  	_ =	shalt  }
0x59: {  	_ =	shalt  }
0x5a: {  	_ =	shalt  }
0x5b: {  	_ =	shalt  }
0x5c: {  	_ =	shalt  }
0x5d: {  	_ =	shalt  }
0x5e: {  	_ =	shalt  }
0x5f: {  	_ =	shalt  }
0x60: {  	_ =	shalt  }
0x61: {  	_ =	shalt  }
0x62: {  	_ =	shalt  }
0x63: {  	_ =	shalt  }
0x64: {  	_ =	shalt  }
0x65: {  	_ =	shalt  }
0x66: {  	_ =	shalt  }
0x67: {  	_ =	shalt  }
0x68: {  	_ =	shalt  }
0x69: {  	_ =	shalt  }
0x6a: {  	_ =	shalt  }
0x6b: {  	_ =	shalt  }
0x6c: {  	_ =	shalt  }
0x6d: {  	_ =	shalt  }
0x6e: {  	_ =	shalt  }
0x6f: {  	_ =	shalt  }
0x70: {  	_ =	shalt  }
0x71: {  	_ =	shalt  }
0x72: {  	_ =	shalt  }
0x73: {  	_ =	shalt  }
0x74: {  	_ =	shalt  }
0x75: {  	_ =	shalt  }
0x76: {  	_ =	shalt  }
0x77: {  	_ =	shalt  }
0x78: {  	_ =	shalt  }
0x79: {  	_ =	shalt  }
0x7a: {  	_ =	shalt  }
0x7b: {  	_ =	shalt  }
0x7c: {  	_ =	shalt  }
0x7d: {  	_ =	shalt  }
0x7e: {  	_ =	shalt  }
0x7f: {  	_ =	shalt  }
0x80: {  	_ =	shalt  }
0x81: {  	_ =	shalt  }
0x82: {  	_ =	shalt  }
0x83: {  	_ =	shalt  }
0x84: {  	_ =	shalt  }
0x85: {  	_ =	shalt  }
0x86: {  	_ =	shalt  }
0x87: {  	_ =	shalt  }
.Lfunc_end0:
.L_simem_size_0:
called_computation.2_lowered:
.L_overlay_start_0:
0x88: {  	s2 =	sld [smem:$0x3FD9]  }
0x89: {  	s3 =	sld [smem:$0x3FFE];
	_ =	sdelay $0x1  }
0x8a: {  	s1 =	srdreg.scid  }
0x8b: {  	s0 =	sand.u32 $0x1, s1  }
0x8c: {  	s16 =	sshll.u32 s0, $0xA;
	s2 =	sadd.s32 s3, s2  }
0x8d: {  	s2 =	sadd.s32 s2, s16  }
0x8e: {  	[smem:$0x3FB5] =	sst s2  }
0x8f: {  	_ = 	snop  }
0x90: {  	(tm) =	ssettm $0x1  }
0x91: {  	s17 =	sld [smem:$0x3FFB];
	_ =	sdelay $0x3  }
0x92: {  	_ =	strace s17  }
0x93: {  	s2 =	sld [smem:$0x3FFC];
	_ =	sdelay $0x3  }
0x94: {  	_ =	strace s2  }
0x95: {  	s2 =	sld [smem:$0x3FFD];
	_ =	sdelay $0x3  }
0x96: {  	_ =	strace s2  }
0x97: {  	_ =	strace $0x8FFFFFFF  }
0x98: {  	s18 =	sld [smem:$0x3FDB];
	_ =	sdelay $0x1  }
0x99: {  	s19 =	simm.s32 $_scs_section_size  }
0x9a: {  	s4 =	simm.s32 $_size__tile_overlayer_lowered;
	s5 =	simm.s32 $_tile_overlayer_lowered  }
0x9b: {  	s22 =	simm.s32 $0x1BFF;
	s21 =	sshll.u32 s5, $0x1;
	s2 =	sadd.s32 s19, s18  }
0x9c: {  	s6 =	simm.s32 $0x0;
	s20 =	sshll.u32 s4, $0x1;
	s4 =	sadd.s32 s21, s2  }
0x9d: {  	[timem:s6], [sflag:s22] =	dma.local [hbm:s4], s20  }
0x9e: {  	_ =	swait.ge [sflag:s22], s20  }
0x9f: {  	s3 =	ssub.s32 $0x0, s20;
	[sflag:s22] =	ssyncset.done $0x0  }
0xa0: {  	[sflag:s22] =	ssyncadd.s32 s3;
	_ =	sdelay $0x1  }
0xa1: {  	s23 =	simm.s32 $0x1B8B  }
0xa2: {  	_ =	swait.ge [sflag:s23], $0x1  }
0xa3: {  	[sflag:s23] =	ssyncset.done $0x0  }
0xa4: {  	s25 =	simm.s32 $0x1B8E;
	s24 =	sld [smem:$0x3FFE];
	[sflag:s23] =	ssyncadd.s32 $0xFFFFFFFF  }
0xa5: {  	s26 =	simm.s32 $execute0_lowered;
	[smem:$0x3FD2] =	sst s25  }
0xa6: {  	s4 =	sshll.u32 s26, $0x1;
	_ =	strace $0x8000004C;
	[dreg:$0x1] =	wrdreg $0xFFFFFFFF  }
0xa7: {  	s28 =	simm.s32 $_size_execute0_lowered;
	s2 =	sadd.s32 s2, s4;
	[dreg:$0x0] =	wrdreg $0x0  }
0xa8: {  	s4 =	sshll.u32 s28, $0x1;
	[dreg:$0x2] =	wrdreg s2  }
0xa9: {  	[dreg:$0x3] =	wrdreg s4  }
0xaa: {  	[dreg:$0x4] =	wrdreg $0xC0  }
0xab: {  	_ =	task [dreg:s6], $0x5FFFF  }
0xac: {  	[dreg:$0x1] =	wrdreg $0xFFFFFFFF  }
0xad: {  	[dreg:$0x0] =	wrdreg $0x60  }
0xae: {  	[dreg:$0x2] =	wrdreg s24  }
0xaf: {  	[dreg:$0x3] =	wrdreg $0x82000  }
0xb0: {  	[dreg:$0x4] =	wrdreg $0x9  }
0xb1: {  	_ =	task.clear_ibuf [dreg:s6], $0x5FFFF;
	_ =	strace $0x9000004C  }
0xb2: {  	s29 =	simm.s32 $0x9;
	_ =	strace $0x8000004E  }
0xb3: {  	_ =	swait.ge [sflag:s29], $0x1  }
0xb4: {  	[sflag:s29] =	ssyncadd.s32 $0xFFFFFFFF  }
0xb5: {  	_ =	strace $0x9000004E  }
0xb6: {  	_ =	sfence  }
0xb7: {  	s30 =	sld [smem:$0x0];
	_ =	sdelay $0x2  }
0xb8: {  	s31 =	sshll.u32 s1, $0xD;
	s1 =	sshrl.u32 s1, $0x2  }
0xb9: {  	s3 =	sand.u32 $0x4000, s31;
	s1 =	sadd.s32 s1, s30  }
0xba: {  	s0 =	sor.u32 s3, s0;
	s1 =	sshll.u32 s1, $0x11  }
0xbb: {  	s0 =	sor.u32 s1, s0  }
0xbc: {  	s0 =	sadd.s32 $0x8F2B, s0  }
0xbd: {  	[sflag:s0] =	ssyncadd.remote.s32 $0x1  }
0xbe: {  	_ =	sfence.sel $0xFFFF  }
0xbf: {  	[dreg:$0x0] =	wrdreg $0xFFFFFFFF;
	(pc) =	sbr.abs _section_cstart, $3  }
0xc0: {  	[dreg:$0x1] =	wrdreg $0xFFFFFFFF  }
0xc1: {  	_ =	task.clear_ibuf [dreg:s6], $0x2FFFF;
	_ =	strace $0x9FFFFFFF  }
0xc2: {  	(tm) =	ssettm $0x7FFFFFFF  }
0xc3: {  	_ =	shalt  }
tec
execute0_lowered:
.L_overlay_start_1:
0x0: {  	(tag) =	ssettag $0x1  }
0x1: {  	s0 =	rddreg [dreg:$0x0]  }
0x2: {  	s1 =	rddreg [dreg:$0x1]  }
0x3: {  	s2 =	simm.s32 $0x0;
	s3 =	srdreg.scid;
	s28 =	simm.s32 $0x8080  }
0x4: {  	s29 =	simm.s32 $0x8180;
	s30 =	simm.s32 $0x2;
	s31 =	simm.s32 $0x4000  }
0x5: {  	[smem:$0x7FF] =	sst s2;
	s6 =	sand.u32 $0x1, s3;
	s4 =	sadd.s32 $0x19000, s0  }
0x6: {  	s3 =	stileid.u32;
	s8 =	sadd.s32 $0xF000, s0;
	s10 =	sadd.s32 $0x5000, s0  }
0x7: {  	_ =	strace $0x8000004D;
	s5 =	smul.u32 $0x28000, s6;
	s7 =	ssub.s32 $0x2, s6  }
0x8: {  	s9 =	smul.u32 $0x50000, s3;
	s21 =	sshll.u32 s3, $0xB;
	p0 =	seq.s32 s6, $0x1  }
0x9: {  	s26 =	smul.u32 $0x2800, s3;
	s19 =	sshrl.u32 s7, $0x1;
	s6 =	sadd.s32 s8, s21  }
0xa: {  	s0 =	sadd.s32 s5, s0;
	s11 =	ssub.s32 s7, s19;
	s20 =	sshrl.u32 s9, $0x2  }
0xb: {  	s7 =	sadd.s32 s10, s21;
	s9 =	sor.u32 $0x10, s21;
	s21 =	simm.s32 $0x5  }
0xc: {  	s5 =	sadd.s32 s20, s1;
	s20 =	sshll.u32 s3, $0x9;
	s12 =	sadd.s32 s8, s9  }
0xd: {  	s9 =	sadd.s32 s10, s9;
	s0 =	sadd.s32 $0x40200, s0;
	[dreg:$0x3] =	wrdreg s12  }
0xe: {  	s14 =	smax.u32 s11, $0x1;
	[dreg:$0x4] =	wrdreg s9;
	s22 =	sor.u32 $0x8000, s20  }
0xf: {  	s24 =	sor.u32 $0x8010, s20;
	s15 =	sadd.s32 $0x4000, s5;
	s16 =	sadd.s32 $0x8000, s5  }
0x10: {  	s17 =	sadd.s32 $0xC000, s5;
	s18 =	sadd.s32 $0x10000, s5;
	s19 =	sadd.s32 s20, s8  }
0x11: {  	s20 =	sadd.s32 s20, s10;
	s23 =	sadd.s32 s8, s22;
	s9 =	sadd.s32 s10, s22  }
.Ltmp0:
0x12: {  	s25 =	sadd.s32 s8, s24;
	[dreg:$0x5] =	wrdreg s23;
	(pc) =	sbr.rel .LBB2_1-.Ltmp0, $4  }
0x13: {  	s22 =	simm.s32 $0x8000;
	s8 =	simm.s32 $0x4;
	[dreg:$0x6] =	wrdreg s9  }
0x14: {  	[dreg:$0x7] =	wrdreg s25;
	s9 =	sadd.s32 s10, s24;
	s23 =	simm.s32 $0x8100  }
0x15: {  	s24 =	sadd.s32 s26, s0;
	s25 =	simm.s32 $0x1;
	s26 =	simm.s32 $0x80  }
0x16: {  	v0 =	vimm.f32 $0.0e+00;
	s0 =	simm.s32 $0x3;
	[dreg:$0x8] =	wrdreg s9;
	s9 =	simm.s32 $0x0  }
.LBB2_6:
0x17: {  	[tilespmem:s31], [sflag:$0x4] =	stream.indirect.gather [hbm4b:s4+s26], $0x80, s28, s26, $0xb8;
	[tilespmem:$0x1C200] =	vst v63  }
.LBB2_10:
0x18: {  	_ =	swait.ge [sflag:s0], $0x4000  }
0x19: {  	[sflag:s0] =	ssyncset.done $0x0  }
0x1a: {  	[sflag:s0] =	ssyncadd.s32 $0xFFFFC000  }
0x1b: {  	[spmem:s1] =	stream.indirect.scatter.add.f32 [tilespmem:s2], [sflag:$0x5], $0x80, s23, s26, $0xb8;
	[tilespmem:$0x1C200] =	vst v63  }
0x1c: {  	_ =	swait.ge [sflag:s21], $0x4000  }
0x1d: {  	[sflag:s21] =	ssyncset.done $0x0  }
0x1e: {  	[sflag:s21] =	ssyncadd.s32 $0xFFFFC000  }
0x1f: {  	_ =	swait.ge [sflag:s8], $0x4000  }
0x20: {  	[sflag:s8] =	ssyncset.done $0x0  }
0x21: {  	[sflag:s8] =	ssyncadd.s32 $0xFFFFC000  }
0x22: {  	[spmem:s1] =	stream.indirect.scatter.add.f32 [tilespmem:s31], [sflag:$0x5], $0x80, s29, s26, $0xb8;
	[tilespmem:$0x1C200] =	vst v63  }
0x23: {  	_ =	swait.ge [sflag:s21], $0x4000  }
0x24: {  	s10 =	sshll.u32 s3, $0x6;
	s9 =	sadd.s32 $0x1, s9;
	[sflag:s21] =	ssyncset.done $0x0  }
0x25: {  	s11 =	sshrl.u32 s5, $0x3;
	p1 =	sne.s32 s9, s14;
	[sflag:s21] =	ssyncadd.s32 $0xFFFFC000  }
.Ltmp1:
0x26: {  	s10 =	sor.u32 $0x1C05, s10;
	[bflag:$0x0] =	sbarrier.arrive $0xFFFF;
	(pc) =	sbr.rel @!p1 .LBB2_11-.Ltmp1, $4  }
0x27: {  	[hbm:s24], [sflag:s10] =	dma.local [spmem:s11], $0x2800  }
0x28: {  	_ =	swait.ge [sflag:s21], $0x2800  }
0x29: {  	[sflag:s21] =	ssyncset.done $0x0  }
0x2a: {  	[sflag:s21] =	ssyncadd.s32 $0xFFFFD800  }
.LBB2_1:
0x2b: {  	s10 =	simm.s32 $0x0;
	s11 =	simm.s32 $0x200  }
.LBB2_2:
0x2c: {  	p1 =	sne.s32 s11, $0xFE00;
	[tilespmem:s10+$0x70] =	vst v0  }
0x2d: {  	[tilespmem:s10+$0x0] =	vst v0  }
0x2e: {  	[tilespmem:s10+$0x10] =	vst v0  }
.Ltmp2:
0x2f: {  	[tilespmem:s10+$0x20] =	vst v0;
	(pc) =	sbr.rel @p1 .LBB2_2-.Ltmp2, $4  }
0x30: {  	[tilespmem:s10+$0x30] =	vst v0  }
0x31: {  	[tilespmem:s10+$0x40] =	vst v0  }
0x32: {  	[tilespmem:s10+$0x50] =	vst v0  }
0x33: {  	[tilespmem:s10+$0x60] =	vst v0;
	s10 =	sshra.s32 s11, $0x2;
	s11 =	sadd.s32 $0x200, s11  }
0x34: {  	[tilespmem:s10+$0x70] =	vst v0  }
0x35: {  	[tilespmem:s10+$0x0] =	vst v0  }
0x36: {  	[tilespmem:s10+$0x10] =	vst v0  }
0x37: {  	[tilespmem:s10+$0x20] =	vst v0  }
0x38: {  	[tilespmem:s10+$0x30] =	vst v0  }
0x39: {  	[tilespmem:s10+$0x40] =	vst v0  }
0x3a: {  	[tilespmem:s10+$0x50] =	vst v0  }
0x3b: {  	[tilespmem:s10+$0x60] =	vst v0  }
0x3c: {  	[spmem:s5] =	stream.linear.scatter [tilespmem:s2], [sflag:$0x5], $0x4000, $0x38;
	[tilespmem:$0x1C200] =	vst v63  }
0x3d: {  	_ =	swait.ge [sflag:s21], $0x4000  }
0x3e: {  	[sflag:s21] =	ssyncset.done $0x0  }
0x3f: {  	[sflag:s21] =	ssyncadd.s32 $0xFFFFC000  }
0x40: {  	[spmem:s15] =	stream.linear.scatter [tilespmem:s2], [sflag:$0x5], $0x4000, $0x38;
	[tilespmem:$0x1C200] =	vst v63  }
0x41: {  	_ =	swait.ge [sflag:s21], $0x4000  }
0x42: {  	[sflag:s21] =	ssyncset.done $0x0  }
0x43: {  	[sflag:s21] =	ssyncadd.s32 $0xFFFFC000  }
0x44: {  	[spmem:s16] =	stream.linear.scatter [tilespmem:s2], [sflag:$0x5], $0x4000, $0x38;
	[tilespmem:$0x1C200] =	vst v63  }
0x45: {  	_ =	swait.ge [sflag:s21], $0x4000  }
0x46: {  	[sflag:s21] =	ssyncset.done $0x0  }
0x47: {  	[sflag:s21] =	ssyncadd.s32 $0xFFFFC000  }
0x48: {  	[spmem:s17] =	stream.linear.scatter [tilespmem:s2], [sflag:$0x5], $0x4000, $0x38;
	[tilespmem:$0x1C200] =	vst v63  }
0x49: {  	_ =	swait.ge [sflag:s21], $0x4000  }
0x4a: {  	[sflag:s21] =	ssyncset.done $0x0  }
0x4b: {  	[sflag:s21] =	ssyncadd.s32 $0xFFFFC000  }
0x4c: {  	[spmem:s18] =	stream.linear.scatter [tilespmem:s2], [sflag:$0x5], $0x4000, $0x38;
	[tilespmem:$0x1C200] =	vst v63  }
.Ltmp3:
0x4d: {  	_ =	swait.ge [sflag:s21], $0x4000;
	(pc) =	sbr.rel @!p0 .LBB2_4-.Ltmp3, $3  }
0x4e: {  	[sflag:s21] =	ssyncset.done $0x0  }
0x4f: {  	[sflag:s21] =	ssyncadd.s32 $0xFFFFC000  }
0x50: {  	[bflag:$0x0] =	sbarrier.arrive $0xFFFF;
	_ =	sdelay $0x1  }
0x51: {  	s10 =	rddreg [dreg:$0x5]  }
0x52: {  	[tilespmem:s22], [sflag:$0x1] =	stream.linear.gather [hbm4b:s10+s2], $0x80, $0x38;
	[tilespmem:$0x1C200] =	vst v63  }
0x53: {  	s13 =	rddreg [dreg:$0x6]  }
0x54: {  	[tilespmem:s23], [sflag:$0x1] =	stream.linear.gather [hbm4b:s13+s2], $0x80, $0x38;
	[tilespmem:$0x1C200] =	vst v63  }
0x55: {  	_ =	swait.ge [sflag:s25], $0x80  }
0x56: {  	[sflag:s25] =	ssyncset.done $0x0  }
0x57: {  	[sflag:s25] =	ssyncadd.s32 $0xFFFFFF80  }
0x58: {  	_ =	swait.ge [sflag:s25], $0x80  }
0x59: {  	[sflag:s25] =	ssyncset.done $0x0  }
0x5a: {  	[sflag:s25] =	ssyncadd.s32 $0xFFFFFF80  }
0x5b: {  	[tilespmem:s2], [sflag:$0x3] =	stream.indirect.gather [hbm4b:s4+s26], $0x80, s22, s26, $0xb8;
	[tilespmem:$0x1C200] =	vst v63  }
0x5c: {  	s11 =	rddreg [dreg:$0x7]  }
0x5d: {  	[tilespmem:s28], [sflag:$0x2] =	stream.linear.gather [hbm4b:s11+s2], $0x80, $0x38;
	[tilespmem:$0x1C200] =	vst v63  }
0x5e: {  	s12 =	rddreg [dreg:$0x8]  }
0x5f: {  	[tilespmem:s29], [sflag:$0x2] =	stream.linear.gather [hbm4b:s12+s2], $0x80, $0x38;
	[tilespmem:$0x1C200] =	vst v63  }
0x60: {  	_ =	swait.ge [sflag:s30], $0x80  }
0x61: {  	[sflag:s30] =	ssyncset.done $0x0  }
0x62: {  	[sflag:s30] =	ssyncadd.s32 $0xFFFFFF80  }
0x63: {  	_ =	swait.ge [sflag:s30], $0x80  }
0x64: {  	[sflag:s30] =	ssyncset.done $0x0  }
0x65: {  	[sflag:s30] =	ssyncadd.s32 $0xFFFFFF80  }
0x66: {  	[tilespmem:s31], [sflag:$0x4] =	stream.indirect.gather [hbm4b:s4+s26], $0x80, s28, s26, $0xb8;
	[tilespmem:$0x1C200] =	vst v63  }
0x67: {  	_ =	swait.ge [sflag:s0], $0x4000  }
0x68: {  	[sflag:s0] =	ssyncset.done $0x0  }
0x69: {  	[sflag:s0] =	ssyncadd.s32 $0xFFFFC000  }
0x6a: {  	[spmem:s1] =	stream.indirect.scatter.add.f32 [tilespmem:s2], [sflag:$0x5], $0x80, s23, s26, $0xb8;
	[tilespmem:$0x1C200] =	vst v63  }
0x6b: {  	_ =	swait.ge [sflag:s21], $0x4000  }
0x6c: {  	s10 =	sadd.s32 $0xFFFFFE20, s19;
	[sflag:s21] =	ssyncset.done $0x0  }
0x6d: {  	s11 =	sadd.s32 $0x8200, s10;
	s12 =	sadd.s32 $0xFFFFFE20, s20;
	[sflag:s21] =	ssyncadd.s32 $0xFFFFC000  }
0x6e: {  	[tilespmem:s22], [sflag:$0x1] =	stream.linear.gather [hbm4b:s11+s2], $0x80, $0x38;
	[tilespmem:$0x1C200] =	vst v63  }
0x6f: {  	s13 =	sadd.s32 $0x8200, s12  }
0x70: {  	[tilespmem:s23], [sflag:$0x1] =	stream.linear.gather [hbm4b:s13+s2], $0x80, $0x38;
	[tilespmem:$0x1C200] =	vst v63  }
0x71: {  	_ =	swait.ge [sflag:s25], $0x80  }
0x72: {  	[sflag:s25] =	ssyncset.done $0x0  }
0x73: {  	[sflag:s25] =	ssyncadd.s32 $0xFFFFFF80  }
0x74: {  	_ =	swait.ge [sflag:s25], $0x80  }
0x75: {  	[sflag:s25] =	ssyncset.done $0x0  }
0x76: {  	[sflag:s25] =	ssyncadd.s32 $0xFFFFFF80  }
0x77: {  	[tilespmem:s2], [sflag:$0x3] =	stream.indirect.gather [hbm4b:s4+s26], $0x80, s22, s26, $0xb8;
	[tilespmem:$0x1C200] =	vst v63  }
0x78: {  	_ =	swait.ge [sflag:s8], $0x4000  }
0x79: {  	[sflag:s8] =	ssyncset.done $0x0  }
0x7a: {  	[sflag:s8] =	ssyncadd.s32 $0xFFFFC000  }
0x7b: {  	[spmem:s1] =	stream.indirect.scatter.add.f32 [tilespmem:s31], [sflag:$0x5], $0x80, s29, s26, $0xb8;
	[tilespmem:$0x1C200] =	vst v63  }
0x7c: {  	_ =	swait.ge [sflag:s21], $0x4000  }
0x7d: {  	[sflag:s21] =	ssyncset.done $0x0  }
0x7e: {  	s10 =	sadd.s32 $0x8210, s10;
	[sflag:s21] =	ssyncadd.s32 $0xFFFFC000  }
0x7f: {  	[tilespmem:s28], [sflag:$0x2] =	stream.linear.gather [hbm4b:s10+s2], $0x80, $0x38;
	[tilespmem:$0x1C200] =	vst v63  }
0x80: {  	s13 =	sadd.s32 $0x8210, s12  }
0x81: {  	[tilespmem:s29], [sflag:$0x2] =	stream.linear.gather [hbm4b:s13+s2], $0x80, $0x38;
	[tilespmem:$0x1C200] =	vst v63  }
0x82: {  	_ =	swait.ge [sflag:s30], $0x80  }
0x83: {  	[sflag:s30] =	ssyncset.done $0x0  }
0x84: {  	[sflag:s30] =	ssyncadd.s32 $0xFFFFFF80  }
0x85: {  	_ =	swait.ge [sflag:s30], $0x80  }
0x86: {  	[sflag:s30] =	ssyncset.done $0x0  }
0x87: {  	s10 =	simm.s32 $0xFFFFFE40;
	[sflag:s30] =	ssyncadd.s32 $0xFFFFFF80  }
.LBB2_8:
0x88: {  	[tilespmem:s31], [sflag:$0x4] =	stream.indirect.gather [hbm4b:s4+s26], $0x80, s28, s26, $0xb8;
	[tilespmem:$0x1C200] =	vst v63  }
0x89: {  	s11 =	smov.u32 s10  }
0x8a: {  	p1 =	sne.s32 s10, $0xFFFFFFE0;
	s10 =	sadd.s32 $0x20, s10;
	_ =	swait.ge [sflag:s0], $0x4000  }
0x8b: {  	[sflag:s0] =	ssyncset.done $0x0  }
0x8c: {  	[sflag:s0] =	ssyncadd.s32 $0xFFFFC000  }
0x8d: {  	[spmem:s1] =	stream.indirect.scatter.add.f32 [tilespmem:s2], [sflag:$0x5], $0x80, s23, s26, $0xb8;
	[tilespmem:$0x1C200] =	vst v63  }
0x8e: {  	_ =	swait.ge [sflag:s21], $0x4000  }
0x8f: {  	s12 =	sadd.s32 s11, s19;
	[sflag:s21] =	ssyncset.done $0x0  }
0x90: {  	s11 =	sadd.s32 s11, s20;
	s13 =	sadd.s32 $0x8200, s12;
	[sflag:s21] =	ssyncadd.s32 $0xFFFFC000  }
0x91: {  	[tilespmem:s22], [sflag:$0x1] =	stream.linear.gather [hbm4b:s13+s2], $0x80, $0x38;
	[tilespmem:$0x1C200] =	vst v63  }
0x92: {  	s13 =	sadd.s32 $0x8200, s11  }
0x93: {  	[tilespmem:s23], [sflag:$0x1] =	stream.linear.gather [hbm4b:s13+s2], $0x80, $0x38;
	[tilespmem:$0x1C200] =	vst v63  }
0x94: {  	_ =	swait.ge [sflag:s25], $0x80  }
0x95: {  	[sflag:s25] =	ssyncset.done $0x0  }
0x96: {  	[sflag:s25] =	ssyncadd.s32 $0xFFFFFF80  }
0x97: {  	_ =	swait.ge [sflag:s25], $0x80  }
0x98: {  	[sflag:s25] =	ssyncset.done $0x0  }
0x99: {  	[sflag:s25] =	ssyncadd.s32 $0xFFFFFF80  }
0x9a: {  	[tilespmem:s2], [sflag:$0x3] =	stream.indirect.gather [hbm4b:s4+s26], $0x80, s22, s26, $0xb8;
	[tilespmem:$0x1C200] =	vst v63  }
0x9b: {  	_ =	swait.ge [sflag:s8], $0x4000  }
0x9c: {  	[sflag:s8] =	ssyncset.done $0x0  }
0x9d: {  	[sflag:s8] =	ssyncadd.s32 $0xFFFFC000  }
0x9e: {  	[spmem:s1] =	stream.indirect.scatter.add.f32 [tilespmem:s31], [sflag:$0x5], $0x80, s29, s26, $0xb8;
	[tilespmem:$0x1C200] =	vst v63  }
0x9f: {  	_ =	swait.ge [sflag:s21], $0x4000  }
0xa0: {  	[sflag:s21] =	ssyncset.done $0x0  }
0xa1: {  	s12 =	sadd.s32 $0x8210, s12;
	[sflag:s21] =	ssyncadd.s32 $0xFFFFC000  }
0xa2: {  	[tilespmem:s28], [sflag:$0x2] =	stream.linear.gather [hbm4b:s12+s2], $0x80, $0x38;
	[tilespmem:$0x1C200] =	vst v63  }
0xa3: {  	s11 =	sadd.s32 $0x8210, s11  }
0xa4: {  	[tilespmem:s29], [sflag:$0x2] =	stream.linear.gather [hbm4b:s11+s2], $0x80, $0x38;
	[tilespmem:$0x1C200] =	vst v63  }
0xa5: {  	_ =	swait.ge [sflag:s30], $0x80  }
.Ltmp4:
0xa6: {  	[sflag:s30] =	ssyncset.done $0x0;
	(pc) =	sbr.rel @p1 .LBB2_8-.Ltmp4, $4  }
0xa7: {  	[sflag:s30] =	ssyncadd.s32 $0xFFFFFF80  }
0xa8: {  	_ =	swait.ge [sflag:s30], $0x80  }
0xa9: {  	[sflag:s30] =	ssyncset.done $0x0  }
0xaa: {  	[sflag:s30] =	ssyncadd.s32 $0xFFFFFF80  }
.Ltmp5:
0xab: {  	(pc) =	sbr.rel .LBB2_10-.Ltmp5, $2  }
0xac: {  	_ =	sdelay $0x2  }
0xad: {  	[tilespmem:s31], [sflag:$0x4] =	stream.indirect.gather [hbm4b:s4+s26], $0x80, s28, s26, $0xb8;
	[tilespmem:$0x1C200] =	vst v63  }
.LBB2_4:
0xae: {  	[tilespmem:s22], [sflag:$0x1] =	stream.linear.gather [hbm4b:s6+s2], $0x80, $0x38;
	[tilespmem:$0x1C200] =	vst v63  }
0xaf: {  	_ = 	snop  }
0xb0: {  	[tilespmem:s23], [sflag:$0x1] =	stream.linear.gather [hbm4b:s7+s2], $0x80, $0x38;
	[tilespmem:$0x1C200] =	vst v63  }
0xb1: {  	_ =	swait.ge [sflag:s25], $0x80  }
0xb2: {  	[sflag:s25] =	ssyncset.done $0x0  }
0xb3: {  	[sflag:s25] =	ssyncadd.s32 $0xFFFFFF80  }
0xb4: {  	_ =	swait.ge [sflag:s25], $0x80  }
0xb5: {  	[sflag:s25] =	ssyncset.done $0x0  }
0xb6: {  	[sflag:s25] =	ssyncadd.s32 $0xFFFFFF80  }
0xb7: {  	[tilespmem:s2], [sflag:$0x3] =	stream.indirect.gather [hbm4b:s4+s26], $0x80, s22, s26, $0xb8;
	[tilespmem:$0x1C200] =	vst v63  }
0xb8: {  	s10 =	rddreg [dreg:$0x3]  }
0xb9: {  	[tilespmem:s28], [sflag:$0x2] =	stream.linear.gather [hbm4b:s10+s2], $0x80, $0x38;
	[tilespmem:$0x1C200] =	vst v63  }
0xba: {  	s12 =	rddreg [dreg:$0x4]  }
0xbb: {  	[tilespmem:s29], [sflag:$0x2] =	stream.linear.gather [hbm4b:s12+s2], $0x80, $0x38;
	[tilespmem:$0x1C200] =	vst v63  }
0xbc: {  	_ =	swait.ge [sflag:s30], $0x80  }
0xbd: {  	[sflag:s30] =	ssyncset.done $0x0  }
0xbe: {  	[sflag:s30] =	ssyncadd.s32 $0xFFFFFF80  }
0xbf: {  	_ =	swait.ge [sflag:s30], $0x80  }
0xc0: {  	[sflag:s30] =	ssyncset.done $0x0  }
0xc1: {  	[sflag:s30] =	ssyncadd.s32 $0xFFFFFF80  }
0xc2: {  	[tilespmem:s31], [sflag:$0x4] =	stream.indirect.gather [hbm4b:s4+s26], $0x80, s28, s26, $0xb8;
	[tilespmem:$0x1C200] =	vst v63  }
0xc3: {  	_ =	swait.ge [sflag:s0], $0x4000  }
0xc4: {  	[sflag:s0] =	ssyncset.done $0x0  }
0xc5: {  	[sflag:s0] =	ssyncadd.s32 $0xFFFFC000  }
0xc6: {  	[spmem:s1] =	stream.indirect.scatter.add.f32 [tilespmem:s2], [sflag:$0x5], $0x80, s23, s26, $0xb8;
	[tilespmem:$0x1C200] =	vst v63  }
0xc7: {  	_ =	swait.ge [sflag:s21], $0x4000  }
0xc8: {  	s10 =	sadd.s32 $0xFFFFF820, s6;
	[sflag:s21] =	ssyncset.done $0x0  }
0xc9: {  	s11 =	sadd.s32 $0x800, s10;
	s12 =	sadd.s32 $0xFFFFF820, s7;
	[sflag:s21] =	ssyncadd.s32 $0xFFFFC000  }
0xca: {  	[tilespmem:s22], [sflag:$0x1] =	stream.linear.gather [hbm4b:s11+s2], $0x80, $0x38;
	[tilespmem:$0x1C200] =	vst v63  }
0xcb: {  	s13 =	sadd.s32 $0x800, s12  }
0xcc: {  	[tilespmem:s23], [sflag:$0x1] =	stream.linear.gather [hbm4b:s13+s2], $0x80, $0x38;
	[tilespmem:$0x1C200] =	vst v63  }
0xcd: {  	_ =	swait.ge [sflag:s25], $0x80  }
0xce: {  	[sflag:s25] =	ssyncset.done $0x0  }
0xcf: {  	[sflag:s25] =	ssyncadd.s32 $0xFFFFFF80  }
0xd0: {  	_ =	swait.ge [sflag:s25], $0x80  }
0xd1: {  	[sflag:s25] =	ssyncset.done $0x0  }
0xd2: {  	[sflag:s25] =	ssyncadd.s32 $0xFFFFFF80  }
0xd3: {  	[tilespmem:s2], [sflag:$0x3] =	stream.indirect.gather [hbm4b:s4+s26], $0x80, s22, s26, $0xb8;
	[tilespmem:$0x1C200] =	vst v63  }
0xd4: {  	_ =	swait.ge [sflag:s8], $0x4000  }
0xd5: {  	[sflag:s8] =	ssyncset.done $0x0  }
0xd6: {  	[sflag:s8] =	ssyncadd.s32 $0xFFFFC000  }
0xd7: {  	[spmem:s1] =	stream.indirect.scatter.add.f32 [tilespmem:s31], [sflag:$0x5], $0x80, s29, s26, $0xb8;
	[tilespmem:$0x1C200] =	vst v63  }
0xd8: {  	_ =	swait.ge [sflag:s21], $0x4000  }
0xd9: {  	[sflag:s21] =	ssyncset.done $0x0  }
0xda: {  	s10 =	sadd.s32 $0x810, s10;
	[sflag:s21] =	ssyncadd.s32 $0xFFFFC000  }
0xdb: {  	[tilespmem:s28], [sflag:$0x2] =	stream.linear.gather [hbm4b:s10+s2], $0x80, $0x38;
	[tilespmem:$0x1C200] =	vst v63  }
0xdc: {  	s13 =	sadd.s32 $0x810, s12  }
0xdd: {  	[tilespmem:s29], [sflag:$0x2] =	stream.linear.gather [hbm4b:s13+s2], $0x80, $0x38;
	[tilespmem:$0x1C200] =	vst v63  }
0xde: {  	_ =	swait.ge [sflag:s30], $0x80  }
0xdf: {  	[sflag:s30] =	ssyncset.done $0x0  }
0xe0: {  	[sflag:s30] =	ssyncadd.s32 $0xFFFFFF80  }
0xe1: {  	_ =	swait.ge [sflag:s30], $0x80  }
0xe2: {  	[sflag:s30] =	ssyncset.done $0x0  }
0xe3: {  	s10 =	simm.s32 $0xFFFFF840;
	[sflag:s30] =	ssyncadd.s32 $0xFFFFFF80  }
.LBB2_5:
0xe4: {  	[tilespmem:s31], [sflag:$0x4] =	stream.indirect.gather [hbm4b:s4+s26], $0x80, s28, s26, $0xb8;
	[tilespmem:$0x1C200] =	vst v63  }
0xe5: {  	s11 =	smov.u32 s10  }
0xe6: {  	p1 =	seq.s32 s10, $0xFFFFFFE0;
	s10 =	sadd.s32 $0x20, s10;
	_ =	swait.ge [sflag:s0], $0x4000  }
0xe7: {  	[sflag:s0] =	ssyncset.done $0x0  }
0xe8: {  	[sflag:s0] =	ssyncadd.s32 $0xFFFFC000  }
0xe9: {  	[spmem:s1] =	stream.indirect.scatter.add.f32 [tilespmem:s2], [sflag:$0x5], $0x80, s23, s26, $0xb8;
	[tilespmem:$0x1C200] =	vst v63  }
0xea: {  	_ =	swait.ge [sflag:s21], $0x4000  }
0xeb: {  	s12 =	sadd.s32 s11, s6;
	[sflag:s21] =	ssyncset.done $0x0  }
0xec: {  	s11 =	sadd.s32 s11, s7;
	s13 =	sadd.s32 $0x800, s12;
	[sflag:s21] =	ssyncadd.s32 $0xFFFFC000  }
0xed: {  	[tilespmem:s22], [sflag:$0x1] =	stream.linear.gather [hbm4b:s13+s2], $0x80, $0x38;
	[tilespmem:$0x1C200] =	vst v63  }
0xee: {  	s13 =	sadd.s32 $0x800, s11  }
0xef: {  	[tilespmem:s23], [sflag:$0x1] =	stream.linear.gather [hbm4b:s13+s2], $0x80, $0x38;
	[tilespmem:$0x1C200] =	vst v63  }
0xf0: {  	_ =	swait.ge [sflag:s25], $0x80  }
0xf1: {  	[sflag:s25] =	ssyncset.done $0x0  }
0xf2: {  	[sflag:s25] =	ssyncadd.s32 $0xFFFFFF80  }
0xf3: {  	_ =	swait.ge [sflag:s25], $0x80  }
0xf4: {  	[sflag:s25] =	ssyncset.done $0x0  }
0xf5: {  	[sflag:s25] =	ssyncadd.s32 $0xFFFFFF80  }
0xf6: {  	[tilespmem:s2], [sflag:$0x3] =	stream.indirect.gather [hbm4b:s4+s26], $0x80, s22, s26, $0xb8;
	[tilespmem:$0x1C200] =	vst v63  }
0xf7: {  	_ =	swait.ge [sflag:s8], $0x4000  }
0xf8: {  	[sflag:s8] =	ssyncset.done $0x0  }
0xf9: {  	[sflag:s8] =	ssyncadd.s32 $0xFFFFC000  }
0xfa: {  	[spmem:s1] =	stream.indirect.scatter.add.f32 [tilespmem:s31], [sflag:$0x5], $0x80, s29, s26, $0xb8;
	[tilespmem:$0x1C200] =	vst v63  }
0xfb: {  	_ =	swait.ge [sflag:s21], $0x4000  }
0xfc: {  	[sflag:s21] =	ssyncset.done $0x0  }
0xfd: {  	s12 =	sadd.s32 $0x810, s12;
	[sflag:s21] =	ssyncadd.s32 $0xFFFFC000  }
0xfe: {  	[tilespmem:s28], [sflag:$0x2] =	stream.linear.gather [hbm4b:s12+s2], $0x80, $0x38;
	[tilespmem:$0x1C200] =	vst v63  }
0xff: {  	s11 =	sadd.s32 $0x810, s11  }
0x100: {  	[tilespmem:s29], [sflag:$0x2] =	stream.linear.gather [hbm4b:s11+s2], $0x80, $0x38;
	[tilespmem:$0x1C200] =	vst v63  }
0x101: {  	_ =	swait.ge [sflag:s30], $0x80  }
.Ltmp6:
0x102: {  	[sflag:s30] =	ssyncset.done $0x0;
	(pc) =	sbr.rel @!p1 .LBB2_5-.Ltmp6, $4  }
0x103: {  	[sflag:s30] =	ssyncadd.s32 $0xFFFFFF80  }
0x104: {  	_ =	swait.ge [sflag:s30], $0x80  }
0x105: {  	[sflag:s30] =	ssyncset.done $0x0  }
0x106: {  	[sflag:s30] =	ssyncadd.s32 $0xFFFFFF80  }
.Ltmp7:
0x107: {  	_ = 	snop;
	(pc) =	sbr.rel .LBB2_6-.Ltmp7, $1  }
0x108: {  	_ =	sdelay $0x3  }
.LBB2_11:
0x109: {  	_ =	sfence.sel $0x180000  }
0x10a: {  	[bflag:$0x0] =	sbarrier.arrive $0xFFFF  }
0x10b: {  	_ =	strace $0x9000004D  }
0x10c: {  	[bflag:$0x2] =	sbarrier.arrive $0xFFFF  }
0x10d: {  	p0 =	sne.s32 s3, $0x0;
	s0 =	rddreg [dreg:$0x2]  }
0x10e: {  	s0 =	sadd.s32 @!p0 $0x100000, s0  }
0x10f: {  	[sflag:s0] =	ssyncadd.tile.s32 @!p0 $0x1;
	_ =	shalt  }
.Lfunc_end2:
_tile_overlayer_lowered:
.L_overlay_start_2:
0x110: {  	(tag) =	ssettag $0x2  }
0x111: {  	s0 =	rddreg [dreg:$0x0];
	s2 =	stileid.u32  }
0x112: {  	s1 =	rddreg [dreg:$0x1];
	p0 =	sne.s32 s2, $0x0  }
0x113: {  	s3 =	rddreg [dreg:$0x2];
	[bflag:$0x3] =	sbarrier.arrive $0xFFFF;
	s2 =	simm.s32 @!p0 $0x1C05  }
0x114: {  	[timem:s3], [sflag:s2] =	dma.local @!p0 [hbm:s0], s1  }
0x115: {  	s0 =	simm.s32 @!p0 $0x5  }
0x116: {  	_ =	swait.ge @!p0 [sflag:s0], s1  }
0x117: {  	s1 =	ssub.s32 @!p0 $0x0, s1;
	[sflag:s0] =	ssyncset.done @!p0 $0x0  }
0x118: {  	[sflag:s0] =	ssyncadd.s32 @!p0 s1  }
0x119: {  	[bflag:$0x3] =	sbarrier.arrive $0xFFFF  }
0x11a: {  	_ =	shalt  }

// kernel: kernel.9.cloned.1.call-start
scs
__scs_entry_jumppad:
0x0: {  	(pc) =	sbr.rel $0x88, $3  }
0x1: {  	(tag) =	ssettag $0x0;
	lr =	simm.s32 $0x1  }
0x2: {  	[smem:$0x3F8E] =	sst lr;
	_ =	strace $0xD0000000  }
0x3: {  	_ = 	snop  }
0x4: {  	_ = 	snop  }
0x5: {  	_ = 	snop  }
0x6: {  	_ = 	snop  }
0x7: {  	_ = 	snop  }
__scs_overlays_trampoline_lowered:
0x8: {  	[smem:$0x3F9D] =	sst s0  }
0x9: {  	[smem:$0x3F9E] =	sst s1  }
0xa: {  	[smem:$0x3F9F] =	sst s2  }
0xb: {  	[smem:$0x3FA0] =	sst s3  }
0xc: {  	[smem:$0x3FA1] =	sst s4  }
0xd: {  	[smem:$0x3FA2] =	sst s5  }
0xe: {  	[smem:$0x3FA3] =	sst s6  }
0xf: {  	[smem:$0x3FA4] =	sst s7  }
0x10: {  	[smem:$0x3FA5] =	sst s8  }
0x11: {  	[smem:$0x3FA6] =	sst s9;
	s0 =	simm.s32 @!p0 $0x0  }
0x12: {  	s1 =	sld [smem:$0x3F8C];
	s0 =	simm.s32 @p0 $0x1  }
0x13: {  	[smem:$0x3FA7] =	sst s0;
	s0 =	simm.s32 @!p1 $0x0  }
0x14: {  	s2 =	sld [smem:$0x3F8B];
	s0 =	simm.s32 @p1 $0x1  }
0x15: {  	[smem:$0x3FA8] =	sst s0;
	s0 =	simm.s32 @!p2 $0x0  }
0x16: {  	s3 =	sld [smem:$0x3FDB];
	s0 =	simm.s32 @p2 $0x1  }
0x17: {  	s4 =	simm.s32 $0x1BF5;
	[smem:$0x3FAA] =	sst s0  }
0x18: {  	s0 =	sld [smem:$0x3F8D];
	_ =	swait.ge [sflag:s4], $0x0  }
0x19: {  	s7 =	sld [smem:$0x3F8E]  }
0x1a: {  	s8 =	sadd.s32 $0xFFFFE003, lr  }
0x1b: {  	s9 =	sadd.s32 $0xFFFFFEF7, lr;
	s5 =	simm.s32 $0xFFFFFFFF;
	p2 =	slt.u32 s8, $0xFFFFF086  }
0x1c: {  	p1 =	slt.u32 s9, $0xF7A;
	s5 =	simm.s32 @!p2 $0x0  }
0x1d: {  	s5 =	simm.s32 @p1 $0x1;
	p0 =	seq.s32 s7, s2  }
0x1e: {  	s7 =	smul.u32 @!p0 $0xF7A, s2;
	p2 =	seq.s32 @!p0 s5, $0x0  }
0x1f: {  	s9 =	smul.u32 $0xF7A, s1;
	s8 =	simm.s32 @!p0 $0x1BF5;
	p2 =	por !p2, p0  }
0x20: {  	[sflag:s8] =	ssyncset.s32 @!p0 $0xFFFFF086;
	s6 =	sadd.s32 @!p0 s3, s7;
	s7 =	simm.s32 @!p0 $0x108  }
0x21: {  	s3 =	sadd.s32 s3, s9;
	s6 =	sadd.s32 @!p0 $0x88, s6;
	s7 =	simm.s32 @p2 $0x1082  }
0x22: {  	[simem:s7], [sflag:s8] =	dma.local @!p0 [hbm:s6], $0xF7A  }
0x23: {  	s9 =	sor.u32 $0xD0000000, s2;
	s6 =	simm.s32 $0x108;
	_ =	swait.ge @!p0 [sflag:s8], $0x0  }
0x24: {  	s3 =	sadd.s32 $0x88, s3;
	s6 =	simm.s32 @!p1 $0x1082;
	[sflag:s4] =	ssyncset.s32 $0xFFFFF086  }
0x25: {  	[simem:s6], [sflag:s4] =	dma.local [hbm:s3], $0xF7A  }
0x26: {  	[smem:$0x3F8E] =	sst s1;
	(tag) =	ssettag s2;
	_ =	strace s9  }
0x27: {  	s1 =	sld [smem:$0x3F9E]  }
0x28: {  	s2 =	sld [smem:$0x3F9F]  }
0x29: {  	s4 =	sld [smem:$0x3FA1]  }
0x2a: {  	p0 =	seq.s32 s5, $0x0;
	s5 =	sld [smem:$0x3FA2]  }
0x2b: {  	s6 =	sld [smem:$0x3FA3]  }
0x2c: {  	s7 =	sld [smem:$0x3FA4]  }
0x2d: {  	s3 =	simm.s32 $0x108;
	s8 =	sld [smem:$0x3FA5]  }
0x2e: {  	s3 =	simm.s32 @!p0 $0x1082;
	s9 =	sld [smem:$0x3FA6]  }
0x2f: {  	lr =	sadd.s32 s0, s3;
	s0 =	sld [smem:$0x3F9D]  }
0x30: {  	s3 =	sld [smem:$0x3FA0]  }
0x31: {  	[smem:$0x3FA9] =	sst s10  }
0x32: {  	s10 =	sld [smem:$0x3FA7];
	_ =	sdelay $0x3  }
0x33: {  	p0 =	seq.s32 s10, $0x1;
	s10 =	sld [smem:$0x3FA9];
	_ =	sdelay $0x3  }
0x34: {  	[smem:$0x3FA9] =	sst s10  }
0x35: {  	s10 =	sld [smem:$0x3FA8];
	_ =	sdelay $0x3  }
0x36: {  	p1 =	seq.s32 s10, $0x1;
	s10 =	sld [smem:$0x3FA9];
	_ =	sdelay $0x3  }
0x37: {  	[smem:$0x3FA9] =	sst s10  }
0x38: {  	s10 =	sld [smem:$0x3FAA]  }
0x39: {  	_ = 	snop;
	(pc) =	sbr.ind lr, $3  }
0x3a: {  	_ = 	snop  }
0x3b: {  	_ = 	snop  }
0x3c: {  	p2 =	seq.s32 s10, $0x1;
	s10 =	sld [smem:$0x3FA9]  }
0x3d: {  	_ =	shalt  }
0x3e: {  	_ =	shalt  }
0x3f: {  	_ =	shalt  }
0x40: {  	_ =	shalt  }
0x41: {  	_ =	shalt  }
0x42: {  	_ =	shalt  }
0x43: {  	_ =	shalt  }
0x44: {  	_ =	shalt  }
0x45: {  	_ =	shalt  }
0x46: {  	_ =	shalt  }
0x47: {  	_ =	shalt  }
0x48: {  	_ =	shalt  }
0x49: {  	_ =	shalt  }
0x4a: {  	_ =	shalt  }
0x4b: {  	_ =	shalt  }
0x4c: {  	_ =	shalt  }
0x4d: {  	_ =	shalt  }
0x4e: {  	_ =	shalt  }
0x4f: {  	_ =	shalt  }
0x50: {  	_ =	shalt  }
0x51: {  	_ =	shalt  }
0x52: {  	_ =	shalt  }
0x53: {  	_ =	shalt  }
0x54: {  	_ =	shalt  }
0x55: {  	_ =	shalt  }
0x56: {  	_ =	shalt  }
0x57: {  	_ =	shalt  }
0x58: {  	_ =	shalt  }
0x59: {  	_ =	shalt  }
0x5a: {  	_ =	shalt  }
0x5b: {  	_ =	shalt  }
0x5c: {  	_ =	shalt  }
0x5d: {  	_ =	shalt  }
0x5e: {  	_ =	shalt  }
0x5f: {  	_ =	shalt  }
0x60: {  	_ =	shalt  }
0x61: {  	_ =	shalt  }
0x62: {  	_ =	shalt  }
0x63: {  	_ =	shalt  }
0x64: {  	_ =	shalt  }
0x65: {  	_ =	shalt  }
0x66: {  	_ =	shalt  }
0x67: {  	_ =	shalt  }
0x68: {  	_ =	shalt  }
0x69: {  	_ =	shalt  }
0x6a: {  	_ =	shalt  }
0x6b: {  	_ =	shalt  }
0x6c: {  	_ =	shalt  }
0x6d: {  	_ =	shalt  }
0x6e: {  	_ =	shalt  }
0x6f: {  	_ =	shalt  }
0x70: {  	_ =	shalt  }
0x71: {  	_ =	shalt  }
0x72: {  	_ =	shalt  }
0x73: {  	_ =	shalt  }
0x74: {  	_ =	shalt  }
0x75: {  	_ =	shalt  }
0x76: {  	_ =	shalt  }
0x77: {  	_ =	shalt  }
0x78: {  	_ =	shalt  }
0x79: {  	_ =	shalt  }
0x7a: {  	_ =	shalt  }
0x7b: {  	_ =	shalt  }
0x7c: {  	_ =	shalt  }
0x7d: {  	_ =	shalt  }
0x7e: {  	_ =	shalt  }
0x7f: {  	_ =	shalt  }
0x80: {  	_ =	shalt  }
0x81: {  	_ =	shalt  }
0x82: {  	_ =	shalt  }
0x83: {  	_ =	shalt  }
0x84: {  	_ =	shalt  }
0x85: {  	_ =	shalt  }
0x86: {  	_ =	shalt  }
0x87: {  	_ =	shalt  }
.Lfunc_end0:
.L_simem_size_0:
called_computation_lowered:
.L_overlay_start_0:
0x88: {  	s2 =	sld [smem:$0x3FD9]  }
0x89: {  	s3 =	sld [smem:$0x3FFE];
	_ =	sdelay $0x1  }
0x8a: {  	s1 =	srdreg.scid  }
0x8b: {  	s0 =	sand.u32 $0x1, s1  }
0x8c: {  	s17 =	sshll.u32 s0, $0xA;
	s2 =	sadd.s32 s3, s2  }
0x8d: {  	s2 =	sadd.s32 s2, s17  }
0x8e: {  	[smem:$0x3FB5] =	sst s2  }
0x8f: {  	_ = 	snop  }
0x90: {  	s2 =	sld [smem:$0x3FC9];
	(tm) =	ssettm $0x1  }
0x91: {  	s18 =	sld [smem:$0x3FFB];
	_ =	sdelay $0x3  }
0x92: {  	_ =	strace s18  }
0x93: {  	s3 =	sld [smem:$0x3FFC];
	_ =	sdelay $0x3  }
0x94: {  	_ =	strace s3  }
0x95: {  	s3 =	sld [smem:$0x3FFD];
	_ =	sdelay $0x3  }
0x96: {  	_ =	strace s3  }
0x97: {  	_ =	strace $0x8FFFFFFF  }
0x98: {  	s19 =	sld [smem:$0x3FDB];
	_ =	sdelay $0x1  }
0x99: {  	s4 =	simm.s32 $_scs_section_size  }
0x9a: {  	s5 =	simm.s32 $_size__tile_overlayer_lowered;
	s6 =	simm.s32 $_tile_overlayer_lowered  }
0x9b: {  	s22 =	simm.s32 $0x1BFF;
	s21 =	sshll.u32 s6, $0x1;
	s3 =	sadd.s32 s4, s19  }
0x9c: {  	s7 =	simm.s32 $0x0;
	s20 =	sshll.u32 s5, $0x1;
	s5 =	sadd.s32 s21, s3  }
0x9d: {  	[timem:s7], [sflag:s22] =	dma.local [hbm:s5], s20  }
0x9e: {  	_ =	swait.ge [sflag:s22], s20  }
0x9f: {  	s4 =	ssub.s32 $0x0, s20;
	[sflag:s22] =	ssyncset.done $0x0  }
0xa0: {  	[sflag:s22] =	ssyncadd.s32 s4;
	_ =	sdelay $0x1  }
0xa1: {  	s23 =	simm.s32 $0x1B8B  }
0xa2: {  	_ =	swait.ge [sflag:s23], $0x1  }
0xa3: {  	[sflag:s23] =	ssyncset.done $0x0  }
0xa4: {  	s25 =	simm.s32 $0x1B8E;
	s24 =	sld [smem:$0x3FFE];
	[sflag:s23] =	ssyncadd.s32 $0xFFFFFFFF  }
0xa5: {  	s26 =	simm.s32 $execute0_lowered;
	[smem:$0x3FD2] =	sst s25  }
0xa6: {  	s5 =	sshll.u32 s26, $0x1;
	_ =	strace $0x80000046;
	[dreg:$0x1] =	wrdreg $0xFFFFFFFF  }
0xa7: {  	s28 =	simm.s32 $_size_execute0_lowered;
	s3 =	sadd.s32 s3, s5;
	[dreg:$0x0] =	wrdreg $0x0  }
0xa8: {  	s5 =	sshll.u32 s28, $0x1;
	[dreg:$0x2] =	wrdreg s3  }
0xa9: {  	[dreg:$0x3] =	wrdreg s5  }
0xaa: {  	[dreg:$0x4] =	wrdreg $0xC0  }
0xab: {  	_ =	task [dreg:s7], $0x5FFFF  }
0xac: {  	[dreg:$0x1] =	wrdreg $0xFFFFFFFF  }
0xad: {  	[dreg:$0x0] =	wrdreg $0x60  }
0xae: {  	[dreg:$0x2] =	wrdreg s2  }
0xaf: {  	[dreg:$0x3] =	wrdreg s24  }
0xb0: {  	[dreg:$0x4] =	wrdreg $0x82000  }
0xb1: {  	[dreg:$0x5] =	wrdreg $0x9  }
0xb2: {  	_ =	task.clear_ibuf [dreg:s7], $0x6FFFF;
	_ =	strace $0x90000046  }
0xb3: {  	s29 =	simm.s32 $0x9;
	_ =	strace $0x80000048  }
0xb4: {  	_ =	swait.ge [sflag:s29], $0x1  }
0xb5: {  	[sflag:s29] =	ssyncadd.s32 $0xFFFFFFFF  }
0xb6: {  	_ =	strace $0x90000048  }
0xb7: {  	_ =	sfence  }
0xb8: {  	s30 =	sld [smem:$0x0];
	_ =	sdelay $0x2  }
0xb9: {  	s31 =	sshll.u32 s1, $0xD;
	s1 =	sshrl.u32 s1, $0x2  }
0xba: {  	s3 =	sand.u32 $0x4000, s31;
	s1 =	sadd.s32 s1, s30  }
0xbb: {  	s0 =	sor.u32 s3, s0;
	s1 =	sshll.u32 s1, $0x11  }
0xbc: {  	s0 =	sor.u32 s1, s0  }
0xbd: {  	s0 =	sadd.s32 $0x8F2B, s0  }
0xbe: {  	[sflag:s0] =	ssyncadd.remote.s32 $0x1  }
0xbf: {  	_ =	sfence.sel $0xFFFF  }
0xc0: {  	[dreg:$0x0] =	wrdreg $0xFFFFFFFF;
	(pc) =	sbr.abs _section_cstart, $3  }
0xc1: {  	[dreg:$0x1] =	wrdreg $0xFFFFFFFF  }
0xc2: {  	_ =	task.clear_ibuf [dreg:s7], $0x2FFFF;
	_ =	strace $0x9FFFFFFF  }
0xc3: {  	(tm) =	ssettm $0x7FFFFFFF  }
tec
execute0_lowered:
.L_overlay_start_1:
0x0: {  	(tag) =	ssettag $0x1  }
0x1: {  	s1 =	rddreg [dreg:$0x0]  }
0x2: {  	s0 =	rddreg [dreg:$0x1]  }
0x3: {  	s2 =	rddreg [dreg:$0x2];
	s3 =	simm.s32 $0x0;
	s4 =	srdreg.scid  }
0x4: {  	s28 =	simm.s32 $0x8080;
	s29 =	simm.s32 $0x8180;
	s30 =	simm.s32 $0x2  }
0x5: {  	s31 =	simm.s32 $0x4000;
	[smem:$0x7FF] =	sst s3;
	s6 =	sand.u32 $0x1, s4  }
0x6: {  	s4 =	stileid.u32;
	s8 =	sadd.s32 $0xF000, s0;
	s10 =	sadd.s32 $0x5000, s0  }
0x7: {  	_ =	strace $0x80000047;
	s5 =	smul.u32 $0x28000, s6;
	s7 =	ssub.s32 $0x2, s6  }
0x8: {  	s9 =	smul.u32 $0x50000, s4;
	s21 =	sshll.u32 s4, $0xB;
	p0 =	seq.s32 s6, $0x1  }
0x9: {  	s26 =	smul.u32 $0x2800, s4;
	s19 =	sshrl.u32 s7, $0x1;
	s6 =	sadd.s32 s8, s21  }
0xa: {  	s0 =	sadd.s32 s5, s0;
	s11 =	ssub.s32 s7, s19;
	s20 =	sshrl.u32 s9, $0x2  }
0xb: {  	s7 =	sadd.s32 s10, s21;
	s9 =	sor.u32 $0x10, s21;
	s21 =	simm.s32 $0x5  }
0xc: {  	s5 =	sadd.s32 s20, s2;
	s20 =	sshll.u32 s4, $0x9;
	s12 =	sadd.s32 s8, s9  }
0xd: {  	s9 =	sadd.s32 s10, s9;
	s0 =	sadd.s32 $0x19000, s0;
	[dreg:$0x4] =	wrdreg s12  }
0xe: {  	s14 =	smax.u32 s11, $0x1;
	[dreg:$0x5] =	wrdreg s9;
	s22 =	sor.u32 $0x8000, s20  }
0xf: {  	s24 =	sor.u32 $0x8010, s20;
	s15 =	sadd.s32 $0x4000, s5;
	s16 =	sadd.s32 $0x8000, s5  }
0x10: {  	s17 =	sadd.s32 $0xC000, s5;
	s18 =	sadd.s32 $0x10000, s5;
	s19 =	sadd.s32 s20, s8  }
0x11: {  	s20 =	sadd.s32 s20, s10;
	s23 =	sadd.s32 s8, s22;
	s9 =	sadd.s32 s10, s22  }
.Ltmp0:
0x12: {  	s25 =	sadd.s32 s8, s24;
	[dreg:$0x6] =	wrdreg s23;
	(pc) =	sbr.rel .LBB2_1-.Ltmp0, $4  }
0x13: {  	s22 =	simm.s32 $0x8000;
	s8 =	simm.s32 $0x4;
	[dreg:$0x7] =	wrdreg s9  }
0x14: {  	[dreg:$0x8] =	wrdreg s25;
	s9 =	sadd.s32 s10, s24;
	s23 =	simm.s32 $0x8100  }
0x15: {  	s24 =	sadd.s32 s26, s0;
	s25 =	simm.s32 $0x1;
	s26 =	simm.s32 $0x80  }
0x16: {  	v0 =	vimm.f32 $0.0e+00;
	s0 =	simm.s32 $0x3;
	[dreg:$0x9] =	wrdreg s9;
	s9 =	simm.s32 $0x0  }
.LBB2_6:
0x17: {  	[tilespmem:s31], [sflag:$0x4] =	stream.indirect.gather [hbm4b:s1+s26], $0x80, s28, s26, $0xb8;
	[tilespmem:$0x1C200] =	vst v63  }
.LBB2_10:
0x18: {  	_ =	swait.ge [sflag:s0], $0x4000  }
0x19: {  	[sflag:s0] =	ssyncset.done $0x0  }
0x1a: {  	[sflag:s0] =	ssyncadd.s32 $0xFFFFC000  }
0x1b: {  	[spmem:s2] =	stream.indirect.scatter.add.f32 [tilespmem:s3], [sflag:$0x5], $0x80, s23, s26, $0xb8;
	[tilespmem:$0x1C200] =	vst v63  }
0x1c: {  	_ =	swait.ge [sflag:s21], $0x4000  }
0x1d: {  	[sflag:s21] =	ssyncset.done $0x0  }
0x1e: {  	[sflag:s21] =	ssyncadd.s32 $0xFFFFC000  }
0x1f: {  	_ =	swait.ge [sflag:s8], $0x4000  }
0x20: {  	[sflag:s8] =	ssyncset.done $0x0  }
0x21: {  	[sflag:s8] =	ssyncadd.s32 $0xFFFFC000  }
0x22: {  	[spmem:s2] =	stream.indirect.scatter.add.f32 [tilespmem:s31], [sflag:$0x5], $0x80, s29, s26, $0xb8;
	[tilespmem:$0x1C200] =	vst v63  }
0x23: {  	_ =	swait.ge [sflag:s21], $0x4000  }
0x24: {  	s10 =	sshll.u32 s4, $0x6;
	s9 =	sadd.s32 $0x1, s9;
	[sflag:s21] =	ssyncset.done $0x0  }
0x25: {  	s11 =	sshrl.u32 s5, $0x3;
	p1 =	sne.s32 s9, s14;
	[sflag:s21] =	ssyncadd.s32 $0xFFFFC000  }
.Ltmp1:
0x26: {  	s10 =	sor.u32 $0x1C05, s10;
	[bflag:$0x0] =	sbarrier.arrive $0xFFFF;
	(pc) =	sbr.rel @!p1 .LBB2_11-.Ltmp1, $4  }
0x27: {  	[hbm:s24], [sflag:s10] =	dma.local [spmem:s11], $0x2800  }
0x28: {  	_ =	swait.ge [sflag:s21], $0x2800  }
0x29: {  	[sflag:s21] =	ssyncset.done $0x0  }
0x2a: {  	[sflag:s21] =	ssyncadd.s32 $0xFFFFD800  }
.LBB2_1:
0x2b: {  	s10 =	simm.s32 $0x0;
	s11 =	simm.s32 $0x200  }
.LBB2_2:
0x2c: {  	p1 =	sne.s32 s11, $0xFE00;
	[tilespmem:s10+$0x70] =	vst v0  }
0x2d: {  	[tilespmem:s10+$0x0] =	vst v0  }
0x2e: {  	[tilespmem:s10+$0x10] =	vst v0  }
.Ltmp2:
0x2f: {  	[tilespmem:s10+$0x20] =	vst v0;
	(pc) =	sbr.rel @p1 .LBB2_2-.Ltmp2, $4  }
0x30: {  	[tilespmem:s10+$0x30] =	vst v0  }
0x31: {  	[tilespmem:s10+$0x40] =	vst v0  }
0x32: {  	[tilespmem:s10+$0x50] =	vst v0  }
0x33: {  	[tilespmem:s10+$0x60] =	vst v0;
	s10 =	sshra.s32 s11, $0x2;
	s11 =	sadd.s32 $0x200, s11  }
0x34: {  	[tilespmem:s10+$0x70] =	vst v0  }
0x35: {  	[tilespmem:s10+$0x0] =	vst v0  }
0x36: {  	[tilespmem:s10+$0x10] =	vst v0  }
0x37: {  	[tilespmem:s10+$0x20] =	vst v0  }
0x38: {  	[tilespmem:s10+$0x30] =	vst v0  }
0x39: {  	[tilespmem:s10+$0x40] =	vst v0  }
0x3a: {  	[tilespmem:s10+$0x50] =	vst v0  }
0x3b: {  	[tilespmem:s10+$0x60] =	vst v0  }
0x3c: {  	[spmem:s5] =	stream.linear.scatter [tilespmem:s3], [sflag:$0x5], $0x4000, $0x38;
	[tilespmem:$0x1C200] =	vst v63  }
0x3d: {  	_ =	swait.ge [sflag:s21], $0x4000  }
0x3e: {  	[sflag:s21] =	ssyncset.done $0x0  }
0x3f: {  	[sflag:s21] =	ssyncadd.s32 $0xFFFFC000  }
0x40: {  	[spmem:s15] =	stream.linear.scatter [tilespmem:s3], [sflag:$0x5], $0x4000, $0x38;
	[tilespmem:$0x1C200] =	vst v63  }
0x41: {  	_ =	swait.ge [sflag:s21], $0x4000  }
0x42: {  	[sflag:s21] =	ssyncset.done $0x0  }
0x43: {  	[sflag:s21] =	ssyncadd.s32 $0xFFFFC000  }
0x44: {  	[spmem:s16] =	stream.linear.scatter [tilespmem:s3], [sflag:$0x5], $0x4000, $0x38;
	[tilespmem:$0x1C200] =	vst v63  }
0x45: {  	_ =	swait.ge [sflag:s21], $0x4000  }
0x46: {  	[sflag:s21] =	ssyncset.done $0x0  }
0x47: {  	[sflag:s21] =	ssyncadd.s32 $0xFFFFC000  }
0x48: {  	[spmem:s17] =	stream.linear.scatter [tilespmem:s3], [sflag:$0x5], $0x4000, $0x38;
	[tilespmem:$0x1C200] =	vst v63  }
0x49: {  	_ =	swait.ge [sflag:s21], $0x4000  }
0x4a: {  	[sflag:s21] =	ssyncset.done $0x0  }
0x4b: {  	[sflag:s21] =	ssyncadd.s32 $0xFFFFC000  }
0x4c: {  	[spmem:s18] =	stream.linear.scatter [tilespmem:s3], [sflag:$0x5], $0x4000, $0x38;
	[tilespmem:$0x1C200] =	vst v63  }
.Ltmp3:
0x4d: {  	_ =	swait.ge [sflag:s21], $0x4000;
	(pc) =	sbr.rel @!p0 .LBB2_4-.Ltmp3, $3  }
0x4e: {  	[sflag:s21] =	ssyncset.done $0x0  }
0x4f: {  	[sflag:s21] =	ssyncadd.s32 $0xFFFFC000  }
0x50: {  	[bflag:$0x0] =	sbarrier.arrive $0xFFFF;
	_ =	sdelay $0x1  }
0x51: {  	s10 =	rddreg [dreg:$0x6]  }
0x52: {  	[tilespmem:s22], [sflag:$0x1] =	stream.linear.gather [hbm4b:s10+s3], $0x80, $0x38;
	[tilespmem:$0x1C200] =	vst v63  }
0x53: {  	s13 =	rddreg [dreg:$0x7]  }
0x54: {  	[tilespmem:s23], [sflag:$0x1] =	stream.linear.gather [hbm4b:s13+s3], $0x80, $0x38;
	[tilespmem:$0x1C200] =	vst v63  }
0x55: {  	_ =	swait.ge [sflag:s25], $0x80  }
0x56: {  	[sflag:s25] =	ssyncset.done $0x0  }
0x57: {  	[sflag:s25] =	ssyncadd.s32 $0xFFFFFF80  }
0x58: {  	_ =	swait.ge [sflag:s25], $0x80  }
0x59: {  	[sflag:s25] =	ssyncset.done $0x0  }
0x5a: {  	[sflag:s25] =	ssyncadd.s32 $0xFFFFFF80  }
0x5b: {  	[tilespmem:s3], [sflag:$0x3] =	stream.indirect.gather [hbm4b:s1+s26], $0x80, s22, s26, $0xb8;
	[tilespmem:$0x1C200] =	vst v63  }
0x5c: {  	s11 =	rddreg [dreg:$0x8]  }
0x5d: {  	[tilespmem:s28], [sflag:$0x2] =	stream.linear.gather [hbm4b:s11+s3], $0x80, $0x38;
	[tilespmem:$0x1C200] =	vst v63  }
0x5e: {  	s12 =	rddreg [dreg:$0x9]  }
0x5f: {  	[tilespmem:s29], [sflag:$0x2] =	stream.linear.gather [hbm4b:s12+s3], $0x80, $0x38;
	[tilespmem:$0x1C200] =	vst v63  }
0x60: {  	_ =	swait.ge [sflag:s30], $0x80  }
0x61: {  	[sflag:s30] =	ssyncset.done $0x0  }
0x62: {  	[sflag:s30] =	ssyncadd.s32 $0xFFFFFF80  }
0x63: {  	_ =	swait.ge [sflag:s30], $0x80  }
0x64: {  	[sflag:s30] =	ssyncset.done $0x0  }
0x65: {  	[sflag:s30] =	ssyncadd.s32 $0xFFFFFF80  }
0x66: {  	[tilespmem:s31], [sflag:$0x4] =	stream.indirect.gather [hbm4b:s1+s26], $0x80, s28, s26, $0xb8;
	[tilespmem:$0x1C200] =	vst v63  }
0x67: {  	_ =	swait.ge [sflag:s0], $0x4000  }
0x68: {  	[sflag:s0] =	ssyncset.done $0x0  }
0x69: {  	[sflag:s0] =	ssyncadd.s32 $0xFFFFC000  }
0x6a: {  	[spmem:s2] =	stream.indirect.scatter.add.f32 [tilespmem:s3], [sflag:$0x5], $0x80, s23, s26, $0xb8;
	[tilespmem:$0x1C200] =	vst v63  }
0x6b: {  	_ =	swait.ge [sflag:s21], $0x4000  }
0x6c: {  	s10 =	sadd.s32 $0xFFFFFE20, s19;
	[sflag:s21] =	ssyncset.done $0x0  }
0x6d: {  	s11 =	sadd.s32 $0x8200, s10;
	s12 =	sadd.s32 $0xFFFFFE20, s20;
	[sflag:s21] =	ssyncadd.s32 $0xFFFFC000  }
0x6e: {  	[tilespmem:s22], [sflag:$0x1] =	stream.linear.gather [hbm4b:s11+s3], $0x80, $0x38;
	[tilespmem:$0x1C200] =	vst v63  }
0x6f: {  	s13 =	sadd.s32 $0x8200, s12  }
0x70: {  	[tilespmem:s23], [sflag:$0x1] =	stream.linear.gather [hbm4b:s13+s3], $0x80, $0x38;
	[tilespmem:$0x1C200] =	vst v63  }
0x71: {  	_ =	swait.ge [sflag:s25], $0x80  }
0x72: {  	[sflag:s25] =	ssyncset.done $0x0  }
0x73: {  	[sflag:s25] =	ssyncadd.s32 $0xFFFFFF80  }
0x74: {  	_ =	swait.ge [sflag:s25], $0x80  }
0x75: {  	[sflag:s25] =	ssyncset.done $0x0  }
0x76: {  	[sflag:s25] =	ssyncadd.s32 $0xFFFFFF80  }
0x77: {  	[tilespmem:s3], [sflag:$0x3] =	stream.indirect.gather [hbm4b:s1+s26], $0x80, s22, s26, $0xb8;
	[tilespmem:$0x1C200] =	vst v63  }
0x78: {  	_ =	swait.ge [sflag:s8], $0x4000  }
0x79: {  	[sflag:s8] =	ssyncset.done $0x0  }
0x7a: {  	[sflag:s8] =	ssyncadd.s32 $0xFFFFC000  }
0x7b: {  	[spmem:s2] =	stream.indirect.scatter.add.f32 [tilespmem:s31], [sflag:$0x5], $0x80, s29, s26, $0xb8;
	[tilespmem:$0x1C200] =	vst v63  }
0x7c: {  	_ =	swait.ge [sflag:s21], $0x4000  }
0x7d: {  	[sflag:s21] =	ssyncset.done $0x0  }
0x7e: {  	s10 =	sadd.s32 $0x8210, s10;
	[sflag:s21] =	ssyncadd.s32 $0xFFFFC000  }
0x7f: {  	[tilespmem:s28], [sflag:$0x2] =	stream.linear.gather [hbm4b:s10+s3], $0x80, $0x38;
	[tilespmem:$0x1C200] =	vst v63  }
0x80: {  	s13 =	sadd.s32 $0x8210, s12  }
0x81: {  	[tilespmem:s29], [sflag:$0x2] =	stream.linear.gather [hbm4b:s13+s3], $0x80, $0x38;
	[tilespmem:$0x1C200] =	vst v63  }
0x82: {  	_ =	swait.ge [sflag:s30], $0x80  }
0x83: {  	[sflag:s30] =	ssyncset.done $0x0  }
0x84: {  	[sflag:s30] =	ssyncadd.s32 $0xFFFFFF80  }
0x85: {  	_ =	swait.ge [sflag:s30], $0x80  }
0x86: {  	[sflag:s30] =	ssyncset.done $0x0  }
0x87: {  	s10 =	simm.s32 $0xFFFFFE40;
	[sflag:s30] =	ssyncadd.s32 $0xFFFFFF80  }
.LBB2_8:
0x88: {  	[tilespmem:s31], [sflag:$0x4] =	stream.indirect.gather [hbm4b:s1+s26], $0x80, s28, s26, $0xb8;
	[tilespmem:$0x1C200] =	vst v63  }
0x89: {  	s11 =	smov.u32 s10  }
0x8a: {  	p1 =	sne.s32 s10, $0xFFFFFFE0;
	s10 =	sadd.s32 $0x20, s10;
	_ =	swait.ge [sflag:s0], $0x4000  }
0x8b: {  	[sflag:s0] =	ssyncset.done $0x0  }
0x8c: {  	[sflag:s0] =	ssyncadd.s32 $0xFFFFC000  }
0x8d: {  	[spmem:s2] =	stream.indirect.scatter.add.f32 [tilespmem:s3], [sflag:$0x5], $0x80, s23, s26, $0xb8;
	[tilespmem:$0x1C200] =	vst v63  }
0x8e: {  	_ =	swait.ge [sflag:s21], $0x4000  }
0x8f: {  	s12 =	sadd.s32 s11, s19;
	[sflag:s21] =	ssyncset.done $0x0  }
0x90: {  	s11 =	sadd.s32 s11, s20;
	s13 =	sadd.s32 $0x8200, s12;
	[sflag:s21] =	ssyncadd.s32 $0xFFFFC000  }
0x91: {  	[tilespmem:s22], [sflag:$0x1] =	stream.linear.gather [hbm4b:s13+s3], $0x80, $0x38;
	[tilespmem:$0x1C200] =	vst v63  }
0x92: {  	s13 =	sadd.s32 $0x8200, s11  }
0x93: {  	[tilespmem:s23], [sflag:$0x1] =	stream.linear.gather [hbm4b:s13+s3], $0x80, $0x38;
	[tilespmem:$0x1C200] =	vst v63  }
0x94: {  	_ =	swait.ge [sflag:s25], $0x80  }
0x95: {  	[sflag:s25] =	ssyncset.done $0x0  }
0x96: {  	[sflag:s25] =	ssyncadd.s32 $0xFFFFFF80  }
0x97: {  	_ =	swait.ge [sflag:s25], $0x80  }
0x98: {  	[sflag:s25] =	ssyncset.done $0x0  }
0x99: {  	[sflag:s25] =	ssyncadd.s32 $0xFFFFFF80  }
0x9a: {  	[tilespmem:s3], [sflag:$0x3] =	stream.indirect.gather [hbm4b:s1+s26], $0x80, s22, s26, $0xb8;
	[tilespmem:$0x1C200] =	vst v63  }
0x9b: {  	_ =	swait.ge [sflag:s8], $0x4000  }
0x9c: {  	[sflag:s8] =	ssyncset.done $0x0  }
0x9d: {  	[sflag:s8] =	ssyncadd.s32 $0xFFFFC000  }
0x9e: {  	[spmem:s2] =	stream.indirect.scatter.add.f32 [tilespmem:s31], [sflag:$0x5], $0x80, s29, s26, $0xb8;
	[tilespmem:$0x1C200] =	vst v63  }
0x9f: {  	_ =	swait.ge [sflag:s21], $0x4000  }
0xa0: {  	[sflag:s21] =	ssyncset.done $0x0  }
0xa1: {  	s12 =	sadd.s32 $0x8210, s12;
	[sflag:s21] =	ssyncadd.s32 $0xFFFFC000  }
0xa2: {  	[tilespmem:s28], [sflag:$0x2] =	stream.linear.gather [hbm4b:s12+s3], $0x80, $0x38;
	[tilespmem:$0x1C200] =	vst v63  }
0xa3: {  	s11 =	sadd.s32 $0x8210, s11  }
0xa4: {  	[tilespmem:s29], [sflag:$0x2] =	stream.linear.gather [hbm4b:s11+s3], $0x80, $0x38;
	[tilespmem:$0x1C200] =	vst v63  }
0xa5: {  	_ =	swait.ge [sflag:s30], $0x80  }
.Ltmp4:
0xa6: {  	[sflag:s30] =	ssyncset.done $0x0;
	(pc) =	sbr.rel @p1 .LBB2_8-.Ltmp4, $4  }
0xa7: {  	[sflag:s30] =	ssyncadd.s32 $0xFFFFFF80  }
0xa8: {  	_ =	swait.ge [sflag:s30], $0x80  }
0xa9: {  	[sflag:s30] =	ssyncset.done $0x0  }
0xaa: {  	[sflag:s30] =	ssyncadd.s32 $0xFFFFFF80  }
.Ltmp5:
0xab: {  	(pc) =	sbr.rel .LBB2_10-.Ltmp5, $2  }
0xac: {  	_ =	sdelay $0x2  }
0xad: {  	[tilespmem:s31], [sflag:$0x4] =	stream.indirect.gather [hbm4b:s1+s26], $0x80, s28, s26, $0xb8;
	[tilespmem:$0x1C200] =	vst v63  }
.LBB2_4:
0xae: {  	[tilespmem:s22], [sflag:$0x1] =	stream.linear.gather [hbm4b:s6+s3], $0x80, $0x38;
	[tilespmem:$0x1C200] =	vst v63  }
0xaf: {  	_ = 	snop  }
0xb0: {  	[tilespmem:s23], [sflag:$0x1] =	stream.linear.gather [hbm4b:s7+s3], $0x80, $0x38;
	[tilespmem:$0x1C200] =	vst v63  }
0xb1: {  	_ =	swait.ge [sflag:s25], $0x80  }
0xb2: {  	[sflag:s25] =	ssyncset.done $0x0  }
0xb3: {  	[sflag:s25] =	ssyncadd.s32 $0xFFFFFF80  }
0xb4: {  	_ =	swait.ge [sflag:s25], $0x80  }
0xb5: {  	[sflag:s25] =	ssyncset.done $0x0  }
0xb6: {  	[sflag:s25] =	ssyncadd.s32 $0xFFFFFF80  }
0xb7: {  	[tilespmem:s3], [sflag:$0x3] =	stream.indirect.gather [hbm4b:s1+s26], $0x80, s22, s26, $0xb8;
	[tilespmem:$0x1C200] =	vst v63  }
0xb8: {  	s10 =	rddreg [dreg:$0x4]  }
0xb9: {  	[tilespmem:s28], [sflag:$0x2] =	stream.linear.gather [hbm4b:s10+s3], $0x80, $0x38;
	[tilespmem:$0x1C200] =	vst v63  }
0xba: {  	s12 =	rddreg [dreg:$0x5]  }
0xbb: {  	[tilespmem:s29], [sflag:$0x2] =	stream.linear.gather [hbm4b:s12+s3], $0x80, $0x38;
	[tilespmem:$0x1C200] =	vst v63  }
0xbc: {  	_ =	swait.ge [sflag:s30], $0x80  }
0xbd: {  	[sflag:s30] =	ssyncset.done $0x0  }
0xbe: {  	[sflag:s30] =	ssyncadd.s32 $0xFFFFFF80  }
0xbf: {  	_ =	swait.ge [sflag:s30], $0x80  }
0xc0: {  	[sflag:s30] =	ssyncset.done $0x0  }
0xc1: {  	[sflag:s30] =	ssyncadd.s32 $0xFFFFFF80  }
0xc2: {  	[tilespmem:s31], [sflag:$0x4] =	stream.indirect.gather [hbm4b:s1+s26], $0x80, s28, s26, $0xb8;
	[tilespmem:$0x1C200] =	vst v63  }
0xc3: {  	_ =	swait.ge [sflag:s0], $0x4000  }
0xc4: {  	[sflag:s0] =	ssyncset.done $0x0  }
0xc5: {  	[sflag:s0] =	ssyncadd.s32 $0xFFFFC000  }
0xc6: {  	[spmem:s2] =	stream.indirect.scatter.add.f32 [tilespmem:s3], [sflag:$0x5], $0x80, s23, s26, $0xb8;
	[tilespmem:$0x1C200] =	vst v63  }
0xc7: {  	_ =	swait.ge [sflag:s21], $0x4000  }
0xc8: {  	s10 =	sadd.s32 $0xFFFFF820, s6;
	[sflag:s21] =	ssyncset.done $0x0  }
0xc9: {  	s11 =	sadd.s32 $0x800, s10;
	s12 =	sadd.s32 $0xFFFFF820, s7;
	[sflag:s21] =	ssyncadd.s32 $0xFFFFC000  }
0xca: {  	[tilespmem:s22], [sflag:$0x1] =	stream.linear.gather [hbm4b:s11+s3], $0x80, $0x38;
	[tilespmem:$0x1C200] =	vst v63  }
0xcb: {  	s13 =	sadd.s32 $0x800, s12  }
0xcc: {  	[tilespmem:s23], [sflag:$0x1] =	stream.linear.gather [hbm4b:s13+s3], $0x80, $0x38;
	[tilespmem:$0x1C200] =	vst v63  }
0xcd: {  	_ =	swait.ge [sflag:s25], $0x80  }
0xce: {  	[sflag:s25] =	ssyncset.done $0x0  }
0xcf: {  	[sflag:s25] =	ssyncadd.s32 $0xFFFFFF80  }
0xd0: {  	_ =	swait.ge [sflag:s25], $0x80  }
0xd1: {  	[sflag:s25] =	ssyncset.done $0x0  }
0xd2: {  	[sflag:s25] =	ssyncadd.s32 $0xFFFFFF80  }
0xd3: {  	[tilespmem:s3], [sflag:$0x3] =	stream.indirect.gather [hbm4b:s1+s26], $0x80, s22, s26, $0xb8;
	[tilespmem:$0x1C200] =	vst v63  }
0xd4: {  	_ =	swait.ge [sflag:s8], $0x4000  }
0xd5: {  	[sflag:s8] =	ssyncset.done $0x0  }
0xd6: {  	[sflag:s8] =	ssyncadd.s32 $0xFFFFC000  }
0xd7: {  	[spmem:s2] =	stream.indirect.scatter.add.f32 [tilespmem:s31], [sflag:$0x5], $0x80, s29, s26, $0xb8;
	[tilespmem:$0x1C200] =	vst v63  }
0xd8: {  	_ =	swait.ge [sflag:s21], $0x4000  }
0xd9: {  	[sflag:s21] =	ssyncset.done $0x0  }
0xda: {  	s10 =	sadd.s32 $0x810, s10;
	[sflag:s21] =	ssyncadd.s32 $0xFFFFC000  }
0xdb: {  	[tilespmem:s28], [sflag:$0x2] =	stream.linear.gather [hbm4b:s10+s3], $0x80, $0x38;
	[tilespmem:$0x1C200] =	vst v63  }
0xdc: {  	s13 =	sadd.s32 $0x810, s12  }
0xdd: {  	[tilespmem:s29], [sflag:$0x2] =	stream.linear.gather [hbm4b:s13+s3], $0x80, $0x38;
	[tilespmem:$0x1C200] =	vst v63  }
0xde: {  	_ =	swait.ge [sflag:s30], $0x80  }
0xdf: {  	[sflag:s30] =	ssyncset.done $0x0  }
0xe0: {  	[sflag:s30] =	ssyncadd.s32 $0xFFFFFF80  }
0xe1: {  	_ =	swait.ge [sflag:s30], $0x80  }
0xe2: {  	[sflag:s30] =	ssyncset.done $0x0  }
0xe3: {  	s10 =	simm.s32 $0xFFFFF840;
	[sflag:s30] =	ssyncadd.s32 $0xFFFFFF80  }
.LBB2_5:
0xe4: {  	[tilespmem:s31], [sflag:$0x4] =	stream.indirect.gather [hbm4b:s1+s26], $0x80, s28, s26, $0xb8;
	[tilespmem:$0x1C200] =	vst v63  }
0xe5: {  	s11 =	smov.u32 s10  }
0xe6: {  	p1 =	seq.s32 s10, $0xFFFFFFE0;
	s10 =	sadd.s32 $0x20, s10;
	_ =	swait.ge [sflag:s0], $0x4000  }
0xe7: {  	[sflag:s0] =	ssyncset.done $0x0  }
0xe8: {  	[sflag:s0] =	ssyncadd.s32 $0xFFFFC000  }
0xe9: {  	[spmem:s2] =	stream.indirect.scatter.add.f32 [tilespmem:s3], [sflag:$0x5], $0x80, s23, s26, $0xb8;
	[tilespmem:$0x1C200] =	vst v63  }
0xea: {  	_ =	swait.ge [sflag:s21], $0x4000  }
0xeb: {  	s12 =	sadd.s32 s11, s6;
	[sflag:s21] =	ssyncset.done $0x0  }
0xec: {  	s11 =	sadd.s32 s11, s7;
	s13 =	sadd.s32 $0x800, s12;
	[sflag:s21] =	ssyncadd.s32 $0xFFFFC000  }
0xed: {  	[tilespmem:s22], [sflag:$0x1] =	stream.linear.gather [hbm4b:s13+s3], $0x80, $0x38;
	[tilespmem:$0x1C200] =	vst v63  }
0xee: {  	s13 =	sadd.s32 $0x800, s11  }
0xef: {  	[tilespmem:s23], [sflag:$0x1] =	stream.linear.gather [hbm4b:s13+s3], $0x80, $0x38;
	[tilespmem:$0x1C200] =	vst v63  }
0xf0: {  	_ =	swait.ge [sflag:s25], $0x80  }
0xf1: {  	[sflag:s25] =	ssyncset.done $0x0  }
0xf2: {  	[sflag:s25] =	ssyncadd.s32 $0xFFFFFF80  }
0xf3: {  	_ =	swait.ge [sflag:s25], $0x80  }
0xf4: {  	[sflag:s25] =	ssyncset.done $0x0  }
0xf5: {  	[sflag:s25] =	ssyncadd.s32 $0xFFFFFF80  }
0xf6: {  	[tilespmem:s3], [sflag:$0x3] =	stream.indirect.gather [hbm4b:s1+s26], $0x80, s22, s26, $0xb8;
	[tilespmem:$0x1C200] =	vst v63  }
0xf7: {  	_ =	swait.ge [sflag:s8], $0x4000  }
0xf8: {  	[sflag:s8] =	ssyncset.done $0x0  }
0xf9: {  	[sflag:s8] =	ssyncadd.s32 $0xFFFFC000  }
0xfa: {  	[spmem:s2] =	stream.indirect.scatter.add.f32 [tilespmem:s31], [sflag:$0x5], $0x80, s29, s26, $0xb8;
	[tilespmem:$0x1C200] =	vst v63  }
0xfb: {  	_ =	swait.ge [sflag:s21], $0x4000  }
0xfc: {  	[sflag:s21] =	ssyncset.done $0x0  }
0xfd: {  	s12 =	sadd.s32 $0x810, s12;
	[sflag:s21] =	ssyncadd.s32 $0xFFFFC000  }
0xfe: {  	[tilespmem:s28], [sflag:$0x2] =	stream.linear.gather [hbm4b:s12+s3], $0x80, $0x38;
	[tilespmem:$0x1C200] =	vst v63  }
0xff: {  	s11 =	sadd.s32 $0x810, s11  }
0x100: {  	[tilespmem:s29], [sflag:$0x2] =	stream.linear.gather [hbm4b:s11+s3], $0x80, $0x38;
	[tilespmem:$0x1C200] =	vst v63  }
0x101: {  	_ =	swait.ge [sflag:s30], $0x80  }
.Ltmp6:
0x102: {  	[sflag:s30] =	ssyncset.done $0x0;
	(pc) =	sbr.rel @!p1 .LBB2_5-.Ltmp6, $4  }
0x103: {  	[sflag:s30] =	ssyncadd.s32 $0xFFFFFF80  }
0x104: {  	_ =	swait.ge [sflag:s30], $0x80  }
0x105: {  	[sflag:s30] =	ssyncset.done $0x0  }
0x106: {  	[sflag:s30] =	ssyncadd.s32 $0xFFFFFF80  }
.Ltmp7:
0x107: {  	_ = 	snop;
	(pc) =	sbr.rel .LBB2_6-.Ltmp7, $1  }
0x108: {  	_ =	sdelay $0x3  }
.LBB2_11:
0x109: {  	_ =	sfence.sel $0x180000  }
0x10a: {  	[bflag:$0x0] =	sbarrier.arrive $0xFFFF  }
0x10b: {  	_ =	strace $0x90000047  }
0x10c: {  	[bflag:$0x2] =	sbarrier.arrive $0xFFFF  }
0x10d: {  	p0 =	sne.s32 s4, $0x0;
	s0 =	rddreg [dreg:$0x3]  }
0x10e: {  	s0 =	sadd.s32 @!p0 $0x100000, s0  }
0x10f: {  	[sflag:s0] =	ssyncadd.tile.s32 @!p0 $0x1;
	_ =	shalt  }
.Lfunc_end2:
_tile_overlayer_lowered:
.L_overlay_start_2:
0x110: {  	(tag) =	ssettag $0x2  }
0x111: {  	s0 =	rddreg [dreg:$0x0];
	s2 =	stileid.u32  }
0x112: {  	s1 =	rddreg [dreg:$0x1];
	p0 =	sne.s32 s2, $0x0  }
0x113: {  	s3 =	rddreg [dreg:$0x2];
	[bflag:$0x3] =	sbarrier.arrive $0xFFFF;
	s2 =	simm.s32 @!p0 $0x1C05  }
0x114: {  	[timem:s3], [sflag:s2] =	dma.local @!p0 [hbm:s0], s1  }
0x115: {  	s0 =	simm.s32 @!p0 $0x5  }
0x116: {  	_ =	swait.ge @!p0 [sflag:s0], s1  }
0x117: {  	s1 =	ssub.s32 @!p0 $0x0, s1;
	[sflag:s0] =	ssyncset.done @!p0 $0x0  }
0x118: {  	[sflag:s0] =	ssyncadd.s32 @!p0 s1  }
0x119: {  	[bflag:$0x3] =	sbarrier.arrive $0xFFFF  }
0x11a: {  	_ =	shalt  }

</sc_bundles>
